<compile_context>
chip_gen: v7x
topology: tpu7x:2x2x1
jax: 0.10.2.dev20260603
libtpu: 0.0.44.dev20260713+nightly
codegen_flags: <defaults>
</compile_context>

<pallas_src>
import functools

import jax
import jax.numpy as jnp
from jax import lax
from jax.experimental import pallas as pl
from jax.experimental.pallas import tpu as pltpu
from jax.experimental.pallas import tpu_sc as plsc

N = 10000
E = 160000
D = 256
DH = 128
NP = 10240
BN = 2000
C = 80
G = 8
NCH = 128
EPT = NCH * C
EPAD = 16 * EPT
ROWS_T = 625


def _tc1_body(x_ref, wt_ref, at_ref, h0_ref, h1_ref, a_ref):
    h = jax.lax.dot_general(
        x_ref[...], wt_ref[...], (((1,), (0,)), ((), ())),
        preferred_element_type=jnp.float32)
    h0_ref[...] = h[:, :DH]
    h1_ref[...] = h[:, DH:]
    a_ref[...] = jax.lax.dot_general(
        h, at_ref[...], (((1,), (0,)), ((), ())),
        preferred_element_type=jnp.float32)


def _tc1(x, w_t, att_t):
    nblk = N // BN
    return pl.pallas_call(
        _tc1_body,
        grid=(nblk,),
        in_specs=[
            pl.BlockSpec((BN, D), lambda i: (i, 0)),
            pl.BlockSpec((D, D), lambda i: (0, 0)),
            pl.BlockSpec((D, DH), lambda i: (0, 0)),
        ],
        out_specs=[
            pl.BlockSpec((BN, DH), lambda i: (i, 0)),
            pl.BlockSpec((BN, DH), lambda i: (i, 0)),
            pl.BlockSpec((BN, DH), lambda i: (i, 0)),
        ],
        out_shape=[
            jax.ShapeDtypeStruct((N, DH), jnp.float32),
            jax.ShapeDtypeStruct((N, DH), jnp.float32),
            jax.ShapeDtypeStruct((N, DH), jnp.float32),
        ],
    )(x, w_t, att_t)


def _sc_agg(a_src, a_dst, src3, dst3, h0, h1):
    mesh = plsc.VectorSubcoreMesh(core_axis_name="c", subcore_axis_name="s")

    @functools.partial(
        pl.kernel,
        mesh=mesh,
        compiler_params=pltpu.CompilerParams(needs_layout_passes=False),
        out_type=[
            jax.ShapeDtypeStruct((16, ROWS_T, DH), jnp.float32),
            jax.ShapeDtypeStruct((16, ROWS_T, DH), jnp.float32),
        ],
        scratch_types=[
            pltpu.VMEM((NP,), jnp.float32),
            pltpu.VMEM((NP,), jnp.float32),
            pltpu.VMEM((NP // 128, 128), jnp.float32),
            pltpu.VMEM((C, DH), jnp.float32),
            pltpu.VMEM((G, C), jnp.int32),
            pltpu.VMEM((G, C), jnp.int32),
            pltpu.VMEM((1, 80), jnp.int32),
            pltpu.VMEM((5, 128), jnp.float32),
            pltpu.VMEM_SHARED((NP // 128, 128), jnp.float32),
            pltpu.VMEM_SHARED((N, DH), jnp.float32),
            pltpu.SemaphoreType.DMA,
        ],
    )
    def k(a_src_h, a_dst_h, src_h, dst_h, h0_h, h1_h, o0_h, o1_h,
          asrc_v, adst_v, den_v, rows_v, src_g, dst_g, iota_v, red_v,
          den_s, acc_s, sem):
        c = lax.axis_index("c")
        s = lax.axis_index("s")

        pltpu.sync_copy(a_src_h, asrc_v.at[pl.ds(0, N)])
        pltpu.sync_copy(a_dst_h, adst_v.at[pl.ds(0, N)])

        def _lanemax(v):
            m = v[0]
            for i in range(1, 16):
                m = jnp.maximum(m, v[i])
            return m

        def _maxloop(i, m):
            return jnp.maximum(m, asrc_v[pl.ds(i * 16, 16)])
        ms = _lanemax(lax.fori_loop(0, N // 16, _maxloop,
                                    jnp.full((16,), -3e38, jnp.float32)))

        def _maxloop2(i, m):
            return jnp.maximum(m, adst_v[pl.ds(i * 16, 16)])
        md = _lanemax(lax.fori_loop(0, N // 16, _maxloop2,
                                    jnp.full((16,), -3e38, jnp.float32)))
        t = ms + md
        g = jnp.where(t > 0, t, 0.2 * t)

        zero16 = jnp.zeros((16,), jnp.float32)

        def _zden(i, _):
            for kk in range(8):
                den_v[i, pl.ds(kk * 16, 16)] = zero16
            return 0
        lax.fori_loop(0, NP // 128, _zden, 0)

        def _zrow(i, _):
            for kk in range(DH // 16):
                rows_v[i, pl.ds(kk * 16, 16)] = zero16
            return 0
        lax.fori_loop(0, C, _zrow, 0)

        lanes = lax.iota(jnp.int32, 16)
        for i in range(5):
            iota_v[0, pl.ds(i * 16, 16)] = lanes + i * 16

        def _zred(i, _):
            for kk in range(8):
                red_v[i, pl.ds(kk * 16, 16)] = zero16
            return 0
        lax.fori_loop(0, 5, _zred, 0)

        @pl.when(s == 0)
        def _():
            for kk in range(16):
                pltpu.sync_copy(red_v, den_s.at[pl.ds(kk * 5, 5)])
        for m in range(7):
            pltpu.sync_copy(rows_v,
                            acc_s.at[pl.ds(s * ROWS_T + m * C, C)])
        pltpu.sync_copy(rows_v.at[pl.ds(0, 65)],
                        acc_s.at[pl.ds(s * ROWS_T + 560, 65)])

        ebase = s * EPT

        def _p1g(gi, _):
            pltpu.sync_copy(src_h.at[s, pl.ds(gi * G, G)], src_g)
            pltpu.sync_copy(dst_h.at[s, pl.ds(gi * G, G)], dst_g)

            def _p1c(j, _):
                cbase = ebase + (gi * G + j) * C
                for i in range(C // 16):
                    sl = pl.ds(i * 16, 16)
                    si = src_g[j, sl]
                    di = dst_g[j, sl]
                    msk = (cbase + i * 16 + lanes) < E
                    al = (plsc.load_gather(asrc_v, [si])
                          + plsc.load_gather(adst_v, [di]))
                    al = jnp.where(al > 0, al, 0.2 * al)
                    ex = jnp.exp(al - g)
                    plsc.addupdate_scatter(
                        den_v, [jnp.right_shift(di, 7),
                                jnp.bitwise_and(di, 127)], ex, mask=msk)
                return 0
            lax.fori_loop(0, G, _p1c, 0)
            return 0
        lax.fori_loop(0, NCH // G, _p1g, 0)

        plsc.subcore_barrier()

        pltpu.sync_copy(den_v, den_s.at[iota_v.at[0]], add=True)
        plsc.subcore_barrier()

        pltpu.sync_copy(den_s.at[pl.ds(s * 5, 5)], red_v)

        def _recip(i, _):
            for kk in range(8):
                sl = pl.ds(kk * 16, 16)
                red_v[i, sl] = 1.0 / (red_v[i, sl] + 1e-16)
            return 0
        lax.fori_loop(0, 5, _recip, 0)
        pltpu.sync_copy(red_v, den_s.at[pl.ds(s * 5, 5)])
        plsc.subcore_barrier()

        pltpu.sync_copy(den_s, den_v)

        def _p2(h_h):
            def _p2g(gi, _):
                pltpu.sync_copy(src_h.at[s, pl.ds(gi * G, G)], src_g)
                pltpu.sync_copy(dst_h.at[s, pl.ds(gi * G, G)], dst_g)

                def _p2c(j, _):
                    pltpu.async_copy(h_h.at[src_g.at[j]], rows_v, sem).wait()
                    cbase = ebase + (gi * G + j) * C

                    def _scale(i, _):
                        sl = pl.ds(i * 16, 16)
                        si = src_g[j, sl]
                        di = dst_g[j, sl]
                        msk = (cbase + i * 16 + lanes) < E
                        al = (plsc.load_gather(asrc_v, [si])
                              + plsc.load_gather(adst_v, [di]))
                        al = jnp.where(al > 0, al, 0.2 * al)
                        ex = jnp.exp(al - g)
                        rd = plsc.load_gather(
                            den_v, [jnp.right_shift(di, 7),
                                    jnp.bitwise_and(di, 127)])
                        att16 = jnp.where(msk, ex * rd, 0.0)
                        for e2 in range(16):
                            a = att16[e2]
                            e = i * 16 + e2
                            for kk in range(DH // 16):
                                slk = pl.ds(kk * 16, 16)
                                rows_v[e, slk] = rows_v[e, slk] * a
                        return 0
                    lax.fori_loop(0, C // 16, _scale, 0)
                    pltpu.sync_copy(rows_v, acc_s.at[dst_g.at[j]], add=True)
                    return 0
                lax.fori_loop(0, G, _p2c, 0)
                return 0
            lax.fori_loop(0, NCH // G, _p2g, 0)

        @pl.when(c == 0)
        def _():
            _p2(h0_h)

        @pl.when(c == 1)
        def _():
            _p2(h1_h)

        plsc.subcore_barrier()

        @pl.when(c == 0)
        def _():
            pltpu.sync_copy(acc_s.at[pl.ds(s * ROWS_T, ROWS_T)], o0_h.at[s])

        @pl.when(c == 1)
        def _():
            pltpu.sync_copy(acc_s.at[pl.ds(s * ROWS_T, ROWS_T)], o1_h.at[s])

    return k(a_src, a_dst, src3, dst3, h0, h1)


def _tc2_body(g0_ref, g1_ref, x_ref, bg_ref, wih_t_ref, whh_t_ref,
              bih_ref, bhh_ref, out_ref):
    e0 = g0_ref[...] + bg_ref[0, :DH][None, :]
    e1 = g1_ref[...] + bg_ref[0, DH:][None, :]
    h0 = jnp.where(e0 > 0, e0, jnp.exp(e0) - 1.0)
    h1 = jnp.where(e1 > 0, e1, jnp.exp(e1) - 1.0)
    wih_t = wih_t_ref[...]
    gi = (jax.lax.dot_general(h0, wih_t[:DH, :], (((1,), (0,)), ((), ())),
                              preferred_element_type=jnp.float32)
          + jax.lax.dot_general(h1, wih_t[DH:, :], (((1,), (0,)), ((), ())),
                                preferred_element_type=jnp.float32)
          + bih_ref[0, :][None, :])
    x = x_ref[...]
    gh = (jax.lax.dot_general(x, whh_t_ref[...], (((1,), (0,)), ((), ())),
                              preferred_element_type=jnp.float32)
          + bhh_ref[0, :][None, :])
    r = jax.nn.sigmoid(gi[:, :D] + gh[:, :D])
    z = jax.nn.sigmoid(gi[:, D:2 * D] + gh[:, D:2 * D])
    n = jnp.tanh(gi[:, 2 * D:] + r * gh[:, 2 * D:])
    out_ref[...] = (1.0 - z) * n + z * x


def _tc2(g0, g1, x, bias_gat, wih_t, whh_t, b_ih, b_hh):
    nblk = N // BN
    return pl.pallas_call(
        _tc2_body,
        grid=(nblk,),
        in_specs=[
            pl.BlockSpec((BN, DH), lambda i: (i, 0)),
            pl.BlockSpec((BN, DH), lambda i: (i, 0)),
            pl.BlockSpec((BN, D), lambda i: (i, 0)),
            pl.BlockSpec((1, D), lambda i: (0, 0)),
            pl.BlockSpec((D, 3 * D), lambda i: (0, 0)),
            pl.BlockSpec((D, 3 * D), lambda i: (0, 0)),
            pl.BlockSpec((1, 3 * D), lambda i: (0, 0)),
            pl.BlockSpec((1, 3 * D), lambda i: (0, 0)),
        ],
        out_specs=pl.BlockSpec((BN, D), lambda i: (i, 0)),
        out_shape=jax.ShapeDtypeStruct((N, D), jnp.float32),
    )(g0, g1, x, bias_gat, wih_t, whh_t, b_ih, b_hh)


def kernel(x, edge_index, W_lin, att_src, att_dst, bias_gat,
           W_ih, W_hh, b_ih, b_hh):
    w_t = W_lin.T
    att_t = jnp.zeros((D, DH), jnp.float32)
    att_t = att_t.at[:, 0].set(att_src).at[:, 1].set(att_dst)
    h0, h1, a_mat = _tc1(x, w_t, att_t)
    a_src = a_mat[:, 0]
    a_dst = a_mat[:, 1]
    pad = jnp.zeros((EPAD - E,), jnp.int32)
    src3 = jnp.concatenate([edge_index[0], pad]).reshape(16, NCH, C)
    dst3 = jnp.concatenate([edge_index[1], pad]).reshape(16, NCH, C)
    g0, g1 = _sc_agg(a_src, a_dst, src3, dst3, h0, h1)
    g0 = g0.reshape(N, DH)
    g1 = g1.reshape(N, DH)
    return _tc2(g0, g1, x, bias_gat.reshape(1, D), W_ih.T, W_hh.T,
                b_ih.reshape(1, 3 * D), b_hh.reshape(1, 3 * D))

# --- scband reference (transcript-rebuilt; emitter-appended) ---
"""Pipeline reference for scband-afp-gatgruconv-intra-mol-27367531610619 (READ-ONLY COPY).

The authoritative reference and input builder live on the scoring server;
editing this copy changes nothing except your own understanding.
"""

import jax, jax.numpy as jnp
import numpy as np

N = 10000
E = 160000
D = 256


def setup_inputs(seed: int = 0) -> dict:
    key = jax.random.key(seed)
    ks = jax.random.split(key, 10)
    s = 1.0 / np.sqrt(D)
    x = jax.random.normal(ks[0], (N, D), dtype=jnp.float32)
    edge_index = jax.random.randint(ks[1], (2, E), 0, N, dtype=jnp.int32)
    W_lin = jax.random.normal(ks[2], (D, D), dtype=jnp.float32) * s
    att_src = jax.random.normal(ks[3], (D,), dtype=jnp.float32) * s
    att_dst = jax.random.normal(ks[4], (D,), dtype=jnp.float32) * s
    bias_gat = jnp.zeros((D,), dtype=jnp.float32)
    W_ih = jax.random.normal(ks[5], (3 * D, D), dtype=jnp.float32) * s
    W_hh = jax.random.normal(ks[6], (3 * D, D), dtype=jnp.float32) * s
    b_ih = jnp.zeros((3 * D,), dtype=jnp.float32)
    b_hh = jnp.zeros((3 * D,), dtype=jnp.float32)
    return {
        "x": x,
        "edge_index": edge_index,
        "W_lin": W_lin,
        "att_src": att_src,
        "att_dst": att_dst,
        "bias_gat": bias_gat,
        "W_ih": W_ih,
        "W_hh": W_hh,
        "b_ih": b_ih,
        "b_hh": b_hh,
    }


def reference(x, edge_index, W_lin, att_src, att_dst, bias_gat, W_ih, W_hh, b_ih, b_hh):
    # GATConv (heads=1, add_self_loops=False, edge_attr=None, eval mode -> dropout off)
    src = edge_index[0]
    dst = edge_index[1]
    h_lin = x @ W_lin.T  # [N, D]
    a_src = (h_lin * att_src).sum(-1)  # [N]
    a_dst = (h_lin * att_dst).sum(-1)  # [N]
    alpha = a_src[src] + a_dst[dst]  # [E]
    alpha = jnp.where(alpha > 0, alpha, 0.2 * alpha)  # leaky_relu(0.2)
    amax = jax.ops.segment_max(alpha, dst, num_segments=N)
    amax = jnp.where(jnp.isfinite(amax), amax, 0.0)
    ex = jnp.exp(alpha - amax[dst])
    denom = jax.ops.segment_sum(ex, dst, num_segments=N)
    att = ex / (denom[dst] + 1e-16)
    msg = h_lin[src] * att[:, None]  # [E, D]
    gat_out = jax.ops.segment_sum(msg, dst, num_segments=N) + bias_gat
    # ELU (inplace in torch, same math)
    h = jax.nn.elu(gat_out)
    # GRUCell: input=h, hidden=x
    gi = h @ W_ih.T + b_ih
    gh = x @ W_hh.T + b_hh
    i_r, i_z, i_n = jnp.split(gi, 3, axis=-1)
    h_r, h_z, h_n = jnp.split(gh, 3, axis=-1)
    r = jax.nn.sigmoid(i_r + h_r)
    z = jax.nn.sigmoid(i_z + h_z)
    n = jnp.tanh(i_n + r * h_n)
    new_x = (1.0 - z) * n + z * x
    return new_x

if __name__ == "__main__":
    import jax
    _d = setup_inputs()
    print(jax.jit(kernel)(*tuple(_d.values())))

</pallas_src>

<mosaic_0001>
#map = affine_map<(d0, d1) -> (0)>
#map1 = affine_map<(d0, d1) -> (0, 0, 0)>
#map2 = affine_map<(d0, d1) -> (0, 0)>
module attributes {stable_mosaic.version = 14 : i64} {
  func.func @k(%arg0: i32, %arg1: i32, %arg2: memref<10000xf32, #tpu.memory_space<hbm>>, %arg3: memref<10000xf32, #tpu.memory_space<hbm>>, %arg4: memref<16x128x80xi32, #tpu.memory_space<hbm>>, %arg5: memref<16x128x80xi32, #tpu.memory_space<hbm>>, %arg6: memref<10000x128xf32, #tpu.memory_space<hbm>>, %arg7: memref<10000x128xf32, #tpu.memory_space<hbm>>, %arg8: memref<16x625x128xf32, #tpu.memory_space<hbm>>, %arg9: memref<16x625x128xf32, #tpu.memory_space<hbm>>, %arg10: memref<10240xf32, #tpu.memory_space<vmem>>, %arg11: memref<10240xf32, #tpu.memory_space<vmem>>, %arg12: memref<80x128xf32, #tpu.memory_space<vmem>>, %arg13: memref<80x128xf32, #tpu.memory_space<vmem>>, %arg14: memref<8x80xi32, #tpu.memory_space<vmem>>, %arg15: memref<8x80xi32, #tpu.memory_space<vmem>>, %arg16: memref<1x80xi32, #tpu.memory_space<vmem>>, %arg17: memref<5x128xf32, #tpu.memory_space<vmem>>, %arg18: memref<80x128xf32, #tpu.memory_space<vmem_shared>>, %arg19: memref<10000x128xf32, #tpu.memory_space<vmem_shared>>, %arg20: memref<!tpu.dma_semaphore, #tpu.memory_space<semaphore_mem>>) attributes {dimension_semantics = [#tpu.dimension_semantics<core_parallel>, #tpu.dimension_semantics<subcore_parallel>], iteration_bounds = array<i64: 2, 16>, scalar_prefetch = 0 : i64, scratch_operands = 11 : i64, tpu.core_type = #tpu.core_type<sc_vector_subcore>, window_params = [{transform_indices = #map}, {transform_indices = #map}, {transform_indices = #map1}, {transform_indices = #map1}, {transform_indices = #map2}, {transform_indices = #map2}, {transform_indices = #map1}, {transform_indices = #map1}]} {
    "tpu.region"() ({
      %run_scoped3A_241 = tpu.sem_alloc : memref<!tpu.dma_semaphore, #tpu.memory_space<semaphore_mem>>
      %dma_start3A = arith.constant 0 : i32
      %dma_start3A_242 = tpu.memref_slice %arg10[%dma_start3A] : memref<10240xf32, #tpu.memory_space<vmem>> -> memref<10000xf32, #tpu.memory_space<vmem>>
      %dma_start3A_243 = arith.constant 0 : i32
      %dma_start3A_244 = tpu.memref_slice %arg10[%dma_start3A_243] : memref<10240xf32, #tpu.memory_space<vmem>> -> memref<10000xf32, #tpu.memory_space<vmem>>
      tpu.enqueue_dma source(%arg2 : memref<10000xf32, #tpu.memory_space<hbm>>) target(%dma_start3A_244 : memref<10000xf32, #tpu.memory_space<vmem>>) target_semaphore(%run_scoped3A_241 : memref<!tpu.dma_semaphore, #tpu.memory_space<semaphore_mem>>)
      %dma_wait3A = arith.constant 0 : i32
      %dma_wait3A_245 = tpu.memref_slice %arg10[%dma_wait3A] : memref<10240xf32, #tpu.memory_space<vmem>> -> memref<10000xf32, #tpu.memory_space<vmem>>
      %dma_wait3A_246 = arith.constant 0 : i32
      %dma_wait3A_247 = tpu.memref_slice %arg10[%dma_wait3A_246] : memref<10240xf32, #tpu.memory_space<vmem>> -> memref<10000xf32, #tpu.memory_space<vmem>>
      tpu.wait_dma2 semaphore(%run_scoped3A_241 : memref<!tpu.dma_semaphore, #tpu.memory_space<semaphore_mem>>) src(%arg2 : memref<10000xf32, #tpu.memory_space<hbm>>) dst(%dma_wait3A_247 : memref<10000xf32, #tpu.memory_space<vmem>>)
      tpu.yield
    }) : () -> ()
    "tpu.region"() ({
      %run_scoped3A_241 = tpu.sem_alloc : memref<!tpu.dma_semaphore, #tpu.memory_space<semaphore_mem>>
      %dma_start3A = arith.constant 0 : i32
      %dma_start3A_242 = tpu.memref_slice %arg11[%dma_start3A] : memref<10240xf32, #tpu.memory_space<vmem>> -> memref<10000xf32, #tpu.memory_space<vmem>>
      %dma_start3A_243 = arith.constant 0 : i32
      %dma_start3A_244 = tpu.memref_slice %arg11[%dma_start3A_243] : memref<10240xf32, #tpu.memory_space<vmem>> -> memref<10000xf32, #tpu.memory_space<vmem>>
      tpu.enqueue_dma source(%arg3 : memref<10000xf32, #tpu.memory_space<hbm>>) target(%dma_start3A_244 : memref<10000xf32, #tpu.memory_space<vmem>>) target_semaphore(%run_scoped3A_241 : memref<!tpu.dma_semaphore, #tpu.memory_space<semaphore_mem>>)
      %dma_wait3A = arith.constant 0 : i32
      %dma_wait3A_245 = tpu.memref_slice %arg11[%dma_wait3A] : memref<10240xf32, #tpu.memory_space<vmem>> -> memref<10000xf32, #tpu.memory_space<vmem>>
      %dma_wait3A_246 = arith.constant 0 : i32
      %dma_wait3A_247 = tpu.memref_slice %arg11[%dma_wait3A_246] : memref<10240xf32, #tpu.memory_space<vmem>> -> memref<10000xf32, #tpu.memory_space<vmem>>
      tpu.wait_dma2 semaphore(%run_scoped3A_241 : memref<!tpu.dma_semaphore, #tpu.memory_space<semaphore_mem>>) src(%arg3 : memref<10000xf32, #tpu.memory_space<hbm>>) dst(%dma_wait3A_247 : memref<10000xf32, #tpu.memory_space<vmem>>)
      tpu.yield
    }) : () -> ()
    %broadcast_in_dim3A = arith.constant -3.000000e+38 : f32
    %broadcast_in_dim3A_0 = vector.broadcast %broadcast_in_dim3A : f32 to vector<16xf32>
    %scan3A = arith.constant 0 : i32
    %scan3A_1 = arith.constant 625 : i32
    %scan3A_2 = arith.addi %scan3A, %scan3A_1 : i32
    %scan3A_3 = arith.constant 1 : i32
    %scan3A_4 = scf.for %scan3A_241 = %scan3A to %scan3A_2 step %scan3A_3 iter_args(%scan3A_242 = %broadcast_in_dim3A_0) -> (vector<16xf32>)  : i32 {
      %mul3A_243 = arith.constant 16 : i32
      %mul3A_244 = arith.muli %scan3A_241, %mul3A_243 : i32
      %get3A = arith.index_cast %mul3A_244 : i32 to index
      %get3A_245 = tpu.vector_load %arg10[%get3A] {strides = array<i32>} : memref<10240xf32, #tpu.memory_space<vmem>>, vector<16xf32>,
      %max3A_246 = arith.maximumf %scan3A_242, %get3A_245 : vector<16xf32>
      scf.yield %max3A_246 : vector<16xf32>
    }
    %scan3A_5 = arith.constant 625 : i32
    %slice3A = vector.extract_strided_slice %scan3A_4 {offsets = [0], sizes = [1], strides = [1]} : vector<16xf32> to vector<1xf32>
    %squeeze3A = vector.extract %slice3A[0] : f32 from vector<1xf32>
    %slice3A_6 = vector.extract_strided_slice %scan3A_4 {offsets = [1], sizes = [1], strides = [1]} : vector<16xf32> to vector<1xf32>
    %squeeze3A_7 = vector.extract %slice3A_6[0] : f32 from vector<1xf32>
    %max3A = arith.maximumf %squeeze3A, %squeeze3A_7 : f32
    %slice3A_8 = vector.extract_strided_slice %scan3A_4 {offsets = [2], sizes = [1], strides = [1]} : vector<16xf32> to vector<1xf32>
    %squeeze3A_9 = vector.extract %slice3A_8[0] : f32 from vector<1xf32>
    %max3A_10 = arith.maximumf %max3A, %squeeze3A_9 : f32
    %slice3A_11 = vector.extract_strided_slice %scan3A_4 {offsets = [3], sizes = [1], strides = [1]} : vector<16xf32> to vector<1xf32>
    %squeeze3A_12 = vector.extract %slice3A_11[0] : f32 from vector<1xf32>
    %max3A_13 = arith.maximumf %max3A_10, %squeeze3A_12 : f32
    %slice3A_14 = vector.extract_strided_slice %scan3A_4 {offsets = [4], sizes = [1], strides = [1]} : vector<16xf32> to vector<1xf32>
    %squeeze3A_15 = vector.extract %slice3A_14[0] : f32 from vector<1xf32>
    %max3A_16 = arith.maximumf %max3A_13, %squeeze3A_15 : f32
    %slice3A_17 = vector.extract_strided_slice %scan3A_4 {offsets = [5], sizes = [1], strides = [1]} : vector<16xf32> to vector<1xf32>
    %squeeze3A_18 = vector.extract %slice3A_17[0] : f32 from vector<1xf32>
    %max3A_19 = arith.maximumf %max3A_16, %squeeze3A_18 : f32
    %slice3A_20 = vector.extract_strided_slice %scan3A_4 {offsets = [6], sizes = [1], strides = [1]} : vector<16xf32> to vector<1xf32>
    %squeeze3A_21 = vector.extract %slice3A_20[0] : f32 from vector<1xf32>
    %max3A_22 = arith.maximumf %max3A_19, %squeeze3A_21 : f32
    %slice3A_23 = vector.extract_strided_slice %scan3A_4 {offsets = [7], sizes = [1], strides = [1]} : vector<16xf32> to vector<1xf32>
    %squeeze3A_24 = vector.extract %slice3A_23[0] : f32 from vector<1xf32>
    %max3A_25 = arith.maximumf %max3A_22, %squeeze3A_24 : f32
    %slice3A_26 = vector.extract_strided_slice %scan3A_4 {offsets = [8], sizes = [1], strides = [1]} : vector<16xf32> to vector<1xf32>
    %squeeze3A_27 = vector.extract %slice3A_26[0] : f32 from vector<1xf32>
    %max3A_28 = arith.maximumf %max3A_25, %squeeze3A_27 : f32
    %slice3A_29 = vector.extract_strided_slice %scan3A_4 {offsets = [9], sizes = [1], strides = [1]} : vector<16xf32> to vector<1xf32>
    %squeeze3A_30 = vector.extract %slice3A_29[0] : f32 from vector<1xf32>
    %max3A_31 = arith.maximumf %max3A_28, %squeeze3A_30 : f32
    %slice3A_32 = vector.extract_strided_slice %scan3A_4 {offsets = [10], sizes = [1], strides = [1]} : vector<16xf32> to vector<1xf32>
    %squeeze3A_33 = vector.extract %slice3A_32[0] : f32 from vector<1xf32>
    %max3A_34 = arith.maximumf %max3A_31, %squeeze3A_33 : f32
    %slice3A_35 = vector.extract_strided_slice %scan3A_4 {offsets = [11], sizes = [1], strides = [1]} : vector<16xf32> to vector<1xf32>
    %squeeze3A_36 = vector.extract %slice3A_35[0] : f32 from vector<1xf32>
    %max3A_37 = arith.maximumf %max3A_34, %squeeze3A_36 : f32
    %slice3A_38 = vector.extract_strided_slice %scan3A_4 {offsets = [12], sizes = [1], strides = [1]} : vector<16xf32> to vector<1xf32>
    %squeeze3A_39 = vector.extract %slice3A_38[0] : f32 from vector<1xf32>
    %max3A_40 = arith.maximumf %max3A_37, %squeeze3A_39 : f32
    %slice3A_41 = vector.extract_strided_slice %scan3A_4 {offsets = [13], sizes = [1], strides = [1]} : vector<16xf32> to vector<1xf32>
    %squeeze3A_42 = vector.extract %slice3A_41[0] : f32 from vector<1xf32>
    %max3A_43 = arith.maximumf %max3A_40, %squeeze3A_42 : f32
    %slice3A_44 = vector.extract_strided_slice %scan3A_4 {offsets = [14], sizes = [1], strides = [1]} : vector<16xf32> to vector<1xf32>
    %squeeze3A_45 = vector.extract %slice3A_44[0] : f32 from vector<1xf32>
    %max3A_46 = arith.maximumf %max3A_43, %squeeze3A_45 : f32
    %slice3A_47 = vector.extract_strided_slice %scan3A_4 {offsets = [15], sizes = [1], strides = [1]} : vector<16xf32> to vector<1xf32>
    %squeeze3A_48 = vector.extract %slice3A_47[0] : f32 from vector<1xf32>
    %max3A_49 = arith.maximumf %max3A_46, %squeeze3A_48 : f32
    %broadcast_in_dim3A_50 = arith.constant -3.000000e+38 : f32
    %broadcast_in_dim3A_51 = vector.broadcast %broadcast_in_dim3A_50 : f32 to vector<16xf32>
    %scan3A_52 = arith.constant 0 : i32
    %scan3A_53 = arith.constant 625 : i32
    %scan3A_54 = arith.addi %scan3A_52, %scan3A_53 : i32
    %scan3A_55 = arith.constant 1 : i32
    %scan3A_56 = scf.for %scan3A_241 = %scan3A_52 to %scan3A_54 step %scan3A_55 iter_args(%scan3A_242 = %broadcast_in_dim3A_51) -> (vector<16xf32>)  : i32 {
      %mul3A_243 = arith.constant 16 : i32
      %mul3A_244 = arith.muli %scan3A_241, %mul3A_243 : i32
      %get3A = arith.index_cast %mul3A_244 : i32 to index
      %get3A_245 = tpu.vector_load %arg11[%get3A] {strides = array<i32>} : memref<10240xf32, #tpu.memory_space<vmem>>, vector<16xf32>,
      %max3A_246 = arith.maximumf %scan3A_242, %get3A_245 : vector<16xf32>
      scf.yield %max3A_246 : vector<16xf32>
    }
    %scan3A_57 = arith.constant 625 : i32
    %slice3A_58 = vector.extract_strided_slice %scan3A_56 {offsets = [0], sizes = [1], strides = [1]} : vector<16xf32> to vector<1xf32>
    %squeeze3A_59 = vector.extract %slice3A_58[0] : f32 from vector<1xf32>
    %slice3A_60 = vector.extract_strided_slice %scan3A_56 {offsets = [1], sizes = [1], strides = [1]} : vector<16xf32> to vector<1xf32>
    %squeeze3A_61 = vector.extract %slice3A_60[0] : f32 from vector<1xf32>
    %max3A_62 = arith.maximumf %squeeze3A_59, %squeeze3A_61 : f32
    %slice3A_63 = vector.extract_strided_slice %scan3A_56 {offsets = [2], sizes = [1], strides = [1]} : vector<16xf32> to vector<1xf32>
    %squeeze3A_64 = vector.extract %slice3A_63[0] : f32 from vector<1xf32>
    %max3A_65 = arith.maximumf %max3A_62, %squeeze3A_64 : f32
    %slice3A_66 = vector.extract_strided_slice %scan3A_56 {offsets = [3], sizes = [1], strides = [1]} : vector<16xf32> to vector<1xf32>
    %squeeze3A_67 = vector.extract %slice3A_66[0] : f32 from vector<1xf32>
    %max3A_68 = arith.maximumf %max3A_65, %squeeze3A_67 : f32
    %slice3A_69 = vector.extract_strided_slice %scan3A_56 {offsets = [4], sizes = [1], strides = [1]} : vector<16xf32> to vector<1xf32>
    %squeeze3A_70 = vector.extract %slice3A_69[0] : f32 from vector<1xf32>
    %max3A_71 = arith.maximumf %max3A_68, %squeeze3A_70 : f32
    %slice3A_72 = vector.extract_strided_slice %scan3A_56 {offsets = [5], sizes = [1], strides = [1]} : vector<16xf32> to vector<1xf32>
    %squeeze3A_73 = vector.extract %slice3A_72[0] : f32 from vector<1xf32>
    %max3A_74 = arith.maximumf %max3A_71, %squeeze3A_73 : f32
    %slice3A_75 = vector.extract_strided_slice %scan3A_56 {offsets = [6], sizes = [1], strides = [1]} : vector<16xf32> to vector<1xf32>
    %squeeze3A_76 = vector.extract %slice3A_75[0] : f32 from vector<1xf32>
    %max3A_77 = arith.maximumf %max3A_74, %squeeze3A_76 : f32
    %slice3A_78 = vector.extract_strided_slice %scan3A_56 {offsets = [7], sizes = [1], strides = [1]} : vector<16xf32> to vector<1xf32>
    %squeeze3A_79 = vector.extract %slice3A_78[0] : f32 from vector<1xf32>
    %max3A_80 = arith.maximumf %max3A_77, %squeeze3A_79 : f32
    %slice3A_81 = vector.extract_strided_slice %scan3A_56 {offsets = [8], sizes = [1], strides = [1]} : vector<16xf32> to vector<1xf32>
    %squeeze3A_82 = vector.extract %slice3A_81[0] : f32 from vector<1xf32>
    %max3A_83 = arith.maximumf %max3A_80, %squeeze3A_82 : f32
    %slice3A_84 = vector.extract_strided_slice %scan3A_56 {offsets = [9], sizes = [1], strides = [1]} : vector<16xf32> to vector<1xf32>
    %squeeze3A_85 = vector.extract %slice3A_84[0] : f32 from vector<1xf32>
    %max3A_86 = arith.maximumf %max3A_83, %squeeze3A_85 : f32
    %slice3A_87 = vector.extract_strided_slice %scan3A_56 {offsets = [10], sizes = [1], strides = [1]} : vector<16xf32> to vector<1xf32>
    %squeeze3A_88 = vector.extract %slice3A_87[0] : f32 from vector<1xf32>
    %max3A_89 = arith.maximumf %max3A_86, %squeeze3A_88 : f32
    %slice3A_90 = vector.extract_strided_slice %scan3A_56 {offsets = [11], sizes = [1], strides = [1]} : vector<16xf32> to vector<1xf32>
    %squeeze3A_91 = vector.extract %slice3A_90[0] : f32 from vector<1xf32>
    %max3A_92 = arith.maximumf %max3A_89, %squeeze3A_91 : f32
    %slice3A_93 = vector.extract_strided_slice %scan3A_56 {offsets = [12], sizes = [1], strides = [1]} : vector<16xf32> to vector<1xf32>
    %squeeze3A_94 = vector.extract %slice3A_93[0] : f32 from vector<1xf32>
    %max3A_95 = arith.maximumf %max3A_92, %squeeze3A_94 : f32
    %slice3A_96 = vector.extract_strided_slice %scan3A_56 {offsets = [13], sizes = [1], strides = [1]} : vector<16xf32> to vector<1xf32>
    %squeeze3A_97 = vector.extract %slice3A_96[0] : f32 from vector<1xf32>
    %max3A_98 = arith.maximumf %max3A_95, %squeeze3A_97 : f32
    %slice3A_99 = vector.extract_strided_slice %scan3A_56 {offsets = [14], sizes = [1], strides = [1]} : vector<16xf32> to vector<1xf32>
    %squeeze3A_100 = vector.extract %slice3A_99[0] : f32 from vector<1xf32>
    %max3A_101 = arith.maximumf %max3A_98, %squeeze3A_100 : f32
    %slice3A_102 = vector.extract_strided_slice %scan3A_56 {offsets = [15], sizes = [1], strides = [1]} : vector<16xf32> to vector<1xf32>
    %squeeze3A_103 = vector.extract %slice3A_102[0] : f32 from vector<1xf32>
    %max3A_104 = arith.maximumf %max3A_101, %squeeze3A_103 : f32
    %add3A = arith.addf %max3A_49, %max3A_104 : f32
    %gt3A = arith.constant 0.000000e+00 : f32
    %gt3A_105 = arith.cmpf ogt, %add3A, %gt3A : f32
    %mul3A = arith.constant 2.000000e-01 : f32
    %mul3A_106 = arith.mulf %mul3A, %add3A : f32
    %select_n3A = arith.select %gt3A_105, %add3A, %mul3A_106 : f32
    %broadcast_in_dim3A_107 = arith.constant 0.000000e+00 : f32
    %broadcast_in_dim3A_108 = vector.broadcast %broadcast_in_dim3A_107 : f32 to vector<16xf32>
    %scan3A_109 = arith.constant 0 : i32
    %scan3A_110 = arith.constant 0 : i32
    %scan3A_111 = arith.constant 80 : i32
    %scan3A_112 = arith.addi %scan3A_110, %scan3A_111 : i32
    %scan3A_113 = arith.constant 1 : i32
    %scan3A_114 = scf.for %scan3A_241 = %scan3A_110 to %scan3A_112 step %scan3A_113 iter_args(%scan3A_242 = %scan3A_109) -> (i32)  : i32 {
      %swap3A_243 = arith.index_cast %scan3A_241 : i32 to index
      %swap3A_244 = arith.constant 0 : index
      %swap3A_245 = tpu.vector_load %arg12[%swap3A_243, %swap3A_244] {strides = array<i32>} : memref<80x128xf32, #tpu.memory_space<vmem>>, vector<16xf32>,
      tpu.vector_store %arg12[%swap3A_243, %swap3A_244], %broadcast_in_dim3A_108 {strides = array<i32>} : memref<80x128xf32, #tpu.memory_space<vmem>>, vector<16xf32>,
      %swap3A_246 = arith.index_cast %scan3A_241 : i32 to index
      %swap3A_247 = arith.constant 16 : index
      %swap3A_248 = tpu.vector_load %arg12[%swap3A_246, %swap3A_247] {strides = array<i32>} : memref<80x128xf32, #tpu.memory_space<vmem>>, vector<16xf32>,
      tpu.vector_store %arg12[%swap3A_246, %swap3A_247], %broadcast_in_dim3A_108 {strides = array<i32>} : memref<80x128xf32, #tpu.memory_space<vmem>>, vector<16xf32>,
      %swap3A_249 = arith.index_cast %scan3A_241 : i32 to index
      %swap3A_250 = arith.constant 32 : index
      %swap3A_251 = tpu.vector_load %arg12[%swap3A_249, %swap3A_250] {strides = array<i32>} : memref<80x128xf32, #tpu.memory_space<vmem>>, vector<16xf32>,
      tpu.vector_store %arg12[%swap3A_249, %swap3A_250], %broadcast_in_dim3A_108 {strides = array<i32>} : memref<80x128xf32, #tpu.memory_space<vmem>>, vector<16xf32>,
      %swap3A_252 = arith.index_cast %scan3A_241 : i32 to index
      %swap3A_253 = arith.constant 48 : index
      %swap3A_254 = tpu.vector_load %arg12[%swap3A_252, %swap3A_253] {strides = array<i32>} : memref<80x128xf32, #tpu.memory_space<vmem>>, vector<16xf32>,
      tpu.vector_store %arg12[%swap3A_252, %swap3A_253], %broadcast_in_dim3A_108 {strides = array<i32>} : memref<80x128xf32, #tpu.memory_space<vmem>>, vector<16xf32>,
      %swap3A_255 = arith.index_cast %scan3A_241 : i32 to index
      %swap3A_256 = arith.constant 64 : index
      %swap3A_257 = tpu.vector_load %arg12[%swap3A_255, %swap3A_256] {strides = array<i32>} : memref<80x128xf32, #tpu.memory_space<vmem>>, vector<16xf32>,
      tpu.vector_store %arg12[%swap3A_255, %swap3A_256], %broadcast_in_dim3A_108 {strides = array<i32>} : memref<80x128xf32, #tpu.memory_space<vmem>>, vector<16xf32>,
      %swap3A_258 = arith.index_cast %scan3A_241 : i32 to index
      %swap3A_259 = arith.constant 80 : index
      %swap3A_260 = tpu.vector_load %arg12[%swap3A_258, %swap3A_259] {strides = array<i32>} : memref<80x128xf32, #tpu.memory_space<vmem>>, vector<16xf32>,
      tpu.vector_store %arg12[%swap3A_258, %swap3A_259], %broadcast_in_dim3A_108 {strides = array<i32>} : memref<80x128xf32, #tpu.memory_space<vmem>>, vector<16xf32>,
      %swap3A_261 = arith.index_cast %scan3A_241 : i32 to index
      %swap3A_262 = arith.constant 96 : index
      %swap3A_263 = tpu.vector_load %arg12[%swap3A_261, %swap3A_262] {strides = array<i32>} : memref<80x128xf32, #tpu.memory_space<vmem>>, vector<16xf32>,
      tpu.vector_store %arg12[%swap3A_261, %swap3A_262], %broadcast_in_dim3A_108 {strides = array<i32>} : memref<80x128xf32, #tpu.memory_space<vmem>>, vector<16xf32>,
      %swap3A_264 = arith.index_cast %scan3A_241 : i32 to index
      %swap3A_265 = arith.constant 112 : index
      %swap3A_266 = tpu.vector_load %arg12[%swap3A_264, %swap3A_265] {strides = array<i32>} : memref<80x128xf32, #tpu.memory_space<vmem>>, vector<16xf32>,
      tpu.vector_store %arg12[%swap3A_264, %swap3A_265], %broadcast_in_dim3A_108 {strides = array<i32>} : memref<80x128xf32, #tpu.memory_space<vmem>>, vector<16xf32>,
      %scan3A_267 = arith.constant 0 : i32
      scf.yield %scan3A_267 : i32
    }
    %scan3A_115 = arith.constant 80 : i32
    %scan3A_116 = arith.constant 0 : i32
    %scan3A_117 = arith.constant 0 : i32
    %scan3A_118 = arith.constant 80 : i32
    %scan3A_119 = arith.addi %scan3A_117, %scan3A_118 : i32
    %scan3A_120 = arith.constant 1 : i32
    %scan3A_121 = scf.for %scan3A_241 = %scan3A_117 to %scan3A_119 step %scan3A_120 iter_args(%scan3A_242 = %scan3A_116) -> (i32)  : i32 {
      %swap3A_243 = arith.index_cast %scan3A_241 : i32 to index
      %swap3A_244 = arith.constant 0 : index
      %swap3A_245 = tpu.vector_load %arg13[%swap3A_243, %swap3A_244] {strides = array<i32>} : memref<80x128xf32, #tpu.memory_space<vmem>>, vector<16xf32>,
      tpu.vector_store %arg13[%swap3A_243, %swap3A_244], %broadcast_in_dim3A_108 {strides = array<i32>} : memref<80x128xf32, #tpu.memory_space<vmem>>, vector<16xf32>,
      %swap3A_246 = arith.index_cast %scan3A_241 : i32 to index
      %swap3A_247 = arith.constant 16 : index
      %swap3A_248 = tpu.vector_load %arg13[%swap3A_246, %swap3A_247] {strides = array<i32>} : memref<80x128xf32, #tpu.memory_space<vmem>>, vector<16xf32>,
      tpu.vector_store %arg13[%swap3A_246, %swap3A_247], %broadcast_in_dim3A_108 {strides = array<i32>} : memref<80x128xf32, #tpu.memory_space<vmem>>, vector<16xf32>,
      %swap3A_249 = arith.index_cast %scan3A_241 : i32 to index
      %swap3A_250 = arith.constant 32 : index
      %swap3A_251 = tpu.vector_load %arg13[%swap3A_249, %swap3A_250] {strides = array<i32>} : memref<80x128xf32, #tpu.memory_space<vmem>>, vector<16xf32>,
      tpu.vector_store %arg13[%swap3A_249, %swap3A_250], %broadcast_in_dim3A_108 {strides = array<i32>} : memref<80x128xf32, #tpu.memory_space<vmem>>, vector<16xf32>,
      %swap3A_252 = arith.index_cast %scan3A_241 : i32 to index
      %swap3A_253 = arith.constant 48 : index
      %swap3A_254 = tpu.vector_load %arg13[%swap3A_252, %swap3A_253] {strides = array<i32>} : memref<80x128xf32, #tpu.memory_space<vmem>>, vector<16xf32>,
      tpu.vector_store %arg13[%swap3A_252, %swap3A_253], %broadcast_in_dim3A_108 {strides = array<i32>} : memref<80x128xf32, #tpu.memory_space<vmem>>, vector<16xf32>,
      %swap3A_255 = arith.index_cast %scan3A_241 : i32 to index
      %swap3A_256 = arith.constant 64 : index
      %swap3A_257 = tpu.vector_load %arg13[%swap3A_255, %swap3A_256] {strides = array<i32>} : memref<80x128xf32, #tpu.memory_space<vmem>>, vector<16xf32>,
      tpu.vector_store %arg13[%swap3A_255, %swap3A_256], %broadcast_in_dim3A_108 {strides = array<i32>} : memref<80x128xf32, #tpu.memory_space<vmem>>, vector<16xf32>,
      %swap3A_258 = arith.index_cast %scan3A_241 : i32 to index
      %swap3A_259 = arith.constant 80 : index
      %swap3A_260 = tpu.vector_load %arg13[%swap3A_258, %swap3A_259] {strides = array<i32>} : memref<80x128xf32, #tpu.memory_space<vmem>>, vector<16xf32>,
      tpu.vector_store %arg13[%swap3A_258, %swap3A_259], %broadcast_in_dim3A_108 {strides = array<i32>} : memref<80x128xf32, #tpu.memory_space<vmem>>, vector<16xf32>,
      %swap3A_261 = arith.index_cast %scan3A_241 : i32 to index
      %swap3A_262 = arith.constant 96 : index
      %swap3A_263 = tpu.vector_load %arg13[%swap3A_261, %swap3A_262] {strides = array<i32>} : memref<80x128xf32, #tpu.memory_space<vmem>>, vector<16xf32>,
      tpu.vector_store %arg13[%swap3A_261, %swap3A_262], %broadcast_in_dim3A_108 {strides = array<i32>} : memref<80x128xf32, #tpu.memory_space<vmem>>, vector<16xf32>,
      %swap3A_264 = arith.index_cast %scan3A_241 : i32 to index
      %swap3A_265 = arith.constant 112 : index
      %swap3A_266 = tpu.vector_load %arg13[%swap3A_264, %swap3A_265] {strides = array<i32>} : memref<80x128xf32, #tpu.memory_space<vmem>>, vector<16xf32>,
      tpu.vector_store %arg13[%swap3A_264, %swap3A_265], %broadcast_in_dim3A_108 {strides = array<i32>} : memref<80x128xf32, #tpu.memory_space<vmem>>, vector<16xf32>,
      %scan3A_267 = arith.constant 0 : i32
      scf.yield %scan3A_267 : i32
    }
    %scan3A_122 = arith.constant 80 : i32
    %iota3A = tpu.iota {dimensions = array<i32: 0>} : vector<16xi32>
    %add3A_123 = arith.constant 0 : i32
    %add3A_124 = vector.broadcast %add3A_123 : i32 to vector<16xi32>
    %add3A_125 = arith.addi %iota3A, %add3A_124 : vector<16xi32>
    %swap3A = arith.constant 0 : i32
    %swap3A_126 = arith.index_cast %swap3A : i32 to index
    %swap3A_127 = arith.constant 0 : index
    %swap3A_128 = tpu.vector_load %arg16[%swap3A_126, %swap3A_127] {strides = array<i32>} : memref<1x80xi32, #tpu.memory_space<vmem>>, vector<16xi32>,
    tpu.vector_store %arg16[%swap3A_126, %swap3A_127], %add3A_125 {strides = array<i32>} : memref<1x80xi32, #tpu.memory_space<vmem>>, vector<16xi32>,
    %add3A_129 = arith.constant 16 : i32
    %add3A_130 = vector.broadcast %add3A_129 : i32 to vector<16xi32>
    %add3A_131 = arith.addi %iota3A, %add3A_130 : vector<16xi32>
    %swap3A_132 = arith.constant 0 : i32
    %swap3A_133 = arith.index_cast %swap3A_132 : i32 to index
    %swap3A_134 = arith.constant 16 : index
    %swap3A_135 = tpu.vector_load %arg16[%swap3A_133, %swap3A_134] {strides = array<i32>} : memref<1x80xi32, #tpu.memory_space<vmem>>, vector<16xi32>,
    tpu.vector_store %arg16[%swap3A_133, %swap3A_134], %add3A_131 {strides = array<i32>} : memref<1x80xi32, #tpu.memory_space<vmem>>, vector<16xi32>,
    %add3A_136 = arith.constant 32 : i32
    %add3A_137 = vector.broadcast %add3A_136 : i32 to vector<16xi32>
    %add3A_138 = arith.addi %iota3A, %add3A_137 : vector<16xi32>
    %swap3A_139 = arith.constant 0 : i32
    %swap3A_140 = arith.index_cast %swap3A_139 : i32 to index
    %swap3A_141 = arith.constant 32 : index
    %swap3A_142 = tpu.vector_load %arg16[%swap3A_140, %swap3A_141] {strides = array<i32>} : memref<1x80xi32, #tpu.memory_space<vmem>>, vector<16xi32>,
    tpu.vector_store %arg16[%swap3A_140, %swap3A_141], %add3A_138 {strides = array<i32>} : memref<1x80xi32, #tpu.memory_space<vmem>>, vector<16xi32>,
    %add3A_143 = arith.constant 48 : i32
    %add3A_144 = vector.broadcast %add3A_143 : i32 to vector<16xi32>
    %add3A_145 = arith.addi %iota3A, %add3A_144 : vector<16xi32>
    %swap3A_146 = arith.constant 0 : i32
    %swap3A_147 = arith.index_cast %swap3A_146 : i32 to index
    %swap3A_148 = arith.constant 48 : index
    %swap3A_149 = tpu.vector_load %arg16[%swap3A_147, %swap3A_148] {strides = array<i32>} : memref<1x80xi32, #tpu.memory_space<vmem>>, vector<16xi32>,
    tpu.vector_store %arg16[%swap3A_147, %swap3A_148], %add3A_145 {strides = array<i32>} : memref<1x80xi32, #tpu.memory_space<vmem>>, vector<16xi32>,
    %add3A_150 = arith.constant 64 : i32
    %add3A_151 = vector.broadcast %add3A_150 : i32 to vector<16xi32>
    %add3A_152 = arith.addi %iota3A, %add3A_151 : vector<16xi32>
    %swap3A_153 = arith.constant 0 : i32
    %swap3A_154 = arith.index_cast %swap3A_153 : i32 to index
    %swap3A_155 = arith.constant 64 : index
    %swap3A_156 = tpu.vector_load %arg16[%swap3A_154, %swap3A_155] {strides = array<i32>} : memref<1x80xi32, #tpu.memory_space<vmem>>, vector<16xi32>,
    tpu.vector_store %arg16[%swap3A_154, %swap3A_155], %add3A_152 {strides = array<i32>} : memref<1x80xi32, #tpu.memory_space<vmem>>, vector<16xi32>,
    %scan3A_157 = arith.constant 0 : i32
    %scan3A_158 = arith.constant 0 : i32
    %scan3A_159 = arith.constant 5 : i32
    %scan3A_160 = arith.addi %scan3A_158, %scan3A_159 : i32
    %scan3A_161 = arith.constant 1 : i32
    %scan3A_162 = scf.for %scan3A_241 = %scan3A_158 to %scan3A_160 step %scan3A_161 iter_args(%scan3A_242 = %scan3A_157) -> (i32)  : i32 {
      %swap3A_243 = arith.index_cast %scan3A_241 : i32 to index
      %swap3A_244 = arith.constant 0 : index
      %swap3A_245 = tpu.vector_load %arg17[%swap3A_243, %swap3A_244] {strides = array<i32>} : memref<5x128xf32, #tpu.memory_space<vmem>>, vector<16xf32>,
      tpu.vector_store %arg17[%swap3A_243, %swap3A_244], %broadcast_in_dim3A_108 {strides = array<i32>} : memref<5x128xf32, #tpu.memory_space<vmem>>, vector<16xf32>,
      %swap3A_246 = arith.index_cast %scan3A_241 : i32 to index
      %swap3A_247 = arith.constant 16 : index
      %swap3A_248 = tpu.vector_load %arg17[%swap3A_246, %swap3A_247] {strides = array<i32>} : memref<5x128xf32, #tpu.memory_space<vmem>>, vector<16xf32>,
      tpu.vector_store %arg17[%swap3A_246, %swap3A_247], %broadcast_in_dim3A_108 {strides = array<i32>} : memref<5x128xf32, #tpu.memory_space<vmem>>, vector<16xf32>,
      %swap3A_249 = arith.index_cast %scan3A_241 : i32 to index
      %swap3A_250 = arith.constant 32 : index
      %swap3A_251 = tpu.vector_load %arg17[%swap3A_249, %swap3A_250] {strides = array<i32>} : memref<5x128xf32, #tpu.memory_space<vmem>>, vector<16xf32>,
      tpu.vector_store %arg17[%swap3A_249, %swap3A_250], %broadcast_in_dim3A_108 {strides = array<i32>} : memref<5x128xf32, #tpu.memory_space<vmem>>, vector<16xf32>,
      %swap3A_252 = arith.index_cast %scan3A_241 : i32 to index
      %swap3A_253 = arith.constant 48 : index
      %swap3A_254 = tpu.vector_load %arg17[%swap3A_252, %swap3A_253] {strides = array<i32>} : memref<5x128xf32, #tpu.memory_space<vmem>>, vector<16xf32>,
      tpu.vector_store %arg17[%swap3A_252, %swap3A_253], %broadcast_in_dim3A_108 {strides = array<i32>} : memref<5x128xf32, #tpu.memory_space<vmem>>, vector<16xf32>,
      %swap3A_255 = arith.index_cast %scan3A_241 : i32 to index
      %swap3A_256 = arith.constant 64 : index
      %swap3A_257 = tpu.vector_load %arg17[%swap3A_255, %swap3A_256] {strides = array<i32>} : memref<5x128xf32, #tpu.memory_space<vmem>>, vector<16xf32>,
      tpu.vector_store %arg17[%swap3A_255, %swap3A_256], %broadcast_in_dim3A_108 {strides = array<i32>} : memref<5x128xf32, #tpu.memory_space<vmem>>, vector<16xf32>,
      %swap3A_258 = arith.index_cast %scan3A_241 : i32 to index
      %swap3A_259 = arith.constant 80 : index
      %swap3A_260 = tpu.vector_load %arg17[%swap3A_258, %swap3A_259] {strides = array<i32>} : memref<5x128xf32, #tpu.memory_space<vmem>>, vector<16xf32>,
      tpu.vector_store %arg17[%swap3A_258, %swap3A_259], %broadcast_in_dim3A_108 {strides = array<i32>} : memref<5x128xf32, #tpu.memory_space<vmem>>, vector<16xf32>,
      %swap3A_261 = arith.index_cast %scan3A_241 : i32 to index
      %swap3A_262 = arith.constant 96 : index
      %swap3A_263 = tpu.vector_load %arg17[%swap3A_261, %swap3A_262] {strides = array<i32>} : memref<5x128xf32, #tpu.memory_space<vmem>>, vector<16xf32>,
      tpu.vector_store %arg17[%swap3A_261, %swap3A_262], %broadcast_in_dim3A_108 {strides = array<i32>} : memref<5x128xf32, #tpu.memory_space<vmem>>, vector<16xf32>,
      %swap3A_264 = arith.index_cast %scan3A_241 : i32 to index
      %swap3A_265 = arith.constant 112 : index
      %swap3A_266 = tpu.vector_load %arg17[%swap3A_264, %swap3A_265] {strides = array<i32>} : memref<5x128xf32, #tpu.memory_space<vmem>>, vector<16xf32>,
      tpu.vector_store %arg17[%swap3A_264, %swap3A_265], %broadcast_in_dim3A_108 {strides = array<i32>} : memref<5x128xf32, #tpu.memory_space<vmem>>, vector<16xf32>,
      %scan3A_267 = arith.constant 0 : i32
      scf.yield %scan3A_267 : i32
    }
    %scan3A_163 = arith.constant 5 : i32
    %eq3A = arith.constant 0 : i32
    %eq3A_164 = arith.cmpi eq, %arg1, %eq3A : i32
    %convert_element_type3A = arith.extui %eq3A_164 : i1 to i32
    %cond3A = arith.constant 0 : i32
    %cond3A_165 = arith.cmpi ne, %convert_element_type3A, %cond3A : i32
    scf.if %cond3A_165 {
      "tpu.region"() ({
        %run_scoped3A_241 = tpu.sem_alloc : memref<!tpu.dma_semaphore, #tpu.memory_space<semaphore_mem>>
        %dma_start3A = arith.constant 0 : i32
        %dma_start3A_242 = arith.constant 0 : i32
        %dma_start3A_243 = tpu.memref_slice %arg18[%dma_start3A, %dma_start3A_242] : memref<80x128xf32, #tpu.memory_space<vmem_shared>> -> memref<5x128xf32, #tpu.memory_space<vmem_shared>>
        %dma_start3A_244 = arith.constant 0 : i32
        %dma_start3A_245 = arith.constant 0 : i32
        %dma_start3A_246 = tpu.memref_slice %arg18[%dma_start3A_244, %dma_start3A_245] : memref<80x128xf32, #tpu.memory_space<vmem_shared>> -> memref<5x128xf32, #tpu.memory_space<vmem_shared>>
        tpu.enqueue_dma source(%arg17 : memref<5x128xf32, #tpu.memory_space<vmem>>) target(%dma_start3A_246 : memref<5x128xf32, #tpu.memory_space<vmem_shared>>) target_semaphore(%run_scoped3A_241 : memref<!tpu.dma_semaphore, #tpu.memory_space<semaphore_mem>>)
        %dma_wait3A = arith.constant 0 : i32
        %dma_wait3A_247 = arith.constant 0 : i32
        %dma_wait3A_248 = tpu.memref_slice %arg18[%dma_wait3A, %dma_wait3A_247] : memref<80x128xf32, #tpu.memory_space<vmem_shared>> -> memref<5x128xf32, #tpu.memory_space<vmem_shared>>
        %dma_wait3A_249 = arith.constant 0 : i32
        %dma_wait3A_250 = arith.constant 0 : i32
        %dma_wait3A_251 = tpu.memref_slice %arg18[%dma_wait3A_249, %dma_wait3A_250] : memref<80x128xf32, #tpu.memory_space<vmem_shared>> -> memref<5x128xf32, #tpu.memory_space<vmem_shared>>
        tpu.wait_dma2 semaphore(%run_scoped3A_241 : memref<!tpu.dma_semaphore, #tpu.memory_space<semaphore_mem>>) src(%arg17 : memref<5x128xf32, #tpu.memory_space<vmem>>) dst(%dma_wait3A_251 : memref<5x128xf32, #tpu.memory_space<vmem_shared>>)
        tpu.yield
      }) : () -> ()
      "tpu.region"() ({
        %run_scoped3A_241 = tpu.sem_alloc : memref<!tpu.dma_semaphore, #tpu.memory_space<semaphore_mem>>
        %dma_start3A = arith.constant 5 : i32
        %dma_start3A_242 = arith.constant 0 : i32
        %dma_start3A_243 = tpu.memref_slice %arg18[%dma_start3A, %dma_start3A_242] : memref<80x128xf32, #tpu.memory_space<vmem_shared>> -> memref<5x128xf32, #tpu.memory_space<vmem_shared>>
        %dma_start3A_244 = arith.constant 5 : i32
        %dma_start3A_245 = arith.constant 0 : i32
        %dma_start3A_246 = tpu.memref_slice %arg18[%dma_start3A_244, %dma_start3A_245] : memref<80x128xf32, #tpu.memory_space<vmem_shared>> -> memref<5x128xf32, #tpu.memory_space<vmem_shared>>
        tpu.enqueue_dma source(%arg17 : memref<5x128xf32, #tpu.memory_space<vmem>>) target(%dma_start3A_246 : memref<5x128xf32, #tpu.memory_space<vmem_shared>>) target_semaphore(%run_scoped3A_241 : memref<!tpu.dma_semaphore, #tpu.memory_space<semaphore_mem>>)
        %dma_wait3A = arith.constant 5 : i32
        %dma_wait3A_247 = arith.constant 0 : i32
        %dma_wait3A_248 = tpu.memref_slice %arg18[%dma_wait3A, %dma_wait3A_247] : memref<80x128xf32, #tpu.memory_space<vmem_shared>> -> memref<5x128xf32, #tpu.memory_space<vmem_shared>>
        %dma_wait3A_249 = arith.constant 5 : i32
        %dma_wait3A_250 = arith.constant 0 : i32
        %dma_wait3A_251 = tpu.memref_slice %arg18[%dma_wait3A_249, %dma_wait3A_250] : memref<80x128xf32, #tpu.memory_space<vmem_shared>> -> memref<5x128xf32, #tpu.memory_space<vmem_shared>>
        tpu.wait_dma2 semaphore(%run_scoped3A_241 : memref<!tpu.dma_semaphore, #tpu.memory_space<semaphore_mem>>) src(%arg17 : memref<5x128xf32, #tpu.memory_space<vmem>>) dst(%dma_wait3A_251 : memref<5x128xf32, #tpu.memory_space<vmem_shared>>)
        tpu.yield
      }) : () -> ()
      "tpu.region"() ({
        %run_scoped3A_241 = tpu.sem_alloc : memref<!tpu.dma_semaphore, #tpu.memory_space<semaphore_mem>>
        %dma_start3A = arith.constant 10 : i32
        %dma_start3A_242 = arith.constant 0 : i32
        %dma_start3A_243 = tpu.memref_slice %arg18[%dma_start3A, %dma_start3A_242] : memref<80x128xf32, #tpu.memory_space<vmem_shared>> -> memref<5x128xf32, #tpu.memory_space<vmem_shared>>
        %dma_start3A_244 = arith.constant 10 : i32
        %dma_start3A_245 = arith.constant 0 : i32
        %dma_start3A_246 = tpu.memref_slice %arg18[%dma_start3A_244, %dma_start3A_245] : memref<80x128xf32, #tpu.memory_space<vmem_shared>> -> memref<5x128xf32, #tpu.memory_space<vmem_shared>>
        tpu.enqueue_dma source(%arg17 : memref<5x128xf32, #tpu.memory_space<vmem>>) target(%dma_start3A_246 : memref<5x128xf32, #tpu.memory_space<vmem_shared>>) target_semaphore(%run_scoped3A_241 : memref<!tpu.dma_semaphore, #tpu.memory_space<semaphore_mem>>)
        %dma_wait3A = arith.constant 10 : i32
        %dma_wait3A_247 = arith.constant 0 : i32
        %dma_wait3A_248 = tpu.memref_slice %arg18[%dma_wait3A, %dma_wait3A_247] : memref<80x128xf32, #tpu.memory_space<vmem_shared>> -> memref<5x128xf32, #tpu.memory_space<vmem_shared>>
        %dma_wait3A_249 = arith.constant 10 : i32
        %dma_wait3A_250 = arith.constant 0 : i32
        %dma_wait3A_251 = tpu.memref_slice %arg18[%dma_wait3A_249, %dma_wait3A_250] : memref<80x128xf32, #tpu.memory_space<vmem_shared>> -> memref<5x128xf32, #tpu.memory_space<vmem_shared>>
        tpu.wait_dma2 semaphore(%run_scoped3A_241 : memref<!tpu.dma_semaphore, #tpu.memory_space<semaphore_mem>>) src(%arg17 : memref<5x128xf32, #tpu.memory_space<vmem>>) dst(%dma_wait3A_251 : memref<5x128xf32, #tpu.memory_space<vmem_shared>>)
        tpu.yield
      }) : () -> ()
      "tpu.region"() ({
        %run_scoped3A_241 = tpu.sem_alloc : memref<!tpu.dma_semaphore, #tpu.memory_space<semaphore_mem>>
        %dma_start3A = arith.constant 15 : i32
        %dma_start3A_242 = arith.constant 0 : i32
        %dma_start3A_243 = tpu.memref_slice %arg18[%dma_start3A, %dma_start3A_242] : memref<80x128xf32, #tpu.memory_space<vmem_shared>> -> memref<5x128xf32, #tpu.memory_space<vmem_shared>>
        %dma_start3A_244 = arith.constant 15 : i32
        %dma_start3A_245 = arith.constant 0 : i32
        %dma_start3A_246 = tpu.memref_slice %arg18[%dma_start3A_244, %dma_start3A_245] : memref<80x128xf32, #tpu.memory_space<vmem_shared>> -> memref<5x128xf32, #tpu.memory_space<vmem_shared>>
        tpu.enqueue_dma source(%arg17 : memref<5x128xf32, #tpu.memory_space<vmem>>) target(%dma_start3A_246 : memref<5x128xf32, #tpu.memory_space<vmem_shared>>) target_semaphore(%run_scoped3A_241 : memref<!tpu.dma_semaphore, #tpu.memory_space<semaphore_mem>>)
        %dma_wait3A = arith.constant 15 : i32
        %dma_wait3A_247 = arith.constant 0 : i32
        %dma_wait3A_248 = tpu.memref_slice %arg18[%dma_wait3A, %dma_wait3A_247] : memref<80x128xf32, #tpu.memory_space<vmem_shared>> -> memref<5x128xf32, #tpu.memory_space<vmem_shared>>
        %dma_wait3A_249 = arith.constant 15 : i32
        %dma_wait3A_250 = arith.constant 0 : i32
        %dma_wait3A_251 = tpu.memref_slice %arg18[%dma_wait3A_249, %dma_wait3A_250] : memref<80x128xf32, #tpu.memory_space<vmem_shared>> -> memref<5x128xf32, #tpu.memory_space<vmem_shared>>
        tpu.wait_dma2 semaphore(%run_scoped3A_241 : memref<!tpu.dma_semaphore, #tpu.memory_space<semaphore_mem>>) src(%arg17 : memref<5x128xf32, #tpu.memory_space<vmem>>) dst(%dma_wait3A_251 : memref<5x128xf32, #tpu.memory_space<vmem_shared>>)
        tpu.yield
      }) : () -> ()
      "tpu.region"() ({
        %run_scoped3A_241 = tpu.sem_alloc : memref<!tpu.dma_semaphore, #tpu.memory_space<semaphore_mem>>
        %dma_start3A = arith.constant 20 : i32
        %dma_start3A_242 = arith.constant 0 : i32
        %dma_start3A_243 = tpu.memref_slice %arg18[%dma_start3A, %dma_start3A_242] : memref<80x128xf32, #tpu.memory_space<vmem_shared>> -> memref<5x128xf32, #tpu.memory_space<vmem_shared>>
        %dma_start3A_244 = arith.constant 20 : i32
        %dma_start3A_245 = arith.constant 0 : i32
        %dma_start3A_246 = tpu.memref_slice %arg18[%dma_start3A_244, %dma_start3A_245] : memref<80x128xf32, #tpu.memory_space<vmem_shared>> -> memref<5x128xf32, #tpu.memory_space<vmem_shared>>
        tpu.enqueue_dma source(%arg17 : memref<5x128xf32, #tpu.memory_space<vmem>>) target(%dma_start3A_246 : memref<5x128xf32, #tpu.memory_space<vmem_shared>>) target_semaphore(%run_scoped3A_241 : memref<!tpu.dma_semaphore, #tpu.memory_space<semaphore_mem>>)
        %dma_wait3A = arith.constant 20 : i32
        %dma_wait3A_247 = arith.constant 0 : i32
        %dma_wait3A_248 = tpu.memref_slice %arg18[%dma_wait3A, %dma_wait3A_247] : memref<80x128xf32, #tpu.memory_space<vmem_shared>> -> memref<5x128xf32, #tpu.memory_space<vmem_shared>>
        %dma_wait3A_249 = arith.constant 20 : i32
        %dma_wait3A_250 = arith.constant 0 : i32
        %dma_wait3A_251 = tpu.memref_slice %arg18[%dma_wait3A_249, %dma_wait3A_250] : memref<80x128xf32, #tpu.memory_space<vmem_shared>> -> memref<5x128xf32, #tpu.memory_space<vmem_shared>>
        tpu.wait_dma2 semaphore(%run_scoped3A_241 : memref<!tpu.dma_semaphore, #tpu.memory_space<semaphore_mem>>) src(%arg17 : memref<5x128xf32, #tpu.memory_space<vmem>>) dst(%dma_wait3A_251 : memref<5x128xf32, #tpu.memory_space<vmem_shared>>)
        tpu.yield
      }) : () -> ()
      "tpu.region"() ({
        %run_scoped3A_241 = tpu.sem_alloc : memref<!tpu.dma_semaphore, #tpu.memory_space<semaphore_mem>>
        %dma_start3A = arith.constant 25 : i32
        %dma_start3A_242 = arith.constant 0 : i32
        %dma_start3A_243 = tpu.memref_slice %arg18[%dma_start3A, %dma_start3A_242] : memref<80x128xf32, #tpu.memory_space<vmem_shared>> -> memref<5x128xf32, #tpu.memory_space<vmem_shared>>
        %dma_start3A_244 = arith.constant 25 : i32
        %dma_start3A_245 = arith.constant 0 : i32
        %dma_start3A_246 = tpu.memref_slice %arg18[%dma_start3A_244, %dma_start3A_245] : memref<80x128xf32, #tpu.memory_space<vmem_shared>> -> memref<5x128xf32, #tpu.memory_space<vmem_shared>>
        tpu.enqueue_dma source(%arg17 : memref<5x128xf32, #tpu.memory_space<vmem>>) target(%dma_start3A_246 : memref<5x128xf32, #tpu.memory_space<vmem_shared>>) target_semaphore(%run_scoped3A_241 : memref<!tpu.dma_semaphore, #tpu.memory_space<semaphore_mem>>)
        %dma_wait3A = arith.constant 25 : i32
        %dma_wait3A_247 = arith.constant 0 : i32
        %dma_wait3A_248 = tpu.memref_slice %arg18[%dma_wait3A, %dma_wait3A_247] : memref<80x128xf32, #tpu.memory_space<vmem_shared>> -> memref<5x128xf32, #tpu.memory_space<vmem_shared>>
        %dma_wait3A_249 = arith.constant 25 : i32
        %dma_wait3A_250 = arith.constant 0 : i32
        %dma_wait3A_251 = tpu.memref_slice %arg18[%dma_wait3A_249, %dma_wait3A_250] : memref<80x128xf32, #tpu.memory_space<vmem_shared>> -> memref<5x128xf32, #tpu.memory_space<vmem_shared>>
        tpu.wait_dma2 semaphore(%run_scoped3A_241 : memref<!tpu.dma_semaphore, #tpu.memory_space<semaphore_mem>>) src(%arg17 : memref<5x128xf32, #tpu.memory_space<vmem>>) dst(%dma_wait3A_251 : memref<5x128xf32, #tpu.memory_space<vmem_shared>>)
        tpu.yield
      }) : () -> ()
      "tpu.region"() ({
        %run_scoped3A_241 = tpu.sem_alloc : memref<!tpu.dma_semaphore, #tpu.memory_space<semaphore_mem>>
        %dma_start3A = arith.constant 30 : i32
        %dma_start3A_242 = arith.constant 0 : i32
        %dma_start3A_243 = tpu.memref_slice %arg18[%dma_start3A, %dma_start3A_242] : memref<80x128xf32, #tpu.memory_space<vmem_shared>> -> memref<5x128xf32, #tpu.memory_space<vmem_shared>>
        %dma_start3A_244 = arith.constant 30 : i32
        %dma_start3A_245 = arith.constant 0 : i32
        %dma_start3A_246 = tpu.memref_slice %arg18[%dma_start3A_244, %dma_start3A_245] : memref<80x128xf32, #tpu.memory_space<vmem_shared>> -> memref<5x128xf32, #tpu.memory_space<vmem_shared>>
        tpu.enqueue_dma source(%arg17 : memref<5x128xf32, #tpu.memory_space<vmem>>) target(%dma_start3A_246 : memref<5x128xf32, #tpu.memory_space<vmem_shared>>) target_semaphore(%run_scoped3A_241 : memref<!tpu.dma_semaphore, #tpu.memory_space<semaphore_mem>>)
        %dma_wait3A = arith.constant 30 : i32
        %dma_wait3A_247 = arith.constant 0 : i32
        %dma_wait3A_248 = tpu.memref_slice %arg18[%dma_wait3A, %dma_wait3A_247] : memref<80x128xf32, #tpu.memory_space<vmem_shared>> -> memref<5x128xf32, #tpu.memory_space<vmem_shared>>
        %dma_wait3A_249 = arith.constant 30 : i32
        %dma_wait3A_250 = arith.constant 0 : i32
        %dma_wait3A_251 = tpu.memref_slice %arg18[%dma_wait3A_249, %dma_wait3A_250] : memref<80x128xf32, #tpu.memory_space<vmem_shared>> -> memref<5x128xf32, #tpu.memory_space<vmem_shared>>
        tpu.wait_dma2 semaphore(%run_scoped3A_241 : memref<!tpu.dma_semaphore, #tpu.memory_space<semaphore_mem>>) src(%arg17 : memref<5x128xf32, #tpu.memory_space<vmem>>) dst(%dma_wait3A_251 : memref<5x128xf32, #tpu.memory_space<vmem_shared>>)
        tpu.yield
      }) : () -> ()
      "tpu.region"() ({
        %run_scoped3A_241 = tpu.sem_alloc : memref<!tpu.dma_semaphore, #tpu.memory_space<semaphore_mem>>
        %dma_start3A = arith.constant 35 : i32
        %dma_start3A_242 = arith.constant 0 : i32
        %dma_start3A_243 = tpu.memref_slice %arg18[%dma_start3A, %dma_start3A_242] : memref<80x128xf32, #tpu.memory_space<vmem_shared>> -> memref<5x128xf32, #tpu.memory_space<vmem_shared>>
        %dma_start3A_244 = arith.constant 35 : i32
        %dma_start3A_245 = arith.constant 0 : i32
        %dma_start3A_246 = tpu.memref_slice %arg18[%dma_start3A_244, %dma_start3A_245] : memref<80x128xf32, #tpu.memory_space<vmem_shared>> -> memref<5x128xf32, #tpu.memory_space<vmem_shared>>
        tpu.enqueue_dma source(%arg17 : memref<5x128xf32, #tpu.memory_space<vmem>>) target(%dma_start3A_246 : memref<5x128xf32, #tpu.memory_space<vmem_shared>>) target_semaphore(%run_scoped3A_241 : memref<!tpu.dma_semaphore, #tpu.memory_space<semaphore_mem>>)
        %dma_wait3A = arith.constant 35 : i32
        %dma_wait3A_247 = arith.constant 0 : i32
        %dma_wait3A_248 = tpu.memref_slice %arg18[%dma_wait3A, %dma_wait3A_247] : memref<80x128xf32, #tpu.memory_space<vmem_shared>> -> memref<5x128xf32, #tpu.memory_space<vmem_shared>>
        %dma_wait3A_249 = arith.constant 35 : i32
        %dma_wait3A_250 = arith.constant 0 : i32
        %dma_wait3A_251 = tpu.memref_slice %arg18[%dma_wait3A_249, %dma_wait3A_250] : memref<80x128xf32, #tpu.memory_space<vmem_shared>> -> memref<5x128xf32, #tpu.memory_space<vmem_shared>>
        tpu.wait_dma2 semaphore(%run_scoped3A_241 : memref<!tpu.dma_semaphore, #tpu.memory_space<semaphore_mem>>) src(%arg17 : memref<5x128xf32, #tpu.memory_space<vmem>>) dst(%dma_wait3A_251 : memref<5x128xf32, #tpu.memory_space<vmem_shared>>)
        tpu.yield
      }) : () -> ()
      "tpu.region"() ({
        %run_scoped3A_241 = tpu.sem_alloc : memref<!tpu.dma_semaphore, #tpu.memory_space<semaphore_mem>>
        %dma_start3A = arith.constant 40 : i32
        %dma_start3A_242 = arith.constant 0 : i32
        %dma_start3A_243 = tpu.memref_slice %arg18[%dma_start3A, %dma_start3A_242] : memref<80x128xf32, #tpu.memory_space<vmem_shared>> -> memref<5x128xf32, #tpu.memory_space<vmem_shared>>
        %dma_start3A_244 = arith.constant 40 : i32
        %dma_start3A_245 = arith.constant 0 : i32
        %dma_start3A_246 = tpu.memref_slice %arg18[%dma_start3A_244, %dma_start3A_245] : memref<80x128xf32, #tpu.memory_space<vmem_shared>> -> memref<5x128xf32, #tpu.memory_space<vmem_shared>>
        tpu.enqueue_dma source(%arg17 : memref<5x128xf32, #tpu.memory_space<vmem>>) target(%dma_start3A_246 : memref<5x128xf32, #tpu.memory_space<vmem_shared>>) target_semaphore(%run_scoped3A_241 : memref<!tpu.dma_semaphore, #tpu.memory_space<semaphore_mem>>)
        %dma_wait3A = arith.constant 40 : i32
        %dma_wait3A_247 = arith.constant 0 : i32
        %dma_wait3A_248 = tpu.memref_slice %arg18[%dma_wait3A, %dma_wait3A_247] : memref<80x128xf32, #tpu.memory_space<vmem_shared>> -> memref<5x128xf32, #tpu.memory_space<vmem_shared>>
        %dma_wait3A_249 = arith.constant 40 : i32
        %dma_wait3A_250 = arith.constant 0 : i32
        %dma_wait3A_251 = tpu.memref_slice %arg18[%dma_wait3A_249, %dma_wait3A_250] : memref<80x128xf32, #tpu.memory_space<vmem_shared>> -> memref<5x128xf32, #tpu.memory_space<vmem_shared>>
        tpu.wait_dma2 semaphore(%run_scoped3A_241 : memref<!tpu.dma_semaphore, #tpu.memory_space<semaphore_mem>>) src(%arg17 : memref<5x128xf32, #tpu.memory_space<vmem>>) dst(%dma_wait3A_251 : memref<5x128xf32, #tpu.memory_space<vmem_shared>>)
        tpu.yield
      }) : () -> ()
      "tpu.region"() ({
        %run_scoped3A_241 = tpu.sem_alloc : memref<!tpu.dma_semaphore, #tpu.memory_space<semaphore_mem>>
        %dma_start3A = arith.constant 45 : i32
        %dma_start3A_242 = arith.constant 0 : i32
        %dma_start3A_243 = tpu.memref_slice %arg18[%dma_start3A, %dma_start3A_242] : memref<80x128xf32, #tpu.memory_space<vmem_shared>> -> memref<5x128xf32, #tpu.memory_space<vmem_shared>>
        %dma_start3A_244 = arith.constant 45 : i32
        %dma_start3A_245 = arith.constant 0 : i32
        %dma_start3A_246 = tpu.memref_slice %arg18[%dma_start3A_244, %dma_start3A_245] : memref<80x128xf32, #tpu.memory_space<vmem_shared>> -> memref<5x128xf32, #tpu.memory_space<vmem_shared>>
        tpu.enqueue_dma source(%arg17 : memref<5x128xf32, #tpu.memory_space<vmem>>) target(%dma_start3A_246 : memref<5x128xf32, #tpu.memory_space<vmem_shared>>) target_semaphore(%run_scoped3A_241 : memref<!tpu.dma_semaphore, #tpu.memory_space<semaphore_mem>>)
        %dma_wait3A = arith.constant 45 : i32
        %dma_wait3A_247 = arith.constant 0 : i32
        %dma_wait3A_248 = tpu.memref_slice %arg18[%dma_wait3A, %dma_wait3A_247] : memref<80x128xf32, #tpu.memory_space<vmem_shared>> -> memref<5x128xf32, #tpu.memory_space<vmem_shared>>
        %dma_wait3A_249 = arith.constant 45 : i32
        %dma_wait3A_250 = arith.constant 0 : i32
        %dma_wait3A_251 = tpu.memref_slice %arg18[%dma_wait3A_249, %dma_wait3A_250] : memref<80x128xf32, #tpu.memory_space<vmem_shared>> -> memref<5x128xf32, #tpu.memory_space<vmem_shared>>
        tpu.wait_dma2 semaphore(%run_scoped3A_241 : memref<!tpu.dma_semaphore, #tpu.memory_space<semaphore_mem>>) src(%arg17 : memref<5x128xf32, #tpu.memory_space<vmem>>) dst(%dma_wait3A_251 : memref<5x128xf32, #tpu.memory_space<vmem_shared>>)
        tpu.yield
      }) : () -> ()
      "tpu.region"() ({
        %run_scoped3A_241 = tpu.sem_alloc : memref<!tpu.dma_semaphore, #tpu.memory_space<semaphore_mem>>
        %dma_start3A = arith.constant 50 : i32
        %dma_start3A_242 = arith.constant 0 : i32
        %dma_start3A_243 = tpu.memref_slice %arg18[%dma_start3A, %dma_start3A_242] : memref<80x128xf32, #tpu.memory_space<vmem_shared>> -> memref<5x128xf32, #tpu.memory_space<vmem_shared>>
        %dma_start3A_244 = arith.constant 50 : i32
        %dma_start3A_245 = arith.constant 0 : i32
        %dma_start3A_246 = tpu.memref_slice %arg18[%dma_start3A_244, %dma_start3A_245] : memref<80x128xf32, #tpu.memory_space<vmem_shared>> -> memref<5x128xf32, #tpu.memory_space<vmem_shared>>
        tpu.enqueue_dma source(%arg17 : memref<5x128xf32, #tpu.memory_space<vmem>>) target(%dma_start3A_246 : memref<5x128xf32, #tpu.memory_space<vmem_shared>>) target_semaphore(%run_scoped3A_241 : memref<!tpu.dma_semaphore, #tpu.memory_space<semaphore_mem>>)
        %dma_wait3A = arith.constant 50 : i32
        %dma_wait3A_247 = arith.constant 0 : i32
        %dma_wait3A_248 = tpu.memref_slice %arg18[%dma_wait3A, %dma_wait3A_247] : memref<80x128xf32, #tpu.memory_space<vmem_shared>> -> memref<5x128xf32, #tpu.memory_space<vmem_shared>>
        %dma_wait3A_249 = arith.constant 50 : i32
        %dma_wait3A_250 = arith.constant 0 : i32
        %dma_wait3A_251 = tpu.memref_slice %arg18[%dma_wait3A_249, %dma_wait3A_250] : memref<80x128xf32, #tpu.memory_space<vmem_shared>> -> memref<5x128xf32, #tpu.memory_space<vmem_shared>>
        tpu.wait_dma2 semaphore(%run_scoped3A_241 : memref<!tpu.dma_semaphore, #tpu.memory_space<semaphore_mem>>) src(%arg17 : memref<5x128xf32, #tpu.memory_space<vmem>>) dst(%dma_wait3A_251 : memref<5x128xf32, #tpu.memory_space<vmem_shared>>)
        tpu.yield
      }) : () -> ()
      "tpu.region"() ({
        %run_scoped3A_241 = tpu.sem_alloc : memref<!tpu.dma_semaphore, #tpu.memory_space<semaphore_mem>>
        %dma_start3A = arith.constant 55 : i32
        %dma_start3A_242 = arith.constant 0 : i32
        %dma_start3A_243 = tpu.memref_slice %arg18[%dma_start3A, %dma_start3A_242] : memref<80x128xf32, #tpu.memory_space<vmem_shared>> -> memref<5x128xf32, #tpu.memory_space<vmem_shared>>
        %dma_start3A_244 = arith.constant 55 : i32
        %dma_start3A_245 = arith.constant 0 : i32
        %dma_start3A_246 = tpu.memref_slice %arg18[%dma_start3A_244, %dma_start3A_245] : memref<80x128xf32, #tpu.memory_space<vmem_shared>> -> memref<5x128xf32, #tpu.memory_space<vmem_shared>>
        tpu.enqueue_dma source(%arg17 : memref<5x128xf32, #tpu.memory_space<vmem>>) target(%dma_start3A_246 : memref<5x128xf32, #tpu.memory_space<vmem_shared>>) target_semaphore(%run_scoped3A_241 : memref<!tpu.dma_semaphore, #tpu.memory_space<semaphore_mem>>)
        %dma_wait3A = arith.constant 55 : i32
        %dma_wait3A_247 = arith.constant 0 : i32
        %dma_wait3A_248 = tpu.memref_slice %arg18[%dma_wait3A, %dma_wait3A_247] : memref<80x128xf32, #tpu.memory_space<vmem_shared>> -> memref<5x128xf32, #tpu.memory_space<vmem_shared>>
        %dma_wait3A_249 = arith.constant 55 : i32
        %dma_wait3A_250 = arith.constant 0 : i32
        %dma_wait3A_251 = tpu.memref_slice %arg18[%dma_wait3A_249, %dma_wait3A_250] : memref<80x128xf32, #tpu.memory_space<vmem_shared>> -> memref<5x128xf32, #tpu.memory_space<vmem_shared>>
        tpu.wait_dma2 semaphore(%run_scoped3A_241 : memref<!tpu.dma_semaphore, #tpu.memory_space<semaphore_mem>>) src(%arg17 : memref<5x128xf32, #tpu.memory_space<vmem>>) dst(%dma_wait3A_251 : memref<5x128xf32, #tpu.memory_space<vmem_shared>>)
        tpu.yield
      }) : () -> ()
      "tpu.region"() ({
        %run_scoped3A_241 = tpu.sem_alloc : memref<!tpu.dma_semaphore, #tpu.memory_space<semaphore_mem>>
        %dma_start3A = arith.constant 60 : i32
        %dma_start3A_242 = arith.constant 0 : i32
        %dma_start3A_243 = tpu.memref_slice %arg18[%dma_start3A, %dma_start3A_242] : memref<80x128xf32, #tpu.memory_space<vmem_shared>> -> memref<5x128xf32, #tpu.memory_space<vmem_shared>>
        %dma_start3A_244 = arith.constant 60 : i32
        %dma_start3A_245 = arith.constant 0 : i32
        %dma_start3A_246 = tpu.memref_slice %arg18[%dma_start3A_244, %dma_start3A_245] : memref<80x128xf32, #tpu.memory_space<vmem_shared>> -> memref<5x128xf32, #tpu.memory_space<vmem_shared>>
        tpu.enqueue_dma source(%arg17 : memref<5x128xf32, #tpu.memory_space<vmem>>) target(%dma_start3A_246 : memref<5x128xf32, #tpu.memory_space<vmem_shared>>) target_semaphore(%run_scoped3A_241 : memref<!tpu.dma_semaphore, #tpu.memory_space<semaphore_mem>>)
        %dma_wait3A = arith.constant 60 : i32
        %dma_wait3A_247 = arith.constant 0 : i32
        %dma_wait3A_248 = tpu.memref_slice %arg18[%dma_wait3A, %dma_wait3A_247] : memref<80x128xf32, #tpu.memory_space<vmem_shared>> -> memref<5x128xf32, #tpu.memory_space<vmem_shared>>
        %dma_wait3A_249 = arith.constant 60 : i32
        %dma_wait3A_250 = arith.constant 0 : i32
        %dma_wait3A_251 = tpu.memref_slice %arg18[%dma_wait3A_249, %dma_wait3A_250] : memref<80x128xf32, #tpu.memory_space<vmem_shared>> -> memref<5x128xf32, #tpu.memory_space<vmem_shared>>
        tpu.wait_dma2 semaphore(%run_scoped3A_241 : memref<!tpu.dma_semaphore, #tpu.memory_space<semaphore_mem>>) src(%arg17 : memref<5x128xf32, #tpu.memory_space<vmem>>) dst(%dma_wait3A_251 : memref<5x128xf32, #tpu.memory_space<vmem_shared>>)
        tpu.yield
      }) : () -> ()
      "tpu.region"() ({
        %run_scoped3A_241 = tpu.sem_alloc : memref<!tpu.dma_semaphore, #tpu.memory_space<semaphore_mem>>
        %dma_start3A = arith.constant 65 : i32
        %dma_start3A_242 = arith.constant 0 : i32
        %dma_start3A_243 = tpu.memref_slice %arg18[%dma_start3A, %dma_start3A_242] : memref<80x128xf32, #tpu.memory_space<vmem_shared>> -> memref<5x128xf32, #tpu.memory_space<vmem_shared>>
        %dma_start3A_244 = arith.constant 65 : i32
        %dma_start3A_245 = arith.constant 0 : i32
        %dma_start3A_246 = tpu.memref_slice %arg18[%dma_start3A_244, %dma_start3A_245] : memref<80x128xf32, #tpu.memory_space<vmem_shared>> -> memref<5x128xf32, #tpu.memory_space<vmem_shared>>
        tpu.enqueue_dma source(%arg17 : memref<5x128xf32, #tpu.memory_space<vmem>>) target(%dma_start3A_246 : memref<5x128xf32, #tpu.memory_space<vmem_shared>>) target_semaphore(%run_scoped3A_241 : memref<!tpu.dma_semaphore, #tpu.memory_space<semaphore_mem>>)
        %dma_wait3A = arith.constant 65 : i32
        %dma_wait3A_247 = arith.constant 0 : i32
        %dma_wait3A_248 = tpu.memref_slice %arg18[%dma_wait3A, %dma_wait3A_247] : memref<80x128xf32, #tpu.memory_space<vmem_shared>> -> memref<5x128xf32, #tpu.memory_space<vmem_shared>>
        %dma_wait3A_249 = arith.constant 65 : i32
        %dma_wait3A_250 = arith.constant 0 : i32
        %dma_wait3A_251 = tpu.memref_slice %arg18[%dma_wait3A_249, %dma_wait3A_250] : memref<80x128xf32, #tpu.memory_space<vmem_shared>> -> memref<5x128xf32, #tpu.memory_space<vmem_shared>>
        tpu.wait_dma2 semaphore(%run_scoped3A_241 : memref<!tpu.dma_semaphore, #tpu.memory_space<semaphore_mem>>) src(%arg17 : memref<5x128xf32, #tpu.memory_space<vmem>>) dst(%dma_wait3A_251 : memref<5x128xf32, #tpu.memory_space<vmem_shared>>)
        tpu.yield
      }) : () -> ()
      "tpu.region"() ({
        %run_scoped3A_241 = tpu.sem_alloc : memref<!tpu.dma_semaphore, #tpu.memory_space<semaphore_mem>>
        %dma_start3A = arith.constant 70 : i32
        %dma_start3A_242 = arith.constant 0 : i32
        %dma_start3A_243 = tpu.memref_slice %arg18[%dma_start3A, %dma_start3A_242] : memref<80x128xf32, #tpu.memory_space<vmem_shared>> -> memref<5x128xf32, #tpu.memory_space<vmem_shared>>
        %dma_start3A_244 = arith.constant 70 : i32
        %dma_start3A_245 = arith.constant 0 : i32
        %dma_start3A_246 = tpu.memref_slice %arg18[%dma_start3A_244, %dma_start3A_245] : memref<80x128xf32, #tpu.memory_space<vmem_shared>> -> memref<5x128xf32, #tpu.memory_space<vmem_shared>>
        tpu.enqueue_dma source(%arg17 : memref<5x128xf32, #tpu.memory_space<vmem>>) target(%dma_start3A_246 : memref<5x128xf32, #tpu.memory_space<vmem_shared>>) target_semaphore(%run_scoped3A_241 : memref<!tpu.dma_semaphore, #tpu.memory_space<semaphore_mem>>)
        %dma_wait3A = arith.constant 70 : i32
        %dma_wait3A_247 = arith.constant 0 : i32
        %dma_wait3A_248 = tpu.memref_slice %arg18[%dma_wait3A, %dma_wait3A_247] : memref<80x128xf32, #tpu.memory_space<vmem_shared>> -> memref<5x128xf32, #tpu.memory_space<vmem_shared>>
        %dma_wait3A_249 = arith.constant 70 : i32
        %dma_wait3A_250 = arith.constant 0 : i32
        %dma_wait3A_251 = tpu.memref_slice %arg18[%dma_wait3A_249, %dma_wait3A_250] : memref<80x128xf32, #tpu.memory_space<vmem_shared>> -> memref<5x128xf32, #tpu.memory_space<vmem_shared>>
        tpu.wait_dma2 semaphore(%run_scoped3A_241 : memref<!tpu.dma_semaphore, #tpu.memory_space<semaphore_mem>>) src(%arg17 : memref<5x128xf32, #tpu.memory_space<vmem>>) dst(%dma_wait3A_251 : memref<5x128xf32, #tpu.memory_space<vmem_shared>>)
        tpu.yield
      }) : () -> ()
      "tpu.region"() ({
        %run_scoped3A_241 = tpu.sem_alloc : memref<!tpu.dma_semaphore, #tpu.memory_space<semaphore_mem>>
        %dma_start3A = arith.constant 75 : i32
        %dma_start3A_242 = arith.constant 0 : i32
        %dma_start3A_243 = tpu.memref_slice %arg18[%dma_start3A, %dma_start3A_242] : memref<80x128xf32, #tpu.memory_space<vmem_shared>> -> memref<5x128xf32, #tpu.memory_space<vmem_shared>>
        %dma_start3A_244 = arith.constant 75 : i32
        %dma_start3A_245 = arith.constant 0 : i32
        %dma_start3A_246 = tpu.memref_slice %arg18[%dma_start3A_244, %dma_start3A_245] : memref<80x128xf32, #tpu.memory_space<vmem_shared>> -> memref<5x128xf32, #tpu.memory_space<vmem_shared>>
        tpu.enqueue_dma source(%arg17 : memref<5x128xf32, #tpu.memory_space<vmem>>) target(%dma_start3A_246 : memref<5x128xf32, #tpu.memory_space<vmem_shared>>) target_semaphore(%run_scoped3A_241 : memref<!tpu.dma_semaphore, #tpu.memory_space<semaphore_mem>>)
        %dma_wait3A = arith.constant 75 : i32
        %dma_wait3A_247 = arith.constant 0 : i32
        %dma_wait3A_248 = tpu.memref_slice %arg18[%dma_wait3A, %dma_wait3A_247] : memref<80x128xf32, #tpu.memory_space<vmem_shared>> -> memref<5x128xf32, #tpu.memory_space<vmem_shared>>
        %dma_wait3A_249 = arith.constant 75 : i32
        %dma_wait3A_250 = arith.constant 0 : i32
        %dma_wait3A_251 = tpu.memref_slice %arg18[%dma_wait3A_249, %dma_wait3A_250] : memref<80x128xf32, #tpu.memory_space<vmem_shared>> -> memref<5x128xf32, #tpu.memory_space<vmem_shared>>
        tpu.wait_dma2 semaphore(%run_scoped3A_241 : memref<!tpu.dma_semaphore, #tpu.memory_space<semaphore_mem>>) src(%arg17 : memref<5x128xf32, #tpu.memory_space<vmem>>) dst(%dma_wait3A_251 : memref<5x128xf32, #tpu.memory_space<vmem_shared>>)
        tpu.yield
      }) : () -> ()
    } else {
    }
    %mul3A_166 = arith.constant 625 : i32
    %mul3A_167 = arith.muli %arg1, %mul3A_166 : i32
    %add3A_168 = arith.constant 0 : i32
    %add3A_169 = arith.addi %mul3A_167, %add3A_168 : i32
    "tpu.region"() ({
      %run_scoped3A_241 = tpu.sem_alloc : memref<!tpu.dma_semaphore, #tpu.memory_space<semaphore_mem>>
      %dma_start3A = arith.constant 0 : i32
      %dma_start3A_242 = tpu.memref_slice %arg19[%add3A_169, %dma_start3A] : memref<10000x128xf32, #tpu.memory_space<vmem_shared>> -> memref<80x128xf32, #tpu.memory_space<vmem_shared>>
      %dma_start3A_243 = arith.constant 0 : i32
      %dma_start3A_244 = tpu.memref_slice %arg19[%add3A_169, %dma_start3A_243] : memref<10000x128xf32, #tpu.memory_space<vmem_shared>> -> memref<80x128xf32, #tpu.memory_space<vmem_shared>>
      tpu.enqueue_dma source(%arg13 : memref<80x128xf32, #tpu.memory_space<vmem>>) target(%dma_start3A_244 : memref<80x128xf32, #tpu.memory_space<vmem_shared>>) target_semaphore(%run_scoped3A_241 : memref<!tpu.dma_semaphore, #tpu.memory_space<semaphore_mem>>)
      %dma_wait3A = arith.constant 0 : i32
      %dma_wait3A_245 = tpu.memref_slice %arg19[%add3A_169, %dma_wait3A] : memref<10000x128xf32, #tpu.memory_space<vmem_shared>> -> memref<80x128xf32, #tpu.memory_space<vmem_shared>>
      %dma_wait3A_246 = arith.constant 0 : i32
      %dma_wait3A_247 = tpu.memref_slice %arg19[%add3A_169, %dma_wait3A_246] : memref<10000x128xf32, #tpu.memory_space<vmem_shared>> -> memref<80x128xf32, #tpu.memory_space<vmem_shared>>
      tpu.wait_dma2 semaphore(%run_scoped3A_241 : memref<!tpu.dma_semaphore, #tpu.memory_space<semaphore_mem>>) src(%arg13 : memref<80x128xf32, #tpu.memory_space<vmem>>) dst(%dma_wait3A_247 : memref<80x128xf32, #tpu.memory_space<vmem_shared>>)
      tpu.yield
    }) : () -> ()
    %mul3A_170 = arith.constant 625 : i32
    %mul3A_171 = arith.muli %arg1, %mul3A_170 : i32
    %add3A_172 = arith.constant 80 : i32
    %add3A_173 = arith.addi %mul3A_171, %add3A_172 : i32
    "tpu.region"() ({
      %run_scoped3A_241 = tpu.sem_alloc : memref<!tpu.dma_semaphore, #tpu.memory_space<semaphore_mem>>
      %dma_start3A = arith.constant 0 : i32
      %dma_start3A_242 = tpu.memref_slice %arg19[%add3A_173, %dma_start3A] : memref<10000x128xf32, #tpu.memory_space<vmem_shared>> -> memref<80x128xf32, #tpu.memory_space<vmem_shared>>
      %dma_start3A_243 = arith.constant 0 : i32
      %dma_start3A_244 = tpu.memref_slice %arg19[%add3A_173, %dma_start3A_243] : memref<10000x128xf32, #tpu.memory_space<vmem_shared>> -> memref<80x128xf32, #tpu.memory_space<vmem_shared>>
      tpu.enqueue_dma source(%arg13 : memref<80x128xf32, #tpu.memory_space<vmem>>) target(%dma_start3A_244 : memref<80x128xf32, #tpu.memory_space<vmem_shared>>) target_semaphore(%run_scoped3A_241 : memref<!tpu.dma_semaphore, #tpu.memory_space<semaphore_mem>>)
      %dma_wait3A = arith.constant 0 : i32
      %dma_wait3A_245 = tpu.memref_slice %arg19[%add3A_173, %dma_wait3A] : memref<10000x128xf32, #tpu.memory_space<vmem_shared>> -> memref<80x128xf32, #tpu.memory_space<vmem_shared>>
      %dma_wait3A_246 = arith.constant 0 : i32
      %dma_wait3A_247 = tpu.memref_slice %arg19[%add3A_173, %dma_wait3A_246] : memref<10000x128xf32, #tpu.memory_space<vmem_shared>> -> memref<80x128xf32, #tpu.memory_space<vmem_shared>>
      tpu.wait_dma2 semaphore(%run_scoped3A_241 : memref<!tpu.dma_semaphore, #tpu.memory_space<semaphore_mem>>) src(%arg13 : memref<80x128xf32, #tpu.memory_space<vmem>>) dst(%dma_wait3A_247 : memref<80x128xf32, #tpu.memory_space<vmem_shared>>)
      tpu.yield
    }) : () -> ()
    %mul3A_174 = arith.constant 625 : i32
    %mul3A_175 = arith.muli %arg1, %mul3A_174 : i32
    %add3A_176 = arith.constant 160 : i32
    %add3A_177 = arith.addi %mul3A_175, %add3A_176 : i32
    "tpu.region"() ({
      %run_scoped3A_241 = tpu.sem_alloc : memref<!tpu.dma_semaphore, #tpu.memory_space<semaphore_mem>>
      %dma_start3A = arith.constant 0 : i32
      %dma_start3A_242 = tpu.memref_slice %arg19[%add3A_177, %dma_start3A] : memref<10000x128xf32, #tpu.memory_space<vmem_shared>> -> memref<80x128xf32, #tpu.memory_space<vmem_shared>>
      %dma_start3A_243 = arith.constant 0 : i32
      %dma_start3A_244 = tpu.memref_slice %arg19[%add3A_177, %dma_start3A_243] : memref<10000x128xf32, #tpu.memory_space<vmem_shared>> -> memref<80x128xf32, #tpu.memory_space<vmem_shared>>
      tpu.enqueue_dma source(%arg13 : memref<80x128xf32, #tpu.memory_space<vmem>>) target(%dma_start3A_244 : memref<80x128xf32, #tpu.memory_space<vmem_shared>>) target_semaphore(%run_scoped3A_241 : memref<!tpu.dma_semaphore, #tpu.memory_space<semaphore_mem>>)
      %dma_wait3A = arith.constant 0 : i32
      %dma_wait3A_245 = tpu.memref_slice %arg19[%add3A_177, %dma_wait3A] : memref<10000x128xf32, #tpu.memory_space<vmem_shared>> -> memref<80x128xf32, #tpu.memory_space<vmem_shared>>
      %dma_wait3A_246 = arith.constant 0 : i32
      %dma_wait3A_247 = tpu.memref_slice %arg19[%add3A_177, %dma_wait3A_246] : memref<10000x128xf32, #tpu.memory_space<vmem_shared>> -> memref<80x128xf32, #tpu.memory_space<vmem_shared>>
      tpu.wait_dma2 semaphore(%run_scoped3A_241 : memref<!tpu.dma_semaphore, #tpu.memory_space<semaphore_mem>>) src(%arg13 : memref<80x128xf32, #tpu.memory_space<vmem>>) dst(%dma_wait3A_247 : memref<80x128xf32, #tpu.memory_space<vmem_shared>>)
      tpu.yield
    }) : () -> ()
    %mul3A_178 = arith.constant 625 : i32
    %mul3A_179 = arith.muli %arg1, %mul3A_178 : i32
    %add3A_180 = arith.constant 240 : i32
    %add3A_181 = arith.addi %mul3A_179, %add3A_180 : i32
    "tpu.region"() ({
      %run_scoped3A_241 = tpu.sem_alloc : memref<!tpu.dma_semaphore, #tpu.memory_space<semaphore_mem>>
      %dma_start3A = arith.constant 0 : i32
      %dma_start3A_242 = tpu.memref_slice %arg19[%add3A_181, %dma_start3A] : memref<10000x128xf32, #tpu.memory_space<vmem_shared>> -> memref<80x128xf32, #tpu.memory_space<vmem_shared>>
      %dma_start3A_243 = arith.constant 0 : i32
      %dma_start3A_244 = tpu.memref_slice %arg19[%add3A_181, %dma_start3A_243] : memref<10000x128xf32, #tpu.memory_space<vmem_shared>> -> memref<80x128xf32, #tpu.memory_space<vmem_shared>>
      tpu.enqueue_dma source(%arg13 : memref<80x128xf32, #tpu.memory_space<vmem>>) target(%dma_start3A_244 : memref<80x128xf32, #tpu.memory_space<vmem_shared>>) target_semaphore(%run_scoped3A_241 : memref<!tpu.dma_semaphore, #tpu.memory_space<semaphore_mem>>)
      %dma_wait3A = arith.constant 0 : i32
      %dma_wait3A_245 = tpu.memref_slice %arg19[%add3A_181, %dma_wait3A] : memref<10000x128xf32, #tpu.memory_space<vmem_shared>> -> memref<80x128xf32, #tpu.memory_space<vmem_shared>>
      %dma_wait3A_246 = arith.constant 0 : i32
      %dma_wait3A_247 = tpu.memref_slice %arg19[%add3A_181, %dma_wait3A_246] : memref<10000x128xf32, #tpu.memory_space<vmem_shared>> -> memref<80x128xf32, #tpu.memory_space<vmem_shared>>
      tpu.wait_dma2 semaphore(%run_scoped3A_241 : memref<!tpu.dma_semaphore, #tpu.memory_space<semaphore_mem>>) src(%arg13 : memref<80x128xf32, #tpu.memory_space<vmem>>) dst(%dma_wait3A_247 : memref<80x128xf32, #tpu.memory_space<vmem_shared>>)
      tpu.yield
    }) : () -> ()
    %mul3A_182 = arith.constant 625 : i32
    %mul3A_183 = arith.muli %arg1, %mul3A_182 : i32
    %add3A_184 = arith.constant 320 : i32
    %add3A_185 = arith.addi %mul3A_183, %add3A_184 : i32
    "tpu.region"() ({
      %run_scoped3A_241 = tpu.sem_alloc : memref<!tpu.dma_semaphore, #tpu.memory_space<semaphore_mem>>
      %dma_start3A = arith.constant 0 : i32
      %dma_start3A_242 = tpu.memref_slice %arg19[%add3A_185, %dma_start3A] : memref<10000x128xf32, #tpu.memory_space<vmem_shared>> -> memref<80x128xf32, #tpu.memory_space<vmem_shared>>
      %dma_start3A_243 = arith.constant 0 : i32
      %dma_start3A_244 = tpu.memref_slice %arg19[%add3A_185, %dma_start3A_243] : memref<10000x128xf32, #tpu.memory_space<vmem_shared>> -> memref<80x128xf32, #tpu.memory_space<vmem_shared>>
      tpu.enqueue_dma source(%arg13 : memref<80x128xf32, #tpu.memory_space<vmem>>) target(%dma_start3A_244 : memref<80x128xf32, #tpu.memory_space<vmem_shared>>) target_semaphore(%run_scoped3A_241 : memref<!tpu.dma_semaphore, #tpu.memory_space<semaphore_mem>>)
      %dma_wait3A = arith.constant 0 : i32
      %dma_wait3A_245 = tpu.memref_slice %arg19[%add3A_185, %dma_wait3A] : memref<10000x128xf32, #tpu.memory_space<vmem_shared>> -> memref<80x128xf32, #tpu.memory_space<vmem_shared>>
      %dma_wait3A_246 = arith.constant 0 : i32
      %dma_wait3A_247 = tpu.memref_slice %arg19[%add3A_185, %dma_wait3A_246] : memref<10000x128xf32, #tpu.memory_space<vmem_shared>> -> memref<80x128xf32, #tpu.memory_space<vmem_shared>>
      tpu.wait_dma2 semaphore(%run_scoped3A_241 : memref<!tpu.dma_semaphore, #tpu.memory_space<semaphore_mem>>) src(%arg13 : memref<80x128xf32, #tpu.memory_space<vmem>>) dst(%dma_wait3A_247 : memref<80x128xf32, #tpu.memory_space<vmem_shared>>)
      tpu.yield
    }) : () -> ()
    %mul3A_186 = arith.constant 625 : i32
    %mul3A_187 = arith.muli %arg1, %mul3A_186 : i32
    %add3A_188 = arith.constant 400 : i32
    %add3A_189 = arith.addi %mul3A_187, %add3A_188 : i32
    "tpu.region"() ({
      %run_scoped3A_241 = tpu.sem_alloc : memref<!tpu.dma_semaphore, #tpu.memory_space<semaphore_mem>>
      %dma_start3A = arith.constant 0 : i32
      %dma_start3A_242 = tpu.memref_slice %arg19[%add3A_189, %dma_start3A] : memref<10000x128xf32, #tpu.memory_space<vmem_shared>> -> memref<80x128xf32, #tpu.memory_space<vmem_shared>>
      %dma_start3A_243 = arith.constant 0 : i32
      %dma_start3A_244 = tpu.memref_slice %arg19[%add3A_189, %dma_start3A_243] : memref<10000x128xf32, #tpu.memory_space<vmem_shared>> -> memref<80x128xf32, #tpu.memory_space<vmem_shared>>
      tpu.enqueue_dma source(%arg13 : memref<80x128xf32, #tpu.memory_space<vmem>>) target(%dma_start3A_244 : memref<80x128xf32, #tpu.memory_space<vmem_shared>>) target_semaphore(%run_scoped3A_241 : memref<!tpu.dma_semaphore, #tpu.memory_space<semaphore_mem>>)
      %dma_wait3A = arith.constant 0 : i32
      %dma_wait3A_245 = tpu.memref_slice %arg19[%add3A_189, %dma_wait3A] : memref<10000x128xf32, #tpu.memory_space<vmem_shared>> -> memref<80x128xf32, #tpu.memory_space<vmem_shared>>
      %dma_wait3A_246 = arith.constant 0 : i32
      %dma_wait3A_247 = tpu.memref_slice %arg19[%add3A_189, %dma_wait3A_246] : memref<10000x128xf32, #tpu.memory_space<vmem_shared>> -> memref<80x128xf32, #tpu.memory_space<vmem_shared>>
      tpu.wait_dma2 semaphore(%run_scoped3A_241 : memref<!tpu.dma_semaphore, #tpu.memory_space<semaphore_mem>>) src(%arg13 : memref<80x128xf32, #tpu.memory_space<vmem>>) dst(%dma_wait3A_247 : memref<80x128xf32, #tpu.memory_space<vmem_shared>>)
      tpu.yield
    }) : () -> ()
    %mul3A_190 = arith.constant 625 : i32
    %mul3A_191 = arith.muli %arg1, %mul3A_190 : i32
    %add3A_192 = arith.constant 480 : i32
    %add3A_193 = arith.addi %mul3A_191, %add3A_192 : i32
    "tpu.region"() ({
      %run_scoped3A_241 = tpu.sem_alloc : memref<!tpu.dma_semaphore, #tpu.memory_space<semaphore_mem>>
      %dma_start3A = arith.constant 0 : i32
      %dma_start3A_242 = tpu.memref_slice %arg19[%add3A_193, %dma_start3A] : memref<10000x128xf32, #tpu.memory_space<vmem_shared>> -> memref<80x128xf32, #tpu.memory_space<vmem_shared>>
      %dma_start3A_243 = arith.constant 0 : i32
      %dma_start3A_244 = tpu.memref_slice %arg19[%add3A_193, %dma_start3A_243] : memref<10000x128xf32, #tpu.memory_space<vmem_shared>> -> memref<80x128xf32, #tpu.memory_space<vmem_shared>>
      tpu.enqueue_dma source(%arg13 : memref<80x128xf32, #tpu.memory_space<vmem>>) target(%dma_start3A_244 : memref<80x128xf32, #tpu.memory_space<vmem_shared>>) target_semaphore(%run_scoped3A_241 : memref<!tpu.dma_semaphore, #tpu.memory_space<semaphore_mem>>)
      %dma_wait3A = arith.constant 0 : i32
      %dma_wait3A_245 = tpu.memref_slice %arg19[%add3A_193, %dma_wait3A] : memref<10000x128xf32, #tpu.memory_space<vmem_shared>> -> memref<80x128xf32, #tpu.memory_space<vmem_shared>>
      %dma_wait3A_246 = arith.constant 0 : i32
      %dma_wait3A_247 = tpu.memref_slice %arg19[%add3A_193, %dma_wait3A_246] : memref<10000x128xf32, #tpu.memory_space<vmem_shared>> -> memref<80x128xf32, #tpu.memory_space<vmem_shared>>
      tpu.wait_dma2 semaphore(%run_scoped3A_241 : memref<!tpu.dma_semaphore, #tpu.memory_space<semaphore_mem>>) src(%arg13 : memref<80x128xf32, #tpu.memory_space<vmem>>) dst(%dma_wait3A_247 : memref<80x128xf32, #tpu.memory_space<vmem_shared>>)
      tpu.yield
    }) : () -> ()
    %mul3A_194 = arith.constant 625 : i32
    %mul3A_195 = arith.muli %arg1, %mul3A_194 : i32
    %add3A_196 = arith.constant 560 : i32
    %add3A_197 = arith.addi %mul3A_195, %add3A_196 : i32
    "tpu.region"() ({
      %run_scoped3A_241 = tpu.sem_alloc : memref<!tpu.dma_semaphore, #tpu.memory_space<semaphore_mem>>
      %dma_start3A = arith.constant 0 : i32
      %dma_start3A_242 = arith.constant 0 : i32
      %dma_start3A_243 = tpu.memref_slice %arg13[%dma_start3A, %dma_start3A_242] : memref<80x128xf32, #tpu.memory_space<vmem>> -> memref<65x128xf32, #tpu.memory_space<vmem>>
      %dma_start3A_244 = arith.constant 0 : i32
      %dma_start3A_245 = tpu.memref_slice %arg19[%add3A_197, %dma_start3A_244] : memref<10000x128xf32, #tpu.memory_space<vmem_shared>> -> memref<65x128xf32, #tpu.memory_space<vmem_shared>>
      %dma_start3A_246 = arith.constant 0 : i32
      %dma_start3A_247 = tpu.memref_slice %arg19[%add3A_197, %dma_start3A_246] : memref<10000x128xf32, #tpu.memory_space<vmem_shared>> -> memref<65x128xf32, #tpu.memory_space<vmem_shared>>
      %dma_start3A_248 = arith.constant 0 : i32
      %dma_start3A_249 = arith.constant 0 : i32
      %dma_start3A_250 = tpu.memref_slice %arg13[%dma_start3A_248, %dma_start3A_249] : memref<80x128xf32, #tpu.memory_space<vmem>> -> memref<65x128xf32, #tpu.memory_space<vmem>>
      tpu.enqueue_dma source(%dma_start3A_250 : memref<65x128xf32, #tpu.memory_space<vmem>>) target(%dma_start3A_247 : memref<65x128xf32, #tpu.memory_space<vmem_shared>>) target_semaphore(%run_scoped3A_241 : memref<!tpu.dma_semaphore, #tpu.memory_space<semaphore_mem>>)
      %dma_wait3A = arith.constant 0 : i32
      %dma_wait3A_251 = arith.constant 0 : i32
      %dma_wait3A_252 = tpu.memref_slice %arg13[%dma_wait3A, %dma_wait3A_251] : memref<80x128xf32, #tpu.memory_space<vmem>> -> memref<65x128xf32, #tpu.memory_space<vmem>>
      %dma_wait3A_253 = arith.constant 0 : i32
      %dma_wait3A_254 = tpu.memref_slice %arg19[%add3A_197, %dma_wait3A_253] : memref<10000x128xf32, #tpu.memory_space<vmem_shared>> -> memref<65x128xf32, #tpu.memory_space<vmem_shared>>
      %dma_wait3A_255 = arith.constant 0 : i32
      %dma_wait3A_256 = tpu.memref_slice %arg19[%add3A_197, %dma_wait3A_255] : memref<10000x128xf32, #tpu.memory_space<vmem_shared>> -> memref<65x128xf32, #tpu.memory_space<vmem_shared>>
      %dma_wait3A_257 = arith.constant 0 : i32
      %dma_wait3A_258 = arith.constant 0 : i32
      %dma_wait3A_259 = tpu.memref_slice %arg13[%dma_wait3A_257, %dma_wait3A_258] : memref<80x128xf32, #tpu.memory_space<vmem>> -> memref<65x128xf32, #tpu.memory_space<vmem>>
      tpu.wait_dma2 semaphore(%run_scoped3A_241 : memref<!tpu.dma_semaphore, #tpu.memory_space<semaphore_mem>>) src(%dma_wait3A_259 : memref<65x128xf32, #tpu.memory_space<vmem>>) dst(%dma_wait3A_256 : memref<65x128xf32, #tpu.memory_space<vmem_shared>>)
      tpu.yield
    }) : () -> ()
    %mul3A_198 = arith.constant 10240 : i32
    %mul3A_199 = arith.muli %arg1, %mul3A_198 : i32
    %scan3A_200 = arith.constant 0 : i32
    %scan3A_201 = arith.constant 0 : i32
    %scan3A_202 = arith.constant 16 : i32
    %scan3A_203 = arith.addi %scan3A_201, %scan3A_202 : i32
    %scan3A_204 = arith.constant 1 : i32
    %scan3A_205 = scf.for %scan3A_241 = %scan3A_201 to %scan3A_203 step %scan3A_204 iter_args(%scan3A_242 = %scan3A_200) -> (i32)  : i32 {
      %mul3A_243 = arith.constant 8 : i32
      %mul3A_244 = arith.muli %scan3A_241, %mul3A_243 : i32
      "tpu.region"() ({
        %run_scoped3A_255 = tpu.sem_alloc : memref<!tpu.dma_semaphore, #tpu.memory_space<semaphore_mem>>
        %dma_start3A = arith.constant 0 : i32
        %dma_start3A_256 = tpu.memref_slice %arg4[%arg1, %mul3A_244, %dma_start3A] : memref<16x128x80xi32, #tpu.memory_space<hbm>> -> memref<1x8x80xi32, #tpu.memory_space<hbm>>
        %dma_start3A_257 = tpu.memref_squeeze %dma_start3A_256 : memref<1x8x80xi32, #tpu.memory_space<hbm>> -> memref<8x80xi32, #tpu.memory_space<hbm>>
        %dma_start3A_258 = arith.constant 0 : i32
        %dma_start3A_259 = tpu.memref_slice %arg4[%arg1, %mul3A_244, %dma_start3A_258] : memref<16x128x80xi32, #tpu.memory_space<hbm>> -> memref<1x8x80xi32, #tpu.memory_space<hbm>>
        %dma_start3A_260 = tpu.memref_squeeze %dma_start3A_259 : memref<1x8x80xi32, #tpu.memory_space<hbm>> -> memref<8x80xi32, #tpu.memory_space<hbm>>
        tpu.enqueue_dma source(%dma_start3A_260 : memref<8x80xi32, #tpu.memory_space<hbm>>) target(%arg14 : memref<8x80xi32, #tpu.memory_space<vmem>>) target_semaphore(%run_scoped3A_255 : memref<!tpu.dma_semaphore, #tpu.memory_space<semaphore_mem>>)
        %dma_wait3A = arith.constant 0 : i32
        %dma_wait3A_261 = tpu.memref_slice %arg4[%arg1, %mul3A_244, %dma_wait3A] : memref<16x128x80xi32, #tpu.memory_space<hbm>> -> memref<1x8x80xi32, #tpu.memory_space<hbm>>
        %dma_wait3A_262 = tpu.memref_squeeze %dma_wait3A_261 : memref<1x8x80xi32, #tpu.memory_space<hbm>> -> memref<8x80xi32, #tpu.memory_space<hbm>>
        %dma_wait3A_263 = arith.constant 0 : i32
        %dma_wait3A_264 = tpu.memref_slice %arg4[%arg1, %mul3A_244, %dma_wait3A_263] : memref<16x128x80xi32, #tpu.memory_space<hbm>> -> memref<1x8x80xi32, #tpu.memory_space<hbm>>
        %dma_wait3A_265 = tpu.memref_squeeze %dma_wait3A_264 : memref<1x8x80xi32, #tpu.memory_space<hbm>> -> memref<8x80xi32, #tpu.memory_space<hbm>>
        tpu.wait_dma2 semaphore(%run_scoped3A_255 : memref<!tpu.dma_semaphore, #tpu.memory_space<semaphore_mem>>) src(%dma_wait3A_265 : memref<8x80xi32, #tpu.memory_space<hbm>>) dst(%arg14 : memref<8x80xi32, #tpu.memory_space<vmem>>)
        tpu.yield
      }) : () -> ()
      %mul3A_245 = arith.constant 8 : i32
      %mul3A_246 = arith.muli %scan3A_241, %mul3A_245 : i32
      "tpu.region"() ({
        %run_scoped3A_255 = tpu.sem_alloc : memref<!tpu.dma_semaphore, #tpu.memory_space<semaphore_mem>>
        %dma_start3A = arith.constant 0 : i32
        %dma_start3A_256 = tpu.memref_slice %arg5[%arg1, %mul3A_246, %dma_start3A] : memref<16x128x80xi32, #tpu.memory_space<hbm>> -> memref<1x8x80xi32, #tpu.memory_space<hbm>>
        %dma_start3A_257 = tpu.memref_squeeze %dma_start3A_256 : memref<1x8x80xi32, #tpu.memory_space<hbm>> -> memref<8x80xi32, #tpu.memory_space<hbm>>
        %dma_start3A_258 = arith.constant 0 : i32
        %dma_start3A_259 = tpu.memref_slice %arg5[%arg1, %mul3A_246, %dma_start3A_258] : memref<16x128x80xi32, #tpu.memory_space<hbm>> -> memref<1x8x80xi32, #tpu.memory_space<hbm>>
        %dma_start3A_260 = tpu.memref_squeeze %dma_start3A_259 : memref<1x8x80xi32, #tpu.memory_space<hbm>> -> memref<8x80xi32, #tpu.memory_space<hbm>>
        tpu.enqueue_dma source(%dma_start3A_260 : memref<8x80xi32, #tpu.memory_space<hbm>>) target(%arg15 : memref<8x80xi32, #tpu.memory_space<vmem>>) target_semaphore(%run_scoped3A_255 : memref<!tpu.dma_semaphore, #tpu.memory_space<semaphore_mem>>)
        %dma_wait3A = arith.constant 0 : i32
        %dma_wait3A_261 = tpu.memref_slice %arg5[%arg1, %mul3A_246, %dma_wait3A] : memref<16x128x80xi32, #tpu.memory_space<hbm>> -> memref<1x8x80xi32, #tpu.memory_space<hbm>>
        %dma_wait3A_262 = tpu.memref_squeeze %dma_wait3A_261 : memref<1x8x80xi32, #tpu.memory_space<hbm>> -> memref<8x80xi32, #tpu.memory_space<hbm>>
        %dma_wait3A_263 = arith.constant 0 : i32
        %dma_wait3A_264 = tpu.memref_slice %arg5[%arg1, %mul3A_246, %dma_wait3A_263] : memref<16x128x80xi32, #tpu.memory_space<hbm>> -> memref<1x8x80xi32, #tpu.memory_space<hbm>>
        %dma_wait3A_265 = tpu.memref_squeeze %dma_wait3A_264 : memref<1x8x80xi32, #tpu.memory_space<hbm>> -> memref<8x80xi32, #tpu.memory_space<hbm>>
        tpu.wait_dma2 semaphore(%run_scoped3A_255 : memref<!tpu.dma_semaphore, #tpu.memory_space<semaphore_mem>>) src(%dma_wait3A_265 : memref<8x80xi32, #tpu.memory_space<hbm>>) dst(%arg15 : memref<8x80xi32, #tpu.memory_space<vmem>>)
        tpu.yield
      }) : () -> ()
      %scan3A_247 = arith.constant 0 : i32
      %scan3A_248 = arith.constant 0 : i32
      %scan3A_249 = arith.constant 8 : i32
      %scan3A_250 = arith.addi %scan3A_248, %scan3A_249 : i32
      %scan3A_251 = arith.constant 1 : i32
      %scan3A_252 = scf.for %scan3A_255 = %scan3A_248 to %scan3A_250 step %scan3A_251 iter_args(%scan3A_256 = %scan3A_247) -> (i32)  : i32 {
        %mul3A_257 = arith.constant 8 : i32
        %mul3A_258 = arith.muli %scan3A_241, %mul3A_257 : i32
        %add3A_259 = arith.addi %mul3A_258, %scan3A_255 : i32
        %mul3A_260 = arith.constant 80 : i32
        %mul3A_261 = arith.muli %add3A_259, %mul3A_260 : i32
        %add3A_262 = arith.addi %mul3A_199, %mul3A_261 : i32
        %get3A = arith.index_cast %scan3A_255 : i32 to index
        %get3A_263 = arith.constant 0 : index
        %get3A_264 = tpu.vector_load %arg14[%get3A, %get3A_263] {strides = array<i32>} : memref<8x80xi32, #tpu.memory_space<vmem>>, vector<16xi32>,
        %get3A_265 = arith.index_cast %scan3A_255 : i32 to index
        %get3A_266 = arith.constant 0 : index
        %get3A_267 = tpu.vector_load %arg15[%get3A_265, %get3A_266] {strides = array<i32>} : memref<8x80xi32, #tpu.memory_space<vmem>>, vector<16xi32>,
        %add3A_268 = arith.constant 0 : i32
        %add3A_269 = arith.addi %add3A_262, %add3A_268 : i32
        %add3A_270 = vector.broadcast %add3A_269 : i32 to vector<16xi32>
        %add3A_271 = arith.addi %add3A_270, %iota3A : vector<16xi32>
        %lt3A = arith.constant 160000 : i32
        %lt3A_272 = vector.broadcast %lt3A : i32 to vector<16xi32>
        %lt3A_273 = arith.cmpi slt, %add3A_271, %lt3A_272 : vector<16xi32>
        %gather3A = tpu.vector_load_idx %arg10[%get3A_264] : memref<10240xf32, #tpu.memory_space<vmem>>[vector<16xi32>], vector<16xf32>,
        %gather3A_274 = tpu.vector_load_idx %arg11[%get3A_267] : memref<10240xf32, #tpu.memory_space<vmem>>[vector<16xi32>], vector<16xf32>,
        %add3A_275 = arith.addf %gather3A, %gather3A_274 : vector<16xf32>
        %gt3A_276 = arith.constant 0.000000e+00 : f32
        %gt3A_277 = vector.broadcast %gt3A_276 : f32 to vector<16xf32>
        %gt3A_278 = arith.cmpf ogt, %add3A_275, %gt3A_277 : vector<16xf32>
        %mul3A_279 = arith.constant 2.000000e-01 : f32
        %mul3A_280 = vector.broadcast %mul3A_279 : f32 to vector<16xf32>
        %mul3A_281 = arith.mulf %mul3A_280, %add3A_275 : vector<16xf32>
        %select_n3A_282 = arith.select %gt3A_278, %add3A_275, %mul3A_281 : vector<16xi1>, vector<16xf32>
        %sub3A = vector.broadcast %select_n3A : f32 to vector<16xf32>
        %sub3A_283 = arith.subf %select_n3A_282, %sub3A : vector<16xf32>
        %exp3A = math.exp %sub3A_283 : vector<16xf32>
        %shift_right_arithmetic3A = arith.constant 7 : i32
        %shift_right_arithmetic3A_284 = vector.broadcast %shift_right_arithmetic3A : i32 to vector<16xi32>
        %shift_right_arithmetic3A_285 = arith.shrsi %get3A_267, %shift_right_arithmetic3A_284 : vector<16xi32>
        %and3A = arith.constant 127 : i32
        %and3A_286 = vector.broadcast %and3A : i32 to vector<16xi32>
        %and3A_287 = arith.andi %get3A_267, %and3A_286 : vector<16xi32>
        tpu.vector_store_idx %arg12[%shift_right_arithmetic3A_285, %and3A_287], %exp3A masked %lt3A_273 {add = true} : memref<80x128xf32, #tpu.memory_space<vmem>>[vector<16xi32>, vector<16xi32>], vector<16xf32>, vector<16xi1>
        %get3A_288 = arith.index_cast %scan3A_255 : i32 to index
        %get3A_289 = arith.constant 16 : index
        %get3A_290 = tpu.vector_load %arg14[%get3A_288, %get3A_289] {strides = array<i32>} : memref<8x80xi32, #tpu.memory_space<vmem>>, vector<16xi32>,
        %get3A_291 = arith.index_cast %scan3A_255 : i32 to index
        %get3A_292 = arith.constant 16 : index
        %get3A_293 = tpu.vector_load %arg15[%get3A_291, %get3A_292] {strides = array<i32>} : memref<8x80xi32, #tpu.memory_space<vmem>>, vector<16xi32>,
        %add3A_294 = arith.constant 16 : i32
        %add3A_295 = arith.addi %add3A_262, %add3A_294 : i32
        %add3A_296 = vector.broadcast %add3A_295 : i32 to vector<16xi32>
        %add3A_297 = arith.addi %add3A_296, %iota3A : vector<16xi32>
        %lt3A_298 = arith.constant 160000 : i32
        %lt3A_299 = vector.broadcast %lt3A_298 : i32 to vector<16xi32>
        %lt3A_300 = arith.cmpi slt, %add3A_297, %lt3A_299 : vector<16xi32>
        %gather3A_301 = tpu.vector_load_idx %arg10[%get3A_290] : memref<10240xf32, #tpu.memory_space<vmem>>[vector<16xi32>], vector<16xf32>,
        %gather3A_302 = tpu.vector_load_idx %arg11[%get3A_293] : memref<10240xf32, #tpu.memory_space<vmem>>[vector<16xi32>], vector<16xf32>,
        %add3A_303 = arith.addf %gather3A_301, %gather3A_302 : vector<16xf32>
        %gt3A_304 = arith.constant 0.000000e+00 : f32
        %gt3A_305 = vector.broadcast %gt3A_304 : f32 to vector<16xf32>
        %gt3A_306 = arith.cmpf ogt, %add3A_303, %gt3A_305 : vector<16xf32>
        %mul3A_307 = arith.constant 2.000000e-01 : f32
        %mul3A_308 = vector.broadcast %mul3A_307 : f32 to vector<16xf32>
        %mul3A_309 = arith.mulf %mul3A_308, %add3A_303 : vector<16xf32>
        %select_n3A_310 = arith.select %gt3A_306, %add3A_303, %mul3A_309 : vector<16xi1>, vector<16xf32>
        %sub3A_311 = vector.broadcast %select_n3A : f32 to vector<16xf32>
        %sub3A_312 = arith.subf %select_n3A_310, %sub3A_311 : vector<16xf32>
        %exp3A_313 = math.exp %sub3A_312 : vector<16xf32>
        %shift_right_arithmetic3A_314 = arith.constant 7 : i32
        %shift_right_arithmetic3A_315 = vector.broadcast %shift_right_arithmetic3A_314 : i32 to vector<16xi32>
        %shift_right_arithmetic3A_316 = arith.shrsi %get3A_293, %shift_right_arithmetic3A_315 : vector<16xi32>
        %and3A_317 = arith.constant 127 : i32
        %and3A_318 = vector.broadcast %and3A_317 : i32 to vector<16xi32>
        %and3A_319 = arith.andi %get3A_293, %and3A_318 : vector<16xi32>
        tpu.vector_store_idx %arg12[%shift_right_arithmetic3A_316, %and3A_319], %exp3A_313 masked %lt3A_300 {add = true} : memref<80x128xf32, #tpu.memory_space<vmem>>[vector<16xi32>, vector<16xi32>], vector<16xf32>, vector<16xi1>
        %get3A_320 = arith.index_cast %scan3A_255 : i32 to index
        %get3A_321 = arith.constant 32 : index
        %get3A_322 = tpu.vector_load %arg14[%get3A_320, %get3A_321] {strides = array<i32>} : memref<8x80xi32, #tpu.memory_space<vmem>>, vector<16xi32>,
        %get3A_323 = arith.index_cast %scan3A_255 : i32 to index
        %get3A_324 = arith.constant 32 : index
        %get3A_325 = tpu.vector_load %arg15[%get3A_323, %get3A_324] {strides = array<i32>} : memref<8x80xi32, #tpu.memory_space<vmem>>, vector<16xi32>,
        %add3A_326 = arith.constant 32 : i32
        %add3A_327 = arith.addi %add3A_262, %add3A_326 : i32
        %add3A_328 = vector.broadcast %add3A_327 : i32 to vector<16xi32>
        %add3A_329 = arith.addi %add3A_328, %iota3A : vector<16xi32>
        %lt3A_330 = arith.constant 160000 : i32
        %lt3A_331 = vector.broadcast %lt3A_330 : i32 to vector<16xi32>
        %lt3A_332 = arith.cmpi slt, %add3A_329, %lt3A_331 : vector<16xi32>
        %gather3A_333 = tpu.vector_load_idx %arg10[%get3A_322] : memref<10240xf32, #tpu.memory_space<vmem>>[vector<16xi32>], vector<16xf32>,
        %gather3A_334 = tpu.vector_load_idx %arg11[%get3A_325] : memref<10240xf32, #tpu.memory_space<vmem>>[vector<16xi32>], vector<16xf32>,
        %add3A_335 = arith.addf %gather3A_333, %gather3A_334 : vector<16xf32>
        %gt3A_336 = arith.constant 0.000000e+00 : f32
        %gt3A_337 = vector.broadcast %gt3A_336 : f32 to vector<16xf32>
        %gt3A_338 = arith.cmpf ogt, %add3A_335, %gt3A_337 : vector<16xf32>
        %mul3A_339 = arith.constant 2.000000e-01 : f32
        %mul3A_340 = vector.broadcast %mul3A_339 : f32 to vector<16xf32>
        %mul3A_341 = arith.mulf %mul3A_340, %add3A_335 : vector<16xf32>
        %select_n3A_342 = arith.select %gt3A_338, %add3A_335, %mul3A_341 : vector<16xi1>, vector<16xf32>
        %sub3A_343 = vector.broadcast %select_n3A : f32 to vector<16xf32>
        %sub3A_344 = arith.subf %select_n3A_342, %sub3A_343 : vector<16xf32>
        %exp3A_345 = math.exp %sub3A_344 : vector<16xf32>
        %shift_right_arithmetic3A_346 = arith.constant 7 : i32
        %shift_right_arithmetic3A_347 = vector.broadcast %shift_right_arithmetic3A_346 : i32 to vector<16xi32>
        %shift_right_arithmetic3A_348 = arith.shrsi %get3A_325, %shift_right_arithmetic3A_347 : vector<16xi32>
        %and3A_349 = arith.constant 127 : i32
        %and3A_350 = vector.broadcast %and3A_349 : i32 to vector<16xi32>
        %and3A_351 = arith.andi %get3A_325, %and3A_350 : vector<16xi32>
        tpu.vector_store_idx %arg12[%shift_right_arithmetic3A_348, %and3A_351], %exp3A_345 masked %lt3A_332 {add = true} : memref<80x128xf32, #tpu.memory_space<vmem>>[vector<16xi32>, vector<16xi32>], vector<16xf32>, vector<16xi1>
        %get3A_352 = arith.index_cast %scan3A_255 : i32 to index
        %get3A_353 = arith.constant 48 : index
        %get3A_354 = tpu.vector_load %arg14[%get3A_352, %get3A_353] {strides = array<i32>} : memref<8x80xi32, #tpu.memory_space<vmem>>, vector<16xi32>,
        %get3A_355 = arith.index_cast %scan3A_255 : i32 to index
        %get3A_356 = arith.constant 48 : index
        %get3A_357 = tpu.vector_load %arg15[%get3A_355, %get3A_356] {strides = array<i32>} : memref<8x80xi32, #tpu.memory_space<vmem>>, vector<16xi32>,
        %add3A_358 = arith.constant 48 : i32
        %add3A_359 = arith.addi %add3A_262, %add3A_358 : i32
        %add3A_360 = vector.broadcast %add3A_359 : i32 to vector<16xi32>
        %add3A_361 = arith.addi %add3A_360, %iota3A : vector<16xi32>
        %lt3A_362 = arith.constant 160000 : i32
        %lt3A_363 = vector.broadcast %lt3A_362 : i32 to vector<16xi32>
        %lt3A_364 = arith.cmpi slt, %add3A_361, %lt3A_363 : vector<16xi32>
        %gather3A_365 = tpu.vector_load_idx %arg10[%get3A_354] : memref<10240xf32, #tpu.memory_space<vmem>>[vector<16xi32>], vector<16xf32>,
        %gather3A_366 = tpu.vector_load_idx %arg11[%get3A_357] : memref<10240xf32, #tpu.memory_space<vmem>>[vector<16xi32>], vector<16xf32>,
        %add3A_367 = arith.addf %gather3A_365, %gather3A_366 : vector<16xf32>
        %gt3A_368 = arith.constant 0.000000e+00 : f32
        %gt3A_369 = vector.broadcast %gt3A_368 : f32 to vector<16xf32>
        %gt3A_370 = arith.cmpf ogt, %add3A_367, %gt3A_369 : vector<16xf32>
        %mul3A_371 = arith.constant 2.000000e-01 : f32
        %mul3A_372 = vector.broadcast %mul3A_371 : f32 to vector<16xf32>
        %mul3A_373 = arith.mulf %mul3A_372, %add3A_367 : vector<16xf32>
        %select_n3A_374 = arith.select %gt3A_370, %add3A_367, %mul3A_373 : vector<16xi1>, vector<16xf32>
        %sub3A_375 = vector.broadcast %select_n3A : f32 to vector<16xf32>
        %sub3A_376 = arith.subf %select_n3A_374, %sub3A_375 : vector<16xf32>
        %exp3A_377 = math.exp %sub3A_376 : vector<16xf32>
        %shift_right_arithmetic3A_378 = arith.constant 7 : i32
        %shift_right_arithmetic3A_379 = vector.broadcast %shift_right_arithmetic3A_378 : i32 to vector<16xi32>
        %shift_right_arithmetic3A_380 = arith.shrsi %get3A_357, %shift_right_arithmetic3A_379 : vector<16xi32>
        %and3A_381 = arith.constant 127 : i32
        %and3A_382 = vector.broadcast %and3A_381 : i32 to vector<16xi32>
        %and3A_383 = arith.andi %get3A_357, %and3A_382 : vector<16xi32>
        tpu.vector_store_idx %arg12[%shift_right_arithmetic3A_380, %and3A_383], %exp3A_377 masked %lt3A_364 {add = true} : memref<80x128xf32, #tpu.memory_space<vmem>>[vector<16xi32>, vector<16xi32>], vector<16xf32>, vector<16xi1>
        %get3A_384 = arith.index_cast %scan3A_255 : i32 to index
        %get3A_385 = arith.constant 64 : index
        %get3A_386 = tpu.vector_load %arg14[%get3A_384, %get3A_385] {strides = array<i32>} : memref<8x80xi32, #tpu.memory_space<vmem>>, vector<16xi32>,
        %get3A_387 = arith.index_cast %scan3A_255 : i32 to index
        %get3A_388 = arith.constant 64 : index
        %get3A_389 = tpu.vector_load %arg15[%get3A_387, %get3A_388] {strides = array<i32>} : memref<8x80xi32, #tpu.memory_space<vmem>>, vector<16xi32>,
        %add3A_390 = arith.constant 64 : i32
        %add3A_391 = arith.addi %add3A_262, %add3A_390 : i32
        %add3A_392 = vector.broadcast %add3A_391 : i32 to vector<16xi32>
        %add3A_393 = arith.addi %add3A_392, %iota3A : vector<16xi32>
        %lt3A_394 = arith.constant 160000 : i32
        %lt3A_395 = vector.broadcast %lt3A_394 : i32 to vector<16xi32>
        %lt3A_396 = arith.cmpi slt, %add3A_393, %lt3A_395 : vector<16xi32>
        %gather3A_397 = tpu.vector_load_idx %arg10[%get3A_386] : memref<10240xf32, #tpu.memory_space<vmem>>[vector<16xi32>], vector<16xf32>,
        %gather3A_398 = tpu.vector_load_idx %arg11[%get3A_389] : memref<10240xf32, #tpu.memory_space<vmem>>[vector<16xi32>], vector<16xf32>,
        %add3A_399 = arith.addf %gather3A_397, %gather3A_398 : vector<16xf32>
        %gt3A_400 = arith.constant 0.000000e+00 : f32
        %gt3A_401 = vector.broadcast %gt3A_400 : f32 to vector<16xf32>
        %gt3A_402 = arith.cmpf ogt, %add3A_399, %gt3A_401 : vector<16xf32>
        %mul3A_403 = arith.constant 2.000000e-01 : f32
        %mul3A_404 = vector.broadcast %mul3A_403 : f32 to vector<16xf32>
        %mul3A_405 = arith.mulf %mul3A_404, %add3A_399 : vector<16xf32>
        %select_n3A_406 = arith.select %gt3A_402, %add3A_399, %mul3A_405 : vector<16xi1>, vector<16xf32>
        %sub3A_407 = vector.broadcast %select_n3A : f32 to vector<16xf32>
        %sub3A_408 = arith.subf %select_n3A_406, %sub3A_407 : vector<16xf32>
        %exp3A_409 = math.exp %sub3A_408 : vector<16xf32>
        %shift_right_arithmetic3A_410 = arith.constant 7 : i32
        %shift_right_arithmetic3A_411 = vector.broadcast %shift_right_arithmetic3A_410 : i32 to vector<16xi32>
        %shift_right_arithmetic3A_412 = arith.shrsi %get3A_389, %shift_right_arithmetic3A_411 : vector<16xi32>
        %and3A_413 = arith.constant 127 : i32
        %and3A_414 = vector.broadcast %and3A_413 : i32 to vector<16xi32>
        %and3A_415 = arith.andi %get3A_389, %and3A_414 : vector<16xi32>
        tpu.vector_store_idx %arg12[%shift_right_arithmetic3A_412, %and3A_415], %exp3A_409 masked %lt3A_396 {add = true} : memref<80x128xf32, #tpu.memory_space<vmem>>[vector<16xi32>, vector<16xi32>], vector<16xf32>, vector<16xi1>
        %scan3A_416 = arith.constant 0 : i32
        scf.yield %scan3A_416 : i32
      }
      %scan3A_253 = arith.constant 8 : i32
      %scan3A_254 = arith.constant 0 : i32
      scf.yield %scan3A_254 : i32
    }
    %scan3A_206 = arith.constant 16 : i32
    %barrier3A = arith.constant 0 : index
    tpu.barrier barrier_id(%barrier3A)
    %run_scoped3A = arith.constant 0 : i32
    "tpu.region"() ({
      %run_scoped3A_241 = tpu.sem_alloc : memref<!tpu.dma_semaphore, #tpu.memory_space<semaphore_mem>>
      %dma_start3A = arith.constant 0 : i32
      %dma_start3A_242 = tpu.memref_slice %arg16[%run_scoped3A, %dma_start3A] : memref<1x80xi32, #tpu.memory_space<vmem>> -> memref<1x80xi32, #tpu.memory_space<vmem>>
      %dma_start3A_243 = tpu.memref_squeeze %dma_start3A_242 : memref<1x80xi32, #tpu.memory_space<vmem>> -> memref<80xi32, #tpu.memory_space<vmem>>
      %dma_start3A_244 = arith.constant 0 : i32
      %dma_start3A_245 = arith.constant 0 : i32
      %dma_start3A_246 = tpu.memref_slice %arg18[%dma_start3A_244, %dma_start3A_245] : memref<80x128xf32, #tpu.memory_space<vmem_shared>> -> memref<80x128xf32, #tpu.memory_space<vmem_shared>>
      tpu.enqueue_indirect_dma source(%arg12 : memref<80x128xf32, #tpu.memory_space<vmem>>) target(%dma_start3A_246 : memref<80x128xf32, #tpu.memory_space<vmem_shared>>) offsets(%dma_start3A_243 : memref<80xi32, #tpu.memory_space<vmem>>) semaphore(%run_scoped3A_241 : memref<!tpu.dma_semaphore, #tpu.memory_space<semaphore_mem>>) {add = true}
      %dma_wait3A = arith.constant 0 : i32
      %dma_wait3A_247 = tpu.memref_slice %arg16[%run_scoped3A, %dma_wait3A] : memref<1x80xi32, #tpu.memory_space<vmem>> -> memref<1x80xi32, #tpu.memory_space<vmem>>
      %dma_wait3A_248 = tpu.memref_squeeze %dma_wait3A_247 : memref<1x80xi32, #tpu.memory_space<vmem>> -> memref<80xi32, #tpu.memory_space<vmem>>
      %dma_wait3A_249 = arith.constant 0 : i32
      %dma_wait3A_250 = arith.constant 0 : i32
      %dma_wait3A_251 = tpu.memref_slice %arg18[%dma_wait3A_249, %dma_wait3A_250] : memref<80x128xf32, #tpu.memory_space<vmem_shared>> -> memref<80x128xf32, #tpu.memory_space<vmem_shared>>
      tpu.wait_indirect_dma semaphore(%run_scoped3A_241 : memref<!tpu.dma_semaphore, #tpu.memory_space<semaphore_mem>>) src(%arg12 : memref<80x128xf32, #tpu.memory_space<vmem>>) dst(%dma_wait3A_251 : memref<80x128xf32, #tpu.memory_space<vmem_shared>>)
      tpu.yield
    }) : () -> ()
    %barrier3A_207 = arith.constant 0 : index
    tpu.barrier barrier_id(%barrier3A_207)
    %mul3A_208 = arith.constant 5 : i32
    %mul3A_209 = arith.muli %arg1, %mul3A_208 : i32
    "tpu.region"() ({
      %run_scoped3A_241 = tpu.sem_alloc : memref<!tpu.dma_semaphore, #tpu.memory_space<semaphore_mem>>
      %dma_start3A = arith.constant 0 : i32
      %dma_start3A_242 = tpu.memref_slice %arg18[%mul3A_209, %dma_start3A] : memref<80x128xf32, #tpu.memory_space<vmem_shared>> -> memref<5x128xf32, #tpu.memory_space<vmem_shared>>
      %dma_start3A_243 = arith.constant 0 : i32
      %dma_start3A_244 = tpu.memref_slice %arg18[%mul3A_209, %dma_start3A_243] : memref<80x128xf32, #tpu.memory_space<vmem_shared>> -> memref<5x128xf32, #tpu.memory_space<vmem_shared>>
      tpu.enqueue_dma source(%dma_start3A_244 : memref<5x128xf32, #tpu.memory_space<vmem_shared>>) target(%arg17 : memref<5x128xf32, #tpu.memory_space<vmem>>) target_semaphore(%run_scoped3A_241 : memref<!tpu.dma_semaphore, #tpu.memory_space<semaphore_mem>>)
      %dma_wait3A = arith.constant 0 : i32
      %dma_wait3A_245 = tpu.memref_slice %arg18[%mul3A_209, %dma_wait3A] : memref<80x128xf32, #tpu.memory_space<vmem_shared>> -> memref<5x128xf32, #tpu.memory_space<vmem_shared>>
      %dma_wait3A_246 = arith.constant 0 : i32
      %dma_wait3A_247 = tpu.memref_slice %arg18[%mul3A_209, %dma_wait3A_246] : memref<80x128xf32, #tpu.memory_space<vmem_shared>> -> memref<5x128xf32, #tpu.memory_space<vmem_shared>>
      tpu.wait_dma2 semaphore(%run_scoped3A_241 : memref<!tpu.dma_semaphore, #tpu.memory_space<semaphore_mem>>) src(%dma_wait3A_247 : memref<5x128xf32, #tpu.memory_space<vmem_shared>>) dst(%arg17 : memref<5x128xf32, #tpu.memory_space<vmem>>)
      tpu.yield
    }) : () -> ()
    %scan3A_210 = arith.constant 0 : i32
    %scan3A_211 = arith.constant 0 : i32
    %scan3A_212 = arith.constant 5 : i32
    %scan3A_213 = arith.addi %scan3A_211, %scan3A_212 : i32
    %scan3A_214 = arith.constant 1 : i32
    %scan3A_215 = scf.for %scan3A_241 = %scan3A_211 to %scan3A_213 step %scan3A_214 iter_args(%scan3A_242 = %scan3A_210) -> (i32)  : i32 {
      %get3A = arith.index_cast %scan3A_241 : i32 to index
      %get3A_243 = arith.constant 0 : index
      %get3A_244 = tpu.vector_load %arg17[%get3A, %get3A_243] {strides = array<i32>} : memref<5x128xf32, #tpu.memory_space<vmem>>, vector<16xf32>,
      %add3A_245 = arith.constant 1.000000e-16 : f32
      %add3A_246 = vector.broadcast %add3A_245 : f32 to vector<16xf32>
      %add3A_247 = arith.addf %get3A_244, %add3A_246 : vector<16xf32>
      %div3A = arith.constant 1.000000e+00 : f32
      %div3A_248 = vector.broadcast %div3A : f32 to vector<16xf32>
      %div3A_249 = arith.divf %div3A_248, %add3A_247 : vector<16xf32>
      %swap3A_250 = arith.index_cast %scan3A_241 : i32 to index
      %swap3A_251 = arith.constant 0 : index
      %swap3A_252 = tpu.vector_load %arg17[%swap3A_250, %swap3A_251] {strides = array<i32>} : memref<5x128xf32, #tpu.memory_space<vmem>>, vector<16xf32>,
      tpu.vector_store %arg17[%swap3A_250, %swap3A_251], %div3A_249 {strides = array<i32>} : memref<5x128xf32, #tpu.memory_space<vmem>>, vector<16xf32>,
      %get3A_253 = arith.index_cast %scan3A_241 : i32 to index
      %get3A_254 = arith.constant 16 : index
      %get3A_255 = tpu.vector_load %arg17[%get3A_253, %get3A_254] {strides = array<i32>} : memref<5x128xf32, #tpu.memory_space<vmem>>, vector<16xf32>,
      %add3A_256 = arith.constant 1.000000e-16 : f32
      %add3A_257 = vector.broadcast %add3A_256 : f32 to vector<16xf32>
      %add3A_258 = arith.addf %get3A_255, %add3A_257 : vector<16xf32>
      %div3A_259 = arith.constant 1.000000e+00 : f32
      %div3A_260 = vector.broadcast %div3A_259 : f32 to vector<16xf32>
      %div3A_261 = arith.divf %div3A_260, %add3A_258 : vector<16xf32>
      %swap3A_262 = arith.index_cast %scan3A_241 : i32 to index
      %swap3A_263 = arith.constant 16 : index
      %swap3A_264 = tpu.vector_load %arg17[%swap3A_262, %swap3A_263] {strides = array<i32>} : memref<5x128xf32, #tpu.memory_space<vmem>>, vector<16xf32>,
      tpu.vector_store %arg17[%swap3A_262, %swap3A_263], %div3A_261 {strides = array<i32>} : memref<5x128xf32, #tpu.memory_space<vmem>>, vector<16xf32>,
      %get3A_265 = arith.index_cast %scan3A_241 : i32 to index
      %get3A_266 = arith.constant 32 : index
      %get3A_267 = tpu.vector_load %arg17[%get3A_265, %get3A_266] {strides = array<i32>} : memref<5x128xf32, #tpu.memory_space<vmem>>, vector<16xf32>,
      %add3A_268 = arith.constant 1.000000e-16 : f32
      %add3A_269 = vector.broadcast %add3A_268 : f32 to vector<16xf32>
      %add3A_270 = arith.addf %get3A_267, %add3A_269 : vector<16xf32>
      %div3A_271 = arith.constant 1.000000e+00 : f32
      %div3A_272 = vector.broadcast %div3A_271 : f32 to vector<16xf32>
      %div3A_273 = arith.divf %div3A_272, %add3A_270 : vector<16xf32>
      %swap3A_274 = arith.index_cast %scan3A_241 : i32 to index
      %swap3A_275 = arith.constant 32 : index
      %swap3A_276 = tpu.vector_load %arg17[%swap3A_274, %swap3A_275] {strides = array<i32>} : memref<5x128xf32, #tpu.memory_space<vmem>>, vector<16xf32>,
      tpu.vector_store %arg17[%swap3A_274, %swap3A_275], %div3A_273 {strides = array<i32>} : memref<5x128xf32, #tpu.memory_space<vmem>>, vector<16xf32>,
      %get3A_277 = arith.index_cast %scan3A_241 : i32 to index
      %get3A_278 = arith.constant 48 : index
      %get3A_279 = tpu.vector_load %arg17[%get3A_277, %get3A_278] {strides = array<i32>} : memref<5x128xf32, #tpu.memory_space<vmem>>, vector<16xf32>,
      %add3A_280 = arith.constant 1.000000e-16 : f32
      %add3A_281 = vector.broadcast %add3A_280 : f32 to vector<16xf32>
      %add3A_282 = arith.addf %get3A_279, %add3A_281 : vector<16xf32>
      %div3A_283 = arith.constant 1.000000e+00 : f32
      %div3A_284 = vector.broadcast %div3A_283 : f32 to vector<16xf32>
      %div3A_285 = arith.divf %div3A_284, %add3A_282 : vector<16xf32>
      %swap3A_286 = arith.index_cast %scan3A_241 : i32 to index
      %swap3A_287 = arith.constant 48 : index
      %swap3A_288 = tpu.vector_load %arg17[%swap3A_286, %swap3A_287] {strides = array<i32>} : memref<5x128xf32, #tpu.memory_space<vmem>>, vector<16xf32>,
      tpu.vector_store %arg17[%swap3A_286, %swap3A_287], %div3A_285 {strides = array<i32>} : memref<5x128xf32, #tpu.memory_space<vmem>>, vector<16xf32>,
      %get3A_289 = arith.index_cast %scan3A_241 : i32 to index
      %get3A_290 = arith.constant 64 : index
      %get3A_291 = tpu.vector_load %arg17[%get3A_289, %get3A_290] {strides = array<i32>} : memref<5x128xf32, #tpu.memory_space<vmem>>, vector<16xf32>,
      %add3A_292 = arith.constant 1.000000e-16 : f32
      %add3A_293 = vector.broadcast %add3A_292 : f32 to vector<16xf32>
      %add3A_294 = arith.addf %get3A_291, %add3A_293 : vector<16xf32>
      %div3A_295 = arith.constant 1.000000e+00 : f32
      %div3A_296 = vector.broadcast %div3A_295 : f32 to vector<16xf32>
      %div3A_297 = arith.divf %div3A_296, %add3A_294 : vector<16xf32>
      %swap3A_298 = arith.index_cast %scan3A_241 : i32 to index
      %swap3A_299 = arith.constant 64 : index
      %swap3A_300 = tpu.vector_load %arg17[%swap3A_298, %swap3A_299] {strides = array<i32>} : memref<5x128xf32, #tpu.memory_space<vmem>>, vector<16xf32>,
      tpu.vector_store %arg17[%swap3A_298, %swap3A_299], %div3A_297 {strides = array<i32>} : memref<5x128xf32, #tpu.memory_space<vmem>>, vector<16xf32>,
      %get3A_301 = arith.index_cast %scan3A_241 : i32 to index
      %get3A_302 = arith.constant 80 : index
      %get3A_303 = tpu.vector_load %arg17[%get3A_301, %get3A_302] {strides = array<i32>} : memref<5x128xf32, #tpu.memory_space<vmem>>, vector<16xf32>,
      %add3A_304 = arith.constant 1.000000e-16 : f32
      %add3A_305 = vector.broadcast %add3A_304 : f32 to vector<16xf32>
      %add3A_306 = arith.addf %get3A_303, %add3A_305 : vector<16xf32>
      %div3A_307 = arith.constant 1.000000e+00 : f32
      %div3A_308 = vector.broadcast %div3A_307 : f32 to vector<16xf32>
      %div3A_309 = arith.divf %div3A_308, %add3A_306 : vector<16xf32>
      %swap3A_310 = arith.index_cast %scan3A_241 : i32 to index
      %swap3A_311 = arith.constant 80 : index
      %swap3A_312 = tpu.vector_load %arg17[%swap3A_310, %swap3A_311] {strides = array<i32>} : memref<5x128xf32, #tpu.memory_space<vmem>>, vector<16xf32>,
      tpu.vector_store %arg17[%swap3A_310, %swap3A_311], %div3A_309 {strides = array<i32>} : memref<5x128xf32, #tpu.memory_space<vmem>>, vector<16xf32>,
      %get3A_313 = arith.index_cast %scan3A_241 : i32 to index
      %get3A_314 = arith.constant 96 : index
      %get3A_315 = tpu.vector_load %arg17[%get3A_313, %get3A_314] {strides = array<i32>} : memref<5x128xf32, #tpu.memory_space<vmem>>, vector<16xf32>,
      %add3A_316 = arith.constant 1.000000e-16 : f32
      %add3A_317 = vector.broadcast %add3A_316 : f32 to vector<16xf32>
      %add3A_318 = arith.addf %get3A_315, %add3A_317 : vector<16xf32>
      %div3A_319 = arith.constant 1.000000e+00 : f32
      %div3A_320 = vector.broadcast %div3A_319 : f32 to vector<16xf32>
      %div3A_321 = arith.divf %div3A_320, %add3A_318 : vector<16xf32>
      %swap3A_322 = arith.index_cast %scan3A_241 : i32 to index
      %swap3A_323 = arith.constant 96 : index
      %swap3A_324 = tpu.vector_load %arg17[%swap3A_322, %swap3A_323] {strides = array<i32>} : memref<5x128xf32, #tpu.memory_space<vmem>>, vector<16xf32>,
      tpu.vector_store %arg17[%swap3A_322, %swap3A_323], %div3A_321 {strides = array<i32>} : memref<5x128xf32, #tpu.memory_space<vmem>>, vector<16xf32>,
      %get3A_325 = arith.index_cast %scan3A_241 : i32 to index
      %get3A_326 = arith.constant 112 : index
      %get3A_327 = tpu.vector_load %arg17[%get3A_325, %get3A_326] {strides = array<i32>} : memref<5x128xf32, #tpu.memory_space<vmem>>, vector<16xf32>,
      %add3A_328 = arith.constant 1.000000e-16 : f32
      %add3A_329 = vector.broadcast %add3A_328 : f32 to vector<16xf32>
      %add3A_330 = arith.addf %get3A_327, %add3A_329 : vector<16xf32>
      %div3A_331 = arith.constant 1.000000e+00 : f32
      %div3A_332 = vector.broadcast %div3A_331 : f32 to vector<16xf32>
      %div3A_333 = arith.divf %div3A_332, %add3A_330 : vector<16xf32>
      %swap3A_334 = arith.index_cast %scan3A_241 : i32 to index
      %swap3A_335 = arith.constant 112 : index
      %swap3A_336 = tpu.vector_load %arg17[%swap3A_334, %swap3A_335] {strides = array<i32>} : memref<5x128xf32, #tpu.memory_space<vmem>>, vector<16xf32>,
      tpu.vector_store %arg17[%swap3A_334, %swap3A_335], %div3A_333 {strides = array<i32>} : memref<5x128xf32, #tpu.memory_space<vmem>>, vector<16xf32>,
      %scan3A_337 = arith.constant 0 : i32
      scf.yield %scan3A_337 : i32
    }
    %scan3A_216 = arith.constant 5 : i32
    %mul3A_217 = arith.constant 5 : i32
    %mul3A_218 = arith.muli %arg1, %mul3A_217 : i32
    "tpu.region"() ({
      %run_scoped3A_241 = tpu.sem_alloc : memref<!tpu.dma_semaphore, #tpu.memory_space<semaphore_mem>>
      %dma_start3A = arith.constant 0 : i32
      %dma_start3A_242 = tpu.memref_slice %arg18[%mul3A_218, %dma_start3A] : memref<80x128xf32, #tpu.memory_space<vmem_shared>> -> memref<5x128xf32, #tpu.memory_space<vmem_shared>>
      %dma_start3A_243 = arith.constant 0 : i32
      %dma_start3A_244 = tpu.memref_slice %arg18[%mul3A_218, %dma_start3A_243] : memref<80x128xf32, #tpu.memory_space<vmem_shared>> -> memref<5x128xf32, #tpu.memory_space<vmem_shared>>
      tpu.enqueue_dma source(%arg17 : memref<5x128xf32, #tpu.memory_space<vmem>>) target(%dma_start3A_244 : memref<5x128xf32, #tpu.memory_space<vmem_shared>>) target_semaphore(%run_scoped3A_241 : memref<!tpu.dma_semaphore, #tpu.memory_space<semaphore_mem>>)
      %dma_wait3A = arith.constant 0 : i32
      %dma_wait3A_245 = tpu.memref_slice %arg18[%mul3A_218, %dma_wait3A] : memref<80x128xf32, #tpu.memory_space<vmem_shared>> -> memref<5x128xf32, #tpu.memory_space<vmem_shared>>
      %dma_wait3A_246 = arith.constant 0 : i32
      %dma_wait3A_247 = tpu.memref_slice %arg18[%mul3A_218, %dma_wait3A_246] : memref<80x128xf32, #tpu.memory_space<vmem_shared>> -> memref<5x128xf32, #tpu.memory_space<vmem_shared>>
      tpu.wait_dma2 semaphore(%run_scoped3A_241 : memref<!tpu.dma_semaphore, #tpu.memory_space<semaphore_mem>>) src(%arg17 : memref<5x128xf32, #tpu.memory_space<vmem>>) dst(%dma_wait3A_247 : memref<5x128xf32, #tpu.memory_space<vmem_shared>>)
      tpu.yield
    }) : () -> ()
    %barrier3A_219 = arith.constant 0 : index
    tpu.barrier barrier_id(%barrier3A_219)
    "tpu.region"() ({
      %run_scoped3A_241 = tpu.sem_alloc : memref<!tpu.dma_semaphore, #tpu.memory_space<semaphore_mem>>
      tpu.enqueue_dma source(%arg18 : memref<80x128xf32, #tpu.memory_space<vmem_shared>>) target(%arg12 : memref<80x128xf32, #tpu.memory_space<vmem>>) target_semaphore(%run_scoped3A_241 : memref<!tpu.dma_semaphore, #tpu.memory_space<semaphore_mem>>)
      tpu.wait_dma2 semaphore(%run_scoped3A_241 : memref<!tpu.dma_semaphore, #tpu.memory_space<semaphore_mem>>) src(%arg18 : memref<80x128xf32, #tpu.memory_space<vmem_shared>>) dst(%arg12 : memref<80x128xf32, #tpu.memory_space<vmem>>)
      tpu.yield
    }) : () -> ()
    %eq3A_220 = arith.constant 0 : i32
    %eq3A_221 = arith.cmpi eq, %arg0, %eq3A_220 : i32
    %convert_element_type3A_222 = arith.extui %eq3A_221 : i1 to i32
    %cond3A_223 = arith.constant 0 : i32
    %cond3A_224 = arith.cmpi ne, %convert_element_type3A_222, %cond3A_223 : i32
    scf.if %cond3A_224 {
      %scan3A_241 = arith.constant 0 : i32
      %scan3A_242 = arith.constant 0 : i32
      %scan3A_243 = arith.constant 16 : i32
      %scan3A_244 = arith.addi %scan3A_242, %scan3A_243 : i32
      %scan3A_245 = arith.constant 1 : i32
      %scan3A_246 = scf.for %scan3A_248 = %scan3A_242 to %scan3A_244 step %scan3A_245 iter_args(%scan3A_249 = %scan3A_241) -> (i32)  : i32 {
        %mul3A_250 = arith.constant 8 : i32
        %mul3A_251 = arith.muli %scan3A_248, %mul3A_250 : i32
        "tpu.region"() ({
          %run_scoped3A_262 = tpu.sem_alloc : memref<!tpu.dma_semaphore, #tpu.memory_space<semaphore_mem>>
          %dma_start3A = arith.constant 0 : i32
          %dma_start3A_263 = tpu.memref_slice %arg4[%arg1, %mul3A_251, %dma_start3A] : memref<16x128x80xi32, #tpu.memory_space<hbm>> -> memref<1x8x80xi32, #tpu.memory_space<hbm>>
          %dma_start3A_264 = tpu.memref_squeeze %dma_start3A_263 : memref<1x8x80xi32, #tpu.memory_space<hbm>> -> memref<8x80xi32, #tpu.memory_space<hbm>>
          %dma_start3A_265 = arith.constant 0 : i32
          %dma_start3A_266 = tpu.memref_slice %arg4[%arg1, %mul3A_251, %dma_start3A_265] : memref<16x128x80xi32, #tpu.memory_space<hbm>> -> memref<1x8x80xi32, #tpu.memory_space<hbm>>
          %dma_start3A_267 = tpu.memref_squeeze %dma_start3A_266 : memref<1x8x80xi32, #tpu.memory_space<hbm>> -> memref<8x80xi32, #tpu.memory_space<hbm>>
          tpu.enqueue_dma source(%dma_start3A_267 : memref<8x80xi32, #tpu.memory_space<hbm>>) target(%arg14 : memref<8x80xi32, #tpu.memory_space<vmem>>) target_semaphore(%run_scoped3A_262 : memref<!tpu.dma_semaphore, #tpu.memory_space<semaphore_mem>>)
          %dma_wait3A = arith.constant 0 : i32
          %dma_wait3A_268 = tpu.memref_slice %arg4[%arg1, %mul3A_251, %dma_wait3A] : memref<16x128x80xi32, #tpu.memory_space<hbm>> -> memref<1x8x80xi32, #tpu.memory_space<hbm>>
          %dma_wait3A_269 = tpu.memref_squeeze %dma_wait3A_268 : memref<1x8x80xi32, #tpu.memory_space<hbm>> -> memref<8x80xi32, #tpu.memory_space<hbm>>
          %dma_wait3A_270 = arith.constant 0 : i32
          %dma_wait3A_271 = tpu.memref_slice %arg4[%arg1, %mul3A_251, %dma_wait3A_270] : memref<16x128x80xi32, #tpu.memory_space<hbm>> -> memref<1x8x80xi32, #tpu.memory_space<hbm>>
          %dma_wait3A_272 = tpu.memref_squeeze %dma_wait3A_271 : memref<1x8x80xi32, #tpu.memory_space<hbm>> -> memref<8x80xi32, #tpu.memory_space<hbm>>
          tpu.wait_dma2 semaphore(%run_scoped3A_262 : memref<!tpu.dma_semaphore, #tpu.memory_space<semaphore_mem>>) src(%dma_wait3A_272 : memref<8x80xi32, #tpu.memory_space<hbm>>) dst(%arg14 : memref<8x80xi32, #tpu.memory_space<vmem>>)
          tpu.yield
        }) : () -> ()
        %mul3A_252 = arith.constant 8 : i32
        %mul3A_253 = arith.muli %scan3A_248, %mul3A_252 : i32
        "tpu.region"() ({
          %run_scoped3A_262 = tpu.sem_alloc : memref<!tpu.dma_semaphore, #tpu.memory_space<semaphore_mem>>
          %dma_start3A = arith.constant 0 : i32
          %dma_start3A_263 = tpu.memref_slice %arg5[%arg1, %mul3A_253, %dma_start3A] : memref<16x128x80xi32, #tpu.memory_space<hbm>> -> memref<1x8x80xi32, #tpu.memory_space<hbm>>
          %dma_start3A_264 = tpu.memref_squeeze %dma_start3A_263 : memref<1x8x80xi32, #tpu.memory_space<hbm>> -> memref<8x80xi32, #tpu.memory_space<hbm>>
          %dma_start3A_265 = arith.constant 0 : i32
          %dma_start3A_266 = tpu.memref_slice %arg5[%arg1, %mul3A_253, %dma_start3A_265] : memref<16x128x80xi32, #tpu.memory_space<hbm>> -> memref<1x8x80xi32, #tpu.memory_space<hbm>>
          %dma_start3A_267 = tpu.memref_squeeze %dma_start3A_266 : memref<1x8x80xi32, #tpu.memory_space<hbm>> -> memref<8x80xi32, #tpu.memory_space<hbm>>
          tpu.enqueue_dma source(%dma_start3A_267 : memref<8x80xi32, #tpu.memory_space<hbm>>) target(%arg15 : memref<8x80xi32, #tpu.memory_space<vmem>>) target_semaphore(%run_scoped3A_262 : memref<!tpu.dma_semaphore, #tpu.memory_space<semaphore_mem>>)
          %dma_wait3A = arith.constant 0 : i32
          %dma_wait3A_268 = tpu.memref_slice %arg5[%arg1, %mul3A_253, %dma_wait3A] : memref<16x128x80xi32, #tpu.memory_space<hbm>> -> memref<1x8x80xi32, #tpu.memory_space<hbm>>
          %dma_wait3A_269 = tpu.memref_squeeze %dma_wait3A_268 : memref<1x8x80xi32, #tpu.memory_space<hbm>> -> memref<8x80xi32, #tpu.memory_space<hbm>>
          %dma_wait3A_270 = arith.constant 0 : i32
          %dma_wait3A_271 = tpu.memref_slice %arg5[%arg1, %mul3A_253, %dma_wait3A_270] : memref<16x128x80xi32, #tpu.memory_space<hbm>> -> memref<1x8x80xi32, #tpu.memory_space<hbm>>
          %dma_wait3A_272 = tpu.memref_squeeze %dma_wait3A_271 : memref<1x8x80xi32, #tpu.memory_space<hbm>> -> memref<8x80xi32, #tpu.memory_space<hbm>>
          tpu.wait_dma2 semaphore(%run_scoped3A_262 : memref<!tpu.dma_semaphore, #tpu.memory_space<semaphore_mem>>) src(%dma_wait3A_272 : memref<8x80xi32, #tpu.memory_space<hbm>>) dst(%arg15 : memref<8x80xi32, #tpu.memory_space<vmem>>)
          tpu.yield
        }) : () -> ()
        %scan3A_254 = arith.constant 0 : i32
        %scan3A_255 = arith.constant 0 : i32
        %scan3A_256 = arith.constant 8 : i32
        %scan3A_257 = arith.addi %scan3A_255, %scan3A_256 : i32
        %scan3A_258 = arith.constant 1 : i32
        %scan3A_259 = scf.for %scan3A_262 = %scan3A_255 to %scan3A_257 step %scan3A_258 iter_args(%scan3A_263 = %scan3A_254) -> (i32)  : i32 {
          %dma_start3A = arith.constant 0 : i32
          %dma_start3A_264 = tpu.memref_slice %arg14[%scan3A_262, %dma_start3A] : memref<8x80xi32, #tpu.memory_space<vmem>> -> memref<1x80xi32, #tpu.memory_space<vmem>>
          %dma_start3A_265 = tpu.memref_squeeze %dma_start3A_264 : memref<1x80xi32, #tpu.memory_space<vmem>> -> memref<80xi32, #tpu.memory_space<vmem>>
          %dma_start3A_266 = arith.constant 0 : i32
          %dma_start3A_267 = arith.constant 0 : i32
          %dma_start3A_268 = tpu.memref_slice %arg6[%dma_start3A_266, %dma_start3A_267] : memref<10000x128xf32, #tpu.memory_space<hbm>> -> memref<10000x128xf32, #tpu.memory_space<hbm>>
          tpu.enqueue_indirect_dma source(%dma_start3A_268 : memref<10000x128xf32, #tpu.memory_space<hbm>>) target(%arg13 : memref<80x128xf32, #tpu.memory_space<vmem>>) offsets(%dma_start3A_265 : memref<80xi32, #tpu.memory_space<vmem>>) semaphore(%arg20 : memref<!tpu.dma_semaphore, #tpu.memory_space<semaphore_mem>>)
          %dma_wait3A = arith.constant 0 : i32
          %dma_wait3A_269 = tpu.memref_slice %arg14[%scan3A_262, %dma_wait3A] : memref<8x80xi32, #tpu.memory_space<vmem>> -> memref<1x80xi32, #tpu.memory_space<vmem>>
          %dma_wait3A_270 = tpu.memref_squeeze %dma_wait3A_269 : memref<1x80xi32, #tpu.memory_space<vmem>> -> memref<80xi32, #tpu.memory_space<vmem>>
          %dma_wait3A_271 = arith.constant 0 : i32
          %dma_wait3A_272 = arith.constant 0 : i32
          %dma_wait3A_273 = tpu.memref_slice %arg6[%dma_wait3A_271, %dma_wait3A_272] : memref<10000x128xf32, #tpu.memory_space<hbm>> -> memref<10000x128xf32, #tpu.memory_space<hbm>>
          tpu.wait_indirect_dma semaphore(%arg20 : memref<!tpu.dma_semaphore, #tpu.memory_space<semaphore_mem>>) src(%dma_wait3A_273 : memref<10000x128xf32, #tpu.memory_space<hbm>>) dst(%arg13 : memref<80x128xf32, #tpu.memory_space<vmem>>)
          %mul3A_274 = arith.constant 8 : i32
          %mul3A_275 = arith.muli %scan3A_248, %mul3A_274 : i32
          %add3A_276 = arith.addi %mul3A_275, %scan3A_262 : i32
          %mul3A_277 = arith.constant 80 : i32
          %mul3A_278 = arith.muli %add3A_276, %mul3A_277 : i32
          %add3A_279 = arith.addi %mul3A_199, %mul3A_278 : i32
          %scan3A_280 = arith.constant 0 : i32
          %scan3A_281 = arith.constant 0 : i32
          %scan3A_282 = arith.constant 5 : i32
          %scan3A_283 = arith.addi %scan3A_281, %scan3A_282 : i32
          %scan3A_284 = arith.constant 1 : i32
          %scan3A_285 = scf.for %scan3A_288 = %scan3A_281 to %scan3A_283 step %scan3A_284 iter_args(%scan3A_289 = %scan3A_280) -> (i32)  : i32 {
            %mul3A_290 = arith.constant 16 : i32
            %mul3A_291 = arith.muli %scan3A_288, %mul3A_290 : i32
            %get3A = arith.index_cast %scan3A_262 : i32 to index
            %get3A_292 = arith.index_cast %mul3A_291 : i32 to index
            %get3A_293 = tpu.vector_load %arg14[%get3A, %get3A_292] {strides = array<i32>} : memref<8x80xi32, #tpu.memory_space<vmem>>, vector<16xi32>,
            %get3A_294 = arith.index_cast %scan3A_262 : i32 to index
            %get3A_295 = arith.index_cast %mul3A_291 : i32 to index
            %get3A_296 = tpu.vector_load %arg15[%get3A_294, %get3A_295] {strides = array<i32>} : memref<8x80xi32, #tpu.memory_space<vmem>>, vector<16xi32>,
            %mul3A_297 = arith.constant 16 : i32
            %mul3A_298 = arith.muli %scan3A_288, %mul3A_297 : i32
            %add3A_299 = arith.addi %add3A_279, %mul3A_298 : i32
            %add3A_300 = vector.broadcast %add3A_299 : i32 to vector<16xi32>
            %add3A_301 = arith.addi %add3A_300, %iota3A : vector<16xi32>
            %lt3A = arith.constant 160000 : i32
            %lt3A_302 = vector.broadcast %lt3A : i32 to vector<16xi32>
            %lt3A_303 = arith.cmpi slt, %add3A_301, %lt3A_302 : vector<16xi32>
            %gather3A = tpu.vector_load_idx %arg10[%get3A_293] : memref<10240xf32, #tpu.memory_space<vmem>>[vector<16xi32>], vector<16xf32>,
            %gather3A_304 = tpu.vector_load_idx %arg11[%get3A_296] : memref<10240xf32, #tpu.memory_space<vmem>>[vector<16xi32>], vector<16xf32>,
            %add3A_305 = arith.addf %gather3A, %gather3A_304 : vector<16xf32>
            %gt3A_306 = arith.constant 0.000000e+00 : f32
            %gt3A_307 = vector.broadcast %gt3A_306 : f32 to vector<16xf32>
            %gt3A_308 = arith.cmpf ogt, %add3A_305, %gt3A_307 : vector<16xf32>
            %mul3A_309 = arith.constant 2.000000e-01 : f32
            %mul3A_310 = vector.broadcast %mul3A_309 : f32 to vector<16xf32>
            %mul3A_311 = arith.mulf %mul3A_310, %add3A_305 : vector<16xf32>
            %select_n3A_312 = arith.select %gt3A_308, %add3A_305, %mul3A_311 : vector<16xi1>, vector<16xf32>
            %sub3A = vector.broadcast %select_n3A : f32 to vector<16xf32>
            %sub3A_313 = arith.subf %select_n3A_312, %sub3A : vector<16xf32>
            %exp3A = math.exp %sub3A_313 : vector<16xf32>
            %shift_right_arithmetic3A = arith.constant 7 : i32
            %shift_right_arithmetic3A_314 = vector.broadcast %shift_right_arithmetic3A : i32 to vector<16xi32>
            %shift_right_arithmetic3A_315 = arith.shrsi %get3A_296, %shift_right_arithmetic3A_314 : vector<16xi32>
            %and3A = arith.constant 127 : i32
            %and3A_316 = vector.broadcast %and3A : i32 to vector<16xi32>
            %and3A_317 = arith.andi %get3A_296, %and3A_316 : vector<16xi32>
            %gather3A_318 = tpu.vector_load_idx %arg12[%shift_right_arithmetic3A_315, %and3A_317] : memref<80x128xf32, #tpu.memory_space<vmem>>[vector<16xi32>, vector<16xi32>], vector<16xf32>,
            %mul3A_319 = arith.mulf %exp3A, %gather3A_318 : vector<16xf32>
            %jit3A = arith.constant 0.000000e+00 : f32
            %broadcast_in_dim3A_320 = vector.broadcast %jit3A : f32 to vector<16xf32>
            %select_n3A_321 = arith.select %lt3A_303, %mul3A_319, %broadcast_in_dim3A_320 : vector<16xi1>, vector<16xf32>
            %slice3A_322 = vector.extract_strided_slice %select_n3A_321 {offsets = [0], sizes = [1], strides = [1]} : vector<16xf32> to vector<1xf32>
            %squeeze3A_323 = vector.extract %slice3A_322[0] : f32 from vector<1xf32>
            %mul3A_324 = arith.constant 16 : i32
            %mul3A_325 = arith.muli %scan3A_288, %mul3A_324 : i32
            %add3A_326 = arith.constant 0 : i32
            %add3A_327 = arith.addi %mul3A_325, %add3A_326 : i32
            %get3A_328 = arith.index_cast %add3A_327 : i32 to index
            %get3A_329 = arith.constant 0 : index
            %get3A_330 = tpu.vector_load %arg13[%get3A_328, %get3A_329] {strides = array<i32>} : memref<80x128xf32, #tpu.memory_space<vmem>>, vector<16xf32>,
            %mul3A_331 = vector.broadcast %squeeze3A_323 : f32 to vector<16xf32>
            %mul3A_332 = arith.mulf %get3A_330, %mul3A_331 : vector<16xf32>
            %swap3A_333 = arith.index_cast %add3A_327 : i32 to index
            %swap3A_334 = arith.constant 0 : index
            %swap3A_335 = tpu.vector_load %arg13[%swap3A_333, %swap3A_334] {strides = array<i32>} : memref<80x128xf32, #tpu.memory_space<vmem>>, vector<16xf32>,
            tpu.vector_store %arg13[%swap3A_333, %swap3A_334], %mul3A_332 {strides = array<i32>} : memref<80x128xf32, #tpu.memory_space<vmem>>, vector<16xf32>,
            %get3A_336 = arith.index_cast %add3A_327 : i32 to index
            %get3A_337 = arith.constant 16 : index
            %get3A_338 = tpu.vector_load %arg13[%get3A_336, %get3A_337] {strides = array<i32>} : memref<80x128xf32, #tpu.memory_space<vmem>>, vector<16xf32>,
            %mul3A_339 = vector.broadcast %squeeze3A_323 : f32 to vector<16xf32>
            %mul3A_340 = arith.mulf %get3A_338, %mul3A_339 : vector<16xf32>
            %swap3A_341 = arith.index_cast %add3A_327 : i32 to index
            %swap3A_342 = arith.constant 16 : index
            %swap3A_343 = tpu.vector_load %arg13[%swap3A_341, %swap3A_342] {strides = array<i32>} : memref<80x128xf32, #tpu.memory_space<vmem>>, vector<16xf32>,
            tpu.vector_store %arg13[%swap3A_341, %swap3A_342], %mul3A_340 {strides = array<i32>} : memref<80x128xf32, #tpu.memory_space<vmem>>, vector<16xf32>,
            %get3A_344 = arith.index_cast %add3A_327 : i32 to index
            %get3A_345 = arith.constant 32 : index
            %get3A_346 = tpu.vector_load %arg13[%get3A_344, %get3A_345] {strides = array<i32>} : memref<80x128xf32, #tpu.memory_space<vmem>>, vector<16xf32>,
            %mul3A_347 = vector.broadcast %squeeze3A_323 : f32 to vector<16xf32>
            %mul3A_348 = arith.mulf %get3A_346, %mul3A_347 : vector<16xf32>
            %swap3A_349 = arith.index_cast %add3A_327 : i32 to index
            %swap3A_350 = arith.constant 32 : index
            %swap3A_351 = tpu.vector_load %arg13[%swap3A_349, %swap3A_350] {strides = array<i32>} : memref<80x128xf32, #tpu.memory_space<vmem>>, vector<16xf32>,
            tpu.vector_store %arg13[%swap3A_349, %swap3A_350], %mul3A_348 {strides = array<i32>} : memref<80x128xf32, #tpu.memory_space<vmem>>, vector<16xf32>,
            %get3A_352 = arith.index_cast %add3A_327 : i32 to index
            %get3A_353 = arith.constant 48 : index
            %get3A_354 = tpu.vector_load %arg13[%get3A_352, %get3A_353] {strides = array<i32>} : memref<80x128xf32, #tpu.memory_space<vmem>>, vector<16xf32>,
            %mul3A_355 = vector.broadcast %squeeze3A_323 : f32 to vector<16xf32>
            %mul3A_356 = arith.mulf %get3A_354, %mul3A_355 : vector<16xf32>
            %swap3A_357 = arith.index_cast %add3A_327 : i32 to index
            %swap3A_358 = arith.constant 48 : index
            %swap3A_359 = tpu.vector_load %arg13[%swap3A_357, %swap3A_358] {strides = array<i32>} : memref<80x128xf32, #tpu.memory_space<vmem>>, vector<16xf32>,
            tpu.vector_store %arg13[%swap3A_357, %swap3A_358], %mul3A_356 {strides = array<i32>} : memref<80x128xf32, #tpu.memory_space<vmem>>, vector<16xf32>,
            %get3A_360 = arith.index_cast %add3A_327 : i32 to index
            %get3A_361 = arith.constant 64 : index
            %get3A_362 = tpu.vector_load %arg13[%get3A_360, %get3A_361] {strides = array<i32>} : memref<80x128xf32, #tpu.memory_space<vmem>>, vector<16xf32>,
            %mul3A_363 = vector.broadcast %squeeze3A_323 : f32 to vector<16xf32>
            %mul3A_364 = arith.mulf %get3A_362, %mul3A_363 : vector<16xf32>
            %swap3A_365 = arith.index_cast %add3A_327 : i32 to index
            %swap3A_366 = arith.constant 64 : index
            %swap3A_367 = tpu.vector_load %arg13[%swap3A_365, %swap3A_366] {strides = array<i32>} : memref<80x128xf32, #tpu.memory_space<vmem>>, vector<16xf32>,
            tpu.vector_store %arg13[%swap3A_365, %swap3A_366], %mul3A_364 {strides = array<i32>} : memref<80x128xf32, #tpu.memory_space<vmem>>, vector<16xf32>,
            %get3A_368 = arith.index_cast %add3A_327 : i32 to index
            %get3A_369 = arith.constant 80 : index
            %get3A_370 = tpu.vector_load %arg13[%get3A_368, %get3A_369] {strides = array<i32>} : memref<80x128xf32, #tpu.memory_space<vmem>>, vector<16xf32>,
            %mul3A_371 = vector.broadcast %squeeze3A_323 : f32 to vector<16xf32>
            %mul3A_372 = arith.mulf %get3A_370, %mul3A_371 : vector<16xf32>
            %swap3A_373 = arith.index_cast %add3A_327 : i32 to index
            %swap3A_374 = arith.constant 80 : index
            %swap3A_375 = tpu.vector_load %arg13[%swap3A_373, %swap3A_374] {strides = array<i32>} : memref<80x128xf32, #tpu.memory_space<vmem>>, vector<16xf32>,
            tpu.vector_store %arg13[%swap3A_373, %swap3A_374], %mul3A_372 {strides = array<i32>} : memref<80x128xf32, #tpu.memory_space<vmem>>, vector<16xf32>,
            %get3A_376 = arith.index_cast %add3A_327 : i32 to index
            %get3A_377 = arith.constant 96 : index
            %get3A_378 = tpu.vector_load %arg13[%get3A_376, %get3A_377] {strides = array<i32>} : memref<80x128xf32, #tpu.memory_space<vmem>>, vector<16xf32>,
            %mul3A_379 = vector.broadcast %squeeze3A_323 : f32 to vector<16xf32>
            %mul3A_380 = arith.mulf %get3A_378, %mul3A_379 : vector<16xf32>
            %swap3A_381 = arith.index_cast %add3A_327 : i32 to index
            %swap3A_382 = arith.constant 96 : index
            %swap3A_383 = tpu.vector_load %arg13[%swap3A_381, %swap3A_382] {strides = array<i32>} : memref<80x128xf32, #tpu.memory_space<vmem>>, vector<16xf32>,
            tpu.vector_store %arg13[%swap3A_381, %swap3A_382], %mul3A_380 {strides = array<i32>} : memref<80x128xf32, #tpu.memory_space<vmem>>, vector<16xf32>,
            %get3A_384 = arith.index_cast %add3A_327 : i32 to index
            %get3A_385 = arith.constant 112 : index
            %get3A_386 = tpu.vector_load %arg13[%get3A_384, %get3A_385] {strides = array<i32>} : memref<80x128xf32, #tpu.memory_space<vmem>>, vector<16xf32>,
            %mul3A_387 = vector.broadcast %squeeze3A_323 : f32 to vector<16xf32>
            %mul3A_388 = arith.mulf %get3A_386, %mul3A_387 : vector<16xf32>
            %swap3A_389 = arith.index_cast %add3A_327 : i32 to index
            %swap3A_390 = arith.constant 112 : index
            %swap3A_391 = tpu.vector_load %arg13[%swap3A_389, %swap3A_390] {strides = array<i32>} : memref<80x128xf32, #tpu.memory_space<vmem>>, vector<16xf32>,
            tpu.vector_store %arg13[%swap3A_389, %swap3A_390], %mul3A_388 {strides = array<i32>} : memref<80x128xf32, #tpu.memory_space<vmem>>, vector<16xf32>,
            %slice3A_392 = vector.extract_strided_slice %select_n3A_321 {offsets = [1], sizes = [1], strides = [1]} : vector<16xf32> to vector<1xf32>
            %squeeze3A_393 = vector.extract %slice3A_392[0] : f32 from vector<1xf32>
            %mul3A_394 = arith.constant 16 : i32
            %mul3A_395 = arith.muli %scan3A_288, %mul3A_394 : i32
            %add3A_396 = arith.constant 1 : i32
            %add3A_397 = arith.addi %mul3A_395, %add3A_396 : i32
            %get3A_398 = arith.index_cast %add3A_397 : i32 to index
            %get3A_399 = arith.constant 0 : index
            %get3A_400 = tpu.vector_load %arg13[%get3A_398, %get3A_399] {strides = array<i32>} : memref<80x128xf32, #tpu.memory_space<vmem>>, vector<16xf32>,
            %mul3A_401 = vector.broadcast %squeeze3A_393 : f32 to vector<16xf32>
            %mul3A_402 = arith.mulf %get3A_400, %mul3A_401 : vector<16xf32>
            %swap3A_403 = arith.index_cast %add3A_397 : i32 to index
            %swap3A_404 = arith.constant 0 : index
            %swap3A_405 = tpu.vector_load %arg13[%swap3A_403, %swap3A_404] {strides = array<i32>} : memref<80x128xf32, #tpu.memory_space<vmem>>, vector<16xf32>,
            tpu.vector_store %arg13[%swap3A_403, %swap3A_404], %mul3A_402 {strides = array<i32>} : memref<80x128xf32, #tpu.memory_space<vmem>>, vector<16xf32>,
            %get3A_406 = arith.index_cast %add3A_397 : i32 to index
            %get3A_407 = arith.constant 16 : index
            %get3A_408 = tpu.vector_load %arg13[%get3A_406, %get3A_407] {strides = array<i32>} : memref<80x128xf32, #tpu.memory_space<vmem>>, vector<16xf32>,
            %mul3A_409 = vector.broadcast %squeeze3A_393 : f32 to vector<16xf32>
            %mul3A_410 = arith.mulf %get3A_408, %mul3A_409 : vector<16xf32>
            %swap3A_411 = arith.index_cast %add3A_397 : i32 to index
            %swap3A_412 = arith.constant 16 : index
            %swap3A_413 = tpu.vector_load %arg13[%swap3A_411, %swap3A_412] {strides = array<i32>} : memref<80x128xf32, #tpu.memory_space<vmem>>, vector<16xf32>,
            tpu.vector_store %arg13[%swap3A_411, %swap3A_412], %mul3A_410 {strides = array<i32>} : memref<80x128xf32, #tpu.memory_space<vmem>>, vector<16xf32>,
            %get3A_414 = arith.index_cast %add3A_397 : i32 to index
            %get3A_415 = arith.constant 32 : index
            %get3A_416 = tpu.vector_load %arg13[%get3A_414, %get3A_415] {strides = array<i32>} : memref<80x128xf32, #tpu.memory_space<vmem>>, vector<16xf32>,
            %mul3A_417 = vector.broadcast %squeeze3A_393 : f32 to vector<16xf32>
            %mul3A_418 = arith.mulf %get3A_416, %mul3A_417 : vector<16xf32>
            %swap3A_419 = arith.index_cast %add3A_397 : i32 to index
            %swap3A_420 = arith.constant 32 : index
            %swap3A_421 = tpu.vector_load %arg13[%swap3A_419, %swap3A_420] {strides = array<i32>} : memref<80x128xf32, #tpu.memory_space<vmem>>, vector<16xf32>,
            tpu.vector_store %arg13[%swap3A_419, %swap3A_420], %mul3A_418 {strides = array<i32>} : memref<80x128xf32, #tpu.memory_space<vmem>>, vector<16xf32>,
            %get3A_422 = arith.index_cast %add3A_397 : i32 to index
            %get3A_423 = arith.constant 48 : index
            %get3A_424 = tpu.vector_load %arg13[%get3A_422, %get3A_423] {strides = array<i32>} : memref<80x128xf32, #tpu.memory_space<vmem>>, vector<16xf32>,
            %mul3A_425 = vector.broadcast %squeeze3A_393 : f32 to vector<16xf32>
            %mul3A_426 = arith.mulf %get3A_424, %mul3A_425 : vector<16xf32>
            %swap3A_427 = arith.index_cast %add3A_397 : i32 to index
            %swap3A_428 = arith.constant 48 : index
            %swap3A_429 = tpu.vector_load %arg13[%swap3A_427, %swap3A_428] {strides = array<i32>} : memref<80x128xf32, #tpu.memory_space<vmem>>, vector<16xf32>,
            tpu.vector_store %arg13[%swap3A_427, %swap3A_428], %mul3A_426 {strides = array<i32>} : memref<80x128xf32, #tpu.memory_space<vmem>>, vector<16xf32>,
            %get3A_430 = arith.index_cast %add3A_397 : i32 to index
            %get3A_431 = arith.constant 64 : index
            %get3A_432 = tpu.vector_load %arg13[%get3A_430, %get3A_431] {strides = array<i32>} : memref<80x128xf32, #tpu.memory_space<vmem>>, vector<16xf32>,
            %mul3A_433 = vector.broadcast %squeeze3A_393 : f32 to vector<16xf32>
            %mul3A_434 = arith.mulf %get3A_432, %mul3A_433 : vector<16xf32>
            %swap3A_435 = arith.index_cast %add3A_397 : i32 to index
            %swap3A_436 = arith.constant 64 : index
            %swap3A_437 = tpu.vector_load %arg13[%swap3A_435, %swap3A_436] {strides = array<i32>} : memref<80x128xf32, #tpu.memory_space<vmem>>, vector<16xf32>,
            tpu.vector_store %arg13[%swap3A_435, %swap3A_436], %mul3A_434 {strides = array<i32>} : memref<80x128xf32, #tpu.memory_space<vmem>>, vector<16xf32>,
            %get3A_438 = arith.index_cast %add3A_397 : i32 to index
            %get3A_439 = arith.constant 80 : index
            %get3A_440 = tpu.vector_load %arg13[%get3A_438, %get3A_439] {strides = array<i32>} : memref<80x128xf32, #tpu.memory_space<vmem>>, vector<16xf32>,
            %mul3A_441 = vector.broadcast %squeeze3A_393 : f32 to vector<16xf32>
            %mul3A_442 = arith.mulf %get3A_440, %mul3A_441 : vector<16xf32>
            %swap3A_443 = arith.index_cast %add3A_397 : i32 to index
            %swap3A_444 = arith.constant 80 : index
            %swap3A_445 = tpu.vector_load %arg13[%swap3A_443, %swap3A_444] {strides = array<i32>} : memref<80x128xf32, #tpu.memory_space<vmem>>, vector<16xf32>,
            tpu.vector_store %arg13[%swap3A_443, %swap3A_444], %mul3A_442 {strides = array<i32>} : memref<80x128xf32, #tpu.memory_space<vmem>>, vector<16xf32>,
            %get3A_446 = arith.index_cast %add3A_397 : i32 to index
            %get3A_447 = arith.constant 96 : index
            %get3A_448 = tpu.vector_load %arg13[%get3A_446, %get3A_447] {strides = array<i32>} : memref<80x128xf32, #tpu.memory_space<vmem>>, vector<16xf32>,
            %mul3A_449 = vector.broadcast %squeeze3A_393 : f32 to vector<16xf32>
            %mul3A_450 = arith.mulf %get3A_448, %mul3A_449 : vector<16xf32>
            %swap3A_451 = arith.index_cast %add3A_397 : i32 to index
            %swap3A_452 = arith.constant 96 : index
            %swap3A_453 = tpu.vector_load %arg13[%swap3A_451, %swap3A_452] {strides = array<i32>} : memref<80x128xf32, #tpu.memory_space<vmem>>, vector<16xf32>,
            tpu.vector_store %arg13[%swap3A_451, %swap3A_452], %mul3A_450 {strides = array<i32>} : memref<80x128xf32, #tpu.memory_space<vmem>>, vector<16xf32>,
            %get3A_454 = arith.index_cast %add3A_397 : i32 to index
            %get3A_455 = arith.constant 112 : index
            %get3A_456 = tpu.vector_load %arg13[%get3A_454, %get3A_455] {strides = array<i32>} : memref<80x128xf32, #tpu.memory_space<vmem>>, vector<16xf32>,
            %mul3A_457 = vector.broadcast %squeeze3A_393 : f32 to vector<16xf32>
            %mul3A_458 = arith.mulf %get3A_456, %mul3A_457 : vector<16xf32>
            %swap3A_459 = arith.index_cast %add3A_397 : i32 to index
            %swap3A_460 = arith.constant 112 : index
            %swap3A_461 = tpu.vector_load %arg13[%swap3A_459, %swap3A_460] {strides = array<i32>} : memref<80x128xf32, #tpu.memory_space<vmem>>, vector<16xf32>,
            tpu.vector_store %arg13[%swap3A_459, %swap3A_460], %mul3A_458 {strides = array<i32>} : memref<80x128xf32, #tpu.memory_space<vmem>>, vector<16xf32>,
            %slice3A_462 = vector.extract_strided_slice %select_n3A_321 {offsets = [2], sizes = [1], strides = [1]} : vector<16xf32> to vector<1xf32>
            %squeeze3A_463 = vector.extract %slice3A_462[0] : f32 from vector<1xf32>
            %mul3A_464 = arith.constant 16 : i32
            %mul3A_465 = arith.muli %scan3A_288, %mul3A_464 : i32
            %add3A_466 = arith.constant 2 : i32
            %add3A_467 = arith.addi %mul3A_465, %add3A_466 : i32
            %get3A_468 = arith.index_cast %add3A_467 : i32 to index
            %get3A_469 = arith.constant 0 : index
            %get3A_470 = tpu.vector_load %arg13[%get3A_468, %get3A_469] {strides = array<i32>} : memref<80x128xf32, #tpu.memory_space<vmem>>, vector<16xf32>,
            %mul3A_471 = vector.broadcast %squeeze3A_463 : f32 to vector<16xf32>
            %mul3A_472 = arith.mulf %get3A_470, %mul3A_471 : vector<16xf32>
            %swap3A_473 = arith.index_cast %add3A_467 : i32 to index
            %swap3A_474 = arith.constant 0 : index
            %swap3A_475 = tpu.vector_load %arg13[%swap3A_473, %swap3A_474] {strides = array<i32>} : memref<80x128xf32, #tpu.memory_space<vmem>>, vector<16xf32>,
            tpu.vector_store %arg13[%swap3A_473, %swap3A_474], %mul3A_472 {strides = array<i32>} : memref<80x128xf32, #tpu.memory_space<vmem>>, vector<16xf32>,
            %get3A_476 = arith.index_cast %add3A_467 : i32 to index
            %get3A_477 = arith.constant 16 : index
            %get3A_478 = tpu.vector_load %arg13[%get3A_476, %get3A_477] {strides = array<i32>} : memref<80x128xf32, #tpu.memory_space<vmem>>, vector<16xf32>,
            %mul3A_479 = vector.broadcast %squeeze3A_463 : f32 to vector<16xf32>
            %mul3A_480 = arith.mulf %get3A_478, %mul3A_479 : vector<16xf32>
            %swap3A_481 = arith.index_cast %add3A_467 : i32 to index
            %swap3A_482 = arith.constant 16 : index
            %swap3A_483 = tpu.vector_load %arg13[%swap3A_481, %swap3A_482] {strides = array<i32>} : memref<80x128xf32, #tpu.memory_space<vmem>>, vector<16xf32>,
            tpu.vector_store %arg13[%swap3A_481, %swap3A_482], %mul3A_480 {strides = array<i32>} : memref<80x128xf32, #tpu.memory_space<vmem>>, vector<16xf32>,
            %get3A_484 = arith.index_cast %add3A_467 : i32 to index
            %get3A_485 = arith.constant 32 : index
            %get3A_486 = tpu.vector_load %arg13[%get3A_484, %get3A_485] {strides = array<i32>} : memref<80x128xf32, #tpu.memory_space<vmem>>, vector<16xf32>,
            %mul3A_487 = vector.broadcast %squeeze3A_463 : f32 to vector<16xf32>
            %mul3A_488 = arith.mulf %get3A_486, %mul3A_487 : vector<16xf32>
            %swap3A_489 = arith.index_cast %add3A_467 : i32 to index
            %swap3A_490 = arith.constant 32 : index
            %swap3A_491 = tpu.vector_load %arg13[%swap3A_489, %swap3A_490] {strides = array<i32>} : memref<80x128xf32, #tpu.memory_space<vmem>>, vector<16xf32>,
            tpu.vector_store %arg13[%swap3A_489, %swap3A_490], %mul3A_488 {strides = array<i32>} : memref<80x128xf32, #tpu.memory_space<vmem>>, vector<16xf32>,
            %get3A_492 = arith.index_cast %add3A_467 : i32 to index
            %get3A_493 = arith.constant 48 : index
            %get3A_494 = tpu.vector_load %arg13[%get3A_492, %get3A_493] {strides = array<i32>} : memref<80x128xf32, #tpu.memory_space<vmem>>, vector<16xf32>,
            %mul3A_495 = vector.broadcast %squeeze3A_463 : f32 to vector<16xf32>
            %mul3A_496 = arith.mulf %get3A_494, %mul3A_495 : vector<16xf32>
            %swap3A_497 = arith.index_cast %add3A_467 : i32 to index
            %swap3A_498 = arith.constant 48 : index
            %swap3A_499 = tpu.vector_load %arg13[%swap3A_497, %swap3A_498] {strides = array<i32>} : memref<80x128xf32, #tpu.memory_space<vmem>>, vector<16xf32>,
            tpu.vector_store %arg13[%swap3A_497, %swap3A_498], %mul3A_496 {strides = array<i32>} : memref<80x128xf32, #tpu.memory_space<vmem>>, vector<16xf32>,
            %get3A_500 = arith.index_cast %add3A_467 : i32 to index
            %get3A_501 = arith.constant 64 : index
            %get3A_502 = tpu.vector_load %arg13[%get3A_500, %get3A_501] {strides = array<i32>} : memref<80x128xf32, #tpu.memory_space<vmem>>, vector<16xf32>,
            %mul3A_503 = vector.broadcast %squeeze3A_463 : f32 to vector<16xf32>
            %mul3A_504 = arith.mulf %get3A_502, %mul3A_503 : vector<16xf32>
            %swap3A_505 = arith.index_cast %add3A_467 : i32 to index
            %swap3A_506 = arith.constant 64 : index
            %swap3A_507 = tpu.vector_load %arg13[%swap3A_505, %swap3A_506] {strides = array<i32>} : memref<80x128xf32, #tpu.memory_space<vmem>>, vector<16xf32>,
            tpu.vector_store %arg13[%swap3A_505, %swap3A_506], %mul3A_504 {strides = array<i32>} : memref<80x128xf32, #tpu.memory_space<vmem>>, vector<16xf32>,
            %get3A_508 = arith.index_cast %add3A_467 : i32 to index
            %get3A_509 = arith.constant 80 : index
            %get3A_510 = tpu.vector_load %arg13[%get3A_508, %get3A_509] {strides = array<i32>} : memref<80x128xf32, #tpu.memory_space<vmem>>, vector<16xf32>,
            %mul3A_511 = vector.broadcast %squeeze3A_463 : f32 to vector<16xf32>
            %mul3A_512 = arith.mulf %get3A_510, %mul3A_511 : vector<16xf32>
            %swap3A_513 = arith.index_cast %add3A_467 : i32 to index
            %swap3A_514 = arith.constant 80 : index
            %swap3A_515 = tpu.vector_load %arg13[%swap3A_513, %swap3A_514] {strides = array<i32>} : memref<80x128xf32, #tpu.memory_space<vmem>>, vector<16xf32>,
            tpu.vector_store %arg13[%swap3A_513, %swap3A_514], %mul3A_512 {strides = array<i32>} : memref<80x128xf32, #tpu.memory_space<vmem>>, vector<16xf32>,
            %get3A_516 = arith.index_cast %add3A_467 : i32 to index
            %get3A_517 = arith.constant 96 : index
            %get3A_518 = tpu.vector_load %arg13[%get3A_516, %get3A_517] {strides = array<i32>} : memref<80x128xf32, #tpu.memory_space<vmem>>, vector<16xf32>,
            %mul3A_519 = vector.broadcast %squeeze3A_463 : f32 to vector<16xf32>
            %mul3A_520 = arith.mulf %get3A_518, %mul3A_519 : vector<16xf32>
            %swap3A_521 = arith.index_cast %add3A_467 : i32 to index
            %swap3A_522 = arith.constant 96 : index
            %swap3A_523 = tpu.vector_load %arg13[%swap3A_521, %swap3A_522] {strides = array<i32>} : memref<80x128xf32, #tpu.memory_space<vmem>>, vector<16xf32>,
            tpu.vector_store %arg13[%swap3A_521, %swap3A_522], %mul3A_520 {strides = array<i32>} : memref<80x128xf32, #tpu.memory_space<vmem>>, vector<16xf32>,
            %get3A_524 = arith.index_cast %add3A_467 : i32 to index
            %get3A_525 = arith.constant 112 : index
            %get3A_526 = tpu.vector_load %arg13[%get3A_524, %get3A_525] {strides = array<i32>} : memref<80x128xf32, #tpu.memory_space<vmem>>, vector<16xf32>,
            %mul3A_527 = vector.broadcast %squeeze3A_463 : f32 to vector<16xf32>
            %mul3A_528 = arith.mulf %get3A_526, %mul3A_527 : vector<16xf32>
            %swap3A_529 = arith.index_cast %add3A_467 : i32 to index
            %swap3A_530 = arith.constant 112 : index
            %swap3A_531 = tpu.vector_load %arg13[%swap3A_529, %swap3A_530] {strides = array<i32>} : memref<80x128xf32, #tpu.memory_space<vmem>>, vector<16xf32>,
            tpu.vector_store %arg13[%swap3A_529, %swap3A_530], %mul3A_528 {strides = array<i32>} : memref<80x128xf32, #tpu.memory_space<vmem>>, vector<16xf32>,
            %slice3A_532 = vector.extract_strided_slice %select_n3A_321 {offsets = [3], sizes = [1], strides = [1]} : vector<16xf32> to vector<1xf32>
            %squeeze3A_533 = vector.extract %slice3A_532[0] : f32 from vector<1xf32>
            %mul3A_534 = arith.constant 16 : i32
            %mul3A_535 = arith.muli %scan3A_288, %mul3A_534 : i32
            %add3A_536 = arith.constant 3 : i32
            %add3A_537 = arith.addi %mul3A_535, %add3A_536 : i32
            %get3A_538 = arith.index_cast %add3A_537 : i32 to index
            %get3A_539 = arith.constant 0 : index
            %get3A_540 = tpu.vector_load %arg13[%get3A_538, %get3A_539] {strides = array<i32>} : memref<80x128xf32, #tpu.memory_space<vmem>>, vector<16xf32>,
            %mul3A_541 = vector.broadcast %squeeze3A_533 : f32 to vector<16xf32>
            %mul3A_542 = arith.mulf %get3A_540, %mul3A_541 : vector<16xf32>
            %swap3A_543 = arith.index_cast %add3A_537 : i32 to index
            %swap3A_544 = arith.constant 0 : index
            %swap3A_545 = tpu.vector_load %arg13[%swap3A_543, %swap3A_544] {strides = array<i32>} : memref<80x128xf32, #tpu.memory_space<vmem>>, vector<16xf32>,
            tpu.vector_store %arg13[%swap3A_543, %swap3A_544], %mul3A_542 {strides = array<i32>} : memref<80x128xf32, #tpu.memory_space<vmem>>, vector<16xf32>,
            %get3A_546 = arith.index_cast %add3A_537 : i32 to index
            %get3A_547 = arith.constant 16 : index
            %get3A_548 = tpu.vector_load %arg13[%get3A_546, %get3A_547] {strides = array<i32>} : memref<80x128xf32, #tpu.memory_space<vmem>>, vector<16xf32>,
            %mul3A_549 = vector.broadcast %squeeze3A_533 : f32 to vector<16xf32>
            %mul3A_550 = arith.mulf %get3A_548, %mul3A_549 : vector<16xf32>
            %swap3A_551 = arith.index_cast %add3A_537 : i32 to index
            %swap3A_552 = arith.constant 16 : index
            %swap3A_553 = tpu.vector_load %arg13[%swap3A_551, %swap3A_552] {strides = array<i32>} : memref<80x128xf32, #tpu.memory_space<vmem>>, vector<16xf32>,
            tpu.vector_store %arg13[%swap3A_551, %swap3A_552], %mul3A_550 {strides = array<i32>} : memref<80x128xf32, #tpu.memory_space<vmem>>, vector<16xf32>,
            %get3A_554 = arith.index_cast %add3A_537 : i32 to index
            %get3A_555 = arith.constant 32 : index
            %get3A_556 = tpu.vector_load %arg13[%get3A_554, %get3A_555] {strides = array<i32>} : memref<80x128xf32, #tpu.memory_space<vmem>>, vector<16xf32>,
            %mul3A_557 = vector.broadcast %squeeze3A_533 : f32 to vector<16xf32>
            %mul3A_558 = arith.mulf %get3A_556, %mul3A_557 : vector<16xf32>
            %swap3A_559 = arith.index_cast %add3A_537 : i32 to index
            %swap3A_560 = arith.constant 32 : index
            %swap3A_561 = tpu.vector_load %arg13[%swap3A_559, %swap3A_560] {strides = array<i32>} : memref<80x128xf32, #tpu.memory_space<vmem>>, vector<16xf32>,
            tpu.vector_store %arg13[%swap3A_559, %swap3A_560], %mul3A_558 {strides = array<i32>} : memref<80x128xf32, #tpu.memory_space<vmem>>, vector<16xf32>,
            %get3A_562 = arith.index_cast %add3A_537 : i32 to index
            %get3A_563 = arith.constant 48 : index
            %get3A_564 = tpu.vector_load %arg13[%get3A_562, %get3A_563] {strides = array<i32>} : memref<80x128xf32, #tpu.memory_space<vmem>>, vector<16xf32>,
            %mul3A_565 = vector.broadcast %squeeze3A_533 : f32 to vector<16xf32>
            %mul3A_566 = arith.mulf %get3A_564, %mul3A_565 : vector<16xf32>
            %swap3A_567 = arith.index_cast %add3A_537 : i32 to index
            %swap3A_568 = arith.constant 48 : index
            %swap3A_569 = tpu.vector_load %arg13[%swap3A_567, %swap3A_568] {strides = array<i32>} : memref<80x128xf32, #tpu.memory_space<vmem>>, vector<16xf32>,
            tpu.vector_store %arg13[%swap3A_567, %swap3A_568], %mul3A_566 {strides = array<i32>} : memref<80x128xf32, #tpu.memory_space<vmem>>, vector<16xf32>,
            %get3A_570 = arith.index_cast %add3A_537 : i32 to index
            %get3A_571 = arith.constant 64 : index
            %get3A_572 = tpu.vector_load %arg13[%get3A_570, %get3A_571] {strides = array<i32>} : memref<80x128xf32, #tpu.memory_space<vmem>>, vector<16xf32>,
            %mul3A_573 = vector.broadcast %squeeze3A_533 : f32 to vector<16xf32>
            %mul3A_574 = arith.mulf %get3A_572, %mul3A_573 : vector<16xf32>
            %swap3A_575 = arith.index_cast %add3A_537 : i32 to index
            %swap3A_576 = arith.constant 64 : index
            %swap3A_577 = tpu.vector_load %arg13[%swap3A_575, %swap3A_576] {strides = array<i32>} : memref<80x128xf32, #tpu.memory_space<vmem>>, vector<16xf32>,
            tpu.vector_store %arg13[%swap3A_575, %swap3A_576], %mul3A_574 {strides = array<i32>} : memref<80x128xf32, #tpu.memory_space<vmem>>, vector<16xf32>,
            %get3A_578 = arith.index_cast %add3A_537 : i32 to index
            %get3A_579 = arith.constant 80 : index
            %get3A_580 = tpu.vector_load %arg13[%get3A_578, %get3A_579] {strides = array<i32>} : memref<80x128xf32, #tpu.memory_space<vmem>>, vector<16xf32>,
            %mul3A_581 = vector.broadcast %squeeze3A_533 : f32 to vector<16xf32>
            %mul3A_582 = arith.mulf %get3A_580, %mul3A_581 : vector<16xf32>
            %swap3A_583 = arith.index_cast %add3A_537 : i32 to index
            %swap3A_584 = arith.constant 80 : index
            %swap3A_585 = tpu.vector_load %arg13[%swap3A_583, %swap3A_584] {strides = array<i32>} : memref<80x128xf32, #tpu.memory_space<vmem>>, vector<16xf32>,
            tpu.vector_store %arg13[%swap3A_583, %swap3A_584], %mul3A_582 {strides = array<i32>} : memref<80x128xf32, #tpu.memory_space<vmem>>, vector<16xf32>,
            %get3A_586 = arith.index_cast %add3A_537 : i32 to index
            %get3A_587 = arith.constant 96 : index
            %get3A_588 = tpu.vector_load %arg13[%get3A_586, %get3A_587] {strides = array<i32>} : memref<80x128xf32, #tpu.memory_space<vmem>>, vector<16xf32>,
            %mul3A_589 = vector.broadcast %squeeze3A_533 : f32 to vector<16xf32>
            %mul3A_590 = arith.mulf %get3A_588, %mul3A_589 : vector<16xf32>
            %swap3A_591 = arith.index_cast %add3A_537 : i32 to index
            %swap3A_592 = arith.constant 96 : index
            %swap3A_593 = tpu.vector_load %arg13[%swap3A_591, %swap3A_592] {strides = array<i32>} : memref<80x128xf32, #tpu.memory_space<vmem>>, vector<16xf32>,
            tpu.vector_store %arg13[%swap3A_591, %swap3A_592], %mul3A_590 {strides = array<i32>} : memref<80x128xf32, #tpu.memory_space<vmem>>, vector<16xf32>,
            %get3A_594 = arith.index_cast %add3A_537 : i32 to index
            %get3A_595 = arith.constant 112 : index
            %get3A_596 = tpu.vector_load %arg13[%get3A_594, %get3A_595] {strides = array<i32>} : memref<80x128xf32, #tpu.memory_space<vmem>>, vector<16xf32>,
            %mul3A_597 = vector.broadcast %squeeze3A_533 : f32 to vector<16xf32>
            %mul3A_598 = arith.mulf %get3A_596, %mul3A_597 : vector<16xf32>
            %swap3A_599 = arith.index_cast %add3A_537 : i32 to index
            %swap3A_600 = arith.constant 112 : index
            %swap3A_601 = tpu.vector_load %arg13[%swap3A_599, %swap3A_600] {strides = array<i32>} : memref<80x128xf32, #tpu.memory_space<vmem>>, vector<16xf32>,
            tpu.vector_store %arg13[%swap3A_599, %swap3A_600], %mul3A_598 {strides = array<i32>} : memref<80x128xf32, #tpu.memory_space<vmem>>, vector<16xf32>,
            %slice3A_602 = vector.extract_strided_slice %select_n3A_321 {offsets = [4], sizes = [1], strides = [1]} : vector<16xf32> to vector<1xf32>
            %squeeze3A_603 = vector.extract %slice3A_602[0] : f32 from vector<1xf32>
            %mul3A_604 = arith.constant 16 : i32
            %mul3A_605 = arith.muli %scan3A_288, %mul3A_604 : i32
            %add3A_606 = arith.constant 4 : i32
            %add3A_607 = arith.addi %mul3A_605, %add3A_606 : i32
            %get3A_608 = arith.index_cast %add3A_607 : i32 to index
            %get3A_609 = arith.constant 0 : index
            %get3A_610 = tpu.vector_load %arg13[%get3A_608, %get3A_609] {strides = array<i32>} : memref<80x128xf32, #tpu.memory_space<vmem>>, vector<16xf32>,
            %mul3A_611 = vector.broadcast %squeeze3A_603 : f32 to vector<16xf32>
            %mul3A_612 = arith.mulf %get3A_610, %mul3A_611 : vector<16xf32>
            %swap3A_613 = arith.index_cast %add3A_607 : i32 to index
            %swap3A_614 = arith.constant 0 : index
            %swap3A_615 = tpu.vector_load %arg13[%swap3A_613, %swap3A_614] {strides = array<i32>} : memref<80x128xf32, #tpu.memory_space<vmem>>, vector<16xf32>,
            tpu.vector_store %arg13[%swap3A_613, %swap3A_614], %mul3A_612 {strides = array<i32>} : memref<80x128xf32, #tpu.memory_space<vmem>>, vector<16xf32>,
            %get3A_616 = arith.index_cast %add3A_607 : i32 to index
            %get3A_617 = arith.constant 16 : index
            %get3A_618 = tpu.vector_load %arg13[%get3A_616, %get3A_617] {strides = array<i32>} : memref<80x128xf32, #tpu.memory_space<vmem>>, vector<16xf32>,
            %mul3A_619 = vector.broadcast %squeeze3A_603 : f32 to vector<16xf32>
            %mul3A_620 = arith.mulf %get3A_618, %mul3A_619 : vector<16xf32>
            %swap3A_621 = arith.index_cast %add3A_607 : i32 to index
            %swap3A_622 = arith.constant 16 : index
            %swap3A_623 = tpu.vector_load %arg13[%swap3A_621, %swap3A_622] {strides = array<i32>} : memref<80x128xf32, #tpu.memory_space<vmem>>, vector<16xf32>,
            tpu.vector_store %arg13[%swap3A_621, %swap3A_622], %mul3A_620 {strides = array<i32>} : memref<80x128xf32, #tpu.memory_space<vmem>>, vector<16xf32>,
            %get3A_624 = arith.index_cast %add3A_607 : i32 to index
            %get3A_625 = arith.constant 32 : index
            %get3A_626 = tpu.vector_load %arg13[%get3A_624, %get3A_625] {strides = array<i32>} : memref<80x128xf32, #tpu.memory_space<vmem>>, vector<16xf32>,
            %mul3A_627 = vector.broadcast %squeeze3A_603 : f32 to vector<16xf32>
            %mul3A_628 = arith.mulf %get3A_626, %mul3A_627 : vector<16xf32>
            %swap3A_629 = arith.index_cast %add3A_607 : i32 to index
            %swap3A_630 = arith.constant 32 : index
            %swap3A_631 = tpu.vector_load %arg13[%swap3A_629, %swap3A_630] {strides = array<i32>} : memref<80x128xf32, #tpu.memory_space<vmem>>, vector<16xf32>,
            tpu.vector_store %arg13[%swap3A_629, %swap3A_630], %mul3A_628 {strides = array<i32>} : memref<80x128xf32, #tpu.memory_space<vmem>>, vector<16xf32>,
            %get3A_632 = arith.index_cast %add3A_607 : i32 to index
            %get3A_633 = arith.constant 48 : index
            %get3A_634 = tpu.vector_load %arg13[%get3A_632, %get3A_633] {strides = array<i32>} : memref<80x128xf32, #tpu.memory_space<vmem>>, vector<16xf32>,
            %mul3A_635 = vector.broadcast %squeeze3A_603 : f32 to vector<16xf32>
            %mul3A_636 = arith.mulf %get3A_634, %mul3A_635 : vector<16xf32>
            %swap3A_637 = arith.index_cast %add3A_607 : i32 to index
            %swap3A_638 = arith.constant 48 : index
            %swap3A_639 = tpu.vector_load %arg13[%swap3A_637, %swap3A_638] {strides = array<i32>} : memref<80x128xf32, #tpu.memory_space<vmem>>, vector<16xf32>,
            tpu.vector_store %arg13[%swap3A_637, %swap3A_638], %mul3A_636 {strides = array<i32>} : memref<80x128xf32, #tpu.memory_space<vmem>>, vector<16xf32>,
            %get3A_640 = arith.index_cast %add3A_607 : i32 to index
            %get3A_641 = arith.constant 64 : index
            %get3A_642 = tpu.vector_load %arg13[%get3A_640, %get3A_641] {strides = array<i32>} : memref<80x128xf32, #tpu.memory_space<vmem>>, vector<16xf32>,
            %mul3A_643 = vector.broadcast %squeeze3A_603 : f32 to vector<16xf32>
            %mul3A_644 = arith.mulf %get3A_642, %mul3A_643 : vector<16xf32>
            %swap3A_645 = arith.index_cast %add3A_607 : i32 to index
            %swap3A_646 = arith.constant 64 : index
            %swap3A_647 = tpu.vector_load %arg13[%swap3A_645, %swap3A_646] {strides = array<i32>} : memref<80x128xf32, #tpu.memory_space<vmem>>, vector<16xf32>,
            tpu.vector_store %arg13[%swap3A_645, %swap3A_646], %mul3A_644 {strides = array<i32>} : memref<80x128xf32, #tpu.memory_space<vmem>>, vector<16xf32>,
            %get3A_648 = arith.index_cast %add3A_607 : i32 to index
            %get3A_649 = arith.constant 80 : index
            %get3A_650 = tpu.vector_load %arg13[%get3A_648, %get3A_649] {strides = array<i32>} : memref<80x128xf32, #tpu.memory_space<vmem>>, vector<16xf32>,
            %mul3A_651 = vector.broadcast %squeeze3A_603 : f32 to vector<16xf32>
            %mul3A_652 = arith.mulf %get3A_650, %mul3A_651 : vector<16xf32>
            %swap3A_653 = arith.index_cast %add3A_607 : i32 to index
            %swap3A_654 = arith.constant 80 : index
            %swap3A_655 = tpu.vector_load %arg13[%swap3A_653, %swap3A_654] {strides = array<i32>} : memref<80x128xf32, #tpu.memory_space<vmem>>, vector<16xf32>,
            tpu.vector_store %arg13[%swap3A_653, %swap3A_654], %mul3A_652 {strides = array<i32>} : memref<80x128xf32, #tpu.memory_space<vmem>>, vector<16xf32>,
            %get3A_656 = arith.index_cast %add3A_607 : i32 to index
            %get3A_657 = arith.constant 96 : index
            %get3A_658 = tpu.vector_load %arg13[%get3A_656, %get3A_657] {strides = array<i32>} : memref<80x128xf32, #tpu.memory_space<vmem>>, vector<16xf32>,
            %mul3A_659 = vector.broadcast %squeeze3A_603 : f32 to vector<16xf32>
            %mul3A_660 = arith.mulf %get3A_658, %mul3A_659 : vector<16xf32>
            %swap3A_661 = arith.index_cast %add3A_607 : i32 to index
            %swap3A_662 = arith.constant 96 : index
            %swap3A_663 = tpu.vector_load %arg13[%swap3A_661, %swap3A_662] {strides = array<i32>} : memref<80x128xf32, #tpu.memory_space<vmem>>, vector<16xf32>,
            tpu.vector_store %arg13[%swap3A_661, %swap3A_662], %mul3A_660 {strides = array<i32>} : memref<80x128xf32, #tpu.memory_space<vmem>>, vector<16xf32>,
            %get3A_664 = arith.index_cast %add3A_607 : i32 to index
            %get3A_665 = arith.constant 112 : index
            %get3A_666 = tpu.vector_load %arg13[%get3A_664, %get3A_665] {strides = array<i32>} : memref<80x128xf32, #tpu.memory_space<vmem>>, vector<16xf32>,
            %mul3A_667 = vector.broadcast %squeeze3A_603 : f32 to vector<16xf32>
            %mul3A_668 = arith.mulf %get3A_666, %mul3A_667 : vector<16xf32>
            %swap3A_669 = arith.index_cast %add3A_607 : i32 to index
            %swap3A_670 = arith.constant 112 : index
            %swap3A_671 = tpu.vector_load %arg13[%swap3A_669, %swap3A_670] {strides = array<i32>} : memref<80x128xf32, #tpu.memory_space<vmem>>, vector<16xf32>,
            tpu.vector_store %arg13[%swap3A_669, %swap3A_670], %mul3A_668 {strides = array<i32>} : memref<80x128xf32, #tpu.memory_space<vmem>>, vector<16xf32>,
            %slice3A_672 = vector.extract_strided_slice %select_n3A_321 {offsets = [5], sizes = [1], strides = [1]} : vector<16xf32> to vector<1xf32>
            %squeeze3A_673 = vector.extract %slice3A_672[0] : f32 from vector<1xf32>
            %mul3A_674 = arith.constant 16 : i32
            %mul3A_675 = arith.muli %scan3A_288, %mul3A_674 : i32
            %add3A_676 = arith.constant 5 : i32
            %add3A_677 = arith.addi %mul3A_675, %add3A_676 : i32
            %get3A_678 = arith.index_cast %add3A_677 : i32 to index
            %get3A_679 = arith.constant 0 : index
            %get3A_680 = tpu.vector_load %arg13[%get3A_678, %get3A_679] {strides = array<i32>} : memref<80x128xf32, #tpu.memory_space<vmem>>, vector<16xf32>,
            %mul3A_681 = vector.broadcast %squeeze3A_673 : f32 to vector<16xf32>
            %mul3A_682 = arith.mulf %get3A_680, %mul3A_681 : vector<16xf32>
            %swap3A_683 = arith.index_cast %add3A_677 : i32 to index
            %swap3A_684 = arith.constant 0 : index
            %swap3A_685 = tpu.vector_load %arg13[%swap3A_683, %swap3A_684] {strides = array<i32>} : memref<80x128xf32, #tpu.memory_space<vmem>>, vector<16xf32>,
            tpu.vector_store %arg13[%swap3A_683, %swap3A_684], %mul3A_682 {strides = array<i32>} : memref<80x128xf32, #tpu.memory_space<vmem>>, vector<16xf32>,
            %get3A_686 = arith.index_cast %add3A_677 : i32 to index
            %get3A_687 = arith.constant 16 : index
            %get3A_688 = tpu.vector_load %arg13[%get3A_686, %get3A_687] {strides = array<i32>} : memref<80x128xf32, #tpu.memory_space<vmem>>, vector<16xf32>,
            %mul3A_689 = vector.broadcast %squeeze3A_673 : f32 to vector<16xf32>
            %mul3A_690 = arith.mulf %get3A_688, %mul3A_689 : vector<16xf32>
            %swap3A_691 = arith.index_cast %add3A_677 : i32 to index
            %swap3A_692 = arith.constant 16 : index
            %swap3A_693 = tpu.vector_load %arg13[%swap3A_691, %swap3A_692] {strides = array<i32>} : memref<80x128xf32, #tpu.memory_space<vmem>>, vector<16xf32>,
            tpu.vector_store %arg13[%swap3A_691, %swap3A_692], %mul3A_690 {strides = array<i32>} : memref<80x128xf32, #tpu.memory_space<vmem>>, vector<16xf32>,
            %get3A_694 = arith.index_cast %add3A_677 : i32 to index
            %get3A_695 = arith.constant 32 : index
            %get3A_696 = tpu.vector_load %arg13[%get3A_694, %get3A_695] {strides = array<i32>} : memref<80x128xf32, #tpu.memory_space<vmem>>, vector<16xf32>,
            %mul3A_697 = vector.broadcast %squeeze3A_673 : f32 to vector<16xf32>
            %mul3A_698 = arith.mulf %get3A_696, %mul3A_697 : vector<16xf32>
            %swap3A_699 = arith.index_cast %add3A_677 : i32 to index
            %swap3A_700 = arith.constant 32 : index
            %swap3A_701 = tpu.vector_load %arg13[%swap3A_699, %swap3A_700] {strides = array<i32>} : memref<80x128xf32, #tpu.memory_space<vmem>>, vector<16xf32>,
            tpu.vector_store %arg13[%swap3A_699, %swap3A_700], %mul3A_698 {strides = array<i32>} : memref<80x128xf32, #tpu.memory_space<vmem>>, vector<16xf32>,
            %get3A_702 = arith.index_cast %add3A_677 : i32 to index
            %get3A_703 = arith.constant 48 : index
            %get3A_704 = tpu.vector_load %arg13[%get3A_702, %get3A_703] {strides = array<i32>} : memref<80x128xf32, #tpu.memory_space<vmem>>, vector<16xf32>,
            %mul3A_705 = vector.broadcast %squeeze3A_673 : f32 to vector<16xf32>
            %mul3A_706 = arith.mulf %get3A_704, %mul3A_705 : vector<16xf32>
            %swap3A_707 = arith.index_cast %add3A_677 : i32 to index
            %swap3A_708 = arith.constant 48 : index
            %swap3A_709 = tpu.vector_load %arg13[%swap3A_707, %swap3A_708] {strides = array<i32>} : memref<80x128xf32, #tpu.memory_space<vmem>>, vector<16xf32>,
            tpu.vector_store %arg13[%swap3A_707, %swap3A_708], %mul3A_706 {strides = array<i32>} : memref<80x128xf32, #tpu.memory_space<vmem>>, vector<16xf32>,
            %get3A_710 = arith.index_cast %add3A_677 : i32 to index
            %get3A_711 = arith.constant 64 : index
            %get3A_712 = tpu.vector_load %arg13[%get3A_710, %get3A_711] {strides = array<i32>} : memref<80x128xf32, #tpu.memory_space<vmem>>, vector<16xf32>,
            %mul3A_713 = vector.broadcast %squeeze3A_673 : f32 to vector<16xf32>
            %mul3A_714 = arith.mulf %get3A_712, %mul3A_713 : vector<16xf32>
            %swap3A_715 = arith.index_cast %add3A_677 : i32 to index
            %swap3A_716 = arith.constant 64 : index
            %swap3A_717 = tpu.vector_load %arg13[%swap3A_715, %swap3A_716] {strides = array<i32>} : memref<80x128xf32, #tpu.memory_space<vmem>>, vector<16xf32>,
            tpu.vector_store %arg13[%swap3A_715, %swap3A_716], %mul3A_714 {strides = array<i32>} : memref<80x128xf32, #tpu.memory_space<vmem>>, vector<16xf32>,
            %get3A_718 = arith.index_cast %add3A_677 : i32 to index
            %get3A_719 = arith.constant 80 : index
            %get3A_720 = tpu.vector_load %arg13[%get3A_718, %get3A_719] {strides = array<i32>} : memref<80x128xf32, #tpu.memory_space<vmem>>, vector<16xf32>,
            %mul3A_721 = vector.broadcast %squeeze3A_673 : f32 to vector<16xf32>
            %mul3A_722 = arith.mulf %get3A_720, %mul3A_721 : vector<16xf32>
            %swap3A_723 = arith.index_cast %add3A_677 : i32 to index
            %swap3A_724 = arith.constant 80 : index
            %swap3A_725 = tpu.vector_load %arg13[%swap3A_723, %swap3A_724] {strides = array<i32>} : memref<80x128xf32, #tpu.memory_space<vmem>>, vector<16xf32>,
            tpu.vector_store %arg13[%swap3A_723, %swap3A_724], %mul3A_722 {strides = array<i32>} : memref<80x128xf32, #tpu.memory_space<vmem>>, vector<16xf32>,
            %get3A_726 = arith.index_cast %add3A_677 : i32 to index
            %get3A_727 = arith.constant 96 : index
            %get3A_728 = tpu.vector_load %arg13[%get3A_726, %get3A_727] {strides = array<i32>} : memref<80x128xf32, #tpu.memory_space<vmem>>, vector<16xf32>,
            %mul3A_729 = vector.broadcast %squeeze3A_673 : f32 to vector<16xf32>
            %mul3A_730 = arith.mulf %get3A_728, %mul3A_729 : vector<16xf32>
            %swap3A_731 = arith.index_cast %add3A_677 : i32 to index
            %swap3A_732 = arith.constant 96 : index
            %swap3A_733 = tpu.vector_load %arg13[%swap3A_731, %swap3A_732] {strides = array<i32>} : memref<80x128xf32, #tpu.memory_space<vmem>>, vector<16xf32>,
            tpu.vector_store %arg13[%swap3A_731, %swap3A_732], %mul3A_730 {strides = array<i32>} : memref<80x128xf32, #tpu.memory_space<vmem>>, vector<16xf32>,
            %get3A_734 = arith.index_cast %add3A_677 : i32 to index
            %get3A_735 = arith.constant 112 : index
            %get3A_736 = tpu.vector_load %arg13[%get3A_734, %get3A_735] {strides = array<i32>} : memref<80x128xf32, #tpu.memory_space<vmem>>, vector<16xf32>,
            %mul3A_737 = vector.broadcast %squeeze3A_673 : f32 to vector<16xf32>
            %mul3A_738 = arith.mulf %get3A_736, %mul3A_737 : vector<16xf32>
            %swap3A_739 = arith.index_cast %add3A_677 : i32 to index
            %swap3A_740 = arith.constant 112 : index
            %swap3A_741 = tpu.vector_load %arg13[%swap3A_739, %swap3A_740] {strides = array<i32>} : memref<80x128xf32, #tpu.memory_space<vmem>>, vector<16xf32>,
            tpu.vector_store %arg13[%swap3A_739, %swap3A_740], %mul3A_738 {strides = array<i32>} : memref<80x128xf32, #tpu.memory_space<vmem>>, vector<16xf32>,
            %slice3A_742 = vector.extract_strided_slice %select_n3A_321 {offsets = [6], sizes = [1], strides = [1]} : vector<16xf32> to vector<1xf32>
            %squeeze3A_743 = vector.extract %slice3A_742[0] : f32 from vector<1xf32>
            %mul3A_744 = arith.constant 16 : i32
            %mul3A_745 = arith.muli %scan3A_288, %mul3A_744 : i32
            %add3A_746 = arith.constant 6 : i32
            %add3A_747 = arith.addi %mul3A_745, %add3A_746 : i32
            %get3A_748 = arith.index_cast %add3A_747 : i32 to index
            %get3A_749 = arith.constant 0 : index
            %get3A_750 = tpu.vector_load %arg13[%get3A_748, %get3A_749] {strides = array<i32>} : memref<80x128xf32, #tpu.memory_space<vmem>>, vector<16xf32>,
            %mul3A_751 = vector.broadcast %squeeze3A_743 : f32 to vector<16xf32>
            %mul3A_752 = arith.mulf %get3A_750, %mul3A_751 : vector<16xf32>
            %swap3A_753 = arith.index_cast %add3A_747 : i32 to index
            %swap3A_754 = arith.constant 0 : index
            %swap3A_755 = tpu.vector_load %arg13[%swap3A_753, %swap3A_754] {strides = array<i32>} : memref<80x128xf32, #tpu.memory_space<vmem>>, vector<16xf32>,
            tpu.vector_store %arg13[%swap3A_753, %swap3A_754], %mul3A_752 {strides = array<i32>} : memref<80x128xf32, #tpu.memory_space<vmem>>, vector<16xf32>,
            %get3A_756 = arith.index_cast %add3A_747 : i32 to index
            %get3A_757 = arith.constant 16 : index
            %get3A_758 = tpu.vector_load %arg13[%get3A_756, %get3A_757] {strides = array<i32>} : memref<80x128xf32, #tpu.memory_space<vmem>>, vector<16xf32>,
            %mul3A_759 = vector.broadcast %squeeze3A_743 : f32 to vector<16xf32>
            %mul3A_760 = arith.mulf %get3A_758, %mul3A_759 : vector<16xf32>
            %swap3A_761 = arith.index_cast %add3A_747 : i32 to index
            %swap3A_762 = arith.constant 16 : index
            %swap3A_763 = tpu.vector_load %arg13[%swap3A_761, %swap3A_762] {strides = array<i32>} : memref<80x128xf32, #tpu.memory_space<vmem>>, vector<16xf32>,
            tpu.vector_store %arg13[%swap3A_761, %swap3A_762], %mul3A_760 {strides = array<i32>} : memref<80x128xf32, #tpu.memory_space<vmem>>, vector<16xf32>,
            %get3A_764 = arith.index_cast %add3A_747 : i32 to index
            %get3A_765 = arith.constant 32 : index
            %get3A_766 = tpu.vector_load %arg13[%get3A_764, %get3A_765] {strides = array<i32>} : memref<80x128xf32, #tpu.memory_space<vmem>>, vector<16xf32>,
            %mul3A_767 = vector.broadcast %squeeze3A_743 : f32 to vector<16xf32>
            %mul3A_768 = arith.mulf %get3A_766, %mul3A_767 : vector<16xf32>
            %swap3A_769 = arith.index_cast %add3A_747 : i32 to index
            %swap3A_770 = arith.constant 32 : index
            %swap3A_771 = tpu.vector_load %arg13[%swap3A_769, %swap3A_770] {strides = array<i32>} : memref<80x128xf32, #tpu.memory_space<vmem>>, vector<16xf32>,
            tpu.vector_store %arg13[%swap3A_769, %swap3A_770], %mul3A_768 {strides = array<i32>} : memref<80x128xf32, #tpu.memory_space<vmem>>, vector<16xf32>,
            %get3A_772 = arith.index_cast %add3A_747 : i32 to index
            %get3A_773 = arith.constant 48 : index
            %get3A_774 = tpu.vector_load %arg13[%get3A_772, %get3A_773] {strides = array<i32>} : memref<80x128xf32, #tpu.memory_space<vmem>>, vector<16xf32>,
            %mul3A_775 = vector.broadcast %squeeze3A_743 : f32 to vector<16xf32>
            %mul3A_776 = arith.mulf %get3A_774, %mul3A_775 : vector<16xf32>
            %swap3A_777 = arith.index_cast %add3A_747 : i32 to index
            %swap3A_778 = arith.constant 48 : index
            %swap3A_779 = tpu.vector_load %arg13[%swap3A_777, %swap3A_778] {strides = array<i32>} : memref<80x128xf32, #tpu.memory_space<vmem>>, vector<16xf32>,
            tpu.vector_store %arg13[%swap3A_777, %swap3A_778], %mul3A_776 {strides = array<i32>} : memref<80x128xf32, #tpu.memory_space<vmem>>, vector<16xf32>,
            %get3A_780 = arith.index_cast %add3A_747 : i32 to index
            %get3A_781 = arith.constant 64 : index
            %get3A_782 = tpu.vector_load %arg13[%get3A_780, %get3A_781] {strides = array<i32>} : memref<80x128xf32, #tpu.memory_space<vmem>>, vector<16xf32>,
            %mul3A_783 = vector.broadcast %squeeze3A_743 : f32 to vector<16xf32>
            %mul3A_784 = arith.mulf %get3A_782, %mul3A_783 : vector<16xf32>
            %swap3A_785 = arith.index_cast %add3A_747 : i32 to index
            %swap3A_786 = arith.constant 64 : index
            %swap3A_787 = tpu.vector_load %arg13[%swap3A_785, %swap3A_786] {strides = array<i32>} : memref<80x128xf32, #tpu.memory_space<vmem>>, vector<16xf32>,
            tpu.vector_store %arg13[%swap3A_785, %swap3A_786], %mul3A_784 {strides = array<i32>} : memref<80x128xf32, #tpu.memory_space<vmem>>, vector<16xf32>,
            %get3A_788 = arith.index_cast %add3A_747 : i32 to index
            %get3A_789 = arith.constant 80 : index
            %get3A_790 = tpu.vector_load %arg13[%get3A_788, %get3A_789] {strides = array<i32>} : memref<80x128xf32, #tpu.memory_space<vmem>>, vector<16xf32>,
            %mul3A_791 = vector.broadcast %squeeze3A_743 : f32 to vector<16xf32>
            %mul3A_792 = arith.mulf %get3A_790, %mul3A_791 : vector<16xf32>
            %swap3A_793 = arith.index_cast %add3A_747 : i32 to index
            %swap3A_794 = arith.constant 80 : index
            %swap3A_795 = tpu.vector_load %arg13[%swap3A_793, %swap3A_794] {strides = array<i32>} : memref<80x128xf32, #tpu.memory_space<vmem>>, vector<16xf32>,
            tpu.vector_store %arg13[%swap3A_793, %swap3A_794], %mul3A_792 {strides = array<i32>} : memref<80x128xf32, #tpu.memory_space<vmem>>, vector<16xf32>,
            %get3A_796 = arith.index_cast %add3A_747 : i32 to index
            %get3A_797 = arith.constant 96 : index
            %get3A_798 = tpu.vector_load %arg13[%get3A_796, %get3A_797] {strides = array<i32>} : memref<80x128xf32, #tpu.memory_space<vmem>>, vector<16xf32>,
            %mul3A_799 = vector.broadcast %squeeze3A_743 : f32 to vector<16xf32>
            %mul3A_800 = arith.mulf %get3A_798, %mul3A_799 : vector<16xf32>
            %swap3A_801 = arith.index_cast %add3A_747 : i32 to index
            %swap3A_802 = arith.constant 96 : index
            %swap3A_803 = tpu.vector_load %arg13[%swap3A_801, %swap3A_802] {strides = array<i32>} : memref<80x128xf32, #tpu.memory_space<vmem>>, vector<16xf32>,
            tpu.vector_store %arg13[%swap3A_801, %swap3A_802], %mul3A_800 {strides = array<i32>} : memref<80x128xf32, #tpu.memory_space<vmem>>, vector<16xf32>,
            %get3A_804 = arith.index_cast %add3A_747 : i32 to index
            %get3A_805 = arith.constant 112 : index
            %get3A_806 = tpu.vector_load %arg13[%get3A_804, %get3A_805] {strides = array<i32>} : memref<80x128xf32, #tpu.memory_space<vmem>>, vector<16xf32>,
            %mul3A_807 = vector.broadcast %squeeze3A_743 : f32 to vector<16xf32>
            %mul3A_808 = arith.mulf %get3A_806, %mul3A_807 : vector<16xf32>
            %swap3A_809 = arith.index_cast %add3A_747 : i32 to index
            %swap3A_810 = arith.constant 112 : index
            %swap3A_811 = tpu.vector_load %arg13[%swap3A_809, %swap3A_810] {strides = array<i32>} : memref<80x128xf32, #tpu.memory_space<vmem>>, vector<16xf32>,
            tpu.vector_store %arg13[%swap3A_809, %swap3A_810], %mul3A_808 {strides = array<i32>} : memref<80x128xf32, #tpu.memory_space<vmem>>, vector<16xf32>,
            %slice3A_812 = vector.extract_strided_slice %select_n3A_321 {offsets = [7], sizes = [1], strides = [1]} : vector<16xf32> to vector<1xf32>
            %squeeze3A_813 = vector.extract %slice3A_812[0] : f32 from vector<1xf32>
            %mul3A_814 = arith.constant 16 : i32
            %mul3A_815 = arith.muli %scan3A_288, %mul3A_814 : i32
            %add3A_816 = arith.constant 7 : i32
            %add3A_817 = arith.addi %mul3A_815, %add3A_816 : i32
            %get3A_818 = arith.index_cast %add3A_817 : i32 to index
            %get3A_819 = arith.constant 0 : index
            %get3A_820 = tpu.vector_load %arg13[%get3A_818, %get3A_819] {strides = array<i32>} : memref<80x128xf32, #tpu.memory_space<vmem>>, vector<16xf32>,
            %mul3A_821 = vector.broadcast %squeeze3A_813 : f32 to vector<16xf32>
            %mul3A_822 = arith.mulf %get3A_820, %mul3A_821 : vector<16xf32>
            %swap3A_823 = arith.index_cast %add3A_817 : i32 to index
            %swap3A_824 = arith.constant 0 : index
            %swap3A_825 = tpu.vector_load %arg13[%swap3A_823, %swap3A_824] {strides = array<i32>} : memref<80x128xf32, #tpu.memory_space<vmem>>, vector<16xf32>,
            tpu.vector_store %arg13[%swap3A_823, %swap3A_824], %mul3A_822 {strides = array<i32>} : memref<80x128xf32, #tpu.memory_space<vmem>>, vector<16xf32>,
            %get3A_826 = arith.index_cast %add3A_817 : i32 to index
            %get3A_827 = arith.constant 16 : index
            %get3A_828 = tpu.vector_load %arg13[%get3A_826, %get3A_827] {strides = array<i32>} : memref<80x128xf32, #tpu.memory_space<vmem>>, vector<16xf32>,
            %mul3A_829 = vector.broadcast %squeeze3A_813 : f32 to vector<16xf32>
            %mul3A_830 = arith.mulf %get3A_828, %mul3A_829 : vector<16xf32>
            %swap3A_831 = arith.index_cast %add3A_817 : i32 to index
            %swap3A_832 = arith.constant 16 : index
            %swap3A_833 = tpu.vector_load %arg13[%swap3A_831, %swap3A_832] {strides = array<i32>} : memref<80x128xf32, #tpu.memory_space<vmem>>, vector<16xf32>,
            tpu.vector_store %arg13[%swap3A_831, %swap3A_832], %mul3A_830 {strides = array<i32>} : memref<80x128xf32, #tpu.memory_space<vmem>>, vector<16xf32>,
            %get3A_834 = arith.index_cast %add3A_817 : i32 to index
            %get3A_835 = arith.constant 32 : index
            %get3A_836 = tpu.vector_load %arg13[%get3A_834, %get3A_835] {strides = array<i32>} : memref<80x128xf32, #tpu.memory_space<vmem>>, vector<16xf32>,
            %mul3A_837 = vector.broadcast %squeeze3A_813 : f32 to vector<16xf32>
            %mul3A_838 = arith.mulf %get3A_836, %mul3A_837 : vector<16xf32>
            %swap3A_839 = arith.index_cast %add3A_817 : i32 to index
            %swap3A_840 = arith.constant 32 : index
            %swap3A_841 = tpu.vector_load %arg13[%swap3A_839, %swap3A_840] {strides = array<i32>} : memref<80x128xf32, #tpu.memory_space<vmem>>, vector<16xf32>,
            tpu.vector_store %arg13[%swap3A_839, %swap3A_840], %mul3A_838 {strides = array<i32>} : memref<80x128xf32, #tpu.memory_space<vmem>>, vector<16xf32>,
            %get3A_842 = arith.index_cast %add3A_817 : i32 to index
            %get3A_843 = arith.constant 48 : index
            %get3A_844 = tpu.vector_load %arg13[%get3A_842, %get3A_843] {strides = array<i32>} : memref<80x128xf32, #tpu.memory_space<vmem>>, vector<16xf32>,
            %mul3A_845 = vector.broadcast %squeeze3A_813 : f32 to vector<16xf32>
            %mul3A_846 = arith.mulf %get3A_844, %mul3A_845 : vector<16xf32>
            %swap3A_847 = arith.index_cast %add3A_817 : i32 to index
            %swap3A_848 = arith.constant 48 : index
            %swap3A_849 = tpu.vector_load %arg13[%swap3A_847, %swap3A_848] {strides = array<i32>} : memref<80x128xf32, #tpu.memory_space<vmem>>, vector<16xf32>,
            tpu.vector_store %arg13[%swap3A_847, %swap3A_848], %mul3A_846 {strides = array<i32>} : memref<80x128xf32, #tpu.memory_space<vmem>>, vector<16xf32>,
            %get3A_850 = arith.index_cast %add3A_817 : i32 to index
            %get3A_851 = arith.constant 64 : index
            %get3A_852 = tpu.vector_load %arg13[%get3A_850, %get3A_851] {strides = array<i32>} : memref<80x128xf32, #tpu.memory_space<vmem>>, vector<16xf32>,
            %mul3A_853 = vector.broadcast %squeeze3A_813 : f32 to vector<16xf32>
            %mul3A_854 = arith.mulf %get3A_852, %mul3A_853 : vector<16xf32>
            %swap3A_855 = arith.index_cast %add3A_817 : i32 to index
            %swap3A_856 = arith.constant 64 : index
            %swap3A_857 = tpu.vector_load %arg13[%swap3A_855, %swap3A_856] {strides = array<i32>} : memref<80x128xf32, #tpu.memory_space<vmem>>, vector<16xf32>,
            tpu.vector_store %arg13[%swap3A_855, %swap3A_856], %mul3A_854 {strides = array<i32>} : memref<80x128xf32, #tpu.memory_space<vmem>>, vector<16xf32>,
            %get3A_858 = arith.index_cast %add3A_817 : i32 to index
            %get3A_859 = arith.constant 80 : index
            %get3A_860 = tpu.vector_load %arg13[%get3A_858, %get3A_859] {strides = array<i32>} : memref<80x128xf32, #tpu.memory_space<vmem>>, vector<16xf32>,
            %mul3A_861 = vector.broadcast %squeeze3A_813 : f32 to vector<16xf32>
            %mul3A_862 = arith.mulf %get3A_860, %mul3A_861 : vector<16xf32>
            %swap3A_863 = arith.index_cast %add3A_817 : i32 to index
            %swap3A_864 = arith.constant 80 : index
            %swap3A_865 = tpu.vector_load %arg13[%swap3A_863, %swap3A_864] {strides = array<i32>} : memref<80x128xf32, #tpu.memory_space<vmem>>, vector<16xf32>,
            tpu.vector_store %arg13[%swap3A_863, %swap3A_864], %mul3A_862 {strides = array<i32>} : memref<80x128xf32, #tpu.memory_space<vmem>>, vector<16xf32>,
            %get3A_866 = arith.index_cast %add3A_817 : i32 to index
            %get3A_867 = arith.constant 96 : index
            %get3A_868 = tpu.vector_load %arg13[%get3A_866, %get3A_867] {strides = array<i32>} : memref<80x128xf32, #tpu.memory_space<vmem>>, vector<16xf32>,
            %mul3A_869 = vector.broadcast %squeeze3A_813 : f32 to vector<16xf32>
            %mul3A_870 = arith.mulf %get3A_868, %mul3A_869 : vector<16xf32>
            %swap3A_871 = arith.index_cast %add3A_817 : i32 to index
            %swap3A_872 = arith.constant 96 : index
            %swap3A_873 = tpu.vector_load %arg13[%swap3A_871, %swap3A_872] {strides = array<i32>} : memref<80x128xf32, #tpu.memory_space<vmem>>, vector<16xf32>,
            tpu.vector_store %arg13[%swap3A_871, %swap3A_872], %mul3A_870 {strides = array<i32>} : memref<80x128xf32, #tpu.memory_space<vmem>>, vector<16xf32>,
            %get3A_874 = arith.index_cast %add3A_817 : i32 to index
            %get3A_875 = arith.constant 112 : index
            %get3A_876 = tpu.vector_load %arg13[%get3A_874, %get3A_875] {strides = array<i32>} : memref<80x128xf32, #tpu.memory_space<vmem>>, vector<16xf32>,
            %mul3A_877 = vector.broadcast %squeeze3A_813 : f32 to vector<16xf32>
            %mul3A_878 = arith.mulf %get3A_876, %mul3A_877 : vector<16xf32>
            %swap3A_879 = arith.index_cast %add3A_817 : i32 to index
            %swap3A_880 = arith.constant 112 : index
            %swap3A_881 = tpu.vector_load %arg13[%swap3A_879, %swap3A_880] {strides = array<i32>} : memref<80x128xf32, #tpu.memory_space<vmem>>, vector<16xf32>,
            tpu.vector_store %arg13[%swap3A_879, %swap3A_880], %mul3A_878 {strides = array<i32>} : memref<80x128xf32, #tpu.memory_space<vmem>>, vector<16xf32>,
            %slice3A_882 = vector.extract_strided_slice %select_n3A_321 {offsets = [8], sizes = [1], strides = [1]} : vector<16xf32> to vector<1xf32>
            %squeeze3A_883 = vector.extract %slice3A_882[0] : f32 from vector<1xf32>
            %mul3A_884 = arith.constant 16 : i32
            %mul3A_885 = arith.muli %scan3A_288, %mul3A_884 : i32
            %add3A_886 = arith.constant 8 : i32
            %add3A_887 = arith.addi %mul3A_885, %add3A_886 : i32
            %get3A_888 = arith.index_cast %add3A_887 : i32 to index
            %get3A_889 = arith.constant 0 : index
            %get3A_890 = tpu.vector_load %arg13[%get3A_888, %get3A_889] {strides = array<i32>} : memref<80x128xf32, #tpu.memory_space<vmem>>, vector<16xf32>,
            %mul3A_891 = vector.broadcast %squeeze3A_883 : f32 to vector<16xf32>
            %mul3A_892 = arith.mulf %get3A_890, %mul3A_891 : vector<16xf32>
            %swap3A_893 = arith.index_cast %add3A_887 : i32 to index
            %swap3A_894 = arith.constant 0 : index
            %swap3A_895 = tpu.vector_load %arg13[%swap3A_893, %swap3A_894] {strides = array<i32>} : memref<80x128xf32, #tpu.memory_space<vmem>>, vector<16xf32>,
            tpu.vector_store %arg13[%swap3A_893, %swap3A_894], %mul3A_892 {strides = array<i32>} : memref<80x128xf32, #tpu.memory_space<vmem>>, vector<16xf32>,
            %get3A_896 = arith.index_cast %add3A_887 : i32 to index
            %get3A_897 = arith.constant 16 : index
            %get3A_898 = tpu.vector_load %arg13[%get3A_896, %get3A_897] {strides = array<i32>} : memref<80x128xf32, #tpu.memory_space<vmem>>, vector<16xf32>,
            %mul3A_899 = vector.broadcast %squeeze3A_883 : f32 to vector<16xf32>
            %mul3A_900 = arith.mulf %get3A_898, %mul3A_899 : vector<16xf32>
            %swap3A_901 = arith.index_cast %add3A_887 : i32 to index
            %swap3A_902 = arith.constant 16 : index
            %swap3A_903 = tpu.vector_load %arg13[%swap3A_901, %swap3A_902] {strides = array<i32>} : memref<80x128xf32, #tpu.memory_space<vmem>>, vector<16xf32>,
            tpu.vector_store %arg13[%swap3A_901, %swap3A_902], %mul3A_900 {strides = array<i32>} : memref<80x128xf32, #tpu.memory_space<vmem>>, vector<16xf32>,
            %get3A_904 = arith.index_cast %add3A_887 : i32 to index
            %get3A_905 = arith.constant 32 : index
            %get3A_906 = tpu.vector_load %arg13[%get3A_904, %get3A_905] {strides = array<i32>} : memref<80x128xf32, #tpu.memory_space<vmem>>, vector<16xf32>,
            %mul3A_907 = vector.broadcast %squeeze3A_883 : f32 to vector<16xf32>
            %mul3A_908 = arith.mulf %get3A_906, %mul3A_907 : vector<16xf32>
            %swap3A_909 = arith.index_cast %add3A_887 : i32 to index
            %swap3A_910 = arith.constant 32 : index
            %swap3A_911 = tpu.vector_load %arg13[%swap3A_909, %swap3A_910] {strides = array<i32>} : memref<80x128xf32, #tpu.memory_space<vmem>>, vector<16xf32>,
            tpu.vector_store %arg13[%swap3A_909, %swap3A_910], %mul3A_908 {strides = array<i32>} : memref<80x128xf32, #tpu.memory_space<vmem>>, vector<16xf32>,
            %get3A_912 = arith.index_cast %add3A_887 : i32 to index
            %get3A_913 = arith.constant 48 : index
            %get3A_914 = tpu.vector_load %arg13[%get3A_912, %get3A_913] {strides = array<i32>} : memref<80x128xf32, #tpu.memory_space<vmem>>, vector<16xf32>,
            %mul3A_915 = vector.broadcast %squeeze3A_883 : f32 to vector<16xf32>
            %mul3A_916 = arith.mulf %get3A_914, %mul3A_915 : vector<16xf32>
            %swap3A_917 = arith.index_cast %add3A_887 : i32 to index
            %swap3A_918 = arith.constant 48 : index
            %swap3A_919 = tpu.vector_load %arg13[%swap3A_917, %swap3A_918] {strides = array<i32>} : memref<80x128xf32, #tpu.memory_space<vmem>>, vector<16xf32>,
            tpu.vector_store %arg13[%swap3A_917, %swap3A_918], %mul3A_916 {strides = array<i32>} : memref<80x128xf32, #tpu.memory_space<vmem>>, vector<16xf32>,
            %get3A_920 = arith.index_cast %add3A_887 : i32 to index
            %get3A_921 = arith.constant 64 : index
            %get3A_922 = tpu.vector_load %arg13[%get3A_920, %get3A_921] {strides = array<i32>} : memref<80x128xf32, #tpu.memory_space<vmem>>, vector<16xf32>,
            %mul3A_923 = vector.broadcast %squeeze3A_883 : f32 to vector<16xf32>
            %mul3A_924 = arith.mulf %get3A_922, %mul3A_923 : vector<16xf32>
            %swap3A_925 = arith.index_cast %add3A_887 : i32 to index
            %swap3A_926 = arith.constant 64 : index
            %swap3A_927 = tpu.vector_load %arg13[%swap3A_925, %swap3A_926] {strides = array<i32>} : memref<80x128xf32, #tpu.memory_space<vmem>>, vector<16xf32>,
            tpu.vector_store %arg13[%swap3A_925, %swap3A_926], %mul3A_924 {strides = array<i32>} : memref<80x128xf32, #tpu.memory_space<vmem>>, vector<16xf32>,
            %get3A_928 = arith.index_cast %add3A_887 : i32 to index
            %get3A_929 = arith.constant 80 : index
            %get3A_930 = tpu.vector_load %arg13[%get3A_928, %get3A_929] {strides = array<i32>} : memref<80x128xf32, #tpu.memory_space<vmem>>, vector<16xf32>,
            %mul3A_931 = vector.broadcast %squeeze3A_883 : f32 to vector<16xf32>
            %mul3A_932 = arith.mulf %get3A_930, %mul3A_931 : vector<16xf32>
            %swap3A_933 = arith.index_cast %add3A_887 : i32 to index
            %swap3A_934 = arith.constant 80 : index
            %swap3A_935 = tpu.vector_load %arg13[%swap3A_933, %swap3A_934] {strides = array<i32>} : memref<80x128xf32, #tpu.memory_space<vmem>>, vector<16xf32>,
            tpu.vector_store %arg13[%swap3A_933, %swap3A_934], %mul3A_932 {strides = array<i32>} : memref<80x128xf32, #tpu.memory_space<vmem>>, vector<16xf32>,
            %get3A_936 = arith.index_cast %add3A_887 : i32 to index
            %get3A_937 = arith.constant 96 : index
            %get3A_938 = tpu.vector_load %arg13[%get3A_936, %get3A_937] {strides = array<i32>} : memref<80x128xf32, #tpu.memory_space<vmem>>, vector<16xf32>,
            %mul3A_939 = vector.broadcast %squeeze3A_883 : f32 to vector<16xf32>
            %mul3A_940 = arith.mulf %get3A_938, %mul3A_939 : vector<16xf32>
            %swap3A_941 = arith.index_cast %add3A_887 : i32 to index
            %swap3A_942 = arith.constant 96 : index
            %swap3A_943 = tpu.vector_load %arg13[%swap3A_941, %swap3A_942] {strides = array<i32>} : memref<80x128xf32, #tpu.memory_space<vmem>>, vector<16xf32>,
            tpu.vector_store %arg13[%swap3A_941, %swap3A_942], %mul3A_940 {strides = array<i32>} : memref<80x128xf32, #tpu.memory_space<vmem>>, vector<16xf32>,
            %get3A_944 = arith.index_cast %add3A_887 : i32 to index
            %get3A_945 = arith.constant 112 : index
            %get3A_946 = tpu.vector_load %arg13[%get3A_944, %get3A_945] {strides = array<i32>} : memref<80x128xf32, #tpu.memory_space<vmem>>, vector<16xf32>,
            %mul3A_947 = vector.broadcast %squeeze3A_883 : f32 to vector<16xf32>
            %mul3A_948 = arith.mulf %get3A_946, %mul3A_947 : vector<16xf32>
            %swap3A_949 = arith.index_cast %add3A_887 : i32 to index
            %swap3A_950 = arith.constant 112 : index
            %swap3A_951 = tpu.vector_load %arg13[%swap3A_949, %swap3A_950] {strides = array<i32>} : memref<80x128xf32, #tpu.memory_space<vmem>>, vector<16xf32>,
            tpu.vector_store %arg13[%swap3A_949, %swap3A_950], %mul3A_948 {strides = array<i32>} : memref<80x128xf32, #tpu.memory_space<vmem>>, vector<16xf32>,
            %slice3A_952 = vector.extract_strided_slice %select_n3A_321 {offsets = [9], sizes = [1], strides = [1]} : vector<16xf32> to vector<1xf32>
            %squeeze3A_953 = vector.extract %slice3A_952[0] : f32 from vector<1xf32>
            %mul3A_954 = arith.constant 16 : i32
            %mul3A_955 = arith.muli %scan3A_288, %mul3A_954 : i32
            %add3A_956 = arith.constant 9 : i32
            %add3A_957 = arith.addi %mul3A_955, %add3A_956 : i32
            %get3A_958 = arith.index_cast %add3A_957 : i32 to index
            %get3A_959 = arith.constant 0 : index
            %get3A_960 = tpu.vector_load %arg13[%get3A_958, %get3A_959] {strides = array<i32>} : memref<80x128xf32, #tpu.memory_space<vmem>>, vector<16xf32>,
            %mul3A_961 = vector.broadcast %squeeze3A_953 : f32 to vector<16xf32>
            %mul3A_962 = arith.mulf %get3A_960, %mul3A_961 : vector<16xf32>
            %swap3A_963 = arith.index_cast %add3A_957 : i32 to index
            %swap3A_964 = arith.constant 0 : index
            %swap3A_965 = tpu.vector_load %arg13[%swap3A_963, %swap3A_964] {strides = array<i32>} : memref<80x128xf32, #tpu.memory_space<vmem>>, vector<16xf32>,
            tpu.vector_store %arg13[%swap3A_963, %swap3A_964], %mul3A_962 {strides = array<i32>} : memref<80x128xf32, #tpu.memory_space<vmem>>, vector<16xf32>,
            %get3A_966 = arith.index_cast %add3A_957 : i32 to index
            %get3A_967 = arith.constant 16 : index
            %get3A_968 = tpu.vector_load %arg13[%get3A_966, %get3A_967] {strides = array<i32>} : memref<80x128xf32, #tpu.memory_space<vmem>>, vector<16xf32>,
            %mul3A_969 = vector.broadcast %squeeze3A_953 : f32 to vector<16xf32>
            %mul3A_970 = arith.mulf %get3A_968, %mul3A_969 : vector<16xf32>
            %swap3A_971 = arith.index_cast %add3A_957 : i32 to index
            %swap3A_972 = arith.constant 16 : index
            %swap3A_973 = tpu.vector_load %arg13[%swap3A_971, %swap3A_972] {strides = array<i32>} : memref<80x128xf32, #tpu.memory_space<vmem>>, vector<16xf32>,
            tpu.vector_store %arg13[%swap3A_971, %swap3A_972], %mul3A_970 {strides = array<i32>} : memref<80x128xf32, #tpu.memory_space<vmem>>, vector<16xf32>,
            %get3A_974 = arith.index_cast %add3A_957 : i32 to index
            %get3A_975 = arith.constant 32 : index
            %get3A_976 = tpu.vector_load %arg13[%get3A_974, %get3A_975] {strides = array<i32>} : memref<80x128xf32, #tpu.memory_space<vmem>>, vector<16xf32>,
            %mul3A_977 = vector.broadcast %squeeze3A_953 : f32 to vector<16xf32>
            %mul3A_978 = arith.mulf %get3A_976, %mul3A_977 : vector<16xf32>
            %swap3A_979 = arith.index_cast %add3A_957 : i32 to index
            %swap3A_980 = arith.constant 32 : index
            %swap3A_981 = tpu.vector_load %arg13[%swap3A_979, %swap3A_980] {strides = array<i32>} : memref<80x128xf32, #tpu.memory_space<vmem>>, vector<16xf32>,
            tpu.vector_store %arg13[%swap3A_979, %swap3A_980], %mul3A_978 {strides = array<i32>} : memref<80x128xf32, #tpu.memory_space<vmem>>, vector<16xf32>,
            %get3A_982 = arith.index_cast %add3A_957 : i32 to index
            %get3A_983 = arith.constant 48 : index
            %get3A_984 = tpu.vector_load %arg13[%get3A_982, %get3A_983] {strides = array<i32>} : memref<80x128xf32, #tpu.memory_space<vmem>>, vector<16xf32>,
            %mul3A_985 = vector.broadcast %squeeze3A_953 : f32 to vector<16xf32>
            %mul3A_986 = arith.mulf %get3A_984, %mul3A_985 : vector<16xf32>
            %swap3A_987 = arith.index_cast %add3A_957 : i32 to index
            %swap3A_988 = arith.constant 48 : index
            %swap3A_989 = tpu.vector_load %arg13[%swap3A_987, %swap3A_988] {strides = array<i32>} : memref<80x128xf32, #tpu.memory_space<vmem>>, vector<16xf32>,
            tpu.vector_store %arg13[%swap3A_987, %swap3A_988], %mul3A_986 {strides = array<i32>} : memref<80x128xf32, #tpu.memory_space<vmem>>, vector<16xf32>,
            %get3A_990 = arith.index_cast %add3A_957 : i32 to index
            %get3A_991 = arith.constant 64 : index
            %get3A_992 = tpu.vector_load %arg13[%get3A_990, %get3A_991] {strides = array<i32>} : memref<80x128xf32, #tpu.memory_space<vmem>>, vector<16xf32>,
            %mul3A_993 = vector.broadcast %squeeze3A_953 : f32 to vector<16xf32>
            %mul3A_994 = arith.mulf %get3A_992, %mul3A_993 : vector<16xf32>
            %swap3A_995 = arith.index_cast %add3A_957 : i32 to index
            %swap3A_996 = arith.constant 64 : index
            %swap3A_997 = tpu.vector_load %arg13[%swap3A_995, %swap3A_996] {strides = array<i32>} : memref<80x128xf32, #tpu.memory_space<vmem>>, vector<16xf32>,
            tpu.vector_store %arg13[%swap3A_995, %swap3A_996], %mul3A_994 {strides = array<i32>} : memref<80x128xf32, #tpu.memory_space<vmem>>, vector<16xf32>,
            %get3A_998 = arith.index_cast %add3A_957 : i32 to index
            %get3A_999 = arith.constant 80 : index
            %get3A_1000 = tpu.vector_load %arg13[%get3A_998, %get3A_999] {strides = array<i32>} : memref<80x128xf32, #tpu.memory_space<vmem>>, vector<16xf32>,
            %mul3A_1001 = vector.broadcast %squeeze3A_953 : f32 to vector<16xf32>
            %mul3A_1002 = arith.mulf %get3A_1000, %mul3A_1001 : vector<16xf32>
            %swap3A_1003 = arith.index_cast %add3A_957 : i32 to index
            %swap3A_1004 = arith.constant 80 : index
            %swap3A_1005 = tpu.vector_load %arg13[%swap3A_1003, %swap3A_1004] {strides = array<i32>} : memref<80x128xf32, #tpu.memory_space<vmem>>, vector<16xf32>,
            tpu.vector_store %arg13[%swap3A_1003, %swap3A_1004], %mul3A_1002 {strides = array<i32>} : memref<80x128xf32, #tpu.memory_space<vmem>>, vector<16xf32>,
            %get3A_1006 = arith.index_cast %add3A_957 : i32 to index
            %get3A_1007 = arith.constant 96 : index
            %get3A_1008 = tpu.vector_load %arg13[%get3A_1006, %get3A_1007] {strides = array<i32>} : memref<80x128xf32, #tpu.memory_space<vmem>>, vector<16xf32>,
            %mul3A_1009 = vector.broadcast %squeeze3A_953 : f32 to vector<16xf32>
            %mul3A_1010 = arith.mulf %get3A_1008, %mul3A_1009 : vector<16xf32>
            %swap3A_1011 = arith.index_cast %add3A_957 : i32 to index
            %swap3A_1012 = arith.constant 96 : index
            %swap3A_1013 = tpu.vector_load %arg13[%swap3A_1011, %swap3A_1012] {strides = array<i32>} : memref<80x128xf32, #tpu.memory_space<vmem>>, vector<16xf32>,
            tpu.vector_store %arg13[%swap3A_1011, %swap3A_1012], %mul3A_1010 {strides = array<i32>} : memref<80x128xf32, #tpu.memory_space<vmem>>, vector<16xf32>,
            %get3A_1014 = arith.index_cast %add3A_957 : i32 to index
            %get3A_1015 = arith.constant 112 : index
            %get3A_1016 = tpu.vector_load %arg13[%get3A_1014, %get3A_1015] {strides = array<i32>} : memref<80x128xf32, #tpu.memory_space<vmem>>, vector<16xf32>,
            %mul3A_1017 = vector.broadcast %squeeze3A_953 : f32 to vector<16xf32>
            %mul3A_1018 = arith.mulf %get3A_1016, %mul3A_1017 : vector<16xf32>
            %swap3A_1019 = arith.index_cast %add3A_957 : i32 to index
            %swap3A_1020 = arith.constant 112 : index
            %swap3A_1021 = tpu.vector_load %arg13[%swap3A_1019, %swap3A_1020] {strides = array<i32>} : memref<80x128xf32, #tpu.memory_space<vmem>>, vector<16xf32>,
            tpu.vector_store %arg13[%swap3A_1019, %swap3A_1020], %mul3A_1018 {strides = array<i32>} : memref<80x128xf32, #tpu.memory_space<vmem>>, vector<16xf32>,
            %slice3A_1022 = vector.extract_strided_slice %select_n3A_321 {offsets = [10], sizes = [1], strides = [1]} : vector<16xf32> to vector<1xf32>
            %squeeze3A_1023 = vector.extract %slice3A_1022[0] : f32 from vector<1xf32>
            %mul3A_1024 = arith.constant 16 : i32
            %mul3A_1025 = arith.muli %scan3A_288, %mul3A_1024 : i32
            %add3A_1026 = arith.constant 10 : i32
            %add3A_1027 = arith.addi %mul3A_1025, %add3A_1026 : i32
            %get3A_1028 = arith.index_cast %add3A_1027 : i32 to index
            %get3A_1029 = arith.constant 0 : index
            %get3A_1030 = tpu.vector_load %arg13[%get3A_1028, %get3A_1029] {strides = array<i32>} : memref<80x128xf32, #tpu.memory_space<vmem>>, vector<16xf32>,
            %mul3A_1031 = vector.broadcast %squeeze3A_1023 : f32 to vector<16xf32>
            %mul3A_1032 = arith.mulf %get3A_1030, %mul3A_1031 : vector<16xf32>
            %swap3A_1033 = arith.index_cast %add3A_1027 : i32 to index
            %swap3A_1034 = arith.constant 0 : index
            %swap3A_1035 = tpu.vector_load %arg13[%swap3A_1033, %swap3A_1034] {strides = array<i32>} : memref<80x128xf32, #tpu.memory_space<vmem>>, vector<16xf32>,
            tpu.vector_store %arg13[%swap3A_1033, %swap3A_1034], %mul3A_1032 {strides = array<i32>} : memref<80x128xf32, #tpu.memory_space<vmem>>, vector<16xf32>,
            %get3A_1036 = arith.index_cast %add3A_1027 : i32 to index
            %get3A_1037 = arith.constant 16 : index
            %get3A_1038 = tpu.vector_load %arg13[%get3A_1036, %get3A_1037] {strides = array<i32>} : memref<80x128xf32, #tpu.memory_space<vmem>>, vector<16xf32>,
            %mul3A_1039 = vector.broadcast %squeeze3A_1023 : f32 to vector<16xf32>
            %mul3A_1040 = arith.mulf %get3A_1038, %mul3A_1039 : vector<16xf32>
            %swap3A_1041 = arith.index_cast %add3A_1027 : i32 to index
            %swap3A_1042 = arith.constant 16 : index
            %swap3A_1043 = tpu.vector_load %arg13[%swap3A_1041, %swap3A_1042] {strides = array<i32>} : memref<80x128xf32, #tpu.memory_space<vmem>>, vector<16xf32>,
            tpu.vector_store %arg13[%swap3A_1041, %swap3A_1042], %mul3A_1040 {strides = array<i32>} : memref<80x128xf32, #tpu.memory_space<vmem>>, vector<16xf32>,
            %get3A_1044 = arith.index_cast %add3A_1027 : i32 to index
            %get3A_1045 = arith.constant 32 : index
            %get3A_1046 = tpu.vector_load %arg13[%get3A_1044, %get3A_1045] {strides = array<i32>} : memref<80x128xf32, #tpu.memory_space<vmem>>, vector<16xf32>,
            %mul3A_1047 = vector.broadcast %squeeze3A_1023 : f32 to vector<16xf32>
            %mul3A_1048 = arith.mulf %get3A_1046, %mul3A_1047 : vector<16xf32>
            %swap3A_1049 = arith.index_cast %add3A_1027 : i32 to index
            %swap3A_1050 = arith.constant 32 : index
            %swap3A_1051 = tpu.vector_load %arg13[%swap3A_1049, %swap3A_1050] {strides = array<i32>} : memref<80x128xf32, #tpu.memory_space<vmem>>, vector<16xf32>,
            tpu.vector_store %arg13[%swap3A_1049, %swap3A_1050], %mul3A_1048 {strides = array<i32>} : memref<80x128xf32, #tpu.memory_space<vmem>>, vector<16xf32>,
            %get3A_1052 = arith.index_cast %add3A_1027 : i32 to index
            %get3A_1053 = arith.constant 48 : index
            %get3A_1054 = tpu.vector_load %arg13[%get3A_1052, %get3A_1053] {strides = array<i32>} : memref<80x128xf32, #tpu.memory_space<vmem>>, vector<16xf32>,
            %mul3A_1055 = vector.broadcast %squeeze3A_1023 : f32 to vector<16xf32>
            %mul3A_1056 = arith.mulf %get3A_1054, %mul3A_1055 : vector<16xf32>
            %swap3A_1057 = arith.index_cast %add3A_1027 : i32 to index
            %swap3A_1058 = arith.constant 48 : index
            %swap3A_1059 = tpu.vector_load %arg13[%swap3A_1057, %swap3A_1058] {strides = array<i32>} : memref<80x128xf32, #tpu.memory_space<vmem>>, vector<16xf32>,
            tpu.vector_store %arg13[%swap3A_1057, %swap3A_1058], %mul3A_1056 {strides = array<i32>} : memref<80x128xf32, #tpu.memory_space<vmem>>, vector<16xf32>,
            %get3A_1060 = arith.index_cast %add3A_1027 : i32 to index
            %get3A_1061 = arith.constant 64 : index
            %get3A_1062 = tpu.vector_load %arg13[%get3A_1060, %get3A_1061] {strides = array<i32>} : memref<80x128xf32, #tpu.memory_space<vmem>>, vector<16xf32>,
            %mul3A_1063 = vector.broadcast %squeeze3A_1023 : f32 to vector<16xf32>
            %mul3A_1064 = arith.mulf %get3A_1062, %mul3A_1063 : vector<16xf32>
            %swap3A_1065 = arith.index_cast %add3A_1027 : i32 to index
            %swap3A_1066 = arith.constant 64 : index
            %swap3A_1067 = tpu.vector_load %arg13[%swap3A_1065, %swap3A_1066] {strides = array<i32>} : memref<80x128xf32, #tpu.memory_space<vmem>>, vector<16xf32>,
            tpu.vector_store %arg13[%swap3A_1065, %swap3A_1066], %mul3A_1064 {strides = array<i32>} : memref<80x128xf32, #tpu.memory_space<vmem>>, vector<16xf32>,
            %get3A_1068 = arith.index_cast %add3A_1027 : i32 to index
            %get3A_1069 = arith.constant 80 : index
            %get3A_1070 = tpu.vector_load %arg13[%get3A_1068, %get3A_1069] {strides = array<i32>} : memref<80x128xf32, #tpu.memory_space<vmem>>, vector<16xf32>,
            %mul3A_1071 = vector.broadcast %squeeze3A_1023 : f32 to vector<16xf32>
            %mul3A_1072 = arith.mulf %get3A_1070, %mul3A_1071 : vector<16xf32>
            %swap3A_1073 = arith.index_cast %add3A_1027 : i32 to index
            %swap3A_1074 = arith.constant 80 : index
            %swap3A_1075 = tpu.vector_load %arg13[%swap3A_1073, %swap3A_1074] {strides = array<i32>} : memref<80x128xf32, #tpu.memory_space<vmem>>, vector<16xf32>,
            tpu.vector_store %arg13[%swap3A_1073, %swap3A_1074], %mul3A_1072 {strides = array<i32>} : memref<80x128xf32, #tpu.memory_space<vmem>>, vector<16xf32>,
            %get3A_1076 = arith.index_cast %add3A_1027 : i32 to index
            %get3A_1077 = arith.constant 96 : index
            %get3A_1078 = tpu.vector_load %arg13[%get3A_1076, %get3A_1077] {strides = array<i32>} : memref<80x128xf32, #tpu.memory_space<vmem>>, vector<16xf32>,
            %mul3A_1079 = vector.broadcast %squeeze3A_1023 : f32 to vector<16xf32>
            %mul3A_1080 = arith.mulf %get3A_1078, %mul3A_1079 : vector<16xf32>
            %swap3A_1081 = arith.index_cast %add3A_1027 : i32 to index
            %swap3A_1082 = arith.constant 96 : index
            %swap3A_1083 = tpu.vector_load %arg13[%swap3A_1081, %swap3A_1082] {strides = array<i32>} : memref<80x128xf32, #tpu.memory_space<vmem>>, vector<16xf32>,
            tpu.vector_store %arg13[%swap3A_1081, %swap3A_1082], %mul3A_1080 {strides = array<i32>} : memref<80x128xf32, #tpu.memory_space<vmem>>, vector<16xf32>,
            %get3A_1084 = arith.index_cast %add3A_1027 : i32 to index
            %get3A_1085 = arith.constant 112 : index
            %get3A_1086 = tpu.vector_load %arg13[%get3A_1084, %get3A_1085] {strides = array<i32>} : memref<80x128xf32, #tpu.memory_space<vmem>>, vector<16xf32>,
            %mul3A_1087 = vector.broadcast %squeeze3A_1023 : f32 to vector<16xf32>
            %mul3A_1088 = arith.mulf %get3A_1086, %mul3A_1087 : vector<16xf32>
            %swap3A_1089 = arith.index_cast %add3A_1027 : i32 to index
            %swap3A_1090 = arith.constant 112 : index
            %swap3A_1091 = tpu.vector_load %arg13[%swap3A_1089, %swap3A_1090] {strides = array<i32>} : memref<80x128xf32, #tpu.memory_space<vmem>>, vector<16xf32>,
            tpu.vector_store %arg13[%swap3A_1089, %swap3A_1090], %mul3A_1088 {strides = array<i32>} : memref<80x128xf32, #tpu.memory_space<vmem>>, vector<16xf32>,
            %slice3A_1092 = vector.extract_strided_slice %select_n3A_321 {offsets = [11], sizes = [1], strides = [1]} : vector<16xf32> to vector<1xf32>
            %squeeze3A_1093 = vector.extract %slice3A_1092[0] : f32 from vector<1xf32>
            %mul3A_1094 = arith.constant 16 : i32
            %mul3A_1095 = arith.muli %scan3A_288, %mul3A_1094 : i32
            %add3A_1096 = arith.constant 11 : i32
            %add3A_1097 = arith.addi %mul3A_1095, %add3A_1096 : i32
            %get3A_1098 = arith.index_cast %add3A_1097 : i32 to index
            %get3A_1099 = arith.constant 0 : index
            %get3A_1100 = tpu.vector_load %arg13[%get3A_1098, %get3A_1099] {strides = array<i32>} : memref<80x128xf32, #tpu.memory_space<vmem>>, vector<16xf32>,
            %mul3A_1101 = vector.broadcast %squeeze3A_1093 : f32 to vector<16xf32>
            %mul3A_1102 = arith.mulf %get3A_1100, %mul3A_1101 : vector<16xf32>
            %swap3A_1103 = arith.index_cast %add3A_1097 : i32 to index
            %swap3A_1104 = arith.constant 0 : index
            %swap3A_1105 = tpu.vector_load %arg13[%swap3A_1103, %swap3A_1104] {strides = array<i32>} : memref<80x128xf32, #tpu.memory_space<vmem>>, vector<16xf32>,
            tpu.vector_store %arg13[%swap3A_1103, %swap3A_1104], %mul3A_1102 {strides = array<i32>} : memref<80x128xf32, #tpu.memory_space<vmem>>, vector<16xf32>,
            %get3A_1106 = arith.index_cast %add3A_1097 : i32 to index
            %get3A_1107 = arith.constant 16 : index
            %get3A_1108 = tpu.vector_load %arg13[%get3A_1106, %get3A_1107] {strides = array<i32>} : memref<80x128xf32, #tpu.memory_space<vmem>>, vector<16xf32>,
            %mul3A_1109 = vector.broadcast %squeeze3A_1093 : f32 to vector<16xf32>
            %mul3A_1110 = arith.mulf %get3A_1108, %mul3A_1109 : vector<16xf32>
            %swap3A_1111 = arith.index_cast %add3A_1097 : i32 to index
            %swap3A_1112 = arith.constant 16 : index
            %swap3A_1113 = tpu.vector_load %arg13[%swap3A_1111, %swap3A_1112] {strides = array<i32>} : memref<80x128xf32, #tpu.memory_space<vmem>>, vector<16xf32>,
            tpu.vector_store %arg13[%swap3A_1111, %swap3A_1112], %mul3A_1110 {strides = array<i32>} : memref<80x128xf32, #tpu.memory_space<vmem>>, vector<16xf32>,
            %get3A_1114 = arith.index_cast %add3A_1097 : i32 to index
            %get3A_1115 = arith.constant 32 : index
            %get3A_1116 = tpu.vector_load %arg13[%get3A_1114, %get3A_1115] {strides = array<i32>} : memref<80x128xf32, #tpu.memory_space<vmem>>, vector<16xf32>,
            %mul3A_1117 = vector.broadcast %squeeze3A_1093 : f32 to vector<16xf32>
            %mul3A_1118 = arith.mulf %get3A_1116, %mul3A_1117 : vector<16xf32>
            %swap3A_1119 = arith.index_cast %add3A_1097 : i32 to index
            %swap3A_1120 = arith.constant 32 : index
            %swap3A_1121 = tpu.vector_load %arg13[%swap3A_1119, %swap3A_1120] {strides = array<i32>} : memref<80x128xf32, #tpu.memory_space<vmem>>, vector<16xf32>,
            tpu.vector_store %arg13[%swap3A_1119, %swap3A_1120], %mul3A_1118 {strides = array<i32>} : memref<80x128xf32, #tpu.memory_space<vmem>>, vector<16xf32>,
            %get3A_1122 = arith.index_cast %add3A_1097 : i32 to index
            %get3A_1123 = arith.constant 48 : index
            %get3A_1124 = tpu.vector_load %arg13[%get3A_1122, %get3A_1123] {strides = array<i32>} : memref<80x128xf32, #tpu.memory_space<vmem>>, vector<16xf32>,
            %mul3A_1125 = vector.broadcast %squeeze3A_1093 : f32 to vector<16xf32>
            %mul3A_1126 = arith.mulf %get3A_1124, %mul3A_1125 : vector<16xf32>
            %swap3A_1127 = arith.index_cast %add3A_1097 : i32 to index
            %swap3A_1128 = arith.constant 48 : index
            %swap3A_1129 = tpu.vector_load %arg13[%swap3A_1127, %swap3A_1128] {strides = array<i32>} : memref<80x128xf32, #tpu.memory_space<vmem>>, vector<16xf32>,
            tpu.vector_store %arg13[%swap3A_1127, %swap3A_1128], %mul3A_1126 {strides = array<i32>} : memref<80x128xf32, #tpu.memory_space<vmem>>, vector<16xf32>,
            %get3A_1130 = arith.index_cast %add3A_1097 : i32 to index
            %get3A_1131 = arith.constant 64 : index
            %get3A_1132 = tpu.vector_load %arg13[%get3A_1130, %get3A_1131] {strides = array<i32>} : memref<80x128xf32, #tpu.memory_space<vmem>>, vector<16xf32>,
            %mul3A_1133 = vector.broadcast %squeeze3A_1093 : f32 to vector<16xf32>
            %mul3A_1134 = arith.mulf %get3A_1132, %mul3A_1133 : vector<16xf32>
            %swap3A_1135 = arith.index_cast %add3A_1097 : i32 to index
            %swap3A_1136 = arith.constant 64 : index
            %swap3A_1137 = tpu.vector_load %arg13[%swap3A_1135, %swap3A_1136] {strides = array<i32>} : memref<80x128xf32, #tpu.memory_space<vmem>>, vector<16xf32>,
            tpu.vector_store %arg13[%swap3A_1135, %swap3A_1136], %mul3A_1134 {strides = array<i32>} : memref<80x128xf32, #tpu.memory_space<vmem>>, vector<16xf32>,
            %get3A_1138 = arith.index_cast %add3A_1097 : i32 to index
            %get3A_1139 = arith.constant 80 : index
            %get3A_1140 = tpu.vector_load %arg13[%get3A_1138, %get3A_1139] {strides = array<i32>} : memref<80x128xf32, #tpu.memory_space<vmem>>, vector<16xf32>,
            %mul3A_1141 = vector.broadcast %squeeze3A_1093 : f32 to vector<16xf32>
            %mul3A_1142 = arith.mulf %get3A_1140, %mul3A_1141 : vector<16xf32>
            %swap3A_1143 = arith.index_cast %add3A_1097 : i32 to index
            %swap3A_1144 = arith.constant 80 : index
            %swap3A_1145 = tpu.vector_load %arg13[%swap3A_1143, %swap3A_1144] {strides = array<i32>} : memref<80x128xf32, #tpu.memory_space<vmem>>, vector<16xf32>,
            tpu.vector_store %arg13[%swap3A_1143, %swap3A_1144], %mul3A_1142 {strides = array<i32>} : memref<80x128xf32, #tpu.memory_space<vmem>>, vector<16xf32>,
            %get3A_1146 = arith.index_cast %add3A_1097 : i32 to index
            %get3A_1147 = arith.constant 96 : index
            %get3A_1148 = tpu.vector_load %arg13[%get3A_1146, %get3A_1147] {strides = array<i32>} : memref<80x128xf32, #tpu.memory_space<vmem>>, vector<16xf32>,
            %mul3A_1149 = vector.broadcast %squeeze3A_1093 : f32 to vector<16xf32>
            %mul3A_1150 = arith.mulf %get3A_1148, %mul3A_1149 : vector<16xf32>
            %swap3A_1151 = arith.index_cast %add3A_1097 : i32 to index
            %swap3A_1152 = arith.constant 96 : index
            %swap3A_1153 = tpu.vector_load %arg13[%swap3A_1151, %swap3A_1152] {strides = array<i32>} : memref<80x128xf32, #tpu.memory_space<vmem>>, vector<16xf32>,
            tpu.vector_store %arg13[%swap3A_1151, %swap3A_1152], %mul3A_1150 {strides = array<i32>} : memref<80x128xf32, #tpu.memory_space<vmem>>, vector<16xf32>,
            %get3A_1154 = arith.index_cast %add3A_1097 : i32 to index
            %get3A_1155 = arith.constant 112 : index
            %get3A_1156 = tpu.vector_load %arg13[%get3A_1154, %get3A_1155] {strides = array<i32>} : memref<80x128xf32, #tpu.memory_space<vmem>>, vector<16xf32>,
            %mul3A_1157 = vector.broadcast %squeeze3A_1093 : f32 to vector<16xf32>
            %mul3A_1158 = arith.mulf %get3A_1156, %mul3A_1157 : vector<16xf32>
            %swap3A_1159 = arith.index_cast %add3A_1097 : i32 to index
            %swap3A_1160 = arith.constant 112 : index
            %swap3A_1161 = tpu.vector_load %arg13[%swap3A_1159, %swap3A_1160] {strides = array<i32>} : memref<80x128xf32, #tpu.memory_space<vmem>>, vector<16xf32>,
            tpu.vector_store %arg13[%swap3A_1159, %swap3A_1160], %mul3A_1158 {strides = array<i32>} : memref<80x128xf32, #tpu.memory_space<vmem>>, vector<16xf32>,
            %slice3A_1162 = vector.extract_strided_slice %select_n3A_321 {offsets = [12], sizes = [1], strides = [1]} : vector<16xf32> to vector<1xf32>
            %squeeze3A_1163 = vector.extract %slice3A_1162[0] : f32 from vector<1xf32>
            %mul3A_1164 = arith.constant 16 : i32
            %mul3A_1165 = arith.muli %scan3A_288, %mul3A_1164 : i32
            %add3A_1166 = arith.constant 12 : i32
            %add3A_1167 = arith.addi %mul3A_1165, %add3A_1166 : i32
            %get3A_1168 = arith.index_cast %add3A_1167 : i32 to index
            %get3A_1169 = arith.constant 0 : index
            %get3A_1170 = tpu.vector_load %arg13[%get3A_1168, %get3A_1169] {strides = array<i32>} : memref<80x128xf32, #tpu.memory_space<vmem>>, vector<16xf32>,
            %mul3A_1171 = vector.broadcast %squeeze3A_1163 : f32 to vector<16xf32>
            %mul3A_1172 = arith.mulf %get3A_1170, %mul3A_1171 : vector<16xf32>
            %swap3A_1173 = arith.index_cast %add3A_1167 : i32 to index
            %swap3A_1174 = arith.constant 0 : index
            %swap3A_1175 = tpu.vector_load %arg13[%swap3A_1173, %swap3A_1174] {strides = array<i32>} : memref<80x128xf32, #tpu.memory_space<vmem>>, vector<16xf32>,
            tpu.vector_store %arg13[%swap3A_1173, %swap3A_1174], %mul3A_1172 {strides = array<i32>} : memref<80x128xf32, #tpu.memory_space<vmem>>, vector<16xf32>,
            %get3A_1176 = arith.index_cast %add3A_1167 : i32 to index
            %get3A_1177 = arith.constant 16 : index
            %get3A_1178 = tpu.vector_load %arg13[%get3A_1176, %get3A_1177] {strides = array<i32>} : memref<80x128xf32, #tpu.memory_space<vmem>>, vector<16xf32>,
            %mul3A_1179 = vector.broadcast %squeeze3A_1163 : f32 to vector<16xf32>
            %mul3A_1180 = arith.mulf %get3A_1178, %mul3A_1179 : vector<16xf32>
            %swap3A_1181 = arith.index_cast %add3A_1167 : i32 to index
            %swap3A_1182 = arith.constant 16 : index
            %swap3A_1183 = tpu.vector_load %arg13[%swap3A_1181, %swap3A_1182] {strides = array<i32>} : memref<80x128xf32, #tpu.memory_space<vmem>>, vector<16xf32>,
            tpu.vector_store %arg13[%swap3A_1181, %swap3A_1182], %mul3A_1180 {strides = array<i32>} : memref<80x128xf32, #tpu.memory_space<vmem>>, vector<16xf32>,
            %get3A_1184 = arith.index_cast %add3A_1167 : i32 to index
            %get3A_1185 = arith.constant 32 : index
            %get3A_1186 = tpu.vector_load %arg13[%get3A_1184, %get3A_1185] {strides = array<i32>} : memref<80x128xf32, #tpu.memory_space<vmem>>, vector<16xf32>,
            %mul3A_1187 = vector.broadcast %squeeze3A_1163 : f32 to vector<16xf32>
            %mul3A_1188 = arith.mulf %get3A_1186, %mul3A_1187 : vector<16xf32>
            %swap3A_1189 = arith.index_cast %add3A_1167 : i32 to index
            %swap3A_1190 = arith.constant 32 : index
            %swap3A_1191 = tpu.vector_load %arg13[%swap3A_1189, %swap3A_1190] {strides = array<i32>} : memref<80x128xf32, #tpu.memory_space<vmem>>, vector<16xf32>,
            tpu.vector_store %arg13[%swap3A_1189, %swap3A_1190], %mul3A_1188 {strides = array<i32>} : memref<80x128xf32, #tpu.memory_space<vmem>>, vector<16xf32>,
            %get3A_1192 = arith.index_cast %add3A_1167 : i32 to index
            %get3A_1193 = arith.constant 48 : index
            %get3A_1194 = tpu.vector_load %arg13[%get3A_1192, %get3A_1193] {strides = array<i32>} : memref<80x128xf32, #tpu.memory_space<vmem>>, vector<16xf32>,
            %mul3A_1195 = vector.broadcast %squeeze3A_1163 : f32 to vector<16xf32>
            %mul3A_1196 = arith.mulf %get3A_1194, %mul3A_1195 : vector<16xf32>
            %swap3A_1197 = arith.index_cast %add3A_1167 : i32 to index
            %swap3A_1198 = arith.constant 48 : index
            %swap3A_1199 = tpu.vector_load %arg13[%swap3A_1197, %swap3A_1198] {strides = array<i32>} : memref<80x128xf32, #tpu.memory_space<vmem>>, vector<16xf32>,
            tpu.vector_store %arg13[%swap3A_1197, %swap3A_1198], %mul3A_1196 {strides = array<i32>} : memref<80x128xf32, #tpu.memory_space<vmem>>, vector<16xf32>,
            %get3A_1200 = arith.index_cast %add3A_1167 : i32 to index
            %get3A_1201 = arith.constant 64 : index
            %get3A_1202 = tpu.vector_load %arg13[%get3A_1200, %get3A_1201] {strides = array<i32>} : memref<80x128xf32, #tpu.memory_space<vmem>>, vector<16xf32>,
            %mul3A_1203 = vector.broadcast %squeeze3A_1163 : f32 to vector<16xf32>
            %mul3A_1204 = arith.mulf %get3A_1202, %mul3A_1203 : vector<16xf32>
            %swap3A_1205 = arith.index_cast %add3A_1167 : i32 to index
            %swap3A_1206 = arith.constant 64 : index
            %swap3A_1207 = tpu.vector_load %arg13[%swap3A_1205, %swap3A_1206] {strides = array<i32>} : memref<80x128xf32, #tpu.memory_space<vmem>>, vector<16xf32>,
            tpu.vector_store %arg13[%swap3A_1205, %swap3A_1206], %mul3A_1204 {strides = array<i32>} : memref<80x128xf32, #tpu.memory_space<vmem>>, vector<16xf32>,
            %get3A_1208 = arith.index_cast %add3A_1167 : i32 to index
            %get3A_1209 = arith.constant 80 : index
            %get3A_1210 = tpu.vector_load %arg13[%get3A_1208, %get3A_1209] {strides = array<i32>} : memref<80x128xf32, #tpu.memory_space<vmem>>, vector<16xf32>,
            %mul3A_1211 = vector.broadcast %squeeze3A_1163 : f32 to vector<16xf32>
            %mul3A_1212 = arith.mulf %get3A_1210, %mul3A_1211 : vector<16xf32>
            %swap3A_1213 = arith.index_cast %add3A_1167 : i32 to index
            %swap3A_1214 = arith.constant 80 : index
            %swap3A_1215 = tpu.vector_load %arg13[%swap3A_1213, %swap3A_1214] {strides = array<i32>} : memref<80x128xf32, #tpu.memory_space<vmem>>, vector<16xf32>,
            tpu.vector_store %arg13[%swap3A_1213, %swap3A_1214], %mul3A_1212 {strides = array<i32>} : memref<80x128xf32, #tpu.memory_space<vmem>>, vector<16xf32>,
            %get3A_1216 = arith.index_cast %add3A_1167 : i32 to index
            %get3A_1217 = arith.constant 96 : index
            %get3A_1218 = tpu.vector_load %arg13[%get3A_1216, %get3A_1217] {strides = array<i32>} : memref<80x128xf32, #tpu.memory_space<vmem>>, vector<16xf32>,
            %mul3A_1219 = vector.broadcast %squeeze3A_1163 : f32 to vector<16xf32>
            %mul3A_1220 = arith.mulf %get3A_1218, %mul3A_1219 : vector<16xf32>
            %swap3A_1221 = arith.index_cast %add3A_1167 : i32 to index
            %swap3A_1222 = arith.constant 96 : index
            %swap3A_1223 = tpu.vector_load %arg13[%swap3A_1221, %swap3A_1222] {strides = array<i32>} : memref<80x128xf32, #tpu.memory_space<vmem>>, vector<16xf32>,
            tpu.vector_store %arg13[%swap3A_1221, %swap3A_1222], %mul3A_1220 {strides = array<i32>} : memref<80x128xf32, #tpu.memory_space<vmem>>, vector<16xf32>,
            %get3A_1224 = arith.index_cast %add3A_1167 : i32 to index
            %get3A_1225 = arith.constant 112 : index
            %get3A_1226 = tpu.vector_load %arg13[%get3A_1224, %get3A_1225] {strides = array<i32>} : memref<80x128xf32, #tpu.memory_space<vmem>>, vector<16xf32>,
            %mul3A_1227 = vector.broadcast %squeeze3A_1163 : f32 to vector<16xf32>
            %mul3A_1228 = arith.mulf %get3A_1226, %mul3A_1227 : vector<16xf32>
            %swap3A_1229 = arith.index_cast %add3A_1167 : i32 to index
            %swap3A_1230 = arith.constant 112 : index
            %swap3A_1231 = tpu.vector_load %arg13[%swap3A_1229, %swap3A_1230] {strides = array<i32>} : memref<80x128xf32, #tpu.memory_space<vmem>>, vector<16xf32>,
            tpu.vector_store %arg13[%swap3A_1229, %swap3A_1230], %mul3A_1228 {strides = array<i32>} : memref<80x128xf32, #tpu.memory_space<vmem>>, vector<16xf32>,
            %slice3A_1232 = vector.extract_strided_slice %select_n3A_321 {offsets = [13], sizes = [1], strides = [1]} : vector<16xf32> to vector<1xf32>
            %squeeze3A_1233 = vector.extract %slice3A_1232[0] : f32 from vector<1xf32>
            %mul3A_1234 = arith.constant 16 : i32
            %mul3A_1235 = arith.muli %scan3A_288, %mul3A_1234 : i32
            %add3A_1236 = arith.constant 13 : i32
            %add3A_1237 = arith.addi %mul3A_1235, %add3A_1236 : i32
            %get3A_1238 = arith.index_cast %add3A_1237 : i32 to index
            %get3A_1239 = arith.constant 0 : index
            %get3A_1240 = tpu.vector_load %arg13[%get3A_1238, %get3A_1239] {strides = array<i32>} : memref<80x128xf32, #tpu.memory_space<vmem>>, vector<16xf32>,
            %mul3A_1241 = vector.broadcast %squeeze3A_1233 : f32 to vector<16xf32>
            %mul3A_1242 = arith.mulf %get3A_1240, %mul3A_1241 : vector<16xf32>
            %swap3A_1243 = arith.index_cast %add3A_1237 : i32 to index
            %swap3A_1244 = arith.constant 0 : index
            %swap3A_1245 = tpu.vector_load %arg13[%swap3A_1243, %swap3A_1244] {strides = array<i32>} : memref<80x128xf32, #tpu.memory_space<vmem>>, vector<16xf32>,
            tpu.vector_store %arg13[%swap3A_1243, %swap3A_1244], %mul3A_1242 {strides = array<i32>} : memref<80x128xf32, #tpu.memory_space<vmem>>, vector<16xf32>,
            %get3A_1246 = arith.index_cast %add3A_1237 : i32 to index
            %get3A_1247 = arith.constant 16 : index
            %get3A_1248 = tpu.vector_load %arg13[%get3A_1246, %get3A_1247] {strides = array<i32>} : memref<80x128xf32, #tpu.memory_space<vmem>>, vector<16xf32>,
            %mul3A_1249 = vector.broadcast %squeeze3A_1233 : f32 to vector<16xf32>
            %mul3A_1250 = arith.mulf %get3A_1248, %mul3A_1249 : vector<16xf32>
            %swap3A_1251 = arith.index_cast %add3A_1237 : i32 to index
            %swap3A_1252 = arith.constant 16 : index
            %swap3A_1253 = tpu.vector_load %arg13[%swap3A_1251, %swap3A_1252] {strides = array<i32>} : memref<80x128xf32, #tpu.memory_space<vmem>>, vector<16xf32>,
            tpu.vector_store %arg13[%swap3A_1251, %swap3A_1252], %mul3A_1250 {strides = array<i32>} : memref<80x128xf32, #tpu.memory_space<vmem>>, vector<16xf32>,
            %get3A_1254 = arith.index_cast %add3A_1237 : i32 to index
            %get3A_1255 = arith.constant 32 : index
            %get3A_1256 = tpu.vector_load %arg13[%get3A_1254, %get3A_1255] {strides = array<i32>} : memref<80x128xf32, #tpu.memory_space<vmem>>, vector<16xf32>,
            %mul3A_1257 = vector.broadcast %squeeze3A_1233 : f32 to vector<16xf32>
            %mul3A_1258 = arith.mulf %get3A_1256, %mul3A_1257 : vector<16xf32>
            %swap3A_1259 = arith.index_cast %add3A_1237 : i32 to index
            %swap3A_1260 = arith.constant 32 : index
            %swap3A_1261 = tpu.vector_load %arg13[%swap3A_1259, %swap3A_1260] {strides = array<i32>} : memref<80x128xf32, #tpu.memory_space<vmem>>, vector<16xf32>,
            tpu.vector_store %arg13[%swap3A_1259, %swap3A_1260], %mul3A_1258 {strides = array<i32>} : memref<80x128xf32, #tpu.memory_space<vmem>>, vector<16xf32>,
            %get3A_1262 = arith.index_cast %add3A_1237 : i32 to index
            %get3A_1263 = arith.constant 48 : index
            %get3A_1264 = tpu.vector_load %arg13[%get3A_1262, %get3A_1263] {strides = array<i32>} : memref<80x128xf32, #tpu.memory_space<vmem>>, vector<16xf32>,
            %mul3A_1265 = vector.broadcast %squeeze3A_1233 : f32 to vector<16xf32>
            %mul3A_1266 = arith.mulf %get3A_1264, %mul3A_1265 : vector<16xf32>
            %swap3A_1267 = arith.index_cast %add3A_1237 : i32 to index
            %swap3A_1268 = arith.constant 48 : index
            %swap3A_1269 = tpu.vector_load %arg13[%swap3A_1267, %swap3A_1268] {strides = array<i32>} : memref<80x128xf32, #tpu.memory_space<vmem>>, vector<16xf32>,
            tpu.vector_store %arg13[%swap3A_1267, %swap3A_1268], %mul3A_1266 {strides = array<i32>} : memref<80x128xf32, #tpu.memory_space<vmem>>, vector<16xf32>,
            %get3A_1270 = arith.index_cast %add3A_1237 : i32 to index
            %get3A_1271 = arith.constant 64 : index
            %get3A_1272 = tpu.vector_load %arg13[%get3A_1270, %get3A_1271] {strides = array<i32>} : memref<80x128xf32, #tpu.memory_space<vmem>>, vector<16xf32>,
            %mul3A_1273 = vector.broadcast %squeeze3A_1233 : f32 to vector<16xf32>
            %mul3A_1274 = arith.mulf %get3A_1272, %mul3A_1273 : vector<16xf32>
            %swap3A_1275 = arith.index_cast %add3A_1237 : i32 to index
            %swap3A_1276 = arith.constant 64 : index
            %swap3A_1277 = tpu.vector_load %arg13[%swap3A_1275, %swap3A_1276] {strides = array<i32>} : memref<80x128xf32, #tpu.memory_space<vmem>>, vector<16xf32>,
            tpu.vector_store %arg13[%swap3A_1275, %swap3A_1276], %mul3A_1274 {strides = array<i32>} : memref<80x128xf32, #tpu.memory_space<vmem>>, vector<16xf32>,
            %get3A_1278 = arith.index_cast %add3A_1237 : i32 to index
            %get3A_1279 = arith.constant 80 : index
            %get3A_1280 = tpu.vector_load %arg13[%get3A_1278, %get3A_1279] {strides = array<i32>} : memref<80x128xf32, #tpu.memory_space<vmem>>, vector<16xf32>,
            %mul3A_1281 = vector.broadcast %squeeze3A_1233 : f32 to vector<16xf32>
            %mul3A_1282 = arith.mulf %get3A_1280, %mul3A_1281 : vector<16xf32>
            %swap3A_1283 = arith.index_cast %add3A_1237 : i32 to index
            %swap3A_1284 = arith.constant 80 : index
            %swap3A_1285 = tpu.vector_load %arg13[%swap3A_1283, %swap3A_1284] {strides = array<i32>} : memref<80x128xf32, #tpu.memory_space<vmem>>, vector<16xf32>,
            tpu.vector_store %arg13[%swap3A_1283, %swap3A_1284], %mul3A_1282 {strides = array<i32>} : memref<80x128xf32, #tpu.memory_space<vmem>>, vector<16xf32>,
            %get3A_1286 = arith.index_cast %add3A_1237 : i32 to index
            %get3A_1287 = arith.constant 96 : index
            %get3A_1288 = tpu.vector_load %arg13[%get3A_1286, %get3A_1287] {strides = array<i32>} : memref<80x128xf32, #tpu.memory_space<vmem>>, vector<16xf32>,
            %mul3A_1289 = vector.broadcast %squeeze3A_1233 : f32 to vector<16xf32>
            %mul3A_1290 = arith.mulf %get3A_1288, %mul3A_1289 : vector<16xf32>
            %swap3A_1291 = arith.index_cast %add3A_1237 : i32 to index
            %swap3A_1292 = arith.constant 96 : index
            %swap3A_1293 = tpu.vector_load %arg13[%swap3A_1291, %swap3A_1292] {strides = array<i32>} : memref<80x128xf32, #tpu.memory_space<vmem>>, vector<16xf32>,
            tpu.vector_store %arg13[%swap3A_1291, %swap3A_1292], %mul3A_1290 {strides = array<i32>} : memref<80x128xf32, #tpu.memory_space<vmem>>, vector<16xf32>,
            %get3A_1294 = arith.index_cast %add3A_1237 : i32 to index
            %get3A_1295 = arith.constant 112 : index
            %get3A_1296 = tpu.vector_load %arg13[%get3A_1294, %get3A_1295] {strides = array<i32>} : memref<80x128xf32, #tpu.memory_space<vmem>>, vector<16xf32>,
            %mul3A_1297 = vector.broadcast %squeeze3A_1233 : f32 to vector<16xf32>
            %mul3A_1298 = arith.mulf %get3A_1296, %mul3A_1297 : vector<16xf32>
            %swap3A_1299 = arith.index_cast %add3A_1237 : i32 to index
            %swap3A_1300 = arith.constant 112 : index
            %swap3A_1301 = tpu.vector_load %arg13[%swap3A_1299, %swap3A_1300] {strides = array<i32>} : memref<80x128xf32, #tpu.memory_space<vmem>>, vector<16xf32>,
            tpu.vector_store %arg13[%swap3A_1299, %swap3A_1300], %mul3A_1298 {strides = array<i32>} : memref<80x128xf32, #tpu.memory_space<vmem>>, vector<16xf32>,
            %slice3A_1302 = vector.extract_strided_slice %select_n3A_321 {offsets = [14], sizes = [1], strides = [1]} : vector<16xf32> to vector<1xf32>
            %squeeze3A_1303 = vector.extract %slice3A_1302[0] : f32 from vector<1xf32>
            %mul3A_1304 = arith.constant 16 : i32
            %mul3A_1305 = arith.muli %scan3A_288, %mul3A_1304 : i32
            %add3A_1306 = arith.constant 14 : i32
            %add3A_1307 = arith.addi %mul3A_1305, %add3A_1306 : i32
            %get3A_1308 = arith.index_cast %add3A_1307 : i32 to index
            %get3A_1309 = arith.constant 0 : index
            %get3A_1310 = tpu.vector_load %arg13[%get3A_1308, %get3A_1309] {strides = array<i32>} : memref<80x128xf32, #tpu.memory_space<vmem>>, vector<16xf32>,
            %mul3A_1311 = vector.broadcast %squeeze3A_1303 : f32 to vector<16xf32>
            %mul3A_1312 = arith.mulf %get3A_1310, %mul3A_1311 : vector<16xf32>
            %swap3A_1313 = arith.index_cast %add3A_1307 : i32 to index
            %swap3A_1314 = arith.constant 0 : index
            %swap3A_1315 = tpu.vector_load %arg13[%swap3A_1313, %swap3A_1314] {strides = array<i32>} : memref<80x128xf32, #tpu.memory_space<vmem>>, vector<16xf32>,
            tpu.vector_store %arg13[%swap3A_1313, %swap3A_1314], %mul3A_1312 {strides = array<i32>} : memref<80x128xf32, #tpu.memory_space<vmem>>, vector<16xf32>,
            %get3A_1316 = arith.index_cast %add3A_1307 : i32 to index
            %get3A_1317 = arith.constant 16 : index
            %get3A_1318 = tpu.vector_load %arg13[%get3A_1316, %get3A_1317] {strides = array<i32>} : memref<80x128xf32, #tpu.memory_space<vmem>>, vector<16xf32>,
            %mul3A_1319 = vector.broadcast %squeeze3A_1303 : f32 to vector<16xf32>
            %mul3A_1320 = arith.mulf %get3A_1318, %mul3A_1319 : vector<16xf32>
            %swap3A_1321 = arith.index_cast %add3A_1307 : i32 to index
            %swap3A_1322 = arith.constant 16 : index
            %swap3A_1323 = tpu.vector_load %arg13[%swap3A_1321, %swap3A_1322] {strides = array<i32>} : memref<80x128xf32, #tpu.memory_space<vmem>>, vector<16xf32>,
            tpu.vector_store %arg13[%swap3A_1321, %swap3A_1322], %mul3A_1320 {strides = array<i32>} : memref<80x128xf32, #tpu.memory_space<vmem>>, vector<16xf32>,
            %get3A_1324 = arith.index_cast %add3A_1307 : i32 to index
            %get3A_1325 = arith.constant 32 : index
            %get3A_1326 = tpu.vector_load %arg13[%get3A_1324, %get3A_1325] {strides = array<i32>} : memref<80x128xf32, #tpu.memory_space<vmem>>, vector<16xf32>,
            %mul3A_1327 = vector.broadcast %squeeze3A_1303 : f32 to vector<16xf32>
            %mul3A_1328 = arith.mulf %get3A_1326, %mul3A_1327 : vector<16xf32>
            %swap3A_1329 = arith.index_cast %add3A_1307 : i32 to index
            %swap3A_1330 = arith.constant 32 : index
            %swap3A_1331 = tpu.vector_load %arg13[%swap3A_1329, %swap3A_1330] {strides = array<i32>} : memref<80x128xf32, #tpu.memory_space<vmem>>, vector<16xf32>,
            tpu.vector_store %arg13[%swap3A_1329, %swap3A_1330], %mul3A_1328 {strides = array<i32>} : memref<80x128xf32, #tpu.memory_space<vmem>>, vector<16xf32>,
            %get3A_1332 = arith.index_cast %add3A_1307 : i32 to index
            %get3A_1333 = arith.constant 48 : index
            %get3A_1334 = tpu.vector_load %arg13[%get3A_1332, %get3A_1333] {strides = array<i32>} : memref<80x128xf32, #tpu.memory_space<vmem>>, vector<16xf32>,
            %mul3A_1335 = vector.broadcast %squeeze3A_1303 : f32 to vector<16xf32>
            %mul3A_1336 = arith.mulf %get3A_1334, %mul3A_1335 : vector<16xf32>
            %swap3A_1337 = arith.index_cast %add3A_1307 : i32 to index
            %swap3A_1338 = arith.constant 48 : index
            %swap3A_1339 = tpu.vector_load %arg13[%swap3A_1337, %swap3A_1338] {strides = array<i32>} : memref<80x128xf32, #tpu.memory_space<vmem>>, vector<16xf32>,
            tpu.vector_store %arg13[%swap3A_1337, %swap3A_1338], %mul3A_1336 {strides = array<i32>} : memref<80x128xf32, #tpu.memory_space<vmem>>, vector<16xf32>,
            %get3A_1340 = arith.index_cast %add3A_1307 : i32 to index
            %get3A_1341 = arith.constant 64 : index
            %get3A_1342 = tpu.vector_load %arg13[%get3A_1340, %get3A_1341] {strides = array<i32>} : memref<80x128xf32, #tpu.memory_space<vmem>>, vector<16xf32>,
            %mul3A_1343 = vector.broadcast %squeeze3A_1303 : f32 to vector<16xf32>
            %mul3A_1344 = arith.mulf %get3A_1342, %mul3A_1343 : vector<16xf32>
            %swap3A_1345 = arith.index_cast %add3A_1307 : i32 to index
            %swap3A_1346 = arith.constant 64 : index
            %swap3A_1347 = tpu.vector_load %arg13[%swap3A_1345, %swap3A_1346] {strides = array<i32>} : memref<80x128xf32, #tpu.memory_space<vmem>>, vector<16xf32>,
            tpu.vector_store %arg13[%swap3A_1345, %swap3A_1346], %mul3A_1344 {strides = array<i32>} : memref<80x128xf32, #tpu.memory_space<vmem>>, vector<16xf32>,
            %get3A_1348 = arith.index_cast %add3A_1307 : i32 to index
            %get3A_1349 = arith.constant 80 : index
            %get3A_1350 = tpu.vector_load %arg13[%get3A_1348, %get3A_1349] {strides = array<i32>} : memref<80x128xf32, #tpu.memory_space<vmem>>, vector<16xf32>,
            %mul3A_1351 = vector.broadcast %squeeze3A_1303 : f32 to vector<16xf32>
            %mul3A_1352 = arith.mulf %get3A_1350, %mul3A_1351 : vector<16xf32>
            %swap3A_1353 = arith.index_cast %add3A_1307 : i32 to index
            %swap3A_1354 = arith.constant 80 : index
            %swap3A_1355 = tpu.vector_load %arg13[%swap3A_1353, %swap3A_1354] {strides = array<i32>} : memref<80x128xf32, #tpu.memory_space<vmem>>, vector<16xf32>,
            tpu.vector_store %arg13[%swap3A_1353, %swap3A_1354], %mul3A_1352 {strides = array<i32>} : memref<80x128xf32, #tpu.memory_space<vmem>>, vector<16xf32>,
            %get3A_1356 = arith.index_cast %add3A_1307 : i32 to index
            %get3A_1357 = arith.constant 96 : index
            %get3A_1358 = tpu.vector_load %arg13[%get3A_1356, %get3A_1357] {strides = array<i32>} : memref<80x128xf32, #tpu.memory_space<vmem>>, vector<16xf32>,
            %mul3A_1359 = vector.broadcast %squeeze3A_1303 : f32 to vector<16xf32>
            %mul3A_1360 = arith.mulf %get3A_1358, %mul3A_1359 : vector<16xf32>
            %swap3A_1361 = arith.index_cast %add3A_1307 : i32 to index
            %swap3A_1362 = arith.constant 96 : index
            %swap3A_1363 = tpu.vector_load %arg13[%swap3A_1361, %swap3A_1362] {strides = array<i32>} : memref<80x128xf32, #tpu.memory_space<vmem>>, vector<16xf32>,
            tpu.vector_store %arg13[%swap3A_1361, %swap3A_1362], %mul3A_1360 {strides = array<i32>} : memref<80x128xf32, #tpu.memory_space<vmem>>, vector<16xf32>,
            %get3A_1364 = arith.index_cast %add3A_1307 : i32 to index
            %get3A_1365 = arith.constant 112 : index
            %get3A_1366 = tpu.vector_load %arg13[%get3A_1364, %get3A_1365] {strides = array<i32>} : memref<80x128xf32, #tpu.memory_space<vmem>>, vector<16xf32>,
            %mul3A_1367 = vector.broadcast %squeeze3A_1303 : f32 to vector<16xf32>
            %mul3A_1368 = arith.mulf %get3A_1366, %mul3A_1367 : vector<16xf32>
            %swap3A_1369 = arith.index_cast %add3A_1307 : i32 to index
            %swap3A_1370 = arith.constant 112 : index
            %swap3A_1371 = tpu.vector_load %arg13[%swap3A_1369, %swap3A_1370] {strides = array<i32>} : memref<80x128xf32, #tpu.memory_space<vmem>>, vector<16xf32>,
            tpu.vector_store %arg13[%swap3A_1369, %swap3A_1370], %mul3A_1368 {strides = array<i32>} : memref<80x128xf32, #tpu.memory_space<vmem>>, vector<16xf32>,
            %slice3A_1372 = vector.extract_strided_slice %select_n3A_321 {offsets = [15], sizes = [1], strides = [1]} : vector<16xf32> to vector<1xf32>
            %squeeze3A_1373 = vector.extract %slice3A_1372[0] : f32 from vector<1xf32>
            %mul3A_1374 = arith.constant 16 : i32
            %mul3A_1375 = arith.muli %scan3A_288, %mul3A_1374 : i32
            %add3A_1376 = arith.constant 15 : i32
            %add3A_1377 = arith.addi %mul3A_1375, %add3A_1376 : i32
            %get3A_1378 = arith.index_cast %add3A_1377 : i32 to index
            %get3A_1379 = arith.constant 0 : index
            %get3A_1380 = tpu.vector_load %arg13[%get3A_1378, %get3A_1379] {strides = array<i32>} : memref<80x128xf32, #tpu.memory_space<vmem>>, vector<16xf32>,
            %mul3A_1381 = vector.broadcast %squeeze3A_1373 : f32 to vector<16xf32>
            %mul3A_1382 = arith.mulf %get3A_1380, %mul3A_1381 : vector<16xf32>
            %swap3A_1383 = arith.index_cast %add3A_1377 : i32 to index
            %swap3A_1384 = arith.constant 0 : index
            %swap3A_1385 = tpu.vector_load %arg13[%swap3A_1383, %swap3A_1384] {strides = array<i32>} : memref<80x128xf32, #tpu.memory_space<vmem>>, vector<16xf32>,
            tpu.vector_store %arg13[%swap3A_1383, %swap3A_1384], %mul3A_1382 {strides = array<i32>} : memref<80x128xf32, #tpu.memory_space<vmem>>, vector<16xf32>,
            %get3A_1386 = arith.index_cast %add3A_1377 : i32 to index
            %get3A_1387 = arith.constant 16 : index
            %get3A_1388 = tpu.vector_load %arg13[%get3A_1386, %get3A_1387] {strides = array<i32>} : memref<80x128xf32, #tpu.memory_space<vmem>>, vector<16xf32>,
            %mul3A_1389 = vector.broadcast %squeeze3A_1373 : f32 to vector<16xf32>
            %mul3A_1390 = arith.mulf %get3A_1388, %mul3A_1389 : vector<16xf32>
            %swap3A_1391 = arith.index_cast %add3A_1377 : i32 to index
            %swap3A_1392 = arith.constant 16 : index
            %swap3A_1393 = tpu.vector_load %arg13[%swap3A_1391, %swap3A_1392] {strides = array<i32>} : memref<80x128xf32, #tpu.memory_space<vmem>>, vector<16xf32>,
            tpu.vector_store %arg13[%swap3A_1391, %swap3A_1392], %mul3A_1390 {strides = array<i32>} : memref<80x128xf32, #tpu.memory_space<vmem>>, vector<16xf32>,
            %get3A_1394 = arith.index_cast %add3A_1377 : i32 to index
            %get3A_1395 = arith.constant 32 : index
            %get3A_1396 = tpu.vector_load %arg13[%get3A_1394, %get3A_1395] {strides = array<i32>} : memref<80x128xf32, #tpu.memory_space<vmem>>, vector<16xf32>,
            %mul3A_1397 = vector.broadcast %squeeze3A_1373 : f32 to vector<16xf32>
            %mul3A_1398 = arith.mulf %get3A_1396, %mul3A_1397 : vector<16xf32>
            %swap3A_1399 = arith.index_cast %add3A_1377 : i32 to index
            %swap3A_1400 = arith.constant 32 : index
            %swap3A_1401 = tpu.vector_load %arg13[%swap3A_1399, %swap3A_1400] {strides = array<i32>} : memref<80x128xf32, #tpu.memory_space<vmem>>, vector<16xf32>,
            tpu.vector_store %arg13[%swap3A_1399, %swap3A_1400], %mul3A_1398 {strides = array<i32>} : memref<80x128xf32, #tpu.memory_space<vmem>>, vector<16xf32>,
            %get3A_1402 = arith.index_cast %add3A_1377 : i32 to index
            %get3A_1403 = arith.constant 48 : index
            %get3A_1404 = tpu.vector_load %arg13[%get3A_1402, %get3A_1403] {strides = array<i32>} : memref<80x128xf32, #tpu.memory_space<vmem>>, vector<16xf32>,
            %mul3A_1405 = vector.broadcast %squeeze3A_1373 : f32 to vector<16xf32>
            %mul3A_1406 = arith.mulf %get3A_1404, %mul3A_1405 : vector<16xf32>
            %swap3A_1407 = arith.index_cast %add3A_1377 : i32 to index
            %swap3A_1408 = arith.constant 48 : index
            %swap3A_1409 = tpu.vector_load %arg13[%swap3A_1407, %swap3A_1408] {strides = array<i32>} : memref<80x128xf32, #tpu.memory_space<vmem>>, vector<16xf32>,
            tpu.vector_store %arg13[%swap3A_1407, %swap3A_1408], %mul3A_1406 {strides = array<i32>} : memref<80x128xf32, #tpu.memory_space<vmem>>, vector<16xf32>,
            %get3A_1410 = arith.index_cast %add3A_1377 : i32 to index
            %get3A_1411 = arith.constant 64 : index
            %get3A_1412 = tpu.vector_load %arg13[%get3A_1410, %get3A_1411] {strides = array<i32>} : memref<80x128xf32, #tpu.memory_space<vmem>>, vector<16xf32>,
            %mul3A_1413 = vector.broadcast %squeeze3A_1373 : f32 to vector<16xf32>
            %mul3A_1414 = arith.mulf %get3A_1412, %mul3A_1413 : vector<16xf32>
            %swap3A_1415 = arith.index_cast %add3A_1377 : i32 to index
            %swap3A_1416 = arith.constant 64 : index
            %swap3A_1417 = tpu.vector_load %arg13[%swap3A_1415, %swap3A_1416] {strides = array<i32>} : memref<80x128xf32, #tpu.memory_space<vmem>>, vector<16xf32>,
            tpu.vector_store %arg13[%swap3A_1415, %swap3A_1416], %mul3A_1414 {strides = array<i32>} : memref<80x128xf32, #tpu.memory_space<vmem>>, vector<16xf32>,
            %get3A_1418 = arith.index_cast %add3A_1377 : i32 to index
            %get3A_1419 = arith.constant 80 : index
            %get3A_1420 = tpu.vector_load %arg13[%get3A_1418, %get3A_1419] {strides = array<i32>} : memref<80x128xf32, #tpu.memory_space<vmem>>, vector<16xf32>,
            %mul3A_1421 = vector.broadcast %squeeze3A_1373 : f32 to vector<16xf32>
            %mul3A_1422 = arith.mulf %get3A_1420, %mul3A_1421 : vector<16xf32>
            %swap3A_1423 = arith.index_cast %add3A_1377 : i32 to index
            %swap3A_1424 = arith.constant 80 : index
            %swap3A_1425 = tpu.vector_load %arg13[%swap3A_1423, %swap3A_1424] {strides = array<i32>} : memref<80x128xf32, #tpu.memory_space<vmem>>, vector<16xf32>,
            tpu.vector_store %arg13[%swap3A_1423, %swap3A_1424], %mul3A_1422 {strides = array<i32>} : memref<80x128xf32, #tpu.memory_space<vmem>>, vector<16xf32>,
            %get3A_1426 = arith.index_cast %add3A_1377 : i32 to index
            %get3A_1427 = arith.constant 96 : index
            %get3A_1428 = tpu.vector_load %arg13[%get3A_1426, %get3A_1427] {strides = array<i32>} : memref<80x128xf32, #tpu.memory_space<vmem>>, vector<16xf32>,
            %mul3A_1429 = vector.broadcast %squeeze3A_1373 : f32 to vector<16xf32>
            %mul3A_1430 = arith.mulf %get3A_1428, %mul3A_1429 : vector<16xf32>
            %swap3A_1431 = arith.index_cast %add3A_1377 : i32 to index
            %swap3A_1432 = arith.constant 96 : index
            %swap3A_1433 = tpu.vector_load %arg13[%swap3A_1431, %swap3A_1432] {strides = array<i32>} : memref<80x128xf32, #tpu.memory_space<vmem>>, vector<16xf32>,
            tpu.vector_store %arg13[%swap3A_1431, %swap3A_1432], %mul3A_1430 {strides = array<i32>} : memref<80x128xf32, #tpu.memory_space<vmem>>, vector<16xf32>,
            %get3A_1434 = arith.index_cast %add3A_1377 : i32 to index
            %get3A_1435 = arith.constant 112 : index
            %get3A_1436 = tpu.vector_load %arg13[%get3A_1434, %get3A_1435] {strides = array<i32>} : memref<80x128xf32, #tpu.memory_space<vmem>>, vector<16xf32>,
            %mul3A_1437 = vector.broadcast %squeeze3A_1373 : f32 to vector<16xf32>
            %mul3A_1438 = arith.mulf %get3A_1436, %mul3A_1437 : vector<16xf32>
            %swap3A_1439 = arith.index_cast %add3A_1377 : i32 to index
            %swap3A_1440 = arith.constant 112 : index
            %swap3A_1441 = tpu.vector_load %arg13[%swap3A_1439, %swap3A_1440] {strides = array<i32>} : memref<80x128xf32, #tpu.memory_space<vmem>>, vector<16xf32>,
            tpu.vector_store %arg13[%swap3A_1439, %swap3A_1440], %mul3A_1438 {strides = array<i32>} : memref<80x128xf32, #tpu.memory_space<vmem>>, vector<16xf32>,
            %scan3A_1442 = arith.constant 0 : i32
            scf.yield %scan3A_1442 : i32
          }
          %scan3A_286 = arith.constant 5 : i32
          "tpu.region"() ({
            %run_scoped3A_288 = tpu.sem_alloc : memref<!tpu.dma_semaphore, #tpu.memory_space<semaphore_mem>>
            %dma_start3A_289 = arith.constant 0 : i32
            %dma_start3A_290 = tpu.memref_slice %arg15[%scan3A_262, %dma_start3A_289] : memref<8x80xi32, #tpu.memory_space<vmem>> -> memref<1x80xi32, #tpu.memory_space<vmem>>
            %dma_start3A_291 = tpu.memref_squeeze %dma_start3A_290 : memref<1x80xi32, #tpu.memory_space<vmem>> -> memref<80xi32, #tpu.memory_space<vmem>>
            %dma_start3A_292 = arith.constant 0 : i32
            %dma_start3A_293 = arith.constant 0 : i32
            %dma_start3A_294 = tpu.memref_slice %arg19[%dma_start3A_292, %dma_start3A_293] : memref<10000x128xf32, #tpu.memory_space<vmem_shared>> -> memref<10000x128xf32, #tpu.memory_space<vmem_shared>>
            tpu.enqueue_indirect_dma source(%arg13 : memref<80x128xf32, #tpu.memory_space<vmem>>) target(%dma_start3A_294 : memref<10000x128xf32, #tpu.memory_space<vmem_shared>>) offsets(%dma_start3A_291 : memref<80xi32, #tpu.memory_space<vmem>>) semaphore(%run_scoped3A_288 : memref<!tpu.dma_semaphore, #tpu.memory_space<semaphore_mem>>) {add = true}
            %dma_wait3A_295 = arith.constant 0 : i32
            %dma_wait3A_296 = tpu.memref_slice %arg15[%scan3A_262, %dma_wait3A_295] : memref<8x80xi32, #tpu.memory_space<vmem>> -> memref<1x80xi32, #tpu.memory_space<vmem>>
            %dma_wait3A_297 = tpu.memref_squeeze %dma_wait3A_296 : memref<1x80xi32, #tpu.memory_space<vmem>> -> memref<80xi32, #tpu.memory_space<vmem>>
            %dma_wait3A_298 = arith.constant 0 : i32
            %dma_wait3A_299 = arith.constant 0 : i32
            %dma_wait3A_300 = tpu.memref_slice %arg19[%dma_wait3A_298, %dma_wait3A_299] : memref<10000x128xf32, #tpu.memory_space<vmem_shared>> -> memref<10000x128xf32, #tpu.memory_space<vmem_shared>>
            tpu.wait_indirect_dma semaphore(%run_scoped3A_288 : memref<!tpu.dma_semaphore, #tpu.memory_space<semaphore_mem>>) src(%arg13 : memref<80x128xf32, #tpu.memory_space<vmem>>) dst(%dma_wait3A_300 : memref<10000x128xf32, #tpu.memory_space<vmem_shared>>)
            tpu.yield
          }) : () -> ()
          %scan3A_287 = arith.constant 0 : i32
          scf.yield %scan3A_287 : i32
        }
        %scan3A_260 = arith.constant 8 : i32
        %scan3A_261 = arith.constant 0 : i32
        scf.yield %scan3A_261 : i32
      }
      %scan3A_247 = arith.constant 16 : i32
    } else {
    }
    %eq3A_225 = arith.constant 1 : i32
    %eq3A_226 = arith.cmpi eq, %arg0, %eq3A_225 : i32
    %convert_element_type3A_227 = arith.extui %eq3A_226 : i1 to i32
    %cond3A_228 = arith.constant 0 : i32
    %cond3A_229 = arith.cmpi ne, %convert_element_type3A_227, %cond3A_228 : i32
    scf.if %cond3A_229 {
      %scan3A_241 = arith.constant 0 : i32
      %scan3A_242 = arith.constant 0 : i32
      %scan3A_243 = arith.constant 16 : i32
      %scan3A_244 = arith.addi %scan3A_242, %scan3A_243 : i32
      %scan3A_245 = arith.constant 1 : i32
      %scan3A_246 = scf.for %scan3A_248 = %scan3A_242 to %scan3A_244 step %scan3A_245 iter_args(%scan3A_249 = %scan3A_241) -> (i32)  : i32 {
        %mul3A_250 = arith.constant 8 : i32
        %mul3A_251 = arith.muli %scan3A_248, %mul3A_250 : i32
        "tpu.region"() ({
          %run_scoped3A_262 = tpu.sem_alloc : memref<!tpu.dma_semaphore, #tpu.memory_space<semaphore_mem>>
          %dma_start3A = arith.constant 0 : i32
          %dma_start3A_263 = tpu.memref_slice %arg4[%arg1, %mul3A_251, %dma_start3A] : memref<16x128x80xi32, #tpu.memory_space<hbm>> -> memref<1x8x80xi32, #tpu.memory_space<hbm>>
          %dma_start3A_264 = tpu.memref_squeeze %dma_start3A_263 : memref<1x8x80xi32, #tpu.memory_space<hbm>> -> memref<8x80xi32, #tpu.memory_space<hbm>>
          %dma_start3A_265 = arith.constant 0 : i32
          %dma_start3A_266 = tpu.memref_slice %arg4[%arg1, %mul3A_251, %dma_start3A_265] : memref<16x128x80xi32, #tpu.memory_space<hbm>> -> memref<1x8x80xi32, #tpu.memory_space<hbm>>
          %dma_start3A_267 = tpu.memref_squeeze %dma_start3A_266 : memref<1x8x80xi32, #tpu.memory_space<hbm>> -> memref<8x80xi32, #tpu.memory_space<hbm>>
          tpu.enqueue_dma source(%dma_start3A_267 : memref<8x80xi32, #tpu.memory_space<hbm>>) target(%arg14 : memref<8x80xi32, #tpu.memory_space<vmem>>) target_semaphore(%run_scoped3A_262 : memref<!tpu.dma_semaphore, #tpu.memory_space<semaphore_mem>>)
          %dma_wait3A = arith.constant 0 : i32
          %dma_wait3A_268 = tpu.memref_slice %arg4[%arg1, %mul3A_251, %dma_wait3A] : memref<16x128x80xi32, #tpu.memory_space<hbm>> -> memref<1x8x80xi32, #tpu.memory_space<hbm>>
          %dma_wait3A_269 = tpu.memref_squeeze %dma_wait3A_268 : memref<1x8x80xi32, #tpu.memory_space<hbm>> -> memref<8x80xi32, #tpu.memory_space<hbm>>
          %dma_wait3A_270 = arith.constant 0 : i32
          %dma_wait3A_271 = tpu.memref_slice %arg4[%arg1, %mul3A_251, %dma_wait3A_270] : memref<16x128x80xi32, #tpu.memory_space<hbm>> -> memref<1x8x80xi32, #tpu.memory_space<hbm>>
          %dma_wait3A_272 = tpu.memref_squeeze %dma_wait3A_271 : memref<1x8x80xi32, #tpu.memory_space<hbm>> -> memref<8x80xi32, #tpu.memory_space<hbm>>
          tpu.wait_dma2 semaphore(%run_scoped3A_262 : memref<!tpu.dma_semaphore, #tpu.memory_space<semaphore_mem>>) src(%dma_wait3A_272 : memref<8x80xi32, #tpu.memory_space<hbm>>) dst(%arg14 : memref<8x80xi32, #tpu.memory_space<vmem>>)
          tpu.yield
        }) : () -> ()
        %mul3A_252 = arith.constant 8 : i32
        %mul3A_253 = arith.muli %scan3A_248, %mul3A_252 : i32
        "tpu.region"() ({
          %run_scoped3A_262 = tpu.sem_alloc : memref<!tpu.dma_semaphore, #tpu.memory_space<semaphore_mem>>
          %dma_start3A = arith.constant 0 : i32
          %dma_start3A_263 = tpu.memref_slice %arg5[%arg1, %mul3A_253, %dma_start3A] : memref<16x128x80xi32, #tpu.memory_space<hbm>> -> memref<1x8x80xi32, #tpu.memory_space<hbm>>
          %dma_start3A_264 = tpu.memref_squeeze %dma_start3A_263 : memref<1x8x80xi32, #tpu.memory_space<hbm>> -> memref<8x80xi32, #tpu.memory_space<hbm>>
          %dma_start3A_265 = arith.constant 0 : i32
          %dma_start3A_266 = tpu.memref_slice %arg5[%arg1, %mul3A_253, %dma_start3A_265] : memref<16x128x80xi32, #tpu.memory_space<hbm>> -> memref<1x8x80xi32, #tpu.memory_space<hbm>>
          %dma_start3A_267 = tpu.memref_squeeze %dma_start3A_266 : memref<1x8x80xi32, #tpu.memory_space<hbm>> -> memref<8x80xi32, #tpu.memory_space<hbm>>
          tpu.enqueue_dma source(%dma_start3A_267 : memref<8x80xi32, #tpu.memory_space<hbm>>) target(%arg15 : memref<8x80xi32, #tpu.memory_space<vmem>>) target_semaphore(%run_scoped3A_262 : memref<!tpu.dma_semaphore, #tpu.memory_space<semaphore_mem>>)
          %dma_wait3A = arith.constant 0 : i32
          %dma_wait3A_268 = tpu.memref_slice %arg5[%arg1, %mul3A_253, %dma_wait3A] : memref<16x128x80xi32, #tpu.memory_space<hbm>> -> memref<1x8x80xi32, #tpu.memory_space<hbm>>
          %dma_wait3A_269 = tpu.memref_squeeze %dma_wait3A_268 : memref<1x8x80xi32, #tpu.memory_space<hbm>> -> memref<8x80xi32, #tpu.memory_space<hbm>>
          %dma_wait3A_270 = arith.constant 0 : i32
          %dma_wait3A_271 = tpu.memref_slice %arg5[%arg1, %mul3A_253, %dma_wait3A_270] : memref<16x128x80xi32, #tpu.memory_space<hbm>> -> memref<1x8x80xi32, #tpu.memory_space<hbm>>
          %dma_wait3A_272 = tpu.memref_squeeze %dma_wait3A_271 : memref<1x8x80xi32, #tpu.memory_space<hbm>> -> memref<8x80xi32, #tpu.memory_space<hbm>>
          tpu.wait_dma2 semaphore(%run_scoped3A_262 : memref<!tpu.dma_semaphore, #tpu.memory_space<semaphore_mem>>) src(%dma_wait3A_272 : memref<8x80xi32, #tpu.memory_space<hbm>>) dst(%arg15 : memref<8x80xi32, #tpu.memory_space<vmem>>)
          tpu.yield
        }) : () -> ()
        %scan3A_254 = arith.constant 0 : i32
        %scan3A_255 = arith.constant 0 : i32
        %scan3A_256 = arith.constant 8 : i32
        %scan3A_257 = arith.addi %scan3A_255, %scan3A_256 : i32
        %scan3A_258 = arith.constant 1 : i32
        %scan3A_259 = scf.for %scan3A_262 = %scan3A_255 to %scan3A_257 step %scan3A_258 iter_args(%scan3A_263 = %scan3A_254) -> (i32)  : i32 {
          %dma_start3A = arith.constant 0 : i32
          %dma_start3A_264 = tpu.memref_slice %arg14[%scan3A_262, %dma_start3A] : memref<8x80xi32, #tpu.memory_space<vmem>> -> memref<1x80xi32, #tpu.memory_space<vmem>>
          %dma_start3A_265 = tpu.memref_squeeze %dma_start3A_264 : memref<1x80xi32, #tpu.memory_space<vmem>> -> memref<80xi32, #tpu.memory_space<vmem>>
          %dma_start3A_266 = arith.constant 0 : i32
          %dma_start3A_267 = arith.constant 0 : i32
          %dma_start3A_268 = tpu.memref_slice %arg7[%dma_start3A_266, %dma_start3A_267] : memref<10000x128xf32, #tpu.memory_space<hbm>> -> memref<10000x128xf32, #tpu.memory_space<hbm>>
          tpu.enqueue_indirect_dma source(%dma_start3A_268 : memref<10000x128xf32, #tpu.memory_space<hbm>>) target(%arg13 : memref<80x128xf32, #tpu.memory_space<vmem>>) offsets(%dma_start3A_265 : memref<80xi32, #tpu.memory_space<vmem>>) semaphore(%arg20 : memref<!tpu.dma_semaphore, #tpu.memory_space<semaphore_mem>>)
          %dma_wait3A = arith.constant 0 : i32
          %dma_wait3A_269 = tpu.memref_slice %arg14[%scan3A_262, %dma_wait3A] : memref<8x80xi32, #tpu.memory_space<vmem>> -> memref<1x80xi32, #tpu.memory_space<vmem>>
          %dma_wait3A_270 = tpu.memref_squeeze %dma_wait3A_269 : memref<1x80xi32, #tpu.memory_space<vmem>> -> memref<80xi32, #tpu.memory_space<vmem>>
          %dma_wait3A_271 = arith.constant 0 : i32
          %dma_wait3A_272 = arith.constant 0 : i32
          %dma_wait3A_273 = tpu.memref_slice %arg7[%dma_wait3A_271, %dma_wait3A_272] : memref<10000x128xf32, #tpu.memory_space<hbm>> -> memref<10000x128xf32, #tpu.memory_space<hbm>>
          tpu.wait_indirect_dma semaphore(%arg20 : memref<!tpu.dma_semaphore, #tpu.memory_space<semaphore_mem>>) src(%dma_wait3A_273 : memref<10000x128xf32, #tpu.memory_space<hbm>>) dst(%arg13 : memref<80x128xf32, #tpu.memory_space<vmem>>)
          %mul3A_274 = arith.constant 8 : i32
          %mul3A_275 = arith.muli %scan3A_248, %mul3A_274 : i32
          %add3A_276 = arith.addi %mul3A_275, %scan3A_262 : i32
          %mul3A_277 = arith.constant 80 : i32
          %mul3A_278 = arith.muli %add3A_276, %mul3A_277 : i32
          %add3A_279 = arith.addi %mul3A_199, %mul3A_278 : i32
          %scan3A_280 = arith.constant 0 : i32
          %scan3A_281 = arith.constant 0 : i32
          %scan3A_282 = arith.constant 5 : i32
          %scan3A_283 = arith.addi %scan3A_281, %scan3A_282 : i32
          %scan3A_284 = arith.constant 1 : i32
          %scan3A_285 = scf.for %scan3A_288 = %scan3A_281 to %scan3A_283 step %scan3A_284 iter_args(%scan3A_289 = %scan3A_280) -> (i32)  : i32 {
            %mul3A_290 = arith.constant 16 : i32
            %mul3A_291 = arith.muli %scan3A_288, %mul3A_290 : i32
            %get3A = arith.index_cast %scan3A_262 : i32 to index
            %get3A_292 = arith.index_cast %mul3A_291 : i32 to index
            %get3A_293 = tpu.vector_load %arg14[%get3A, %get3A_292] {strides = array<i32>} : memref<8x80xi32, #tpu.memory_space<vmem>>, vector<16xi32>,
            %get3A_294 = arith.index_cast %scan3A_262 : i32 to index
            %get3A_295 = arith.index_cast %mul3A_291 : i32 to index
            %get3A_296 = tpu.vector_load %arg15[%get3A_294, %get3A_295] {strides = array<i32>} : memref<8x80xi32, #tpu.memory_space<vmem>>, vector<16xi32>,
            %mul3A_297 = arith.constant 16 : i32
            %mul3A_298 = arith.muli %scan3A_288, %mul3A_297 : i32
            %add3A_299 = arith.addi %add3A_279, %mul3A_298 : i32
            %add3A_300 = vector.broadcast %add3A_299 : i32 to vector<16xi32>
            %add3A_301 = arith.addi %add3A_300, %iota3A : vector<16xi32>
            %lt3A = arith.constant 160000 : i32
            %lt3A_302 = vector.broadcast %lt3A : i32 to vector<16xi32>
            %lt3A_303 = arith.cmpi slt, %add3A_301, %lt3A_302 : vector<16xi32>
            %gather3A = tpu.vector_load_idx %arg10[%get3A_293] : memref<10240xf32, #tpu.memory_space<vmem>>[vector<16xi32>], vector<16xf32>,
            %gather3A_304 = tpu.vector_load_idx %arg11[%get3A_296] : memref<10240xf32, #tpu.memory_space<vmem>>[vector<16xi32>], vector<16xf32>,
            %add3A_305 = arith.addf %gather3A, %gather3A_304 : vector<16xf32>
            %gt3A_306 = arith.constant 0.000000e+00 : f32
            %gt3A_307 = vector.broadcast %gt3A_306 : f32 to vector<16xf32>
            %gt3A_308 = arith.cmpf ogt, %add3A_305, %gt3A_307 : vector<16xf32>
            %mul3A_309 = arith.constant 2.000000e-01 : f32
            %mul3A_310 = vector.broadcast %mul3A_309 : f32 to vector<16xf32>
            %mul3A_311 = arith.mulf %mul3A_310, %add3A_305 : vector<16xf32>
            %select_n3A_312 = arith.select %gt3A_308, %add3A_305, %mul3A_311 : vector<16xi1>, vector<16xf32>
            %sub3A = vector.broadcast %select_n3A : f32 to vector<16xf32>
            %sub3A_313 = arith.subf %select_n3A_312, %sub3A : vector<16xf32>
            %exp3A = math.exp %sub3A_313 : vector<16xf32>
            %shift_right_arithmetic3A = arith.constant 7 : i32
            %shift_right_arithmetic3A_314 = vector.broadcast %shift_right_arithmetic3A : i32 to vector<16xi32>
            %shift_right_arithmetic3A_315 = arith.shrsi %get3A_296, %shift_right_arithmetic3A_314 : vector<16xi32>
            %and3A = arith.constant 127 : i32
            %and3A_316 = vector.broadcast %and3A : i32 to vector<16xi32>
            %and3A_317 = arith.andi %get3A_296, %and3A_316 : vector<16xi32>
            %gather3A_318 = tpu.vector_load_idx %arg12[%shift_right_arithmetic3A_315, %and3A_317] : memref<80x128xf32, #tpu.memory_space<vmem>>[vector<16xi32>, vector<16xi32>], vector<16xf32>,
            %mul3A_319 = arith.mulf %exp3A, %gather3A_318 : vector<16xf32>
            %jit3A = arith.constant 0.000000e+00 : f32
            %broadcast_in_dim3A_320 = vector.broadcast %jit3A : f32 to vector<16xf32>
            %select_n3A_321 = arith.select %lt3A_303, %mul3A_319, %broadcast_in_dim3A_320 : vector<16xi1>, vector<16xf32>
            %slice3A_322 = vector.extract_strided_slice %select_n3A_321 {offsets = [0], sizes = [1], strides = [1]} : vector<16xf32> to vector<1xf32>
            %squeeze3A_323 = vector.extract %slice3A_322[0] : f32 from vector<1xf32>
            %mul3A_324 = arith.constant 16 : i32
            %mul3A_325 = arith.muli %scan3A_288, %mul3A_324 : i32
            %add3A_326 = arith.constant 0 : i32
            %add3A_327 = arith.addi %mul3A_325, %add3A_326 : i32
            %get3A_328 = arith.index_cast %add3A_327 : i32 to index
            %get3A_329 = arith.constant 0 : index
            %get3A_330 = tpu.vector_load %arg13[%get3A_328, %get3A_329] {strides = array<i32>} : memref<80x128xf32, #tpu.memory_space<vmem>>, vector<16xf32>,
            %mul3A_331 = vector.broadcast %squeeze3A_323 : f32 to vector<16xf32>
            %mul3A_332 = arith.mulf %get3A_330, %mul3A_331 : vector<16xf32>
            %swap3A_333 = arith.index_cast %add3A_327 : i32 to index
            %swap3A_334 = arith.constant 0 : index
            %swap3A_335 = tpu.vector_load %arg13[%swap3A_333, %swap3A_334] {strides = array<i32>} : memref<80x128xf32, #tpu.memory_space<vmem>>, vector<16xf32>,
            tpu.vector_store %arg13[%swap3A_333, %swap3A_334], %mul3A_332 {strides = array<i32>} : memref<80x128xf32, #tpu.memory_space<vmem>>, vector<16xf32>,
            %get3A_336 = arith.index_cast %add3A_327 : i32 to index
            %get3A_337 = arith.constant 16 : index
            %get3A_338 = tpu.vector_load %arg13[%get3A_336, %get3A_337] {strides = array<i32>} : memref<80x128xf32, #tpu.memory_space<vmem>>, vector<16xf32>,
            %mul3A_339 = vector.broadcast %squeeze3A_323 : f32 to vector<16xf32>
            %mul3A_340 = arith.mulf %get3A_338, %mul3A_339 : vector<16xf32>
            %swap3A_341 = arith.index_cast %add3A_327 : i32 to index
            %swap3A_342 = arith.constant 16 : index
            %swap3A_343 = tpu.vector_load %arg13[%swap3A_341, %swap3A_342] {strides = array<i32>} : memref<80x128xf32, #tpu.memory_space<vmem>>, vector<16xf32>,
            tpu.vector_store %arg13[%swap3A_341, %swap3A_342], %mul3A_340 {strides = array<i32>} : memref<80x128xf32, #tpu.memory_space<vmem>>, vector<16xf32>,
            %get3A_344 = arith.index_cast %add3A_327 : i32 to index
            %get3A_345 = arith.constant 32 : index
            %get3A_346 = tpu.vector_load %arg13[%get3A_344, %get3A_345] {strides = array<i32>} : memref<80x128xf32, #tpu.memory_space<vmem>>, vector<16xf32>,
            %mul3A_347 = vector.broadcast %squeeze3A_323 : f32 to vector<16xf32>
            %mul3A_348 = arith.mulf %get3A_346, %mul3A_347 : vector<16xf32>
            %swap3A_349 = arith.index_cast %add3A_327 : i32 to index
            %swap3A_350 = arith.constant 32 : index
            %swap3A_351 = tpu.vector_load %arg13[%swap3A_349, %swap3A_350] {strides = array<i32>} : memref<80x128xf32, #tpu.memory_space<vmem>>, vector<16xf32>,
            tpu.vector_store %arg13[%swap3A_349, %swap3A_350], %mul3A_348 {strides = array<i32>} : memref<80x128xf32, #tpu.memory_space<vmem>>, vector<16xf32>,
            %get3A_352 = arith.index_cast %add3A_327 : i32 to index
            %get3A_353 = arith.constant 48 : index
            %get3A_354 = tpu.vector_load %arg13[%get3A_352, %get3A_353] {strides = array<i32>} : memref<80x128xf32, #tpu.memory_space<vmem>>, vector<16xf32>,
            %mul3A_355 = vector.broadcast %squeeze3A_323 : f32 to vector<16xf32>
            %mul3A_356 = arith.mulf %get3A_354, %mul3A_355 : vector<16xf32>
            %swap3A_357 = arith.index_cast %add3A_327 : i32 to index
            %swap3A_358 = arith.constant 48 : index
            %swap3A_359 = tpu.vector_load %arg13[%swap3A_357, %swap3A_358] {strides = array<i32>} : memref<80x128xf32, #tpu.memory_space<vmem>>, vector<16xf32>,
            tpu.vector_store %arg13[%swap3A_357, %swap3A_358], %mul3A_356 {strides = array<i32>} : memref<80x128xf32, #tpu.memory_space<vmem>>, vector<16xf32>,
            %get3A_360 = arith.index_cast %add3A_327 : i32 to index
            %get3A_361 = arith.constant 64 : index
            %get3A_362 = tpu.vector_load %arg13[%get3A_360, %get3A_361] {strides = array<i32>} : memref<80x128xf32, #tpu.memory_space<vmem>>, vector<16xf32>,
            %mul3A_363 = vector.broadcast %squeeze3A_323 : f32 to vector<16xf32>
            %mul3A_364 = arith.mulf %get3A_362, %mul3A_363 : vector<16xf32>
            %swap3A_365 = arith.index_cast %add3A_327 : i32 to index
            %swap3A_366 = arith.constant 64 : index
            %swap3A_367 = tpu.vector_load %arg13[%swap3A_365, %swap3A_366] {strides = array<i32>} : memref<80x128xf32, #tpu.memory_space<vmem>>, vector<16xf32>,
            tpu.vector_store %arg13[%swap3A_365, %swap3A_366], %mul3A_364 {strides = array<i32>} : memref<80x128xf32, #tpu.memory_space<vmem>>, vector<16xf32>,
            %get3A_368 = arith.index_cast %add3A_327 : i32 to index
            %get3A_369 = arith.constant 80 : index
            %get3A_370 = tpu.vector_load %arg13[%get3A_368, %get3A_369] {strides = array<i32>} : memref<80x128xf32, #tpu.memory_space<vmem>>, vector<16xf32>,
            %mul3A_371 = vector.broadcast %squeeze3A_323 : f32 to vector<16xf32>
            %mul3A_372 = arith.mulf %get3A_370, %mul3A_371 : vector<16xf32>
            %swap3A_373 = arith.index_cast %add3A_327 : i32 to index
            %swap3A_374 = arith.constant 80 : index
            %swap3A_375 = tpu.vector_load %arg13[%swap3A_373, %swap3A_374] {strides = array<i32>} : memref<80x128xf32, #tpu.memory_space<vmem>>, vector<16xf32>,
            tpu.vector_store %arg13[%swap3A_373, %swap3A_374], %mul3A_372 {strides = array<i32>} : memref<80x128xf32, #tpu.memory_space<vmem>>, vector<16xf32>,
            %get3A_376 = arith.index_cast %add3A_327 : i32 to index
            %get3A_377 = arith.constant 96 : index
            %get3A_378 = tpu.vector_load %arg13[%get3A_376, %get3A_377] {strides = array<i32>} : memref<80x128xf32, #tpu.memory_space<vmem>>, vector<16xf32>,
            %mul3A_379 = vector.broadcast %squeeze3A_323 : f32 to vector<16xf32>
            %mul3A_380 = arith.mulf %get3A_378, %mul3A_379 : vector<16xf32>
            %swap3A_381 = arith.index_cast %add3A_327 : i32 to index
            %swap3A_382 = arith.constant 96 : index
            %swap3A_383 = tpu.vector_load %arg13[%swap3A_381, %swap3A_382] {strides = array<i32>} : memref<80x128xf32, #tpu.memory_space<vmem>>, vector<16xf32>,
            tpu.vector_store %arg13[%swap3A_381, %swap3A_382], %mul3A_380 {strides = array<i32>} : memref<80x128xf32, #tpu.memory_space<vmem>>, vector<16xf32>,
            %get3A_384 = arith.index_cast %add3A_327 : i32 to index
            %get3A_385 = arith.constant 112 : index
            %get3A_386 = tpu.vector_load %arg13[%get3A_384, %get3A_385] {strides = array<i32>} : memref<80x128xf32, #tpu.memory_space<vmem>>, vector<16xf32>,
            %mul3A_387 = vector.broadcast %squeeze3A_323 : f32 to vector<16xf32>
            %mul3A_388 = arith.mulf %get3A_386, %mul3A_387 : vector<16xf32>
            %swap3A_389 = arith.index_cast %add3A_327 : i32 to index
            %swap3A_390 = arith.constant 112 : index
            %swap3A_391 = tpu.vector_load %arg13[%swap3A_389, %swap3A_390] {strides = array<i32>} : memref<80x128xf32, #tpu.memory_space<vmem>>, vector<16xf32>,
            tpu.vector_store %arg13[%swap3A_389, %swap3A_390], %mul3A_388 {strides = array<i32>} : memref<80x128xf32, #tpu.memory_space<vmem>>, vector<16xf32>,
            %slice3A_392 = vector.extract_strided_slice %select_n3A_321 {offsets = [1], sizes = [1], strides = [1]} : vector<16xf32> to vector<1xf32>
            %squeeze3A_393 = vector.extract %slice3A_392[0] : f32 from vector<1xf32>
            %mul3A_394 = arith.constant 16 : i32
            %mul3A_395 = arith.muli %scan3A_288, %mul3A_394 : i32
            %add3A_396 = arith.constant 1 : i32
            %add3A_397 = arith.addi %mul3A_395, %add3A_396 : i32
            %get3A_398 = arith.index_cast %add3A_397 : i32 to index
            %get3A_399 = arith.constant 0 : index
            %get3A_400 = tpu.vector_load %arg13[%get3A_398, %get3A_399] {strides = array<i32>} : memref<80x128xf32, #tpu.memory_space<vmem>>, vector<16xf32>,
            %mul3A_401 = vector.broadcast %squeeze3A_393 : f32 to vector<16xf32>
            %mul3A_402 = arith.mulf %get3A_400, %mul3A_401 : vector<16xf32>
            %swap3A_403 = arith.index_cast %add3A_397 : i32 to index
            %swap3A_404 = arith.constant 0 : index
            %swap3A_405 = tpu.vector_load %arg13[%swap3A_403, %swap3A_404] {strides = array<i32>} : memref<80x128xf32, #tpu.memory_space<vmem>>, vector<16xf32>,
            tpu.vector_store %arg13[%swap3A_403, %swap3A_404], %mul3A_402 {strides = array<i32>} : memref<80x128xf32, #tpu.memory_space<vmem>>, vector<16xf32>,
            %get3A_406 = arith.index_cast %add3A_397 : i32 to index
            %get3A_407 = arith.constant 16 : index
            %get3A_408 = tpu.vector_load %arg13[%get3A_406, %get3A_407] {strides = array<i32>} : memref<80x128xf32, #tpu.memory_space<vmem>>, vector<16xf32>,
            %mul3A_409 = vector.broadcast %squeeze3A_393 : f32 to vector<16xf32>
            %mul3A_410 = arith.mulf %get3A_408, %mul3A_409 : vector<16xf32>
            %swap3A_411 = arith.index_cast %add3A_397 : i32 to index
            %swap3A_412 = arith.constant 16 : index
            %swap3A_413 = tpu.vector_load %arg13[%swap3A_411, %swap3A_412] {strides = array<i32>} : memref<80x128xf32, #tpu.memory_space<vmem>>, vector<16xf32>,
            tpu.vector_store %arg13[%swap3A_411, %swap3A_412], %mul3A_410 {strides = array<i32>} : memref<80x128xf32, #tpu.memory_space<vmem>>, vector<16xf32>,
            %get3A_414 = arith.index_cast %add3A_397 : i32 to index
            %get3A_415 = arith.constant 32 : index
            %get3A_416 = tpu.vector_load %arg13[%get3A_414, %get3A_415] {strides = array<i32>} : memref<80x128xf32, #tpu.memory_space<vmem>>, vector<16xf32>,
            %mul3A_417 = vector.broadcast %squeeze3A_393 : f32 to vector<16xf32>
            %mul3A_418 = arith.mulf %get3A_416, %mul3A_417 : vector<16xf32>
            %swap3A_419 = arith.index_cast %add3A_397 : i32 to index
            %swap3A_420 = arith.constant 32 : index
            %swap3A_421 = tpu.vector_load %arg13[%swap3A_419, %swap3A_420] {strides = array<i32>} : memref<80x128xf32, #tpu.memory_space<vmem>>, vector<16xf32>,
            tpu.vector_store %arg13[%swap3A_419, %swap3A_420], %mul3A_418 {strides = array<i32>} : memref<80x128xf32, #tpu.memory_space<vmem>>, vector<16xf32>,
            %get3A_422 = arith.index_cast %add3A_397 : i32 to index
            %get3A_423 = arith.constant 48 : index
            %get3A_424 = tpu.vector_load %arg13[%get3A_422, %get3A_423] {strides = array<i32>} : memref<80x128xf32, #tpu.memory_space<vmem>>, vector<16xf32>,
            %mul3A_425 = vector.broadcast %squeeze3A_393 : f32 to vector<16xf32>
            %mul3A_426 = arith.mulf %get3A_424, %mul3A_425 : vector<16xf32>
            %swap3A_427 = arith.index_cast %add3A_397 : i32 to index
            %swap3A_428 = arith.constant 48 : index
            %swap3A_429 = tpu.vector_load %arg13[%swap3A_427, %swap3A_428] {strides = array<i32>} : memref<80x128xf32, #tpu.memory_space<vmem>>, vector<16xf32>,
            tpu.vector_store %arg13[%swap3A_427, %swap3A_428], %mul3A_426 {strides = array<i32>} : memref<80x128xf32, #tpu.memory_space<vmem>>, vector<16xf32>,
            %get3A_430 = arith.index_cast %add3A_397 : i32 to index
            %get3A_431 = arith.constant 64 : index
            %get3A_432 = tpu.vector_load %arg13[%get3A_430, %get3A_431] {strides = array<i32>} : memref<80x128xf32, #tpu.memory_space<vmem>>, vector<16xf32>,
            %mul3A_433 = vector.broadcast %squeeze3A_393 : f32 to vector<16xf32>
            %mul3A_434 = arith.mulf %get3A_432, %mul3A_433 : vector<16xf32>
            %swap3A_435 = arith.index_cast %add3A_397 : i32 to index
            %swap3A_436 = arith.constant 64 : index
            %swap3A_437 = tpu.vector_load %arg13[%swap3A_435, %swap3A_436] {strides = array<i32>} : memref<80x128xf32, #tpu.memory_space<vmem>>, vector<16xf32>,
            tpu.vector_store %arg13[%swap3A_435, %swap3A_436], %mul3A_434 {strides = array<i32>} : memref<80x128xf32, #tpu.memory_space<vmem>>, vector<16xf32>,
            %get3A_438 = arith.index_cast %add3A_397 : i32 to index
            %get3A_439 = arith.constant 80 : index
            %get3A_440 = tpu.vector_load %arg13[%get3A_438, %get3A_439] {strides = array<i32>} : memref<80x128xf32, #tpu.memory_space<vmem>>, vector<16xf32>,
            %mul3A_441 = vector.broadcast %squeeze3A_393 : f32 to vector<16xf32>
            %mul3A_442 = arith.mulf %get3A_440, %mul3A_441 : vector<16xf32>
            %swap3A_443 = arith.index_cast %add3A_397 : i32 to index
            %swap3A_444 = arith.constant 80 : index
            %swap3A_445 = tpu.vector_load %arg13[%swap3A_443, %swap3A_444] {strides = array<i32>} : memref<80x128xf32, #tpu.memory_space<vmem>>, vector<16xf32>,
            tpu.vector_store %arg13[%swap3A_443, %swap3A_444], %mul3A_442 {strides = array<i32>} : memref<80x128xf32, #tpu.memory_space<vmem>>, vector<16xf32>,
            %get3A_446 = arith.index_cast %add3A_397 : i32 to index
            %get3A_447 = arith.constant 96 : index
            %get3A_448 = tpu.vector_load %arg13[%get3A_446, %get3A_447] {strides = array<i32>} : memref<80x128xf32, #tpu.memory_space<vmem>>, vector<16xf32>,
            %mul3A_449 = vector.broadcast %squeeze3A_393 : f32 to vector<16xf32>
            %mul3A_450 = arith.mulf %get3A_448, %mul3A_449 : vector<16xf32>
            %swap3A_451 = arith.index_cast %add3A_397 : i32 to index
            %swap3A_452 = arith.constant 96 : index
            %swap3A_453 = tpu.vector_load %arg13[%swap3A_451, %swap3A_452] {strides = array<i32>} : memref<80x128xf32, #tpu.memory_space<vmem>>, vector<16xf32>,
            tpu.vector_store %arg13[%swap3A_451, %swap3A_452], %mul3A_450 {strides = array<i32>} : memref<80x128xf32, #tpu.memory_space<vmem>>, vector<16xf32>,
            %get3A_454 = arith.index_cast %add3A_397 : i32 to index
            %get3A_455 = arith.constant 112 : index
            %get3A_456 = tpu.vector_load %arg13[%get3A_454, %get3A_455] {strides = array<i32>} : memref<80x128xf32, #tpu.memory_space<vmem>>, vector<16xf32>,
            %mul3A_457 = vector.broadcast %squeeze3A_393 : f32 to vector<16xf32>
            %mul3A_458 = arith.mulf %get3A_456, %mul3A_457 : vector<16xf32>
            %swap3A_459 = arith.index_cast %add3A_397 : i32 to index
            %swap3A_460 = arith.constant 112 : index
            %swap3A_461 = tpu.vector_load %arg13[%swap3A_459, %swap3A_460] {strides = array<i32>} : memref<80x128xf32, #tpu.memory_space<vmem>>, vector<16xf32>,
            tpu.vector_store %arg13[%swap3A_459, %swap3A_460], %mul3A_458 {strides = array<i32>} : memref<80x128xf32, #tpu.memory_space<vmem>>, vector<16xf32>,
            %slice3A_462 = vector.extract_strided_slice %select_n3A_321 {offsets = [2], sizes = [1], strides = [1]} : vector<16xf32> to vector<1xf32>
            %squeeze3A_463 = vector.extract %slice3A_462[0] : f32 from vector<1xf32>
            %mul3A_464 = arith.constant 16 : i32
            %mul3A_465 = arith.muli %scan3A_288, %mul3A_464 : i32
            %add3A_466 = arith.constant 2 : i32
            %add3A_467 = arith.addi %mul3A_465, %add3A_466 : i32
            %get3A_468 = arith.index_cast %add3A_467 : i32 to index
            %get3A_469 = arith.constant 0 : index
            %get3A_470 = tpu.vector_load %arg13[%get3A_468, %get3A_469] {strides = array<i32>} : memref<80x128xf32, #tpu.memory_space<vmem>>, vector<16xf32>,
            %mul3A_471 = vector.broadcast %squeeze3A_463 : f32 to vector<16xf32>
            %mul3A_472 = arith.mulf %get3A_470, %mul3A_471 : vector<16xf32>
            %swap3A_473 = arith.index_cast %add3A_467 : i32 to index
            %swap3A_474 = arith.constant 0 : index
            %swap3A_475 = tpu.vector_load %arg13[%swap3A_473, %swap3A_474] {strides = array<i32>} : memref<80x128xf32, #tpu.memory_space<vmem>>, vector<16xf32>,
            tpu.vector_store %arg13[%swap3A_473, %swap3A_474], %mul3A_472 {strides = array<i32>} : memref<80x128xf32, #tpu.memory_space<vmem>>, vector<16xf32>,
            %get3A_476 = arith.index_cast %add3A_467 : i32 to index
            %get3A_477 = arith.constant 16 : index
            %get3A_478 = tpu.vector_load %arg13[%get3A_476, %get3A_477] {strides = array<i32>} : memref<80x128xf32, #tpu.memory_space<vmem>>, vector<16xf32>,
            %mul3A_479 = vector.broadcast %squeeze3A_463 : f32 to vector<16xf32>
            %mul3A_480 = arith.mulf %get3A_478, %mul3A_479 : vector<16xf32>
            %swap3A_481 = arith.index_cast %add3A_467 : i32 to index
            %swap3A_482 = arith.constant 16 : index
            %swap3A_483 = tpu.vector_load %arg13[%swap3A_481, %swap3A_482] {strides = array<i32>} : memref<80x128xf32, #tpu.memory_space<vmem>>, vector<16xf32>,
            tpu.vector_store %arg13[%swap3A_481, %swap3A_482], %mul3A_480 {strides = array<i32>} : memref<80x128xf32, #tpu.memory_space<vmem>>, vector<16xf32>,
            %get3A_484 = arith.index_cast %add3A_467 : i32 to index
            %get3A_485 = arith.constant 32 : index
            %get3A_486 = tpu.vector_load %arg13[%get3A_484, %get3A_485] {strides = array<i32>} : memref<80x128xf32, #tpu.memory_space<vmem>>, vector<16xf32>,
            %mul3A_487 = vector.broadcast %squeeze3A_463 : f32 to vector<16xf32>
            %mul3A_488 = arith.mulf %get3A_486, %mul3A_487 : vector<16xf32>
            %swap3A_489 = arith.index_cast %add3A_467 : i32 to index
            %swap3A_490 = arith.constant 32 : index
            %swap3A_491 = tpu.vector_load %arg13[%swap3A_489, %swap3A_490] {strides = array<i32>} : memref<80x128xf32, #tpu.memory_space<vmem>>, vector<16xf32>,
            tpu.vector_store %arg13[%swap3A_489, %swap3A_490], %mul3A_488 {strides = array<i32>} : memref<80x128xf32, #tpu.memory_space<vmem>>, vector<16xf32>,
            %get3A_492 = arith.index_cast %add3A_467 : i32 to index
            %get3A_493 = arith.constant 48 : index
            %get3A_494 = tpu.vector_load %arg13[%get3A_492, %get3A_493] {strides = array<i32>} : memref<80x128xf32, #tpu.memory_space<vmem>>, vector<16xf32>,
            %mul3A_495 = vector.broadcast %squeeze3A_463 : f32 to vector<16xf32>
            %mul3A_496 = arith.mulf %get3A_494, %mul3A_495 : vector<16xf32>
            %swap3A_497 = arith.index_cast %add3A_467 : i32 to index
            %swap3A_498 = arith.constant 48 : index
            %swap3A_499 = tpu.vector_load %arg13[%swap3A_497, %swap3A_498] {strides = array<i32>} : memref<80x128xf32, #tpu.memory_space<vmem>>, vector<16xf32>,
            tpu.vector_store %arg13[%swap3A_497, %swap3A_498], %mul3A_496 {strides = array<i32>} : memref<80x128xf32, #tpu.memory_space<vmem>>, vector<16xf32>,
            %get3A_500 = arith.index_cast %add3A_467 : i32 to index
            %get3A_501 = arith.constant 64 : index
            %get3A_502 = tpu.vector_load %arg13[%get3A_500, %get3A_501] {strides = array<i32>} : memref<80x128xf32, #tpu.memory_space<vmem>>, vector<16xf32>,
            %mul3A_503 = vector.broadcast %squeeze3A_463 : f32 to vector<16xf32>
            %mul3A_504 = arith.mulf %get3A_502, %mul3A_503 : vector<16xf32>
            %swap3A_505 = arith.index_cast %add3A_467 : i32 to index
            %swap3A_506 = arith.constant 64 : index
            %swap3A_507 = tpu.vector_load %arg13[%swap3A_505, %swap3A_506] {strides = array<i32>} : memref<80x128xf32, #tpu.memory_space<vmem>>, vector<16xf32>,
            tpu.vector_store %arg13[%swap3A_505, %swap3A_506], %mul3A_504 {strides = array<i32>} : memref<80x128xf32, #tpu.memory_space<vmem>>, vector<16xf32>,
            %get3A_508 = arith.index_cast %add3A_467 : i32 to index
            %get3A_509 = arith.constant 80 : index
            %get3A_510 = tpu.vector_load %arg13[%get3A_508, %get3A_509] {strides = array<i32>} : memref<80x128xf32, #tpu.memory_space<vmem>>, vector<16xf32>,
            %mul3A_511 = vector.broadcast %squeeze3A_463 : f32 to vector<16xf32>
            %mul3A_512 = arith.mulf %get3A_510, %mul3A_511 : vector<16xf32>
            %swap3A_513 = arith.index_cast %add3A_467 : i32 to index
            %swap3A_514 = arith.constant 80 : index
            %swap3A_515 = tpu.vector_load %arg13[%swap3A_513, %swap3A_514] {strides = array<i32>} : memref<80x128xf32, #tpu.memory_space<vmem>>, vector<16xf32>,
            tpu.vector_store %arg13[%swap3A_513, %swap3A_514], %mul3A_512 {strides = array<i32>} : memref<80x128xf32, #tpu.memory_space<vmem>>, vector<16xf32>,
            %get3A_516 = arith.index_cast %add3A_467 : i32 to index
            %get3A_517 = arith.constant 96 : index
            %get3A_518 = tpu.vector_load %arg13[%get3A_516, %get3A_517] {strides = array<i32>} : memref<80x128xf32, #tpu.memory_space<vmem>>, vector<16xf32>,
            %mul3A_519 = vector.broadcast %squeeze3A_463 : f32 to vector<16xf32>
            %mul3A_520 = arith.mulf %get3A_518, %mul3A_519 : vector<16xf32>
            %swap3A_521 = arith.index_cast %add3A_467 : i32 to index
            %swap3A_522 = arith.constant 96 : index
            %swap3A_523 = tpu.vector_load %arg13[%swap3A_521, %swap3A_522] {strides = array<i32>} : memref<80x128xf32, #tpu.memory_space<vmem>>, vector<16xf32>,
            tpu.vector_store %arg13[%swap3A_521, %swap3A_522], %mul3A_520 {strides = array<i32>} : memref<80x128xf32, #tpu.memory_space<vmem>>, vector<16xf32>,
            %get3A_524 = arith.index_cast %add3A_467 : i32 to index
            %get3A_525 = arith.constant 112 : index
            %get3A_526 = tpu.vector_load %arg13[%get3A_524, %get3A_525] {strides = array<i32>} : memref<80x128xf32, #tpu.memory_space<vmem>>, vector<16xf32>,
            %mul3A_527 = vector.broadcast %squeeze3A_463 : f32 to vector<16xf32>
            %mul3A_528 = arith.mulf %get3A_526, %mul3A_527 : vector<16xf32>
            %swap3A_529 = arith.index_cast %add3A_467 : i32 to index
            %swap3A_530 = arith.constant 112 : index
            %swap3A_531 = tpu.vector_load %arg13[%swap3A_529, %swap3A_530] {strides = array<i32>} : memref<80x128xf32, #tpu.memory_space<vmem>>, vector<16xf32>,
            tpu.vector_store %arg13[%swap3A_529, %swap3A_530], %mul3A_528 {strides = array<i32>} : memref<80x128xf32, #tpu.memory_space<vmem>>, vector<16xf32>,
            %slice3A_532 = vector.extract_strided_slice %select_n3A_321 {offsets = [3], sizes = [1], strides = [1]} : vector<16xf32> to vector<1xf32>
            %squeeze3A_533 = vector.extract %slice3A_532[0] : f32 from vector<1xf32>
            %mul3A_534 = arith.constant 16 : i32
            %mul3A_535 = arith.muli %scan3A_288, %mul3A_534 : i32
            %add3A_536 = arith.constant 3 : i32
            %add3A_537 = arith.addi %mul3A_535, %add3A_536 : i32
            %get3A_538 = arith.index_cast %add3A_537 : i32 to index
            %get3A_539 = arith.constant 0 : index
            %get3A_540 = tpu.vector_load %arg13[%get3A_538, %get3A_539] {strides = array<i32>} : memref<80x128xf32, #tpu.memory_space<vmem>>, vector<16xf32>,
            %mul3A_541 = vector.broadcast %squeeze3A_533 : f32 to vector<16xf32>
            %mul3A_542 = arith.mulf %get3A_540, %mul3A_541 : vector<16xf32>
            %swap3A_543 = arith.index_cast %add3A_537 : i32 to index
            %swap3A_544 = arith.constant 0 : index
            %swap3A_545 = tpu.vector_load %arg13[%swap3A_543, %swap3A_544] {strides = array<i32>} : memref<80x128xf32, #tpu.memory_space<vmem>>, vector<16xf32>,
            tpu.vector_store %arg13[%swap3A_543, %swap3A_544], %mul3A_542 {strides = array<i32>} : memref<80x128xf32, #tpu.memory_space<vmem>>, vector<16xf32>,
            %get3A_546 = arith.index_cast %add3A_537 : i32 to index
            %get3A_547 = arith.constant 16 : index
            %get3A_548 = tpu.vector_load %arg13[%get3A_546, %get3A_547] {strides = array<i32>} : memref<80x128xf32, #tpu.memory_space<vmem>>, vector<16xf32>,
            %mul3A_549 = vector.broadcast %squeeze3A_533 : f32 to vector<16xf32>
            %mul3A_550 = arith.mulf %get3A_548, %mul3A_549 : vector<16xf32>
            %swap3A_551 = arith.index_cast %add3A_537 : i32 to index
            %swap3A_552 = arith.constant 16 : index
            %swap3A_553 = tpu.vector_load %arg13[%swap3A_551, %swap3A_552] {strides = array<i32>} : memref<80x128xf32, #tpu.memory_space<vmem>>, vector<16xf32>,
            tpu.vector_store %arg13[%swap3A_551, %swap3A_552], %mul3A_550 {strides = array<i32>} : memref<80x128xf32, #tpu.memory_space<vmem>>, vector<16xf32>,
            %get3A_554 = arith.index_cast %add3A_537 : i32 to index
            %get3A_555 = arith.constant 32 : index
            %get3A_556 = tpu.vector_load %arg13[%get3A_554, %get3A_555] {strides = array<i32>} : memref<80x128xf32, #tpu.memory_space<vmem>>, vector<16xf32>,
            %mul3A_557 = vector.broadcast %squeeze3A_533 : f32 to vector<16xf32>
            %mul3A_558 = arith.mulf %get3A_556, %mul3A_557 : vector<16xf32>
            %swap3A_559 = arith.index_cast %add3A_537 : i32 to index
            %swap3A_560 = arith.constant 32 : index
            %swap3A_561 = tpu.vector_load %arg13[%swap3A_559, %swap3A_560] {strides = array<i32>} : memref<80x128xf32, #tpu.memory_space<vmem>>, vector<16xf32>,
            tpu.vector_store %arg13[%swap3A_559, %swap3A_560], %mul3A_558 {strides = array<i32>} : memref<80x128xf32, #tpu.memory_space<vmem>>, vector<16xf32>,
            %get3A_562 = arith.index_cast %add3A_537 : i32 to index
            %get3A_563 = arith.constant 48 : index
            %get3A_564 = tpu.vector_load %arg13[%get3A_562, %get3A_563] {strides = array<i32>} : memref<80x128xf32, #tpu.memory_space<vmem>>, vector<16xf32>,
            %mul3A_565 = vector.broadcast %squeeze3A_533 : f32 to vector<16xf32>
            %mul3A_566 = arith.mulf %get3A_564, %mul3A_565 : vector<16xf32>
            %swap3A_567 = arith.index_cast %add3A_537 : i32 to index
            %swap3A_568 = arith.constant 48 : index
            %swap3A_569 = tpu.vector_load %arg13[%swap3A_567, %swap3A_568] {strides = array<i32>} : memref<80x128xf32, #tpu.memory_space<vmem>>, vector<16xf32>,
            tpu.vector_store %arg13[%swap3A_567, %swap3A_568], %mul3A_566 {strides = array<i32>} : memref<80x128xf32, #tpu.memory_space<vmem>>, vector<16xf32>,
            %get3A_570 = arith.index_cast %add3A_537 : i32 to index
            %get3A_571 = arith.constant 64 : index
            %get3A_572 = tpu.vector_load %arg13[%get3A_570, %get3A_571] {strides = array<i32>} : memref<80x128xf32, #tpu.memory_space<vmem>>, vector<16xf32>,
            %mul3A_573 = vector.broadcast %squeeze3A_533 : f32 to vector<16xf32>
            %mul3A_574 = arith.mulf %get3A_572, %mul3A_573 : vector<16xf32>
            %swap3A_575 = arith.index_cast %add3A_537 : i32 to index
            %swap3A_576 = arith.constant 64 : index
            %swap3A_577 = tpu.vector_load %arg13[%swap3A_575, %swap3A_576] {strides = array<i32>} : memref<80x128xf32, #tpu.memory_space<vmem>>, vector<16xf32>,
            tpu.vector_store %arg13[%swap3A_575, %swap3A_576], %mul3A_574 {strides = array<i32>} : memref<80x128xf32, #tpu.memory_space<vmem>>, vector<16xf32>,
            %get3A_578 = arith.index_cast %add3A_537 : i32 to index
            %get3A_579 = arith.constant 80 : index
            %get3A_580 = tpu.vector_load %arg13[%get3A_578, %get3A_579] {strides = array<i32>} : memref<80x128xf32, #tpu.memory_space<vmem>>, vector<16xf32>,
            %mul3A_581 = vector.broadcast %squeeze3A_533 : f32 to vector<16xf32>
            %mul3A_582 = arith.mulf %get3A_580, %mul3A_581 : vector<16xf32>
            %swap3A_583 = arith.index_cast %add3A_537 : i32 to index
            %swap3A_584 = arith.constant 80 : index
            %swap3A_585 = tpu.vector_load %arg13[%swap3A_583, %swap3A_584] {strides = array<i32>} : memref<80x128xf32, #tpu.memory_space<vmem>>, vector<16xf32>,
            tpu.vector_store %arg13[%swap3A_583, %swap3A_584], %mul3A_582 {strides = array<i32>} : memref<80x128xf32, #tpu.memory_space<vmem>>, vector<16xf32>,
            %get3A_586 = arith.index_cast %add3A_537 : i32 to index
            %get3A_587 = arith.constant 96 : index
            %get3A_588 = tpu.vector_load %arg13[%get3A_586, %get3A_587] {strides = array<i32>} : memref<80x128xf32, #tpu.memory_space<vmem>>, vector<16xf32>,
            %mul3A_589 = vector.broadcast %squeeze3A_533 : f32 to vector<16xf32>
            %mul3A_590 = arith.mulf %get3A_588, %mul3A_589 : vector<16xf32>
            %swap3A_591 = arith.index_cast %add3A_537 : i32 to index
            %swap3A_592 = arith.constant 96 : index
            %swap3A_593 = tpu.vector_load %arg13[%swap3A_591, %swap3A_592] {strides = array<i32>} : memref<80x128xf32, #tpu.memory_space<vmem>>, vector<16xf32>,
            tpu.vector_store %arg13[%swap3A_591, %swap3A_592], %mul3A_590 {strides = array<i32>} : memref<80x128xf32, #tpu.memory_space<vmem>>, vector<16xf32>,
            %get3A_594 = arith.index_cast %add3A_537 : i32 to index
            %get3A_595 = arith.constant 112 : index
            %get3A_596 = tpu.vector_load %arg13[%get3A_594, %get3A_595] {strides = array<i32>} : memref<80x128xf32, #tpu.memory_space<vmem>>, vector<16xf32>,
            %mul3A_597 = vector.broadcast %squeeze3A_533 : f32 to vector<16xf32>
            %mul3A_598 = arith.mulf %get3A_596, %mul3A_597 : vector<16xf32>
            %swap3A_599 = arith.index_cast %add3A_537 : i32 to index
            %swap3A_600 = arith.constant 112 : index
            %swap3A_601 = tpu.vector_load %arg13[%swap3A_599, %swap3A_600] {strides = array<i32>} : memref<80x128xf32, #tpu.memory_space<vmem>>, vector<16xf32>,
            tpu.vector_store %arg13[%swap3A_599, %swap3A_600], %mul3A_598 {strides = array<i32>} : memref<80x128xf32, #tpu.memory_space<vmem>>, vector<16xf32>,
            %slice3A_602 = vector.extract_strided_slice %select_n3A_321 {offsets = [4], sizes = [1], strides = [1]} : vector<16xf32> to vector<1xf32>
            %squeeze3A_603 = vector.extract %slice3A_602[0] : f32 from vector<1xf32>
            %mul3A_604 = arith.constant 16 : i32
            %mul3A_605 = arith.muli %scan3A_288, %mul3A_604 : i32
            %add3A_606 = arith.constant 4 : i32
            %add3A_607 = arith.addi %mul3A_605, %add3A_606 : i32
            %get3A_608 = arith.index_cast %add3A_607 : i32 to index
            %get3A_609 = arith.constant 0 : index
            %get3A_610 = tpu.vector_load %arg13[%get3A_608, %get3A_609] {strides = array<i32>} : memref<80x128xf32, #tpu.memory_space<vmem>>, vector<16xf32>,
            %mul3A_611 = vector.broadcast %squeeze3A_603 : f32 to vector<16xf32>
            %mul3A_612 = arith.mulf %get3A_610, %mul3A_611 : vector<16xf32>
            %swap3A_613 = arith.index_cast %add3A_607 : i32 to index
            %swap3A_614 = arith.constant 0 : index
            %swap3A_615 = tpu.vector_load %arg13[%swap3A_613, %swap3A_614] {strides = array<i32>} : memref<80x128xf32, #tpu.memory_space<vmem>>, vector<16xf32>,
            tpu.vector_store %arg13[%swap3A_613, %swap3A_614], %mul3A_612 {strides = array<i32>} : memref<80x128xf32, #tpu.memory_space<vmem>>, vector<16xf32>,
            %get3A_616 = arith.index_cast %add3A_607 : i32 to index
            %get3A_617 = arith.constant 16 : index
            %get3A_618 = tpu.vector_load %arg13[%get3A_616, %get3A_617] {strides = array<i32>} : memref<80x128xf32, #tpu.memory_space<vmem>>, vector<16xf32>,
            %mul3A_619 = vector.broadcast %squeeze3A_603 : f32 to vector<16xf32>
            %mul3A_620 = arith.mulf %get3A_618, %mul3A_619 : vector<16xf32>
            %swap3A_621 = arith.index_cast %add3A_607 : i32 to index
            %swap3A_622 = arith.constant 16 : index
            %swap3A_623 = tpu.vector_load %arg13[%swap3A_621, %swap3A_622] {strides = array<i32>} : memref<80x128xf32, #tpu.memory_space<vmem>>, vector<16xf32>,
            tpu.vector_store %arg13[%swap3A_621, %swap3A_622], %mul3A_620 {strides = array<i32>} : memref<80x128xf32, #tpu.memory_space<vmem>>, vector<16xf32>,
            %get3A_624 = arith.index_cast %add3A_607 : i32 to index
            %get3A_625 = arith.constant 32 : index
            %get3A_626 = tpu.vector_load %arg13[%get3A_624, %get3A_625] {strides = array<i32>} : memref<80x128xf32, #tpu.memory_space<vmem>>, vector<16xf32>,
            %mul3A_627 = vector.broadcast %squeeze3A_603 : f32 to vector<16xf32>
            %mul3A_628 = arith.mulf %get3A_626, %mul3A_627 : vector<16xf32>
            %swap3A_629 = arith.index_cast %add3A_607 : i32 to index
            %swap3A_630 = arith.constant 32 : index
            %swap3A_631 = tpu.vector_load %arg13[%swap3A_629, %swap3A_630] {strides = array<i32>} : memref<80x128xf32, #tpu.memory_space<vmem>>, vector<16xf32>,
            tpu.vector_store %arg13[%swap3A_629, %swap3A_630], %mul3A_628 {strides = array<i32>} : memref<80x128xf32, #tpu.memory_space<vmem>>, vector<16xf32>,
            %get3A_632 = arith.index_cast %add3A_607 : i32 to index
            %get3A_633 = arith.constant 48 : index
            %get3A_634 = tpu.vector_load %arg13[%get3A_632, %get3A_633] {strides = array<i32>} : memref<80x128xf32, #tpu.memory_space<vmem>>, vector<16xf32>,
            %mul3A_635 = vector.broadcast %squeeze3A_603 : f32 to vector<16xf32>
            %mul3A_636 = arith.mulf %get3A_634, %mul3A_635 : vector<16xf32>
            %swap3A_637 = arith.index_cast %add3A_607 : i32 to index
            %swap3A_638 = arith.constant 48 : index
            %swap3A_639 = tpu.vector_load %arg13[%swap3A_637, %swap3A_638] {strides = array<i32>} : memref<80x128xf32, #tpu.memory_space<vmem>>, vector<16xf32>,
            tpu.vector_store %arg13[%swap3A_637, %swap3A_638], %mul3A_636 {strides = array<i32>} : memref<80x128xf32, #tpu.memory_space<vmem>>, vector<16xf32>,
            %get3A_640 = arith.index_cast %add3A_607 : i32 to index
            %get3A_641 = arith.constant 64 : index
            %get3A_642 = tpu.vector_load %arg13[%get3A_640, %get3A_641] {strides = array<i32>} : memref<80x128xf32, #tpu.memory_space<vmem>>, vector<16xf32>,
            %mul3A_643 = vector.broadcast %squeeze3A_603 : f32 to vector<16xf32>
            %mul3A_644 = arith.mulf %get3A_642, %mul3A_643 : vector<16xf32>
            %swap3A_645 = arith.index_cast %add3A_607 : i32 to index
            %swap3A_646 = arith.constant 64 : index
            %swap3A_647 = tpu.vector_load %arg13[%swap3A_645, %swap3A_646] {strides = array<i32>} : memref<80x128xf32, #tpu.memory_space<vmem>>, vector<16xf32>,
            tpu.vector_store %arg13[%swap3A_645, %swap3A_646], %mul3A_644 {strides = array<i32>} : memref<80x128xf32, #tpu.memory_space<vmem>>, vector<16xf32>,
            %get3A_648 = arith.index_cast %add3A_607 : i32 to index
            %get3A_649 = arith.constant 80 : index
            %get3A_650 = tpu.vector_load %arg13[%get3A_648, %get3A_649] {strides = array<i32>} : memref<80x128xf32, #tpu.memory_space<vmem>>, vector<16xf32>,
            %mul3A_651 = vector.broadcast %squeeze3A_603 : f32 to vector<16xf32>
            %mul3A_652 = arith.mulf %get3A_650, %mul3A_651 : vector<16xf32>
            %swap3A_653 = arith.index_cast %add3A_607 : i32 to index
            %swap3A_654 = arith.constant 80 : index
            %swap3A_655 = tpu.vector_load %arg13[%swap3A_653, %swap3A_654] {strides = array<i32>} : memref<80x128xf32, #tpu.memory_space<vmem>>, vector<16xf32>,
            tpu.vector_store %arg13[%swap3A_653, %swap3A_654], %mul3A_652 {strides = array<i32>} : memref<80x128xf32, #tpu.memory_space<vmem>>, vector<16xf32>,
            %get3A_656 = arith.index_cast %add3A_607 : i32 to index
            %get3A_657 = arith.constant 96 : index
            %get3A_658 = tpu.vector_load %arg13[%get3A_656, %get3A_657] {strides = array<i32>} : memref<80x128xf32, #tpu.memory_space<vmem>>, vector<16xf32>,
            %mul3A_659 = vector.broadcast %squeeze3A_603 : f32 to vector<16xf32>
            %mul3A_660 = arith.mulf %get3A_658, %mul3A_659 : vector<16xf32>
            %swap3A_661 = arith.index_cast %add3A_607 : i32 to index
            %swap3A_662 = arith.constant 96 : index
            %swap3A_663 = tpu.vector_load %arg13[%swap3A_661, %swap3A_662] {strides = array<i32>} : memref<80x128xf32, #tpu.memory_space<vmem>>, vector<16xf32>,
            tpu.vector_store %arg13[%swap3A_661, %swap3A_662], %mul3A_660 {strides = array<i32>} : memref<80x128xf32, #tpu.memory_space<vmem>>, vector<16xf32>,
            %get3A_664 = arith.index_cast %add3A_607 : i32 to index
            %get3A_665 = arith.constant 112 : index
            %get3A_666 = tpu.vector_load %arg13[%get3A_664, %get3A_665] {strides = array<i32>} : memref<80x128xf32, #tpu.memory_space<vmem>>, vector<16xf32>,
            %mul3A_667 = vector.broadcast %squeeze3A_603 : f32 to vector<16xf32>
            %mul3A_668 = arith.mulf %get3A_666, %mul3A_667 : vector<16xf32>
            %swap3A_669 = arith.index_cast %add3A_607 : i32 to index
            %swap3A_670 = arith.constant 112 : index
            %swap3A_671 = tpu.vector_load %arg13[%swap3A_669, %swap3A_670] {strides = array<i32>} : memref<80x128xf32, #tpu.memory_space<vmem>>, vector<16xf32>,
            tpu.vector_store %arg13[%swap3A_669, %swap3A_670], %mul3A_668 {strides = array<i32>} : memref<80x128xf32, #tpu.memory_space<vmem>>, vector<16xf32>,
            %slice3A_672 = vector.extract_strided_slice %select_n3A_321 {offsets = [5], sizes = [1], strides = [1]} : vector<16xf32> to vector<1xf32>
            %squeeze3A_673 = vector.extract %slice3A_672[0] : f32 from vector<1xf32>
            %mul3A_674 = arith.constant 16 : i32
            %mul3A_675 = arith.muli %scan3A_288, %mul3A_674 : i32
            %add3A_676 = arith.constant 5 : i32
            %add3A_677 = arith.addi %mul3A_675, %add3A_676 : i32
            %get3A_678 = arith.index_cast %add3A_677 : i32 to index
            %get3A_679 = arith.constant 0 : index
            %get3A_680 = tpu.vector_load %arg13[%get3A_678, %get3A_679] {strides = array<i32>} : memref<80x128xf32, #tpu.memory_space<vmem>>, vector<16xf32>,
            %mul3A_681 = vector.broadcast %squeeze3A_673 : f32 to vector<16xf32>
            %mul3A_682 = arith.mulf %get3A_680, %mul3A_681 : vector<16xf32>
            %swap3A_683 = arith.index_cast %add3A_677 : i32 to index
            %swap3A_684 = arith.constant 0 : index
            %swap3A_685 = tpu.vector_load %arg13[%swap3A_683, %swap3A_684] {strides = array<i32>} : memref<80x128xf32, #tpu.memory_space<vmem>>, vector<16xf32>,
            tpu.vector_store %arg13[%swap3A_683, %swap3A_684], %mul3A_682 {strides = array<i32>} : memref<80x128xf32, #tpu.memory_space<vmem>>, vector<16xf32>,
            %get3A_686 = arith.index_cast %add3A_677 : i32 to index
            %get3A_687 = arith.constant 16 : index
            %get3A_688 = tpu.vector_load %arg13[%get3A_686, %get3A_687] {strides = array<i32>} : memref<80x128xf32, #tpu.memory_space<vmem>>, vector<16xf32>,
            %mul3A_689 = vector.broadcast %squeeze3A_673 : f32 to vector<16xf32>
            %mul3A_690 = arith.mulf %get3A_688, %mul3A_689 : vector<16xf32>
            %swap3A_691 = arith.index_cast %add3A_677 : i32 to index
            %swap3A_692 = arith.constant 16 : index
            %swap3A_693 = tpu.vector_load %arg13[%swap3A_691, %swap3A_692] {strides = array<i32>} : memref<80x128xf32, #tpu.memory_space<vmem>>, vector<16xf32>,
            tpu.vector_store %arg13[%swap3A_691, %swap3A_692], %mul3A_690 {strides = array<i32>} : memref<80x128xf32, #tpu.memory_space<vmem>>, vector<16xf32>,
            %get3A_694 = arith.index_cast %add3A_677 : i32 to index
            %get3A_695 = arith.constant 32 : index
            %get3A_696 = tpu.vector_load %arg13[%get3A_694, %get3A_695] {strides = array<i32>} : memref<80x128xf32, #tpu.memory_space<vmem>>, vector<16xf32>,
            %mul3A_697 = vector.broadcast %squeeze3A_673 : f32 to vector<16xf32>
            %mul3A_698 = arith.mulf %get3A_696, %mul3A_697 : vector<16xf32>
            %swap3A_699 = arith.index_cast %add3A_677 : i32 to index
            %swap3A_700 = arith.constant 32 : index
            %swap3A_701 = tpu.vector_load %arg13[%swap3A_699, %swap3A_700] {strides = array<i32>} : memref<80x128xf32, #tpu.memory_space<vmem>>, vector<16xf32>,
            tpu.vector_store %arg13[%swap3A_699, %swap3A_700], %mul3A_698 {strides = array<i32>} : memref<80x128xf32, #tpu.memory_space<vmem>>, vector<16xf32>,
            %get3A_702 = arith.index_cast %add3A_677 : i32 to index
            %get3A_703 = arith.constant 48 : index
            %get3A_704 = tpu.vector_load %arg13[%get3A_702, %get3A_703] {strides = array<i32>} : memref<80x128xf32, #tpu.memory_space<vmem>>, vector<16xf32>,
            %mul3A_705 = vector.broadcast %squeeze3A_673 : f32 to vector<16xf32>
            %mul3A_706 = arith.mulf %get3A_704, %mul3A_705 : vector<16xf32>
            %swap3A_707 = arith.index_cast %add3A_677 : i32 to index
            %swap3A_708 = arith.constant 48 : index
            %swap3A_709 = tpu.vector_load %arg13[%swap3A_707, %swap3A_708] {strides = array<i32>} : memref<80x128xf32, #tpu.memory_space<vmem>>, vector<16xf32>,
            tpu.vector_store %arg13[%swap3A_707, %swap3A_708], %mul3A_706 {strides = array<i32>} : memref<80x128xf32, #tpu.memory_space<vmem>>, vector<16xf32>,
            %get3A_710 = arith.index_cast %add3A_677 : i32 to index
            %get3A_711 = arith.constant 64 : index
            %get3A_712 = tpu.vector_load %arg13[%get3A_710, %get3A_711] {strides = array<i32>} : memref<80x128xf32, #tpu.memory_space<vmem>>, vector<16xf32>,
            %mul3A_713 = vector.broadcast %squeeze3A_673 : f32 to vector<16xf32>
            %mul3A_714 = arith.mulf %get3A_712, %mul3A_713 : vector<16xf32>
            %swap3A_715 = arith.index_cast %add3A_677 : i32 to index
            %swap3A_716 = arith.constant 64 : index
            %swap3A_717 = tpu.vector_load %arg13[%swap3A_715, %swap3A_716] {strides = array<i32>} : memref<80x128xf32, #tpu.memory_space<vmem>>, vector<16xf32>,
            tpu.vector_store %arg13[%swap3A_715, %swap3A_716], %mul3A_714 {strides = array<i32>} : memref<80x128xf32, #tpu.memory_space<vmem>>, vector<16xf32>,
            %get3A_718 = arith.index_cast %add3A_677 : i32 to index
            %get3A_719 = arith.constant 80 : index
            %get3A_720 = tpu.vector_load %arg13[%get3A_718, %get3A_719] {strides = array<i32>} : memref<80x128xf32, #tpu.memory_space<vmem>>, vector<16xf32>,
            %mul3A_721 = vector.broadcast %squeeze3A_673 : f32 to vector<16xf32>
            %mul3A_722 = arith.mulf %get3A_720, %mul3A_721 : vector<16xf32>
            %swap3A_723 = arith.index_cast %add3A_677 : i32 to index
            %swap3A_724 = arith.constant 80 : index
            %swap3A_725 = tpu.vector_load %arg13[%swap3A_723, %swap3A_724] {strides = array<i32>} : memref<80x128xf32, #tpu.memory_space<vmem>>, vector<16xf32>,
            tpu.vector_store %arg13[%swap3A_723, %swap3A_724], %mul3A_722 {strides = array<i32>} : memref<80x128xf32, #tpu.memory_space<vmem>>, vector<16xf32>,
            %get3A_726 = arith.index_cast %add3A_677 : i32 to index
            %get3A_727 = arith.constant 96 : index
            %get3A_728 = tpu.vector_load %arg13[%get3A_726, %get3A_727] {strides = array<i32>} : memref<80x128xf32, #tpu.memory_space<vmem>>, vector<16xf32>,
            %mul3A_729 = vector.broadcast %squeeze3A_673 : f32 to vector<16xf32>
            %mul3A_730 = arith.mulf %get3A_728, %mul3A_729 : vector<16xf32>
            %swap3A_731 = arith.index_cast %add3A_677 : i32 to index
            %swap3A_732 = arith.constant 96 : index
            %swap3A_733 = tpu.vector_load %arg13[%swap3A_731, %swap3A_732] {strides = array<i32>} : memref<80x128xf32, #tpu.memory_space<vmem>>, vector<16xf32>,
            tpu.vector_store %arg13[%swap3A_731, %swap3A_732], %mul3A_730 {strides = array<i32>} : memref<80x128xf32, #tpu.memory_space<vmem>>, vector<16xf32>,
            %get3A_734 = arith.index_cast %add3A_677 : i32 to index
            %get3A_735 = arith.constant 112 : index
            %get3A_736 = tpu.vector_load %arg13[%get3A_734, %get3A_735] {strides = array<i32>} : memref<80x128xf32, #tpu.memory_space<vmem>>, vector<16xf32>,
            %mul3A_737 = vector.broadcast %squeeze3A_673 : f32 to vector<16xf32>
            %mul3A_738 = arith.mulf %get3A_736, %mul3A_737 : vector<16xf32>
            %swap3A_739 = arith.index_cast %add3A_677 : i32 to index
            %swap3A_740 = arith.constant 112 : index
            %swap3A_741 = tpu.vector_load %arg13[%swap3A_739, %swap3A_740] {strides = array<i32>} : memref<80x128xf32, #tpu.memory_space<vmem>>, vector<16xf32>,
            tpu.vector_store %arg13[%swap3A_739, %swap3A_740], %mul3A_738 {strides = array<i32>} : memref<80x128xf32, #tpu.memory_space<vmem>>, vector<16xf32>,
            %slice3A_742 = vector.extract_strided_slice %select_n3A_321 {offsets = [6], sizes = [1], strides = [1]} : vector<16xf32> to vector<1xf32>
            %squeeze3A_743 = vector.extract %slice3A_742[0] : f32 from vector<1xf32>
            %mul3A_744 = arith.constant 16 : i32
            %mul3A_745 = arith.muli %scan3A_288, %mul3A_744 : i32
            %add3A_746 = arith.constant 6 : i32
            %add3A_747 = arith.addi %mul3A_745, %add3A_746 : i32
            %get3A_748 = arith.index_cast %add3A_747 : i32 to index
            %get3A_749 = arith.constant 0 : index
            %get3A_750 = tpu.vector_load %arg13[%get3A_748, %get3A_749] {strides = array<i32>} : memref<80x128xf32, #tpu.memory_space<vmem>>, vector<16xf32>,
            %mul3A_751 = vector.broadcast %squeeze3A_743 : f32 to vector<16xf32>
            %mul3A_752 = arith.mulf %get3A_750, %mul3A_751 : vector<16xf32>
            %swap3A_753 = arith.index_cast %add3A_747 : i32 to index
            %swap3A_754 = arith.constant 0 : index
            %swap3A_755 = tpu.vector_load %arg13[%swap3A_753, %swap3A_754] {strides = array<i32>} : memref<80x128xf32, #tpu.memory_space<vmem>>, vector<16xf32>,
            tpu.vector_store %arg13[%swap3A_753, %swap3A_754], %mul3A_752 {strides = array<i32>} : memref<80x128xf32, #tpu.memory_space<vmem>>, vector<16xf32>,
            %get3A_756 = arith.index_cast %add3A_747 : i32 to index
            %get3A_757 = arith.constant 16 : index
            %get3A_758 = tpu.vector_load %arg13[%get3A_756, %get3A_757] {strides = array<i32>} : memref<80x128xf32, #tpu.memory_space<vmem>>, vector<16xf32>,
            %mul3A_759 = vector.broadcast %squeeze3A_743 : f32 to vector<16xf32>
            %mul3A_760 = arith.mulf %get3A_758, %mul3A_759 : vector<16xf32>
            %swap3A_761 = arith.index_cast %add3A_747 : i32 to index
            %swap3A_762 = arith.constant 16 : index
            %swap3A_763 = tpu.vector_load %arg13[%swap3A_761, %swap3A_762] {strides = array<i32>} : memref<80x128xf32, #tpu.memory_space<vmem>>, vector<16xf32>,
            tpu.vector_store %arg13[%swap3A_761, %swap3A_762], %mul3A_760 {strides = array<i32>} : memref<80x128xf32, #tpu.memory_space<vmem>>, vector<16xf32>,
            %get3A_764 = arith.index_cast %add3A_747 : i32 to index
            %get3A_765 = arith.constant 32 : index
            %get3A_766 = tpu.vector_load %arg13[%get3A_764, %get3A_765] {strides = array<i32>} : memref<80x128xf32, #tpu.memory_space<vmem>>, vector<16xf32>,
            %mul3A_767 = vector.broadcast %squeeze3A_743 : f32 to vector<16xf32>
            %mul3A_768 = arith.mulf %get3A_766, %mul3A_767 : vector<16xf32>
            %swap3A_769 = arith.index_cast %add3A_747 : i32 to index
            %swap3A_770 = arith.constant 32 : index
            %swap3A_771 = tpu.vector_load %arg13[%swap3A_769, %swap3A_770] {strides = array<i32>} : memref<80x128xf32, #tpu.memory_space<vmem>>, vector<16xf32>,
            tpu.vector_store %arg13[%swap3A_769, %swap3A_770], %mul3A_768 {strides = array<i32>} : memref<80x128xf32, #tpu.memory_space<vmem>>, vector<16xf32>,
            %get3A_772 = arith.index_cast %add3A_747 : i32 to index
            %get3A_773 = arith.constant 48 : index
            %get3A_774 = tpu.vector_load %arg13[%get3A_772, %get3A_773] {strides = array<i32>} : memref<80x128xf32, #tpu.memory_space<vmem>>, vector<16xf32>,
            %mul3A_775 = vector.broadcast %squeeze3A_743 : f32 to vector<16xf32>
            %mul3A_776 = arith.mulf %get3A_774, %mul3A_775 : vector<16xf32>
            %swap3A_777 = arith.index_cast %add3A_747 : i32 to index
            %swap3A_778 = arith.constant 48 : index
            %swap3A_779 = tpu.vector_load %arg13[%swap3A_777, %swap3A_778] {strides = array<i32>} : memref<80x128xf32, #tpu.memory_space<vmem>>, vector<16xf32>,
            tpu.vector_store %arg13[%swap3A_777, %swap3A_778], %mul3A_776 {strides = array<i32>} : memref<80x128xf32, #tpu.memory_space<vmem>>, vector<16xf32>,
            %get3A_780 = arith.index_cast %add3A_747 : i32 to index
            %get3A_781 = arith.constant 64 : index
            %get3A_782 = tpu.vector_load %arg13[%get3A_780, %get3A_781] {strides = array<i32>} : memref<80x128xf32, #tpu.memory_space<vmem>>, vector<16xf32>,
            %mul3A_783 = vector.broadcast %squeeze3A_743 : f32 to vector<16xf32>
            %mul3A_784 = arith.mulf %get3A_782, %mul3A_783 : vector<16xf32>
            %swap3A_785 = arith.index_cast %add3A_747 : i32 to index
            %swap3A_786 = arith.constant 64 : index
            %swap3A_787 = tpu.vector_load %arg13[%swap3A_785, %swap3A_786] {strides = array<i32>} : memref<80x128xf32, #tpu.memory_space<vmem>>, vector<16xf32>,
            tpu.vector_store %arg13[%swap3A_785, %swap3A_786], %mul3A_784 {strides = array<i32>} : memref<80x128xf32, #tpu.memory_space<vmem>>, vector<16xf32>,
            %get3A_788 = arith.index_cast %add3A_747 : i32 to index
            %get3A_789 = arith.constant 80 : index
            %get3A_790 = tpu.vector_load %arg13[%get3A_788, %get3A_789] {strides = array<i32>} : memref<80x128xf32, #tpu.memory_space<vmem>>, vector<16xf32>,
            %mul3A_791 = vector.broadcast %squeeze3A_743 : f32 to vector<16xf32>
            %mul3A_792 = arith.mulf %get3A_790, %mul3A_791 : vector<16xf32>
            %swap3A_793 = arith.index_cast %add3A_747 : i32 to index
            %swap3A_794 = arith.constant 80 : index
            %swap3A_795 = tpu.vector_load %arg13[%swap3A_793, %swap3A_794] {strides = array<i32>} : memref<80x128xf32, #tpu.memory_space<vmem>>, vector<16xf32>,
            tpu.vector_store %arg13[%swap3A_793, %swap3A_794], %mul3A_792 {strides = array<i32>} : memref<80x128xf32, #tpu.memory_space<vmem>>, vector<16xf32>,
            %get3A_796 = arith.index_cast %add3A_747 : i32 to index
            %get3A_797 = arith.constant 96 : index
            %get3A_798 = tpu.vector_load %arg13[%get3A_796, %get3A_797] {strides = array<i32>} : memref<80x128xf32, #tpu.memory_space<vmem>>, vector<16xf32>,
            %mul3A_799 = vector.broadcast %squeeze3A_743 : f32 to vector<16xf32>
            %mul3A_800 = arith.mulf %get3A_798, %mul3A_799 : vector<16xf32>
            %swap3A_801 = arith.index_cast %add3A_747 : i32 to index
            %swap3A_802 = arith.constant 96 : index
            %swap3A_803 = tpu.vector_load %arg13[%swap3A_801, %swap3A_802] {strides = array<i32>} : memref<80x128xf32, #tpu.memory_space<vmem>>, vector<16xf32>,
            tpu.vector_store %arg13[%swap3A_801, %swap3A_802], %mul3A_800 {strides = array<i32>} : memref<80x128xf32, #tpu.memory_space<vmem>>, vector<16xf32>,
            %get3A_804 = arith.index_cast %add3A_747 : i32 to index
            %get3A_805 = arith.constant 112 : index
            %get3A_806 = tpu.vector_load %arg13[%get3A_804, %get3A_805] {strides = array<i32>} : memref<80x128xf32, #tpu.memory_space<vmem>>, vector<16xf32>,
            %mul3A_807 = vector.broadcast %squeeze3A_743 : f32 to vector<16xf32>
            %mul3A_808 = arith.mulf %get3A_806, %mul3A_807 : vector<16xf32>
            %swap3A_809 = arith.index_cast %add3A_747 : i32 to index
            %swap3A_810 = arith.constant 112 : index
            %swap3A_811 = tpu.vector_load %arg13[%swap3A_809, %swap3A_810] {strides = array<i32>} : memref<80x128xf32, #tpu.memory_space<vmem>>, vector<16xf32>,
            tpu.vector_store %arg13[%swap3A_809, %swap3A_810], %mul3A_808 {strides = array<i32>} : memref<80x128xf32, #tpu.memory_space<vmem>>, vector<16xf32>,
            %slice3A_812 = vector.extract_strided_slice %select_n3A_321 {offsets = [7], sizes = [1], strides = [1]} : vector<16xf32> to vector<1xf32>
            %squeeze3A_813 = vector.extract %slice3A_812[0] : f32 from vector<1xf32>
            %mul3A_814 = arith.constant 16 : i32
            %mul3A_815 = arith.muli %scan3A_288, %mul3A_814 : i32
            %add3A_816 = arith.constant 7 : i32
            %add3A_817 = arith.addi %mul3A_815, %add3A_816 : i32
            %get3A_818 = arith.index_cast %add3A_817 : i32 to index
            %get3A_819 = arith.constant 0 : index
            %get3A_820 = tpu.vector_load %arg13[%get3A_818, %get3A_819] {strides = array<i32>} : memref<80x128xf32, #tpu.memory_space<vmem>>, vector<16xf32>,
            %mul3A_821 = vector.broadcast %squeeze3A_813 : f32 to vector<16xf32>
            %mul3A_822 = arith.mulf %get3A_820, %mul3A_821 : vector<16xf32>
            %swap3A_823 = arith.index_cast %add3A_817 : i32 to index
            %swap3A_824 = arith.constant 0 : index
            %swap3A_825 = tpu.vector_load %arg13[%swap3A_823, %swap3A_824] {strides = array<i32>} : memref<80x128xf32, #tpu.memory_space<vmem>>, vector<16xf32>,
            tpu.vector_store %arg13[%swap3A_823, %swap3A_824], %mul3A_822 {strides = array<i32>} : memref<80x128xf32, #tpu.memory_space<vmem>>, vector<16xf32>,
            %get3A_826 = arith.index_cast %add3A_817 : i32 to index
            %get3A_827 = arith.constant 16 : index
            %get3A_828 = tpu.vector_load %arg13[%get3A_826, %get3A_827] {strides = array<i32>} : memref<80x128xf32, #tpu.memory_space<vmem>>, vector<16xf32>,
            %mul3A_829 = vector.broadcast %squeeze3A_813 : f32 to vector<16xf32>
            %mul3A_830 = arith.mulf %get3A_828, %mul3A_829 : vector<16xf32>
            %swap3A_831 = arith.index_cast %add3A_817 : i32 to index
            %swap3A_832 = arith.constant 16 : index
            %swap3A_833 = tpu.vector_load %arg13[%swap3A_831, %swap3A_832] {strides = array<i32>} : memref<80x128xf32, #tpu.memory_space<vmem>>, vector<16xf32>,
            tpu.vector_store %arg13[%swap3A_831, %swap3A_832], %mul3A_830 {strides = array<i32>} : memref<80x128xf32, #tpu.memory_space<vmem>>, vector<16xf32>,
            %get3A_834 = arith.index_cast %add3A_817 : i32 to index
            %get3A_835 = arith.constant 32 : index
            %get3A_836 = tpu.vector_load %arg13[%get3A_834, %get3A_835] {strides = array<i32>} : memref<80x128xf32, #tpu.memory_space<vmem>>, vector<16xf32>,
            %mul3A_837 = vector.broadcast %squeeze3A_813 : f32 to vector<16xf32>
            %mul3A_838 = arith.mulf %get3A_836, %mul3A_837 : vector<16xf32>
            %swap3A_839 = arith.index_cast %add3A_817 : i32 to index
            %swap3A_840 = arith.constant 32 : index
            %swap3A_841 = tpu.vector_load %arg13[%swap3A_839, %swap3A_840] {strides = array<i32>} : memref<80x128xf32, #tpu.memory_space<vmem>>, vector<16xf32>,
            tpu.vector_store %arg13[%swap3A_839, %swap3A_840], %mul3A_838 {strides = array<i32>} : memref<80x128xf32, #tpu.memory_space<vmem>>, vector<16xf32>,
            %get3A_842 = arith.index_cast %add3A_817 : i32 to index
            %get3A_843 = arith.constant 48 : index
            %get3A_844 = tpu.vector_load %arg13[%get3A_842, %get3A_843] {strides = array<i32>} : memref<80x128xf32, #tpu.memory_space<vmem>>, vector<16xf32>,
            %mul3A_845 = vector.broadcast %squeeze3A_813 : f32 to vector<16xf32>
            %mul3A_846 = arith.mulf %get3A_844, %mul3A_845 : vector<16xf32>
            %swap3A_847 = arith.index_cast %add3A_817 : i32 to index
            %swap3A_848 = arith.constant 48 : index
            %swap3A_849 = tpu.vector_load %arg13[%swap3A_847, %swap3A_848] {strides = array<i32>} : memref<80x128xf32, #tpu.memory_space<vmem>>, vector<16xf32>,
            tpu.vector_store %arg13[%swap3A_847, %swap3A_848], %mul3A_846 {strides = array<i32>} : memref<80x128xf32, #tpu.memory_space<vmem>>, vector<16xf32>,
            %get3A_850 = arith.index_cast %add3A_817 : i32 to index
            %get3A_851 = arith.constant 64 : index
            %get3A_852 = tpu.vector_load %arg13[%get3A_850, %get3A_851] {strides = array<i32>} : memref<80x128xf32, #tpu.memory_space<vmem>>, vector<16xf32>,
            %mul3A_853 = vector.broadcast %squeeze3A_813 : f32 to vector<16xf32>
            %mul3A_854 = arith.mulf %get3A_852, %mul3A_853 : vector<16xf32>
            %swap3A_855 = arith.index_cast %add3A_817 : i32 to index
            %swap3A_856 = arith.constant 64 : index
            %swap3A_857 = tpu.vector_load %arg13[%swap3A_855, %swap3A_856] {strides = array<i32>} : memref<80x128xf32, #tpu.memory_space<vmem>>, vector<16xf32>,
            tpu.vector_store %arg13[%swap3A_855, %swap3A_856], %mul3A_854 {strides = array<i32>} : memref<80x128xf32, #tpu.memory_space<vmem>>, vector<16xf32>,
            %get3A_858 = arith.index_cast %add3A_817 : i32 to index
            %get3A_859 = arith.constant 80 : index
            %get3A_860 = tpu.vector_load %arg13[%get3A_858, %get3A_859] {strides = array<i32>} : memref<80x128xf32, #tpu.memory_space<vmem>>, vector<16xf32>,
            %mul3A_861 = vector.broadcast %squeeze3A_813 : f32 to vector<16xf32>
            %mul3A_862 = arith.mulf %get3A_860, %mul3A_861 : vector<16xf32>
            %swap3A_863 = arith.index_cast %add3A_817 : i32 to index
            %swap3A_864 = arith.constant 80 : index
            %swap3A_865 = tpu.vector_load %arg13[%swap3A_863, %swap3A_864] {strides = array<i32>} : memref<80x128xf32, #tpu.memory_space<vmem>>, vector<16xf32>,
            tpu.vector_store %arg13[%swap3A_863, %swap3A_864], %mul3A_862 {strides = array<i32>} : memref<80x128xf32, #tpu.memory_space<vmem>>, vector<16xf32>,
            %get3A_866 = arith.index_cast %add3A_817 : i32 to index
            %get3A_867 = arith.constant 96 : index
            %get3A_868 = tpu.vector_load %arg13[%get3A_866, %get3A_867] {strides = array<i32>} : memref<80x128xf32, #tpu.memory_space<vmem>>, vector<16xf32>,
            %mul3A_869 = vector.broadcast %squeeze3A_813 : f32 to vector<16xf32>
            %mul3A_870 = arith.mulf %get3A_868, %mul3A_869 : vector<16xf32>
            %swap3A_871 = arith.index_cast %add3A_817 : i32 to index
            %swap3A_872 = arith.constant 96 : index
            %swap3A_873 = tpu.vector_load %arg13[%swap3A_871, %swap3A_872] {strides = array<i32>} : memref<80x128xf32, #tpu.memory_space<vmem>>, vector<16xf32>,
            tpu.vector_store %arg13[%swap3A_871, %swap3A_872], %mul3A_870 {strides = array<i32>} : memref<80x128xf32, #tpu.memory_space<vmem>>, vector<16xf32>,
            %get3A_874 = arith.index_cast %add3A_817 : i32 to index
            %get3A_875 = arith.constant 112 : index
            %get3A_876 = tpu.vector_load %arg13[%get3A_874, %get3A_875] {strides = array<i32>} : memref<80x128xf32, #tpu.memory_space<vmem>>, vector<16xf32>,
            %mul3A_877 = vector.broadcast %squeeze3A_813 : f32 to vector<16xf32>
            %mul3A_878 = arith.mulf %get3A_876, %mul3A_877 : vector<16xf32>
            %swap3A_879 = arith.index_cast %add3A_817 : i32 to index
            %swap3A_880 = arith.constant 112 : index
            %swap3A_881 = tpu.vector_load %arg13[%swap3A_879, %swap3A_880] {strides = array<i32>} : memref<80x128xf32, #tpu.memory_space<vmem>>, vector<16xf32>,
            tpu.vector_store %arg13[%swap3A_879, %swap3A_880], %mul3A_878 {strides = array<i32>} : memref<80x128xf32, #tpu.memory_space<vmem>>, vector<16xf32>,
            %slice3A_882 = vector.extract_strided_slice %select_n3A_321 {offsets = [8], sizes = [1], strides = [1]} : vector<16xf32> to vector<1xf32>
            %squeeze3A_883 = vector.extract %slice3A_882[0] : f32 from vector<1xf32>
            %mul3A_884 = arith.constant 16 : i32
            %mul3A_885 = arith.muli %scan3A_288, %mul3A_884 : i32
            %add3A_886 = arith.constant 8 : i32
            %add3A_887 = arith.addi %mul3A_885, %add3A_886 : i32
            %get3A_888 = arith.index_cast %add3A_887 : i32 to index
            %get3A_889 = arith.constant 0 : index
            %get3A_890 = tpu.vector_load %arg13[%get3A_888, %get3A_889] {strides = array<i32>} : memref<80x128xf32, #tpu.memory_space<vmem>>, vector<16xf32>,
            %mul3A_891 = vector.broadcast %squeeze3A_883 : f32 to vector<16xf32>
            %mul3A_892 = arith.mulf %get3A_890, %mul3A_891 : vector<16xf32>
            %swap3A_893 = arith.index_cast %add3A_887 : i32 to index
            %swap3A_894 = arith.constant 0 : index
            %swap3A_895 = tpu.vector_load %arg13[%swap3A_893, %swap3A_894] {strides = array<i32>} : memref<80x128xf32, #tpu.memory_space<vmem>>, vector<16xf32>,
            tpu.vector_store %arg13[%swap3A_893, %swap3A_894], %mul3A_892 {strides = array<i32>} : memref<80x128xf32, #tpu.memory_space<vmem>>, vector<16xf32>,
            %get3A_896 = arith.index_cast %add3A_887 : i32 to index
            %get3A_897 = arith.constant 16 : index
            %get3A_898 = tpu.vector_load %arg13[%get3A_896, %get3A_897] {strides = array<i32>} : memref<80x128xf32, #tpu.memory_space<vmem>>, vector<16xf32>,
            %mul3A_899 = vector.broadcast %squeeze3A_883 : f32 to vector<16xf32>
            %mul3A_900 = arith.mulf %get3A_898, %mul3A_899 : vector<16xf32>
            %swap3A_901 = arith.index_cast %add3A_887 : i32 to index
            %swap3A_902 = arith.constant 16 : index
            %swap3A_903 = tpu.vector_load %arg13[%swap3A_901, %swap3A_902] {strides = array<i32>} : memref<80x128xf32, #tpu.memory_space<vmem>>, vector<16xf32>,
            tpu.vector_store %arg13[%swap3A_901, %swap3A_902], %mul3A_900 {strides = array<i32>} : memref<80x128xf32, #tpu.memory_space<vmem>>, vector<16xf32>,
            %get3A_904 = arith.index_cast %add3A_887 : i32 to index
            %get3A_905 = arith.constant 32 : index
            %get3A_906 = tpu.vector_load %arg13[%get3A_904, %get3A_905] {strides = array<i32>} : memref<80x128xf32, #tpu.memory_space<vmem>>, vector<16xf32>,
            %mul3A_907 = vector.broadcast %squeeze3A_883 : f32 to vector<16xf32>
            %mul3A_908 = arith.mulf %get3A_906, %mul3A_907 : vector<16xf32>
            %swap3A_909 = arith.index_cast %add3A_887 : i32 to index
            %swap3A_910 = arith.constant 32 : index
            %swap3A_911 = tpu.vector_load %arg13[%swap3A_909, %swap3A_910] {strides = array<i32>} : memref<80x128xf32, #tpu.memory_space<vmem>>, vector<16xf32>,
            tpu.vector_store %arg13[%swap3A_909, %swap3A_910], %mul3A_908 {strides = array<i32>} : memref<80x128xf32, #tpu.memory_space<vmem>>, vector<16xf32>,
            %get3A_912 = arith.index_cast %add3A_887 : i32 to index
            %get3A_913 = arith.constant 48 : index
            %get3A_914 = tpu.vector_load %arg13[%get3A_912, %get3A_913] {strides = array<i32>} : memref<80x128xf32, #tpu.memory_space<vmem>>, vector<16xf32>,
            %mul3A_915 = vector.broadcast %squeeze3A_883 : f32 to vector<16xf32>
            %mul3A_916 = arith.mulf %get3A_914, %mul3A_915 : vector<16xf32>
            %swap3A_917 = arith.index_cast %add3A_887 : i32 to index
            %swap3A_918 = arith.constant 48 : index
            %swap3A_919 = tpu.vector_load %arg13[%swap3A_917, %swap3A_918] {strides = array<i32>} : memref<80x128xf32, #tpu.memory_space<vmem>>, vector<16xf32>,
            tpu.vector_store %arg13[%swap3A_917, %swap3A_918], %mul3A_916 {strides = array<i32>} : memref<80x128xf32, #tpu.memory_space<vmem>>, vector<16xf32>,
            %get3A_920 = arith.index_cast %add3A_887 : i32 to index
            %get3A_921 = arith.constant 64 : index
            %get3A_922 = tpu.vector_load %arg13[%get3A_920, %get3A_921] {strides = array<i32>} : memref<80x128xf32, #tpu.memory_space<vmem>>, vector<16xf32>,
            %mul3A_923 = vector.broadcast %squeeze3A_883 : f32 to vector<16xf32>
            %mul3A_924 = arith.mulf %get3A_922, %mul3A_923 : vector<16xf32>
            %swap3A_925 = arith.index_cast %add3A_887 : i32 to index
            %swap3A_926 = arith.constant 64 : index
            %swap3A_927 = tpu.vector_load %arg13[%swap3A_925, %swap3A_926] {strides = array<i32>} : memref<80x128xf32, #tpu.memory_space<vmem>>, vector<16xf32>,
            tpu.vector_store %arg13[%swap3A_925, %swap3A_926], %mul3A_924 {strides = array<i32>} : memref<80x128xf32, #tpu.memory_space<vmem>>, vector<16xf32>,
            %get3A_928 = arith.index_cast %add3A_887 : i32 to index
            %get3A_929 = arith.constant 80 : index
            %get3A_930 = tpu.vector_load %arg13[%get3A_928, %get3A_929] {strides = array<i32>} : memref<80x128xf32, #tpu.memory_space<vmem>>, vector<16xf32>,
            %mul3A_931 = vector.broadcast %squeeze3A_883 : f32 to vector<16xf32>
            %mul3A_932 = arith.mulf %get3A_930, %mul3A_931 : vector<16xf32>
            %swap3A_933 = arith.index_cast %add3A_887 : i32 to index
            %swap3A_934 = arith.constant 80 : index
            %swap3A_935 = tpu.vector_load %arg13[%swap3A_933, %swap3A_934] {strides = array<i32>} : memref<80x128xf32, #tpu.memory_space<vmem>>, vector<16xf32>,
            tpu.vector_store %arg13[%swap3A_933, %swap3A_934], %mul3A_932 {strides = array<i32>} : memref<80x128xf32, #tpu.memory_space<vmem>>, vector<16xf32>,
            %get3A_936 = arith.index_cast %add3A_887 : i32 to index
            %get3A_937 = arith.constant 96 : index
            %get3A_938 = tpu.vector_load %arg13[%get3A_936, %get3A_937] {strides = array<i32>} : memref<80x128xf32, #tpu.memory_space<vmem>>, vector<16xf32>,
            %mul3A_939 = vector.broadcast %squeeze3A_883 : f32 to vector<16xf32>
            %mul3A_940 = arith.mulf %get3A_938, %mul3A_939 : vector<16xf32>
            %swap3A_941 = arith.index_cast %add3A_887 : i32 to index
            %swap3A_942 = arith.constant 96 : index
            %swap3A_943 = tpu.vector_load %arg13[%swap3A_941, %swap3A_942] {strides = array<i32>} : memref<80x128xf32, #tpu.memory_space<vmem>>, vector<16xf32>,
            tpu.vector_store %arg13[%swap3A_941, %swap3A_942], %mul3A_940 {strides = array<i32>} : memref<80x128xf32, #tpu.memory_space<vmem>>, vector<16xf32>,
            %get3A_944 = arith.index_cast %add3A_887 : i32 to index
            %get3A_945 = arith.constant 112 : index
            %get3A_946 = tpu.vector_load %arg13[%get3A_944, %get3A_945] {strides = array<i32>} : memref<80x128xf32, #tpu.memory_space<vmem>>, vector<16xf32>,
            %mul3A_947 = vector.broadcast %squeeze3A_883 : f32 to vector<16xf32>
            %mul3A_948 = arith.mulf %get3A_946, %mul3A_947 : vector<16xf32>
            %swap3A_949 = arith.index_cast %add3A_887 : i32 to index
            %swap3A_950 = arith.constant 112 : index
            %swap3A_951 = tpu.vector_load %arg13[%swap3A_949, %swap3A_950] {strides = array<i32>} : memref<80x128xf32, #tpu.memory_space<vmem>>, vector<16xf32>,
            tpu.vector_store %arg13[%swap3A_949, %swap3A_950], %mul3A_948 {strides = array<i32>} : memref<80x128xf32, #tpu.memory_space<vmem>>, vector<16xf32>,
            %slice3A_952 = vector.extract_strided_slice %select_n3A_321 {offsets = [9], sizes = [1], strides = [1]} : vector<16xf32> to vector<1xf32>
            %squeeze3A_953 = vector.extract %slice3A_952[0] : f32 from vector<1xf32>
            %mul3A_954 = arith.constant 16 : i32
            %mul3A_955 = arith.muli %scan3A_288, %mul3A_954 : i32
            %add3A_956 = arith.constant 9 : i32
            %add3A_957 = arith.addi %mul3A_955, %add3A_956 : i32
            %get3A_958 = arith.index_cast %add3A_957 : i32 to index
            %get3A_959 = arith.constant 0 : index
            %get3A_960 = tpu.vector_load %arg13[%get3A_958, %get3A_959] {strides = array<i32>} : memref<80x128xf32, #tpu.memory_space<vmem>>, vector<16xf32>,
            %mul3A_961 = vector.broadcast %squeeze3A_953 : f32 to vector<16xf32>
            %mul3A_962 = arith.mulf %get3A_960, %mul3A_961 : vector<16xf32>
            %swap3A_963 = arith.index_cast %add3A_957 : i32 to index
            %swap3A_964 = arith.constant 0 : index
            %swap3A_965 = tpu.vector_load %arg13[%swap3A_963, %swap3A_964] {strides = array<i32>} : memref<80x128xf32, #tpu.memory_space<vmem>>, vector<16xf32>,
            tpu.vector_store %arg13[%swap3A_963, %swap3A_964], %mul3A_962 {strides = array<i32>} : memref<80x128xf32, #tpu.memory_space<vmem>>, vector<16xf32>,
            %get3A_966 = arith.index_cast %add3A_957 : i32 to index
            %get3A_967 = arith.constant 16 : index
            %get3A_968 = tpu.vector_load %arg13[%get3A_966, %get3A_967] {strides = array<i32>} : memref<80x128xf32, #tpu.memory_space<vmem>>, vector<16xf32>,
            %mul3A_969 = vector.broadcast %squeeze3A_953 : f32 to vector<16xf32>
            %mul3A_970 = arith.mulf %get3A_968, %mul3A_969 : vector<16xf32>
            %swap3A_971 = arith.index_cast %add3A_957 : i32 to index
            %swap3A_972 = arith.constant 16 : index
            %swap3A_973 = tpu.vector_load %arg13[%swap3A_971, %swap3A_972] {strides = array<i32>} : memref<80x128xf32, #tpu.memory_space<vmem>>, vector<16xf32>,
            tpu.vector_store %arg13[%swap3A_971, %swap3A_972], %mul3A_970 {strides = array<i32>} : memref<80x128xf32, #tpu.memory_space<vmem>>, vector<16xf32>,
            %get3A_974 = arith.index_cast %add3A_957 : i32 to index
            %get3A_975 = arith.constant 32 : index
            %get3A_976 = tpu.vector_load %arg13[%get3A_974, %get3A_975] {strides = array<i32>} : memref<80x128xf32, #tpu.memory_space<vmem>>, vector<16xf32>,
            %mul3A_977 = vector.broadcast %squeeze3A_953 : f32 to vector<16xf32>
            %mul3A_978 = arith.mulf %get3A_976, %mul3A_977 : vector<16xf32>
            %swap3A_979 = arith.index_cast %add3A_957 : i32 to index
            %swap3A_980 = arith.constant 32 : index
            %swap3A_981 = tpu.vector_load %arg13[%swap3A_979, %swap3A_980] {strides = array<i32>} : memref<80x128xf32, #tpu.memory_space<vmem>>, vector<16xf32>,
            tpu.vector_store %arg13[%swap3A_979, %swap3A_980], %mul3A_978 {strides = array<i32>} : memref<80x128xf32, #tpu.memory_space<vmem>>, vector<16xf32>,
            %get3A_982 = arith.index_cast %add3A_957 : i32 to index
            %get3A_983 = arith.constant 48 : index
            %get3A_984 = tpu.vector_load %arg13[%get3A_982, %get3A_983] {strides = array<i32>} : memref<80x128xf32, #tpu.memory_space<vmem>>, vector<16xf32>,
            %mul3A_985 = vector.broadcast %squeeze3A_953 : f32 to vector<16xf32>
            %mul3A_986 = arith.mulf %get3A_984, %mul3A_985 : vector<16xf32>
            %swap3A_987 = arith.index_cast %add3A_957 : i32 to index
            %swap3A_988 = arith.constant 48 : index
            %swap3A_989 = tpu.vector_load %arg13[%swap3A_987, %swap3A_988] {strides = array<i32>} : memref<80x128xf32, #tpu.memory_space<vmem>>, vector<16xf32>,
            tpu.vector_store %arg13[%swap3A_987, %swap3A_988], %mul3A_986 {strides = array<i32>} : memref<80x128xf32, #tpu.memory_space<vmem>>, vector<16xf32>,
            %get3A_990 = arith.index_cast %add3A_957 : i32 to index
            %get3A_991 = arith.constant 64 : index
            %get3A_992 = tpu.vector_load %arg13[%get3A_990, %get3A_991] {strides = array<i32>} : memref<80x128xf32, #tpu.memory_space<vmem>>, vector<16xf32>,
            %mul3A_993 = vector.broadcast %squeeze3A_953 : f32 to vector<16xf32>
            %mul3A_994 = arith.mulf %get3A_992, %mul3A_993 : vector<16xf32>
            %swap3A_995 = arith.index_cast %add3A_957 : i32 to index
            %swap3A_996 = arith.constant 64 : index
            %swap3A_997 = tpu.vector_load %arg13[%swap3A_995, %swap3A_996] {strides = array<i32>} : memref<80x128xf32, #tpu.memory_space<vmem>>, vector<16xf32>,
            tpu.vector_store %arg13[%swap3A_995, %swap3A_996], %mul3A_994 {strides = array<i32>} : memref<80x128xf32, #tpu.memory_space<vmem>>, vector<16xf32>,
            %get3A_998 = arith.index_cast %add3A_957 : i32 to index
            %get3A_999 = arith.constant 80 : index
            %get3A_1000 = tpu.vector_load %arg13[%get3A_998, %get3A_999] {strides = array<i32>} : memref<80x128xf32, #tpu.memory_space<vmem>>, vector<16xf32>,
            %mul3A_1001 = vector.broadcast %squeeze3A_953 : f32 to vector<16xf32>
            %mul3A_1002 = arith.mulf %get3A_1000, %mul3A_1001 : vector<16xf32>
            %swap3A_1003 = arith.index_cast %add3A_957 : i32 to index
            %swap3A_1004 = arith.constant 80 : index
            %swap3A_1005 = tpu.vector_load %arg13[%swap3A_1003, %swap3A_1004] {strides = array<i32>} : memref<80x128xf32, #tpu.memory_space<vmem>>, vector<16xf32>,
            tpu.vector_store %arg13[%swap3A_1003, %swap3A_1004], %mul3A_1002 {strides = array<i32>} : memref<80x128xf32, #tpu.memory_space<vmem>>, vector<16xf32>,
            %get3A_1006 = arith.index_cast %add3A_957 : i32 to index
            %get3A_1007 = arith.constant 96 : index
            %get3A_1008 = tpu.vector_load %arg13[%get3A_1006, %get3A_1007] {strides = array<i32>} : memref<80x128xf32, #tpu.memory_space<vmem>>, vector<16xf32>,
            %mul3A_1009 = vector.broadcast %squeeze3A_953 : f32 to vector<16xf32>
            %mul3A_1010 = arith.mulf %get3A_1008, %mul3A_1009 : vector<16xf32>
            %swap3A_1011 = arith.index_cast %add3A_957 : i32 to index
            %swap3A_1012 = arith.constant 96 : index
            %swap3A_1013 = tpu.vector_load %arg13[%swap3A_1011, %swap3A_1012] {strides = array<i32>} : memref<80x128xf32, #tpu.memory_space<vmem>>, vector<16xf32>,
            tpu.vector_store %arg13[%swap3A_1011, %swap3A_1012], %mul3A_1010 {strides = array<i32>} : memref<80x128xf32, #tpu.memory_space<vmem>>, vector<16xf32>,
            %get3A_1014 = arith.index_cast %add3A_957 : i32 to index
            %get3A_1015 = arith.constant 112 : index
            %get3A_1016 = tpu.vector_load %arg13[%get3A_1014, %get3A_1015] {strides = array<i32>} : memref<80x128xf32, #tpu.memory_space<vmem>>, vector<16xf32>,
            %mul3A_1017 = vector.broadcast %squeeze3A_953 : f32 to vector<16xf32>
            %mul3A_1018 = arith.mulf %get3A_1016, %mul3A_1017 : vector<16xf32>
            %swap3A_1019 = arith.index_cast %add3A_957 : i32 to index
            %swap3A_1020 = arith.constant 112 : index
            %swap3A_1021 = tpu.vector_load %arg13[%swap3A_1019, %swap3A_1020] {strides = array<i32>} : memref<80x128xf32, #tpu.memory_space<vmem>>, vector<16xf32>,
            tpu.vector_store %arg13[%swap3A_1019, %swap3A_1020], %mul3A_1018 {strides = array<i32>} : memref<80x128xf32, #tpu.memory_space<vmem>>, vector<16xf32>,
            %slice3A_1022 = vector.extract_strided_slice %select_n3A_321 {offsets = [10], sizes = [1], strides = [1]} : vector<16xf32> to vector<1xf32>
            %squeeze3A_1023 = vector.extract %slice3A_1022[0] : f32 from vector<1xf32>
            %mul3A_1024 = arith.constant 16 : i32
            %mul3A_1025 = arith.muli %scan3A_288, %mul3A_1024 : i32
            %add3A_1026 = arith.constant 10 : i32
            %add3A_1027 = arith.addi %mul3A_1025, %add3A_1026 : i32
            %get3A_1028 = arith.index_cast %add3A_1027 : i32 to index
            %get3A_1029 = arith.constant 0 : index
            %get3A_1030 = tpu.vector_load %arg13[%get3A_1028, %get3A_1029] {strides = array<i32>} : memref<80x128xf32, #tpu.memory_space<vmem>>, vector<16xf32>,
            %mul3A_1031 = vector.broadcast %squeeze3A_1023 : f32 to vector<16xf32>
            %mul3A_1032 = arith.mulf %get3A_1030, %mul3A_1031 : vector<16xf32>
            %swap3A_1033 = arith.index_cast %add3A_1027 : i32 to index
            %swap3A_1034 = arith.constant 0 : index
            %swap3A_1035 = tpu.vector_load %arg13[%swap3A_1033, %swap3A_1034] {strides = array<i32>} : memref<80x128xf32, #tpu.memory_space<vmem>>, vector<16xf32>,
            tpu.vector_store %arg13[%swap3A_1033, %swap3A_1034], %mul3A_1032 {strides = array<i32>} : memref<80x128xf32, #tpu.memory_space<vmem>>, vector<16xf32>,
            %get3A_1036 = arith.index_cast %add3A_1027 : i32 to index
            %get3A_1037 = arith.constant 16 : index
            %get3A_1038 = tpu.vector_load %arg13[%get3A_1036, %get3A_1037] {strides = array<i32>} : memref<80x128xf32, #tpu.memory_space<vmem>>, vector<16xf32>,
            %mul3A_1039 = vector.broadcast %squeeze3A_1023 : f32 to vector<16xf32>
            %mul3A_1040 = arith.mulf %get3A_1038, %mul3A_1039 : vector<16xf32>
            %swap3A_1041 = arith.index_cast %add3A_1027 : i32 to index
            %swap3A_1042 = arith.constant 16 : index
            %swap3A_1043 = tpu.vector_load %arg13[%swap3A_1041, %swap3A_1042] {strides = array<i32>} : memref<80x128xf32, #tpu.memory_space<vmem>>, vector<16xf32>,
            tpu.vector_store %arg13[%swap3A_1041, %swap3A_1042], %mul3A_1040 {strides = array<i32>} : memref<80x128xf32, #tpu.memory_space<vmem>>, vector<16xf32>,
            %get3A_1044 = arith.index_cast %add3A_1027 : i32 to index
            %get3A_1045 = arith.constant 32 : index
            %get3A_1046 = tpu.vector_load %arg13[%get3A_1044, %get3A_1045] {strides = array<i32>} : memref<80x128xf32, #tpu.memory_space<vmem>>, vector<16xf32>,
            %mul3A_1047 = vector.broadcast %squeeze3A_1023 : f32 to vector<16xf32>
            %mul3A_1048 = arith.mulf %get3A_1046, %mul3A_1047 : vector<16xf32>
            %swap3A_1049 = arith.index_cast %add3A_1027 : i32 to index
            %swap3A_1050 = arith.constant 32 : index
            %swap3A_1051 = tpu.vector_load %arg13[%swap3A_1049, %swap3A_1050] {strides = array<i32>} : memref<80x128xf32, #tpu.memory_space<vmem>>, vector<16xf32>,
            tpu.vector_store %arg13[%swap3A_1049, %swap3A_1050], %mul3A_1048 {strides = array<i32>} : memref<80x128xf32, #tpu.memory_space<vmem>>, vector<16xf32>,
            %get3A_1052 = arith.index_cast %add3A_1027 : i32 to index
            %get3A_1053 = arith.constant 48 : index
            %get3A_1054 = tpu.vector_load %arg13[%get3A_1052, %get3A_1053] {strides = array<i32>} : memref<80x128xf32, #tpu.memory_space<vmem>>, vector<16xf32>,
            %mul3A_1055 = vector.broadcast %squeeze3A_1023 : f32 to vector<16xf32>
            %mul3A_1056 = arith.mulf %get3A_1054, %mul3A_1055 : vector<16xf32>
            %swap3A_1057 = arith.index_cast %add3A_1027 : i32 to index
            %swap3A_1058 = arith.constant 48 : index
            %swap3A_1059 = tpu.vector_load %arg13[%swap3A_1057, %swap3A_1058] {strides = array<i32>} : memref<80x128xf32, #tpu.memory_space<vmem>>, vector<16xf32>,
            tpu.vector_store %arg13[%swap3A_1057, %swap3A_1058], %mul3A_1056 {strides = array<i32>} : memref<80x128xf32, #tpu.memory_space<vmem>>, vector<16xf32>,
            %get3A_1060 = arith.index_cast %add3A_1027 : i32 to index
            %get3A_1061 = arith.constant 64 : index
            %get3A_1062 = tpu.vector_load %arg13[%get3A_1060, %get3A_1061] {strides = array<i32>} : memref<80x128xf32, #tpu.memory_space<vmem>>, vector<16xf32>,
            %mul3A_1063 = vector.broadcast %squeeze3A_1023 : f32 to vector<16xf32>
            %mul3A_1064 = arith.mulf %get3A_1062, %mul3A_1063 : vector<16xf32>
            %swap3A_1065 = arith.index_cast %add3A_1027 : i32 to index
            %swap3A_1066 = arith.constant 64 : index
            %swap3A_1067 = tpu.vector_load %arg13[%swap3A_1065, %swap3A_1066] {strides = array<i32>} : memref<80x128xf32, #tpu.memory_space<vmem>>, vector<16xf32>,
            tpu.vector_store %arg13[%swap3A_1065, %swap3A_1066], %mul3A_1064 {strides = array<i32>} : memref<80x128xf32, #tpu.memory_space<vmem>>, vector<16xf32>,
            %get3A_1068 = arith.index_cast %add3A_1027 : i32 to index
            %get3A_1069 = arith.constant 80 : index
            %get3A_1070 = tpu.vector_load %arg13[%get3A_1068, %get3A_1069] {strides = array<i32>} : memref<80x128xf32, #tpu.memory_space<vmem>>, vector<16xf32>,
            %mul3A_1071 = vector.broadcast %squeeze3A_1023 : f32 to vector<16xf32>
            %mul3A_1072 = arith.mulf %get3A_1070, %mul3A_1071 : vector<16xf32>
            %swap3A_1073 = arith.index_cast %add3A_1027 : i32 to index
            %swap3A_1074 = arith.constant 80 : index
            %swap3A_1075 = tpu.vector_load %arg13[%swap3A_1073, %swap3A_1074] {strides = array<i32>} : memref<80x128xf32, #tpu.memory_space<vmem>>, vector<16xf32>,
            tpu.vector_store %arg13[%swap3A_1073, %swap3A_1074], %mul3A_1072 {strides = array<i32>} : memref<80x128xf32, #tpu.memory_space<vmem>>, vector<16xf32>,
            %get3A_1076 = arith.index_cast %add3A_1027 : i32 to index
            %get3A_1077 = arith.constant 96 : index
            %get3A_1078 = tpu.vector_load %arg13[%get3A_1076, %get3A_1077] {strides = array<i32>} : memref<80x128xf32, #tpu.memory_space<vmem>>, vector<16xf32>,
            %mul3A_1079 = vector.broadcast %squeeze3A_1023 : f32 to vector<16xf32>
            %mul3A_1080 = arith.mulf %get3A_1078, %mul3A_1079 : vector<16xf32>
            %swap3A_1081 = arith.index_cast %add3A_1027 : i32 to index
            %swap3A_1082 = arith.constant 96 : index
            %swap3A_1083 = tpu.vector_load %arg13[%swap3A_1081, %swap3A_1082] {strides = array<i32>} : memref<80x128xf32, #tpu.memory_space<vmem>>, vector<16xf32>,
            tpu.vector_store %arg13[%swap3A_1081, %swap3A_1082], %mul3A_1080 {strides = array<i32>} : memref<80x128xf32, #tpu.memory_space<vmem>>, vector<16xf32>,
            %get3A_1084 = arith.index_cast %add3A_1027 : i32 to index
            %get3A_1085 = arith.constant 112 : index
            %get3A_1086 = tpu.vector_load %arg13[%get3A_1084, %get3A_1085] {strides = array<i32>} : memref<80x128xf32, #tpu.memory_space<vmem>>, vector<16xf32>,
            %mul3A_1087 = vector.broadcast %squeeze3A_1023 : f32 to vector<16xf32>
            %mul3A_1088 = arith.mulf %get3A_1086, %mul3A_1087 : vector<16xf32>
            %swap3A_1089 = arith.index_cast %add3A_1027 : i32 to index
            %swap3A_1090 = arith.constant 112 : index
            %swap3A_1091 = tpu.vector_load %arg13[%swap3A_1089, %swap3A_1090] {strides = array<i32>} : memref<80x128xf32, #tpu.memory_space<vmem>>, vector<16xf32>,
            tpu.vector_store %arg13[%swap3A_1089, %swap3A_1090], %mul3A_1088 {strides = array<i32>} : memref<80x128xf32, #tpu.memory_space<vmem>>, vector<16xf32>,
            %slice3A_1092 = vector.extract_strided_slice %select_n3A_321 {offsets = [11], sizes = [1], strides = [1]} : vector<16xf32> to vector<1xf32>
            %squeeze3A_1093 = vector.extract %slice3A_1092[0] : f32 from vector<1xf32>
            %mul3A_1094 = arith.constant 16 : i32
            %mul3A_1095 = arith.muli %scan3A_288, %mul3A_1094 : i32
            %add3A_1096 = arith.constant 11 : i32
            %add3A_1097 = arith.addi %mul3A_1095, %add3A_1096 : i32
            %get3A_1098 = arith.index_cast %add3A_1097 : i32 to index
            %get3A_1099 = arith.constant 0 : index
            %get3A_1100 = tpu.vector_load %arg13[%get3A_1098, %get3A_1099] {strides = array<i32>} : memref<80x128xf32, #tpu.memory_space<vmem>>, vector<16xf32>,
            %mul3A_1101 = vector.broadcast %squeeze3A_1093 : f32 to vector<16xf32>
            %mul3A_1102 = arith.mulf %get3A_1100, %mul3A_1101 : vector<16xf32>
            %swap3A_1103 = arith.index_cast %add3A_1097 : i32 to index
            %swap3A_1104 = arith.constant 0 : index
            %swap3A_1105 = tpu.vector_load %arg13[%swap3A_1103, %swap3A_1104] {strides = array<i32>} : memref<80x128xf32, #tpu.memory_space<vmem>>, vector<16xf32>,
            tpu.vector_store %arg13[%swap3A_1103, %swap3A_1104], %mul3A_1102 {strides = array<i32>} : memref<80x128xf32, #tpu.memory_space<vmem>>, vector<16xf32>,
            %get3A_1106 = arith.index_cast %add3A_1097 : i32 to index
            %get3A_1107 = arith.constant 16 : index
            %get3A_1108 = tpu.vector_load %arg13[%get3A_1106, %get3A_1107] {strides = array<i32>} : memref<80x128xf32, #tpu.memory_space<vmem>>, vector<16xf32>,
            %mul3A_1109 = vector.broadcast %squeeze3A_1093 : f32 to vector<16xf32>
            %mul3A_1110 = arith.mulf %get3A_1108, %mul3A_1109 : vector<16xf32>
            %swap3A_1111 = arith.index_cast %add3A_1097 : i32 to index
            %swap3A_1112 = arith.constant 16 : index
            %swap3A_1113 = tpu.vector_load %arg13[%swap3A_1111, %swap3A_1112] {strides = array<i32>} : memref<80x128xf32, #tpu.memory_space<vmem>>, vector<16xf32>,
            tpu.vector_store %arg13[%swap3A_1111, %swap3A_1112], %mul3A_1110 {strides = array<i32>} : memref<80x128xf32, #tpu.memory_space<vmem>>, vector<16xf32>,
            %get3A_1114 = arith.index_cast %add3A_1097 : i32 to index
            %get3A_1115 = arith.constant 32 : index
            %get3A_1116 = tpu.vector_load %arg13[%get3A_1114, %get3A_1115] {strides = array<i32>} : memref<80x128xf32, #tpu.memory_space<vmem>>, vector<16xf32>,
            %mul3A_1117 = vector.broadcast %squeeze3A_1093 : f32 to vector<16xf32>
            %mul3A_1118 = arith.mulf %get3A_1116, %mul3A_1117 : vector<16xf32>
            %swap3A_1119 = arith.index_cast %add3A_1097 : i32 to index
            %swap3A_1120 = arith.constant 32 : index
            %swap3A_1121 = tpu.vector_load %arg13[%swap3A_1119, %swap3A_1120] {strides = array<i32>} : memref<80x128xf32, #tpu.memory_space<vmem>>, vector<16xf32>,
            tpu.vector_store %arg13[%swap3A_1119, %swap3A_1120], %mul3A_1118 {strides = array<i32>} : memref<80x128xf32, #tpu.memory_space<vmem>>, vector<16xf32>,
            %get3A_1122 = arith.index_cast %add3A_1097 : i32 to index
            %get3A_1123 = arith.constant 48 : index
            %get3A_1124 = tpu.vector_load %arg13[%get3A_1122, %get3A_1123] {strides = array<i32>} : memref<80x128xf32, #tpu.memory_space<vmem>>, vector<16xf32>,
            %mul3A_1125 = vector.broadcast %squeeze3A_1093 : f32 to vector<16xf32>
            %mul3A_1126 = arith.mulf %get3A_1124, %mul3A_1125 : vector<16xf32>
            %swap3A_1127 = arith.index_cast %add3A_1097 : i32 to index
            %swap3A_1128 = arith.constant 48 : index
            %swap3A_1129 = tpu.vector_load %arg13[%swap3A_1127, %swap3A_1128] {strides = array<i32>} : memref<80x128xf32, #tpu.memory_space<vmem>>, vector<16xf32>,
            tpu.vector_store %arg13[%swap3A_1127, %swap3A_1128], %mul3A_1126 {strides = array<i32>} : memref<80x128xf32, #tpu.memory_space<vmem>>, vector<16xf32>,
            %get3A_1130 = arith.index_cast %add3A_1097 : i32 to index
            %get3A_1131 = arith.constant 64 : index
            %get3A_1132 = tpu.vector_load %arg13[%get3A_1130, %get3A_1131] {strides = array<i32>} : memref<80x128xf32, #tpu.memory_space<vmem>>, vector<16xf32>,
            %mul3A_1133 = vector.broadcast %squeeze3A_1093 : f32 to vector<16xf32>
            %mul3A_1134 = arith.mulf %get3A_1132, %mul3A_1133 : vector<16xf32>
            %swap3A_1135 = arith.index_cast %add3A_1097 : i32 to index
            %swap3A_1136 = arith.constant 64 : index
            %swap3A_1137 = tpu.vector_load %arg13[%swap3A_1135, %swap3A_1136] {strides = array<i32>} : memref<80x128xf32, #tpu.memory_space<vmem>>, vector<16xf32>,
            tpu.vector_store %arg13[%swap3A_1135, %swap3A_1136], %mul3A_1134 {strides = array<i32>} : memref<80x128xf32, #tpu.memory_space<vmem>>, vector<16xf32>,
            %get3A_1138 = arith.index_cast %add3A_1097 : i32 to index
            %get3A_1139 = arith.constant 80 : index
            %get3A_1140 = tpu.vector_load %arg13[%get3A_1138, %get3A_1139] {strides = array<i32>} : memref<80x128xf32, #tpu.memory_space<vmem>>, vector<16xf32>,
            %mul3A_1141 = vector.broadcast %squeeze3A_1093 : f32 to vector<16xf32>
            %mul3A_1142 = arith.mulf %get3A_1140, %mul3A_1141 : vector<16xf32>
            %swap3A_1143 = arith.index_cast %add3A_1097 : i32 to index
            %swap3A_1144 = arith.constant 80 : index
            %swap3A_1145 = tpu.vector_load %arg13[%swap3A_1143, %swap3A_1144] {strides = array<i32>} : memref<80x128xf32, #tpu.memory_space<vmem>>, vector<16xf32>,
            tpu.vector_store %arg13[%swap3A_1143, %swap3A_1144], %mul3A_1142 {strides = array<i32>} : memref<80x128xf32, #tpu.memory_space<vmem>>, vector<16xf32>,
            %get3A_1146 = arith.index_cast %add3A_1097 : i32 to index
            %get3A_1147 = arith.constant 96 : index
            %get3A_1148 = tpu.vector_load %arg13[%get3A_1146, %get3A_1147] {strides = array<i32>} : memref<80x128xf32, #tpu.memory_space<vmem>>, vector<16xf32>,
            %mul3A_1149 = vector.broadcast %squeeze3A_1093 : f32 to vector<16xf32>
            %mul3A_1150 = arith.mulf %get3A_1148, %mul3A_1149 : vector<16xf32>
            %swap3A_1151 = arith.index_cast %add3A_1097 : i32 to index
            %swap3A_1152 = arith.constant 96 : index
            %swap3A_1153 = tpu.vector_load %arg13[%swap3A_1151, %swap3A_1152] {strides = array<i32>} : memref<80x128xf32, #tpu.memory_space<vmem>>, vector<16xf32>,
            tpu.vector_store %arg13[%swap3A_1151, %swap3A_1152], %mul3A_1150 {strides = array<i32>} : memref<80x128xf32, #tpu.memory_space<vmem>>, vector<16xf32>,
            %get3A_1154 = arith.index_cast %add3A_1097 : i32 to index
            %get3A_1155 = arith.constant 112 : index
            %get3A_1156 = tpu.vector_load %arg13[%get3A_1154, %get3A_1155] {strides = array<i32>} : memref<80x128xf32, #tpu.memory_space<vmem>>, vector<16xf32>,
            %mul3A_1157 = vector.broadcast %squeeze3A_1093 : f32 to vector<16xf32>
            %mul3A_1158 = arith.mulf %get3A_1156, %mul3A_1157 : vector<16xf32>
            %swap3A_1159 = arith.index_cast %add3A_1097 : i32 to index
            %swap3A_1160 = arith.constant 112 : index
            %swap3A_1161 = tpu.vector_load %arg13[%swap3A_1159, %swap3A_1160] {strides = array<i32>} : memref<80x128xf32, #tpu.memory_space<vmem>>, vector<16xf32>,
            tpu.vector_store %arg13[%swap3A_1159, %swap3A_1160], %mul3A_1158 {strides = array<i32>} : memref<80x128xf32, #tpu.memory_space<vmem>>, vector<16xf32>,
            %slice3A_1162 = vector.extract_strided_slice %select_n3A_321 {offsets = [12], sizes = [1], strides = [1]} : vector<16xf32> to vector<1xf32>
            %squeeze3A_1163 = vector.extract %slice3A_1162[0] : f32 from vector<1xf32>
            %mul3A_1164 = arith.constant 16 : i32
            %mul3A_1165 = arith.muli %scan3A_288, %mul3A_1164 : i32
            %add3A_1166 = arith.constant 12 : i32
            %add3A_1167 = arith.addi %mul3A_1165, %add3A_1166 : i32
            %get3A_1168 = arith.index_cast %add3A_1167 : i32 to index
            %get3A_1169 = arith.constant 0 : index
            %get3A_1170 = tpu.vector_load %arg13[%get3A_1168, %get3A_1169] {strides = array<i32>} : memref<80x128xf32, #tpu.memory_space<vmem>>, vector<16xf32>,
            %mul3A_1171 = vector.broadcast %squeeze3A_1163 : f32 to vector<16xf32>
            %mul3A_1172 = arith.mulf %get3A_1170, %mul3A_1171 : vector<16xf32>
            %swap3A_1173 = arith.index_cast %add3A_1167 : i32 to index
            %swap3A_1174 = arith.constant 0 : index
            %swap3A_1175 = tpu.vector_load %arg13[%swap3A_1173, %swap3A_1174] {strides = array<i32>} : memref<80x128xf32, #tpu.memory_space<vmem>>, vector<16xf32>,
            tpu.vector_store %arg13[%swap3A_1173, %swap3A_1174], %mul3A_1172 {strides = array<i32>} : memref<80x128xf32, #tpu.memory_space<vmem>>, vector<16xf32>,
            %get3A_1176 = arith.index_cast %add3A_1167 : i32 to index
            %get3A_1177 = arith.constant 16 : index
            %get3A_1178 = tpu.vector_load %arg13[%get3A_1176, %get3A_1177] {strides = array<i32>} : memref<80x128xf32, #tpu.memory_space<vmem>>, vector<16xf32>,
            %mul3A_1179 = vector.broadcast %squeeze3A_1163 : f32 to vector<16xf32>
            %mul3A_1180 = arith.mulf %get3A_1178, %mul3A_1179 : vector<16xf32>
            %swap3A_1181 = arith.index_cast %add3A_1167 : i32 to index
            %swap3A_1182 = arith.constant 16 : index
            %swap3A_1183 = tpu.vector_load %arg13[%swap3A_1181, %swap3A_1182] {strides = array<i32>} : memref<80x128xf32, #tpu.memory_space<vmem>>, vector<16xf32>,
            tpu.vector_store %arg13[%swap3A_1181, %swap3A_1182], %mul3A_1180 {strides = array<i32>} : memref<80x128xf32, #tpu.memory_space<vmem>>, vector<16xf32>,
            %get3A_1184 = arith.index_cast %add3A_1167 : i32 to index
            %get3A_1185 = arith.constant 32 : index
            %get3A_1186 = tpu.vector_load %arg13[%get3A_1184, %get3A_1185] {strides = array<i32>} : memref<80x128xf32, #tpu.memory_space<vmem>>, vector<16xf32>,
            %mul3A_1187 = vector.broadcast %squeeze3A_1163 : f32 to vector<16xf32>
            %mul3A_1188 = arith.mulf %get3A_1186, %mul3A_1187 : vector<16xf32>
            %swap3A_1189 = arith.index_cast %add3A_1167 : i32 to index
            %swap3A_1190 = arith.constant 32 : index
            %swap3A_1191 = tpu.vector_load %arg13[%swap3A_1189, %swap3A_1190] {strides = array<i32>} : memref<80x128xf32, #tpu.memory_space<vmem>>, vector<16xf32>,
            tpu.vector_store %arg13[%swap3A_1189, %swap3A_1190], %mul3A_1188 {strides = array<i32>} : memref<80x128xf32, #tpu.memory_space<vmem>>, vector<16xf32>,
            %get3A_1192 = arith.index_cast %add3A_1167 : i32 to index
            %get3A_1193 = arith.constant 48 : index
            %get3A_1194 = tpu.vector_load %arg13[%get3A_1192, %get3A_1193] {strides = array<i32>} : memref<80x128xf32, #tpu.memory_space<vmem>>, vector<16xf32>,
            %mul3A_1195 = vector.broadcast %squeeze3A_1163 : f32 to vector<16xf32>
            %mul3A_1196 = arith.mulf %get3A_1194, %mul3A_1195 : vector<16xf32>
            %swap3A_1197 = arith.index_cast %add3A_1167 : i32 to index
            %swap3A_1198 = arith.constant 48 : index
            %swap3A_1199 = tpu.vector_load %arg13[%swap3A_1197, %swap3A_1198] {strides = array<i32>} : memref<80x128xf32, #tpu.memory_space<vmem>>, vector<16xf32>,
            tpu.vector_store %arg13[%swap3A_1197, %swap3A_1198], %mul3A_1196 {strides = array<i32>} : memref<80x128xf32, #tpu.memory_space<vmem>>, vector<16xf32>,
            %get3A_1200 = arith.index_cast %add3A_1167 : i32 to index
            %get3A_1201 = arith.constant 64 : index
            %get3A_1202 = tpu.vector_load %arg13[%get3A_1200, %get3A_1201] {strides = array<i32>} : memref<80x128xf32, #tpu.memory_space<vmem>>, vector<16xf32>,
            %mul3A_1203 = vector.broadcast %squeeze3A_1163 : f32 to vector<16xf32>
            %mul3A_1204 = arith.mulf %get3A_1202, %mul3A_1203 : vector<16xf32>
            %swap3A_1205 = arith.index_cast %add3A_1167 : i32 to index
            %swap3A_1206 = arith.constant 64 : index
            %swap3A_1207 = tpu.vector_load %arg13[%swap3A_1205, %swap3A_1206] {strides = array<i32>} : memref<80x128xf32, #tpu.memory_space<vmem>>, vector<16xf32>,
            tpu.vector_store %arg13[%swap3A_1205, %swap3A_1206], %mul3A_1204 {strides = array<i32>} : memref<80x128xf32, #tpu.memory_space<vmem>>, vector<16xf32>,
            %get3A_1208 = arith.index_cast %add3A_1167 : i32 to index
            %get3A_1209 = arith.constant 80 : index
            %get3A_1210 = tpu.vector_load %arg13[%get3A_1208, %get3A_1209] {strides = array<i32>} : memref<80x128xf32, #tpu.memory_space<vmem>>, vector<16xf32>,
            %mul3A_1211 = vector.broadcast %squeeze3A_1163 : f32 to vector<16xf32>
            %mul3A_1212 = arith.mulf %get3A_1210, %mul3A_1211 : vector<16xf32>
            %swap3A_1213 = arith.index_cast %add3A_1167 : i32 to index
            %swap3A_1214 = arith.constant 80 : index
            %swap3A_1215 = tpu.vector_load %arg13[%swap3A_1213, %swap3A_1214] {strides = array<i32>} : memref<80x128xf32, #tpu.memory_space<vmem>>, vector<16xf32>,
            tpu.vector_store %arg13[%swap3A_1213, %swap3A_1214], %mul3A_1212 {strides = array<i32>} : memref<80x128xf32, #tpu.memory_space<vmem>>, vector<16xf32>,
            %get3A_1216 = arith.index_cast %add3A_1167 : i32 to index
            %get3A_1217 = arith.constant 96 : index
            %get3A_1218 = tpu.vector_load %arg13[%get3A_1216, %get3A_1217] {strides = array<i32>} : memref<80x128xf32, #tpu.memory_space<vmem>>, vector<16xf32>,
            %mul3A_1219 = vector.broadcast %squeeze3A_1163 : f32 to vector<16xf32>
            %mul3A_1220 = arith.mulf %get3A_1218, %mul3A_1219 : vector<16xf32>
            %swap3A_1221 = arith.index_cast %add3A_1167 : i32 to index
            %swap3A_1222 = arith.constant 96 : index
            %swap3A_1223 = tpu.vector_load %arg13[%swap3A_1221, %swap3A_1222] {strides = array<i32>} : memref<80x128xf32, #tpu.memory_space<vmem>>, vector<16xf32>,
            tpu.vector_store %arg13[%swap3A_1221, %swap3A_1222], %mul3A_1220 {strides = array<i32>} : memref<80x128xf32, #tpu.memory_space<vmem>>, vector<16xf32>,
            %get3A_1224 = arith.index_cast %add3A_1167 : i32 to index
            %get3A_1225 = arith.constant 112 : index
            %get3A_1226 = tpu.vector_load %arg13[%get3A_1224, %get3A_1225] {strides = array<i32>} : memref<80x128xf32, #tpu.memory_space<vmem>>, vector<16xf32>,
            %mul3A_1227 = vector.broadcast %squeeze3A_1163 : f32 to vector<16xf32>
            %mul3A_1228 = arith.mulf %get3A_1226, %mul3A_1227 : vector<16xf32>
            %swap3A_1229 = arith.index_cast %add3A_1167 : i32 to index
            %swap3A_1230 = arith.constant 112 : index
            %swap3A_1231 = tpu.vector_load %arg13[%swap3A_1229, %swap3A_1230] {strides = array<i32>} : memref<80x128xf32, #tpu.memory_space<vmem>>, vector<16xf32>,
            tpu.vector_store %arg13[%swap3A_1229, %swap3A_1230], %mul3A_1228 {strides = array<i32>} : memref<80x128xf32, #tpu.memory_space<vmem>>, vector<16xf32>,
            %slice3A_1232 = vector.extract_strided_slice %select_n3A_321 {offsets = [13], sizes = [1], strides = [1]} : vector<16xf32> to vector<1xf32>
            %squeeze3A_1233 = vector.extract %slice3A_1232[0] : f32 from vector<1xf32>
            %mul3A_1234 = arith.constant 16 : i32
            %mul3A_1235 = arith.muli %scan3A_288, %mul3A_1234 : i32
            %add3A_1236 = arith.constant 13 : i32
            %add3A_1237 = arith.addi %mul3A_1235, %add3A_1236 : i32
            %get3A_1238 = arith.index_cast %add3A_1237 : i32 to index
            %get3A_1239 = arith.constant 0 : index
            %get3A_1240 = tpu.vector_load %arg13[%get3A_1238, %get3A_1239] {strides = array<i32>} : memref<80x128xf32, #tpu.memory_space<vmem>>, vector<16xf32>,
            %mul3A_1241 = vector.broadcast %squeeze3A_1233 : f32 to vector<16xf32>
            %mul3A_1242 = arith.mulf %get3A_1240, %mul3A_1241 : vector<16xf32>
            %swap3A_1243 = arith.index_cast %add3A_1237 : i32 to index
            %swap3A_1244 = arith.constant 0 : index
            %swap3A_1245 = tpu.vector_load %arg13[%swap3A_1243, %swap3A_1244] {strides = array<i32>} : memref<80x128xf32, #tpu.memory_space<vmem>>, vector<16xf32>,
            tpu.vector_store %arg13[%swap3A_1243, %swap3A_1244], %mul3A_1242 {strides = array<i32>} : memref<80x128xf32, #tpu.memory_space<vmem>>, vector<16xf32>,
            %get3A_1246 = arith.index_cast %add3A_1237 : i32 to index
            %get3A_1247 = arith.constant 16 : index
            %get3A_1248 = tpu.vector_load %arg13[%get3A_1246, %get3A_1247] {strides = array<i32>} : memref<80x128xf32, #tpu.memory_space<vmem>>, vector<16xf32>,
            %mul3A_1249 = vector.broadcast %squeeze3A_1233 : f32 to vector<16xf32>
            %mul3A_1250 = arith.mulf %get3A_1248, %mul3A_1249 : vector<16xf32>
            %swap3A_1251 = arith.index_cast %add3A_1237 : i32 to index
            %swap3A_1252 = arith.constant 16 : index
            %swap3A_1253 = tpu.vector_load %arg13[%swap3A_1251, %swap3A_1252] {strides = array<i32>} : memref<80x128xf32, #tpu.memory_space<vmem>>, vector<16xf32>,
            tpu.vector_store %arg13[%swap3A_1251, %swap3A_1252], %mul3A_1250 {strides = array<i32>} : memref<80x128xf32, #tpu.memory_space<vmem>>, vector<16xf32>,
            %get3A_1254 = arith.index_cast %add3A_1237 : i32 to index
            %get3A_1255 = arith.constant 32 : index
            %get3A_1256 = tpu.vector_load %arg13[%get3A_1254, %get3A_1255] {strides = array<i32>} : memref<80x128xf32, #tpu.memory_space<vmem>>, vector<16xf32>,
            %mul3A_1257 = vector.broadcast %squeeze3A_1233 : f32 to vector<16xf32>
            %mul3A_1258 = arith.mulf %get3A_1256, %mul3A_1257 : vector<16xf32>
            %swap3A_1259 = arith.index_cast %add3A_1237 : i32 to index
            %swap3A_1260 = arith.constant 32 : index
            %swap3A_1261 = tpu.vector_load %arg13[%swap3A_1259, %swap3A_1260] {strides = array<i32>} : memref<80x128xf32, #tpu.memory_space<vmem>>, vector<16xf32>,
            tpu.vector_store %arg13[%swap3A_1259, %swap3A_1260], %mul3A_1258 {strides = array<i32>} : memref<80x128xf32, #tpu.memory_space<vmem>>, vector<16xf32>,
            %get3A_1262 = arith.index_cast %add3A_1237 : i32 to index
            %get3A_1263 = arith.constant 48 : index
            %get3A_1264 = tpu.vector_load %arg13[%get3A_1262, %get3A_1263] {strides = array<i32>} : memref<80x128xf32, #tpu.memory_space<vmem>>, vector<16xf32>,
            %mul3A_1265 = vector.broadcast %squeeze3A_1233 : f32 to vector<16xf32>
            %mul3A_1266 = arith.mulf %get3A_1264, %mul3A_1265 : vector<16xf32>
            %swap3A_1267 = arith.index_cast %add3A_1237 : i32 to index
            %swap3A_1268 = arith.constant 48 : index
            %swap3A_1269 = tpu.vector_load %arg13[%swap3A_1267, %swap3A_1268] {strides = array<i32>} : memref<80x128xf32, #tpu.memory_space<vmem>>, vector<16xf32>,
            tpu.vector_store %arg13[%swap3A_1267, %swap3A_1268], %mul3A_1266 {strides = array<i32>} : memref<80x128xf32, #tpu.memory_space<vmem>>, vector<16xf32>,
            %get3A_1270 = arith.index_cast %add3A_1237 : i32 to index
            %get3A_1271 = arith.constant 64 : index
            %get3A_1272 = tpu.vector_load %arg13[%get3A_1270, %get3A_1271] {strides = array<i32>} : memref<80x128xf32, #tpu.memory_space<vmem>>, vector<16xf32>,
            %mul3A_1273 = vector.broadcast %squeeze3A_1233 : f32 to vector<16xf32>
            %mul3A_1274 = arith.mulf %get3A_1272, %mul3A_1273 : vector<16xf32>
            %swap3A_1275 = arith.index_cast %add3A_1237 : i32 to index
            %swap3A_1276 = arith.constant 64 : index
            %swap3A_1277 = tpu.vector_load %arg13[%swap3A_1275, %swap3A_1276] {strides = array<i32>} : memref<80x128xf32, #tpu.memory_space<vmem>>, vector<16xf32>,
            tpu.vector_store %arg13[%swap3A_1275, %swap3A_1276], %mul3A_1274 {strides = array<i32>} : memref<80x128xf32, #tpu.memory_space<vmem>>, vector<16xf32>,
            %get3A_1278 = arith.index_cast %add3A_1237 : i32 to index
            %get3A_1279 = arith.constant 80 : index
            %get3A_1280 = tpu.vector_load %arg13[%get3A_1278, %get3A_1279] {strides = array<i32>} : memref<80x128xf32, #tpu.memory_space<vmem>>, vector<16xf32>,
            %mul3A_1281 = vector.broadcast %squeeze3A_1233 : f32 to vector<16xf32>
            %mul3A_1282 = arith.mulf %get3A_1280, %mul3A_1281 : vector<16xf32>
            %swap3A_1283 = arith.index_cast %add3A_1237 : i32 to index
            %swap3A_1284 = arith.constant 80 : index
            %swap3A_1285 = tpu.vector_load %arg13[%swap3A_1283, %swap3A_1284] {strides = array<i32>} : memref<80x128xf32, #tpu.memory_space<vmem>>, vector<16xf32>,
            tpu.vector_store %arg13[%swap3A_1283, %swap3A_1284], %mul3A_1282 {strides = array<i32>} : memref<80x128xf32, #tpu.memory_space<vmem>>, vector<16xf32>,
            %get3A_1286 = arith.index_cast %add3A_1237 : i32 to index
            %get3A_1287 = arith.constant 96 : index
            %get3A_1288 = tpu.vector_load %arg13[%get3A_1286, %get3A_1287] {strides = array<i32>} : memref<80x128xf32, #tpu.memory_space<vmem>>, vector<16xf32>,
            %mul3A_1289 = vector.broadcast %squeeze3A_1233 : f32 to vector<16xf32>
            %mul3A_1290 = arith.mulf %get3A_1288, %mul3A_1289 : vector<16xf32>
            %swap3A_1291 = arith.index_cast %add3A_1237 : i32 to index
            %swap3A_1292 = arith.constant 96 : index
            %swap3A_1293 = tpu.vector_load %arg13[%swap3A_1291, %swap3A_1292] {strides = array<i32>} : memref<80x128xf32, #tpu.memory_space<vmem>>, vector<16xf32>,
            tpu.vector_store %arg13[%swap3A_1291, %swap3A_1292], %mul3A_1290 {strides = array<i32>} : memref<80x128xf32, #tpu.memory_space<vmem>>, vector<16xf32>,
            %get3A_1294 = arith.index_cast %add3A_1237 : i32 to index
            %get3A_1295 = arith.constant 112 : index
            %get3A_1296 = tpu.vector_load %arg13[%get3A_1294, %get3A_1295] {strides = array<i32>} : memref<80x128xf32, #tpu.memory_space<vmem>>, vector<16xf32>,
            %mul3A_1297 = vector.broadcast %squeeze3A_1233 : f32 to vector<16xf32>
            %mul3A_1298 = arith.mulf %get3A_1296, %mul3A_1297 : vector<16xf32>
            %swap3A_1299 = arith.index_cast %add3A_1237 : i32 to index
            %swap3A_1300 = arith.constant 112 : index
            %swap3A_1301 = tpu.vector_load %arg13[%swap3A_1299, %swap3A_1300] {strides = array<i32>} : memref<80x128xf32, #tpu.memory_space<vmem>>, vector<16xf32>,
            tpu.vector_store %arg13[%swap3A_1299, %swap3A_1300], %mul3A_1298 {strides = array<i32>} : memref<80x128xf32, #tpu.memory_space<vmem>>, vector<16xf32>,
            %slice3A_1302 = vector.extract_strided_slice %select_n3A_321 {offsets = [14], sizes = [1], strides = [1]} : vector<16xf32> to vector<1xf32>
            %squeeze3A_1303 = vector.extract %slice3A_1302[0] : f32 from vector<1xf32>
            %mul3A_1304 = arith.constant 16 : i32
            %mul3A_1305 = arith.muli %scan3A_288, %mul3A_1304 : i32
            %add3A_1306 = arith.constant 14 : i32
            %add3A_1307 = arith.addi %mul3A_1305, %add3A_1306 : i32
            %get3A_1308 = arith.index_cast %add3A_1307 : i32 to index
            %get3A_1309 = arith.constant 0 : index
            %get3A_1310 = tpu.vector_load %arg13[%get3A_1308, %get3A_1309] {strides = array<i32>} : memref<80x128xf32, #tpu.memory_space<vmem>>, vector<16xf32>,
            %mul3A_1311 = vector.broadcast %squeeze3A_1303 : f32 to vector<16xf32>
            %mul3A_1312 = arith.mulf %get3A_1310, %mul3A_1311 : vector<16xf32>
            %swap3A_1313 = arith.index_cast %add3A_1307 : i32 to index
            %swap3A_1314 = arith.constant 0 : index
            %swap3A_1315 = tpu.vector_load %arg13[%swap3A_1313, %swap3A_1314] {strides = array<i32>} : memref<80x128xf32, #tpu.memory_space<vmem>>, vector<16xf32>,
            tpu.vector_store %arg13[%swap3A_1313, %swap3A_1314], %mul3A_1312 {strides = array<i32>} : memref<80x128xf32, #tpu.memory_space<vmem>>, vector<16xf32>,
            %get3A_1316 = arith.index_cast %add3A_1307 : i32 to index
            %get3A_1317 = arith.constant 16 : index
            %get3A_1318 = tpu.vector_load %arg13[%get3A_1316, %get3A_1317] {strides = array<i32>} : memref<80x128xf32, #tpu.memory_space<vmem>>, vector<16xf32>,
            %mul3A_1319 = vector.broadcast %squeeze3A_1303 : f32 to vector<16xf32>
            %mul3A_1320 = arith.mulf %get3A_1318, %mul3A_1319 : vector<16xf32>
            %swap3A_1321 = arith.index_cast %add3A_1307 : i32 to index
            %swap3A_1322 = arith.constant 16 : index
            %swap3A_1323 = tpu.vector_load %arg13[%swap3A_1321, %swap3A_1322] {strides = array<i32>} : memref<80x128xf32, #tpu.memory_space<vmem>>, vector<16xf32>,
            tpu.vector_store %arg13[%swap3A_1321, %swap3A_1322], %mul3A_1320 {strides = array<i32>} : memref<80x128xf32, #tpu.memory_space<vmem>>, vector<16xf32>,
            %get3A_1324 = arith.index_cast %add3A_1307 : i32 to index
            %get3A_1325 = arith.constant 32 : index
            %get3A_1326 = tpu.vector_load %arg13[%get3A_1324, %get3A_1325] {strides = array<i32>} : memref<80x128xf32, #tpu.memory_space<vmem>>, vector<16xf32>,
            %mul3A_1327 = vector.broadcast %squeeze3A_1303 : f32 to vector<16xf32>
            %mul3A_1328 = arith.mulf %get3A_1326, %mul3A_1327 : vector<16xf32>
            %swap3A_1329 = arith.index_cast %add3A_1307 : i32 to index
            %swap3A_1330 = arith.constant 32 : index
            %swap3A_1331 = tpu.vector_load %arg13[%swap3A_1329, %swap3A_1330] {strides = array<i32>} : memref<80x128xf32, #tpu.memory_space<vmem>>, vector<16xf32>,
            tpu.vector_store %arg13[%swap3A_1329, %swap3A_1330], %mul3A_1328 {strides = array<i32>} : memref<80x128xf32, #tpu.memory_space<vmem>>, vector<16xf32>,
            %get3A_1332 = arith.index_cast %add3A_1307 : i32 to index
            %get3A_1333 = arith.constant 48 : index
            %get3A_1334 = tpu.vector_load %arg13[%get3A_1332, %get3A_1333] {strides = array<i32>} : memref<80x128xf32, #tpu.memory_space<vmem>>, vector<16xf32>,
            %mul3A_1335 = vector.broadcast %squeeze3A_1303 : f32 to vector<16xf32>
            %mul3A_1336 = arith.mulf %get3A_1334, %mul3A_1335 : vector<16xf32>
            %swap3A_1337 = arith.index_cast %add3A_1307 : i32 to index
            %swap3A_1338 = arith.constant 48 : index
            %swap3A_1339 = tpu.vector_load %arg13[%swap3A_1337, %swap3A_1338] {strides = array<i32>} : memref<80x128xf32, #tpu.memory_space<vmem>>, vector<16xf32>,
            tpu.vector_store %arg13[%swap3A_1337, %swap3A_1338], %mul3A_1336 {strides = array<i32>} : memref<80x128xf32, #tpu.memory_space<vmem>>, vector<16xf32>,
            %get3A_1340 = arith.index_cast %add3A_1307 : i32 to index
            %get3A_1341 = arith.constant 64 : index
            %get3A_1342 = tpu.vector_load %arg13[%get3A_1340, %get3A_1341] {strides = array<i32>} : memref<80x128xf32, #tpu.memory_space<vmem>>, vector<16xf32>,
            %mul3A_1343 = vector.broadcast %squeeze3A_1303 : f32 to vector<16xf32>
            %mul3A_1344 = arith.mulf %get3A_1342, %mul3A_1343 : vector<16xf32>
            %swap3A_1345 = arith.index_cast %add3A_1307 : i32 to index
            %swap3A_1346 = arith.constant 64 : index
            %swap3A_1347 = tpu.vector_load %arg13[%swap3A_1345, %swap3A_1346] {strides = array<i32>} : memref<80x128xf32, #tpu.memory_space<vmem>>, vector<16xf32>,
            tpu.vector_store %arg13[%swap3A_1345, %swap3A_1346], %mul3A_1344 {strides = array<i32>} : memref<80x128xf32, #tpu.memory_space<vmem>>, vector<16xf32>,
            %get3A_1348 = arith.index_cast %add3A_1307 : i32 to index
            %get3A_1349 = arith.constant 80 : index
            %get3A_1350 = tpu.vector_load %arg13[%get3A_1348, %get3A_1349] {strides = array<i32>} : memref<80x128xf32, #tpu.memory_space<vmem>>, vector<16xf32>,
            %mul3A_1351 = vector.broadcast %squeeze3A_1303 : f32 to vector<16xf32>
            %mul3A_1352 = arith.mulf %get3A_1350, %mul3A_1351 : vector<16xf32>
            %swap3A_1353 = arith.index_cast %add3A_1307 : i32 to index
            %swap3A_1354 = arith.constant 80 : index
            %swap3A_1355 = tpu.vector_load %arg13[%swap3A_1353, %swap3A_1354] {strides = array<i32>} : memref<80x128xf32, #tpu.memory_space<vmem>>, vector<16xf32>,
            tpu.vector_store %arg13[%swap3A_1353, %swap3A_1354], %mul3A_1352 {strides = array<i32>} : memref<80x128xf32, #tpu.memory_space<vmem>>, vector<16xf32>,
            %get3A_1356 = arith.index_cast %add3A_1307 : i32 to index
            %get3A_1357 = arith.constant 96 : index
            %get3A_1358 = tpu.vector_load %arg13[%get3A_1356, %get3A_1357] {strides = array<i32>} : memref<80x128xf32, #tpu.memory_space<vmem>>, vector<16xf32>,
            %mul3A_1359 = vector.broadcast %squeeze3A_1303 : f32 to vector<16xf32>
            %mul3A_1360 = arith.mulf %get3A_1358, %mul3A_1359 : vector<16xf32>
            %swap3A_1361 = arith.index_cast %add3A_1307 : i32 to index
            %swap3A_1362 = arith.constant 96 : index
            %swap3A_1363 = tpu.vector_load %arg13[%swap3A_1361, %swap3A_1362] {strides = array<i32>} : memref<80x128xf32, #tpu.memory_space<vmem>>, vector<16xf32>,
            tpu.vector_store %arg13[%swap3A_1361, %swap3A_1362], %mul3A_1360 {strides = array<i32>} : memref<80x128xf32, #tpu.memory_space<vmem>>, vector<16xf32>,
            %get3A_1364 = arith.index_cast %add3A_1307 : i32 to index
            %get3A_1365 = arith.constant 112 : index
            %get3A_1366 = tpu.vector_load %arg13[%get3A_1364, %get3A_1365] {strides = array<i32>} : memref<80x128xf32, #tpu.memory_space<vmem>>, vector<16xf32>,
            %mul3A_1367 = vector.broadcast %squeeze3A_1303 : f32 to vector<16xf32>
            %mul3A_1368 = arith.mulf %get3A_1366, %mul3A_1367 : vector<16xf32>
            %swap3A_1369 = arith.index_cast %add3A_1307 : i32 to index
            %swap3A_1370 = arith.constant 112 : index
            %swap3A_1371 = tpu.vector_load %arg13[%swap3A_1369, %swap3A_1370] {strides = array<i32>} : memref<80x128xf32, #tpu.memory_space<vmem>>, vector<16xf32>,
            tpu.vector_store %arg13[%swap3A_1369, %swap3A_1370], %mul3A_1368 {strides = array<i32>} : memref<80x128xf32, #tpu.memory_space<vmem>>, vector<16xf32>,
            %slice3A_1372 = vector.extract_strided_slice %select_n3A_321 {offsets = [15], sizes = [1], strides = [1]} : vector<16xf32> to vector<1xf32>
            %squeeze3A_1373 = vector.extract %slice3A_1372[0] : f32 from vector<1xf32>
            %mul3A_1374 = arith.constant 16 : i32
            %mul3A_1375 = arith.muli %scan3A_288, %mul3A_1374 : i32
            %add3A_1376 = arith.constant 15 : i32
            %add3A_1377 = arith.addi %mul3A_1375, %add3A_1376 : i32
            %get3A_1378 = arith.index_cast %add3A_1377 : i32 to index
            %get3A_1379 = arith.constant 0 : index
            %get3A_1380 = tpu.vector_load %arg13[%get3A_1378, %get3A_1379] {strides = array<i32>} : memref<80x128xf32, #tpu.memory_space<vmem>>, vector<16xf32>,
            %mul3A_1381 = vector.broadcast %squeeze3A_1373 : f32 to vector<16xf32>
            %mul3A_1382 = arith.mulf %get3A_1380, %mul3A_1381 : vector<16xf32>
            %swap3A_1383 = arith.index_cast %add3A_1377 : i32 to index
            %swap3A_1384 = arith.constant 0 : index
            %swap3A_1385 = tpu.vector_load %arg13[%swap3A_1383, %swap3A_1384] {strides = array<i32>} : memref<80x128xf32, #tpu.memory_space<vmem>>, vector<16xf32>,
            tpu.vector_store %arg13[%swap3A_1383, %swap3A_1384], %mul3A_1382 {strides = array<i32>} : memref<80x128xf32, #tpu.memory_space<vmem>>, vector<16xf32>,
            %get3A_1386 = arith.index_cast %add3A_1377 : i32 to index
            %get3A_1387 = arith.constant 16 : index
            %get3A_1388 = tpu.vector_load %arg13[%get3A_1386, %get3A_1387] {strides = array<i32>} : memref<80x128xf32, #tpu.memory_space<vmem>>, vector<16xf32>,
            %mul3A_1389 = vector.broadcast %squeeze3A_1373 : f32 to vector<16xf32>
            %mul3A_1390 = arith.mulf %get3A_1388, %mul3A_1389 : vector<16xf32>
            %swap3A_1391 = arith.index_cast %add3A_1377 : i32 to index
            %swap3A_1392 = arith.constant 16 : index
            %swap3A_1393 = tpu.vector_load %arg13[%swap3A_1391, %swap3A_1392] {strides = array<i32>} : memref<80x128xf32, #tpu.memory_space<vmem>>, vector<16xf32>,
            tpu.vector_store %arg13[%swap3A_1391, %swap3A_1392], %mul3A_1390 {strides = array<i32>} : memref<80x128xf32, #tpu.memory_space<vmem>>, vector<16xf32>,
            %get3A_1394 = arith.index_cast %add3A_1377 : i32 to index
            %get3A_1395 = arith.constant 32 : index
            %get3A_1396 = tpu.vector_load %arg13[%get3A_1394, %get3A_1395] {strides = array<i32>} : memref<80x128xf32, #tpu.memory_space<vmem>>, vector<16xf32>,
            %mul3A_1397 = vector.broadcast %squeeze3A_1373 : f32 to vector<16xf32>
            %mul3A_1398 = arith.mulf %get3A_1396, %mul3A_1397 : vector<16xf32>
            %swap3A_1399 = arith.index_cast %add3A_1377 : i32 to index
            %swap3A_1400 = arith.constant 32 : index
            %swap3A_1401 = tpu.vector_load %arg13[%swap3A_1399, %swap3A_1400] {strides = array<i32>} : memref<80x128xf32, #tpu.memory_space<vmem>>, vector<16xf32>,
            tpu.vector_store %arg13[%swap3A_1399, %swap3A_1400], %mul3A_1398 {strides = array<i32>} : memref<80x128xf32, #tpu.memory_space<vmem>>, vector<16xf32>,
            %get3A_1402 = arith.index_cast %add3A_1377 : i32 to index
            %get3A_1403 = arith.constant 48 : index
            %get3A_1404 = tpu.vector_load %arg13[%get3A_1402, %get3A_1403] {strides = array<i32>} : memref<80x128xf32, #tpu.memory_space<vmem>>, vector<16xf32>,
            %mul3A_1405 = vector.broadcast %squeeze3A_1373 : f32 to vector<16xf32>
            %mul3A_1406 = arith.mulf %get3A_1404, %mul3A_1405 : vector<16xf32>
            %swap3A_1407 = arith.index_cast %add3A_1377 : i32 to index
            %swap3A_1408 = arith.constant 48 : index
            %swap3A_1409 = tpu.vector_load %arg13[%swap3A_1407, %swap3A_1408] {strides = array<i32>} : memref<80x128xf32, #tpu.memory_space<vmem>>, vector<16xf32>,
            tpu.vector_store %arg13[%swap3A_1407, %swap3A_1408], %mul3A_1406 {strides = array<i32>} : memref<80x128xf32, #tpu.memory_space<vmem>>, vector<16xf32>,
            %get3A_1410 = arith.index_cast %add3A_1377 : i32 to index
            %get3A_1411 = arith.constant 64 : index
            %get3A_1412 = tpu.vector_load %arg13[%get3A_1410, %get3A_1411] {strides = array<i32>} : memref<80x128xf32, #tpu.memory_space<vmem>>, vector<16xf32>,
            %mul3A_1413 = vector.broadcast %squeeze3A_1373 : f32 to vector<16xf32>
            %mul3A_1414 = arith.mulf %get3A_1412, %mul3A_1413 : vector<16xf32>
            %swap3A_1415 = arith.index_cast %add3A_1377 : i32 to index
            %swap3A_1416 = arith.constant 64 : index
            %swap3A_1417 = tpu.vector_load %arg13[%swap3A_1415, %swap3A_1416] {strides = array<i32>} : memref<80x128xf32, #tpu.memory_space<vmem>>, vector<16xf32>,
            tpu.vector_store %arg13[%swap3A_1415, %swap3A_1416], %mul3A_1414 {strides = array<i32>} : memref<80x128xf32, #tpu.memory_space<vmem>>, vector<16xf32>,
            %get3A_1418 = arith.index_cast %add3A_1377 : i32 to index
            %get3A_1419 = arith.constant 80 : index
            %get3A_1420 = tpu.vector_load %arg13[%get3A_1418, %get3A_1419] {strides = array<i32>} : memref<80x128xf32, #tpu.memory_space<vmem>>, vector<16xf32>,
            %mul3A_1421 = vector.broadcast %squeeze3A_1373 : f32 to vector<16xf32>
            %mul3A_1422 = arith.mulf %get3A_1420, %mul3A_1421 : vector<16xf32>
            %swap3A_1423 = arith.index_cast %add3A_1377 : i32 to index
            %swap3A_1424 = arith.constant 80 : index
            %swap3A_1425 = tpu.vector_load %arg13[%swap3A_1423, %swap3A_1424] {strides = array<i32>} : memref<80x128xf32, #tpu.memory_space<vmem>>, vector<16xf32>,
            tpu.vector_store %arg13[%swap3A_1423, %swap3A_1424], %mul3A_1422 {strides = array<i32>} : memref<80x128xf32, #tpu.memory_space<vmem>>, vector<16xf32>,
            %get3A_1426 = arith.index_cast %add3A_1377 : i32 to index
            %get3A_1427 = arith.constant 96 : index
            %get3A_1428 = tpu.vector_load %arg13[%get3A_1426, %get3A_1427] {strides = array<i32>} : memref<80x128xf32, #tpu.memory_space<vmem>>, vector<16xf32>,
            %mul3A_1429 = vector.broadcast %squeeze3A_1373 : f32 to vector<16xf32>
            %mul3A_1430 = arith.mulf %get3A_1428, %mul3A_1429 : vector<16xf32>
            %swap3A_1431 = arith.index_cast %add3A_1377 : i32 to index
            %swap3A_1432 = arith.constant 96 : index
            %swap3A_1433 = tpu.vector_load %arg13[%swap3A_1431, %swap3A_1432] {strides = array<i32>} : memref<80x128xf32, #tpu.memory_space<vmem>>, vector<16xf32>,
            tpu.vector_store %arg13[%swap3A_1431, %swap3A_1432], %mul3A_1430 {strides = array<i32>} : memref<80x128xf32, #tpu.memory_space<vmem>>, vector<16xf32>,
            %get3A_1434 = arith.index_cast %add3A_1377 : i32 to index
            %get3A_1435 = arith.constant 112 : index
            %get3A_1436 = tpu.vector_load %arg13[%get3A_1434, %get3A_1435] {strides = array<i32>} : memref<80x128xf32, #tpu.memory_space<vmem>>, vector<16xf32>,
            %mul3A_1437 = vector.broadcast %squeeze3A_1373 : f32 to vector<16xf32>
            %mul3A_1438 = arith.mulf %get3A_1436, %mul3A_1437 : vector<16xf32>
            %swap3A_1439 = arith.index_cast %add3A_1377 : i32 to index
            %swap3A_1440 = arith.constant 112 : index
            %swap3A_1441 = tpu.vector_load %arg13[%swap3A_1439, %swap3A_1440] {strides = array<i32>} : memref<80x128xf32, #tpu.memory_space<vmem>>, vector<16xf32>,
            tpu.vector_store %arg13[%swap3A_1439, %swap3A_1440], %mul3A_1438 {strides = array<i32>} : memref<80x128xf32, #tpu.memory_space<vmem>>, vector<16xf32>,
            %scan3A_1442 = arith.constant 0 : i32
            scf.yield %scan3A_1442 : i32
          }
          %scan3A_286 = arith.constant 5 : i32
          "tpu.region"() ({
            %run_scoped3A_288 = tpu.sem_alloc : memref<!tpu.dma_semaphore, #tpu.memory_space<semaphore_mem>>
            %dma_start3A_289 = arith.constant 0 : i32
            %dma_start3A_290 = tpu.memref_slice %arg15[%scan3A_262, %dma_start3A_289] : memref<8x80xi32, #tpu.memory_space<vmem>> -> memref<1x80xi32, #tpu.memory_space<vmem>>
            %dma_start3A_291 = tpu.memref_squeeze %dma_start3A_290 : memref<1x80xi32, #tpu.memory_space<vmem>> -> memref<80xi32, #tpu.memory_space<vmem>>
            %dma_start3A_292 = arith.constant 0 : i32
            %dma_start3A_293 = arith.constant 0 : i32
            %dma_start3A_294 = tpu.memref_slice %arg19[%dma_start3A_292, %dma_start3A_293] : memref<10000x128xf32, #tpu.memory_space<vmem_shared>> -> memref<10000x128xf32, #tpu.memory_space<vmem_shared>>
            tpu.enqueue_indirect_dma source(%arg13 : memref<80x128xf32, #tpu.memory_space<vmem>>) target(%dma_start3A_294 : memref<10000x128xf32, #tpu.memory_space<vmem_shared>>) offsets(%dma_start3A_291 : memref<80xi32, #tpu.memory_space<vmem>>) semaphore(%run_scoped3A_288 : memref<!tpu.dma_semaphore, #tpu.memory_space<semaphore_mem>>) {add = true}
            %dma_wait3A_295 = arith.constant 0 : i32
            %dma_wait3A_296 = tpu.memref_slice %arg15[%scan3A_262, %dma_wait3A_295] : memref<8x80xi32, #tpu.memory_space<vmem>> -> memref<1x80xi32, #tpu.memory_space<vmem>>
            %dma_wait3A_297 = tpu.memref_squeeze %dma_wait3A_296 : memref<1x80xi32, #tpu.memory_space<vmem>> -> memref<80xi32, #tpu.memory_space<vmem>>
            %dma_wait3A_298 = arith.constant 0 : i32
            %dma_wait3A_299 = arith.constant 0 : i32
            %dma_wait3A_300 = tpu.memref_slice %arg19[%dma_wait3A_298, %dma_wait3A_299] : memref<10000x128xf32, #tpu.memory_space<vmem_shared>> -> memref<10000x128xf32, #tpu.memory_space<vmem_shared>>
            tpu.wait_indirect_dma semaphore(%run_scoped3A_288 : memref<!tpu.dma_semaphore, #tpu.memory_space<semaphore_mem>>) src(%arg13 : memref<80x128xf32, #tpu.memory_space<vmem>>) dst(%dma_wait3A_300 : memref<10000x128xf32, #tpu.memory_space<vmem_shared>>)
            tpu.yield
          }) : () -> ()
          %scan3A_287 = arith.constant 0 : i32
          scf.yield %scan3A_287 : i32
        }
        %scan3A_260 = arith.constant 8 : i32
        %scan3A_261 = arith.constant 0 : i32
        scf.yield %scan3A_261 : i32
      }
      %scan3A_247 = arith.constant 16 : i32
    } else {
    }
    %barrier3A_230 = arith.constant 0 : index
    tpu.barrier barrier_id(%barrier3A_230)
    %eq3A_231 = arith.constant 0 : i32
    %eq3A_232 = arith.cmpi eq, %arg0, %eq3A_231 : i32
    %convert_element_type3A_233 = arith.extui %eq3A_232 : i1 to i32
    %cond3A_234 = arith.constant 0 : i32
    %cond3A_235 = arith.cmpi ne, %convert_element_type3A_233, %cond3A_234 : i32
    scf.if %cond3A_235 {
      %mul3A_241 = arith.constant 625 : i32
      %mul3A_242 = arith.muli %arg1, %mul3A_241 : i32
      "tpu.region"() ({
        %run_scoped3A_243 = tpu.sem_alloc : memref<!tpu.dma_semaphore, #tpu.memory_space<semaphore_mem>>
        %dma_start3A = arith.constant 0 : i32
        %dma_start3A_244 = arith.constant 0 : i32
        %dma_start3A_245 = tpu.memref_slice %arg8[%arg1, %dma_start3A, %dma_start3A_244] : memref<16x625x128xf32, #tpu.memory_space<hbm>> -> memref<1x625x128xf32, #tpu.memory_space<hbm>>
        %dma_start3A_246 = tpu.memref_squeeze %dma_start3A_245 : memref<1x625x128xf32, #tpu.memory_space<hbm>> -> memref<625x128xf32, #tpu.memory_space<hbm>>
        %dma_start3A_247 = arith.constant 0 : i32
        %dma_start3A_248 = tpu.memref_slice %arg19[%mul3A_242, %dma_start3A_247] : memref<10000x128xf32, #tpu.memory_space<vmem_shared>> -> memref<625x128xf32, #tpu.memory_space<vmem_shared>>
        tpu.enqueue_dma source(%dma_start3A_248 : memref<625x128xf32, #tpu.memory_space<vmem_shared>>) target(%dma_start3A_246 : memref<625x128xf32, #tpu.memory_space<hbm>>) target_semaphore(%run_scoped3A_243 : memref<!tpu.dma_semaphore, #tpu.memory_space<semaphore_mem>>)
        %dma_wait3A = arith.constant 0 : i32
        %dma_wait3A_249 = arith.constant 0 : i32
        %dma_wait3A_250 = tpu.memref_slice %arg8[%arg1, %dma_wait3A, %dma_wait3A_249] : memref<16x625x128xf32, #tpu.memory_space<hbm>> -> memref<1x625x128xf32, #tpu.memory_space<hbm>>
        %dma_wait3A_251 = tpu.memref_squeeze %dma_wait3A_250 : memref<1x625x128xf32, #tpu.memory_space<hbm>> -> memref<625x128xf32, #tpu.memory_space<hbm>>
        %dma_wait3A_252 = arith.constant 0 : i32
        %dma_wait3A_253 = tpu.memref_slice %arg19[%mul3A_242, %dma_wait3A_252] : memref<10000x128xf32, #tpu.memory_space<vmem_shared>> -> memref<625x128xf32, #tpu.memory_space<vmem_shared>>
        tpu.wait_dma2 semaphore(%run_scoped3A_243 : memref<!tpu.dma_semaphore, #tpu.memory_space<semaphore_mem>>) src(%dma_wait3A_253 : memref<625x128xf32, #tpu.memory_space<vmem_shared>>) dst(%dma_wait3A_251 : memref<625x128xf32, #tpu.memory_space<hbm>>)
        tpu.yield
      }) : () -> ()
    } else {
    }
    %eq3A_236 = arith.constant 1 : i32
    %eq3A_237 = arith.cmpi eq, %arg0, %eq3A_236 : i32
    %convert_element_type3A_238 = arith.extui %eq3A_237 : i1 to i32
    %cond3A_239 = arith.constant 0 : i32
    %cond3A_240 = arith.cmpi ne, %convert_element_type3A_238, %cond3A_239 : i32
    scf.if %cond3A_240 {
      %mul3A_241 = arith.constant 625 : i32
      %mul3A_242 = arith.muli %arg1, %mul3A_241 : i32
      "tpu.region"() ({
        %run_scoped3A_243 = tpu.sem_alloc : memref<!tpu.dma_semaphore, #tpu.memory_space<semaphore_mem>>
        %dma_start3A = arith.constant 0 : i32
        %dma_start3A_244 = arith.constant 0 : i32
        %dma_start3A_245 = tpu.memref_slice %arg9[%arg1, %dma_start3A, %dma_start3A_244] : memref<16x625x128xf32, #tpu.memory_space<hbm>> -> memref<1x625x128xf32, #tpu.memory_space<hbm>>
        %dma_start3A_246 = tpu.memref_squeeze %dma_start3A_245 : memref<1x625x128xf32, #tpu.memory_space<hbm>> -> memref<625x128xf32, #tpu.memory_space<hbm>>
        %dma_start3A_247 = arith.constant 0 : i32
        %dma_start3A_248 = tpu.memref_slice %arg19[%mul3A_242, %dma_start3A_247] : memref<10000x128xf32, #tpu.memory_space<vmem_shared>> -> memref<625x128xf32, #tpu.memory_space<vmem_shared>>
        tpu.enqueue_dma source(%dma_start3A_248 : memref<625x128xf32, #tpu.memory_space<vmem_shared>>) target(%dma_start3A_246 : memref<625x128xf32, #tpu.memory_space<hbm>>) target_semaphore(%run_scoped3A_243 : memref<!tpu.dma_semaphore, #tpu.memory_space<semaphore_mem>>)
        %dma_wait3A = arith.constant 0 : i32
        %dma_wait3A_249 = arith.constant 0 : i32
        %dma_wait3A_250 = tpu.memref_slice %arg9[%arg1, %dma_wait3A, %dma_wait3A_249] : memref<16x625x128xf32, #tpu.memory_space<hbm>> -> memref<1x625x128xf32, #tpu.memory_space<hbm>>
        %dma_wait3A_251 = tpu.memref_squeeze %dma_wait3A_250 : memref<1x625x128xf32, #tpu.memory_space<hbm>> -> memref<625x128xf32, #tpu.memory_space<hbm>>
        %dma_wait3A_252 = arith.constant 0 : i32
        %dma_wait3A_253 = tpu.memref_slice %arg19[%mul3A_242, %dma_wait3A_252] : memref<10000x128xf32, #tpu.memory_space<vmem_shared>> -> memref<625x128xf32, #tpu.memory_space<vmem_shared>>
        tpu.wait_dma2 semaphore(%run_scoped3A_243 : memref<!tpu.dma_semaphore, #tpu.memory_space<semaphore_mem>>) src(%dma_wait3A_253 : memref<625x128xf32, #tpu.memory_space<vmem_shared>>) dst(%dma_wait3A_251 : memref<625x128xf32, #tpu.memory_space<hbm>>)
        tpu.yield
      }) : () -> ()
    } else {
    }
    return
  }
}

module attributes {stable_mosaic.version = 14 : i64} {
  func.func @_tc1_body(%arg0: i32, %arg1: memref<2000x256xf32, #tpu.memory_space<vmem>>, %arg2: memref<256x256xf32, #tpu.memory_space<vmem>>, %arg3: memref<256x128xf32, #tpu.memory_space<vmem>>, %arg4: memref<2000x128xf32, #tpu.memory_space<vmem>>, %arg5: memref<2000x128xf32, #tpu.memory_space<vmem>>, %arg6: memref<2000x128xf32, #tpu.memory_space<vmem>>) attributes {dimension_semantics = [#tpu.dimension_semantics<arbitrary>], iteration_bounds = array<i64: 5>, scalar_prefetch = 0 : i64, scratch_operands = 0 : i64, tpu.core_type = #tpu.core_type<tc>, window_params = [{transform_indices = @transform_0, window_bounds = array<i64: 2000, 256>}, {pipeline_mode = #tpu.pipeline_mode<synchronous>, transform_indices = @transform_1, window_bounds = array<i64: 256, 256>}, {pipeline_mode = #tpu.pipeline_mode<synchronous>, transform_indices = @transform_2, window_bounds = array<i64: 256, 128>}, {transform_indices = @transform_3, window_bounds = array<i64: 2000, 128>}, {transform_indices = @transform_4, window_bounds = array<i64: 2000, 128>}, {transform_indices = @transform_5, window_bounds = array<i64: 2000, 128>}]} {
    %get3A = arith.constant 0 : index
    %get3A_0 = arith.constant 0 : index
    %get3A_1 = vector.load %arg1[%get3A, %get3A_0] : memref<2000x256xf32, #tpu.memory_space<vmem>>, vector<2000x256xf32>
    %get3A_2 = arith.constant 0 : index
    %get3A_3 = arith.constant 0 : index
    %get3A_4 = vector.load %arg2[%get3A_2, %get3A_3] : memref<256x256xf32, #tpu.memory_space<vmem>>, vector<256x256xf32>
    %dot_general3A = arith.constant dense<0.000000e+00> : vector<2000x256xf32>
    %dot_general3A_5 = tpu.matmul %get3A_1, %get3A_4, %dot_general3A {dimension_numbers = #tpu.dot_dimension_numbers<[1], [0], [0], [1], [0, 0, 1, 1], [], []>, transpose_lhs_hint = false} : vector<2000x256xf32>, vector<256x256xf32>, vector<2000x256xf32> -> vector<2000x256xf32>
    %slice3A = vector.extract_strided_slice %dot_general3A_5 {offsets = [0, 0], sizes = [2000, 128], strides = [1, 1]} : vector<2000x256xf32> to vector<2000x128xf32>
    %swap3A = arith.constant 0 : index
    %swap3A_6 = arith.constant 0 : index
    %swap3A_7 = vector.load %arg4[%swap3A, %swap3A_6] : memref<2000x128xf32, #tpu.memory_space<vmem>>, vector<2000x128xf32>
    tpu.vector_store %arg4[%swap3A, %swap3A_6], %slice3A {strides = array<i32>} : memref<2000x128xf32, #tpu.memory_space<vmem>>, vector<2000x128xf32>,
    %slice3A_8 = vector.extract_strided_slice %dot_general3A_5 {offsets = [0, 128], sizes = [2000, 128], strides = [1, 1]} : vector<2000x256xf32> to vector<2000x128xf32>
    %swap3A_9 = arith.constant 0 : index
    %swap3A_10 = arith.constant 0 : index
    %swap3A_11 = vector.load %arg5[%swap3A_9, %swap3A_10] : memref<2000x128xf32, #tpu.memory_space<vmem>>, vector<2000x128xf32>
    tpu.vector_store %arg5[%swap3A_9, %swap3A_10], %slice3A_8 {strides = array<i32>} : memref<2000x128xf32, #tpu.memory_space<vmem>>, vector<2000x128xf32>,
    %get3A_12 = arith.constant 0 : index
    %get3A_13 = arith.constant 0 : index
    %get3A_14 = vector.load %arg3[%get3A_12, %get3A_13] : memref<256x128xf32, #tpu.memory_space<vmem>>, vector<256x128xf32>
    %dot_general3A_15 = arith.constant dense<0.000000e+00> : vector<2000x128xf32>
    %dot_general3A_16 = tpu.matmul %dot_general3A_5, %get3A_14, %dot_general3A_15 {dimension_numbers = #tpu.dot_dimension_numbers<[1], [0], [0], [1], [0, 0, 1, 1], [], []>, transpose_lhs_hint = false} : vector<2000x256xf32>, vector<256x128xf32>, vector<2000x128xf32> -> vector<2000x128xf32>
    %swap3A_17 = arith.constant 0 : index
    %swap3A_18 = arith.constant 0 : index
    %swap3A_19 = vector.load %arg6[%swap3A_17, %swap3A_18] : memref<2000x128xf32, #tpu.memory_space<vmem>>, vector<2000x128xf32>
    tpu.vector_store %arg6[%swap3A_17, %swap3A_18], %dot_general3A_16 {strides = array<i32>} : memref<2000x128xf32, #tpu.memory_space<vmem>>, vector<2000x128xf32>,
    return
  }
  func.func @transform_0(%arg0: i32) -> (i32, i32) {
    %c0_i32 = arith.constant 0 : i32
    %c0_i32_0 = arith.constant 0 : i32
    return %arg0, %c0_i32 : i32, i32
  }
  func.func @transform_1(%arg0: i32) -> (i32, i32) {
    %c0_i32 = arith.constant 0 : i32
    %c0_i32_0 = arith.constant 0 : i32
    %c0_i32_1 = arith.constant 0 : i32
    return %c0_i32, %c0_i32_0 : i32, i32
  }
  func.func @transform_2(%arg0: i32) -> (i32, i32) {
    %c0_i32 = arith.constant 0 : i32
    %c0_i32_0 = arith.constant 0 : i32
    %c0_i32_1 = arith.constant 0 : i32
    return %c0_i32, %c0_i32_0 : i32, i32
  }
  func.func @transform_3(%arg0: i32) -> (i32, i32) {
    %c0_i32 = arith.constant 0 : i32
    %c0_i32_0 = arith.constant 0 : i32
    return %arg0, %c0_i32 : i32, i32
  }
  func.func @transform_4(%arg0: i32) -> (i32, i32) {
    %c0_i32 = arith.constant 0 : i32
    %c0_i32_0 = arith.constant 0 : i32
    return %arg0, %c0_i32 : i32, i32
  }
  func.func @transform_5(%arg0: i32) -> (i32, i32) {
    %c0_i32 = arith.constant 0 : i32
    %c0_i32_0 = arith.constant 0 : i32
    return %arg0, %c0_i32 : i32, i32
  }
}

module attributes {stable_mosaic.version = 14 : i64} {
  func.func @_tc2_body(%arg0: i32, %arg1: memref<2000x128xf32, #tpu.memory_space<vmem>>, %arg2: memref<2000x128xf32, #tpu.memory_space<vmem>>, %arg3: memref<2000x256xf32, #tpu.memory_space<vmem>>, %arg4: memref<1x256xf32, #tpu.memory_space<vmem>>, %arg5: memref<256x768xf32, #tpu.memory_space<vmem>>, %arg6: memref<256x768xf32, #tpu.memory_space<vmem>>, %arg7: memref<1x768xf32, #tpu.memory_space<vmem>>, %arg8: memref<1x768xf32, #tpu.memory_space<vmem>>, %arg9: memref<2000x256xf32, #tpu.memory_space<vmem>>) attributes {dimension_semantics = [#tpu.dimension_semantics<arbitrary>], iteration_bounds = array<i64: 5>, scalar_prefetch = 0 : i64, scratch_operands = 0 : i64, tpu.core_type = #tpu.core_type<tc>, window_params = [{transform_indices = @transform_0, window_bounds = array<i64: 2000, 128>}, {transform_indices = @transform_1, window_bounds = array<i64: 2000, 128>}, {transform_indices = @transform_2, window_bounds = array<i64: 2000, 256>}, {pipeline_mode = #tpu.pipeline_mode<synchronous>, transform_indices = @transform_3, window_bounds = array<i64: 1, 256>}, {pipeline_mode = #tpu.pipeline_mode<synchronous>, transform_indices = @transform_4, window_bounds = array<i64: 256, 768>}, {pipeline_mode = #tpu.pipeline_mode<synchronous>, transform_indices = @transform_5, window_bounds = array<i64: 256, 768>}, {pipeline_mode = #tpu.pipeline_mode<synchronous>, transform_indices = @transform_6, window_bounds = array<i64: 1, 768>}, {pipeline_mode = #tpu.pipeline_mode<synchronous>, transform_indices = @transform_7, window_bounds = array<i64: 1, 768>}, {transform_indices = @transform_8, window_bounds = array<i64: 2000, 256>}]} {
    %get3A = arith.constant 0 : index
    %get3A_0 = arith.constant 0 : index
    %get3A_1 = vector.load %arg1[%get3A, %get3A_0] : memref<2000x128xf32, #tpu.memory_space<vmem>>, vector<2000x128xf32>
    %get3A_2 = arith.constant 0 : index
    %get3A_3 = arith.constant 0 : index
    %get3A_4 = vector.load %arg4[%get3A_2, %get3A_3] : memref<1x256xf32, #tpu.memory_space<vmem>>, vector<1x128xf32>
    %get3A_5 = vector.shape_cast %get3A_4 : vector<1x128xf32> to vector<128xf32>
    %broadcast_in_dim3A = vector.shape_cast %get3A_5 : vector<128xf32> to vector<1x128xf32>
    %add3A = vector.broadcast %broadcast_in_dim3A : vector<1x128xf32> to vector<2000x128xf32>
    %add3A_6 = arith.addf %get3A_1, %add3A : vector<2000x128xf32>
    %get3A_7 = arith.constant 0 : index
    %get3A_8 = arith.constant 0 : index
    %get3A_9 = vector.load %arg2[%get3A_7, %get3A_8] : memref<2000x128xf32, #tpu.memory_space<vmem>>, vector<2000x128xf32>
    %get3A_10 = arith.constant 0 : index
    %get3A_11 = arith.constant 128 : index
    %get3A_12 = vector.load %arg4[%get3A_10, %get3A_11] : memref<1x256xf32, #tpu.memory_space<vmem>>, vector<1x128xf32>
    %get3A_13 = vector.shape_cast %get3A_12 : vector<1x128xf32> to vector<128xf32>
    %broadcast_in_dim3A_14 = vector.shape_cast %get3A_13 : vector<128xf32> to vector<1x128xf32>
    %add3A_15 = vector.broadcast %broadcast_in_dim3A_14 : vector<1x128xf32> to vector<2000x128xf32>
    %add3A_16 = arith.addf %get3A_9, %add3A_15 : vector<2000x128xf32>
    %gt3A = arith.constant 0.000000e+00 : f32
    %gt3A_17 = vector.broadcast %gt3A : f32 to vector<2000x128xf32>
    %gt3A_18 = arith.cmpf ogt, %add3A_6, %gt3A_17 : vector<2000x128xf32>
    %exp3A = math.exp %add3A_6 : vector<2000x128xf32>
    %sub3A = arith.constant 1.000000e+00 : f32
    %sub3A_19 = vector.broadcast %sub3A : f32 to vector<2000x128xf32>
    %sub3A_20 = arith.subf %exp3A, %sub3A_19 : vector<2000x128xf32>
    %select_n3A = arith.select %gt3A_18, %add3A_6, %sub3A_20 : vector<2000x128xi1>, vector<2000x128xf32>
    %gt3A_21 = arith.constant 0.000000e+00 : f32
    %gt3A_22 = vector.broadcast %gt3A_21 : f32 to vector<2000x128xf32>
    %gt3A_23 = arith.cmpf ogt, %add3A_16, %gt3A_22 : vector<2000x128xf32>
    %exp3A_24 = math.exp %add3A_16 : vector<2000x128xf32>
    %sub3A_25 = arith.constant 1.000000e+00 : f32
    %sub3A_26 = vector.broadcast %sub3A_25 : f32 to vector<2000x128xf32>
    %sub3A_27 = arith.subf %exp3A_24, %sub3A_26 : vector<2000x128xf32>
    %select_n3A_28 = arith.select %gt3A_23, %add3A_16, %sub3A_27 : vector<2000x128xi1>, vector<2000x128xf32>
    %get3A_29 = arith.constant 0 : index
    %get3A_30 = arith.constant 0 : index
    %get3A_31 = vector.load %arg5[%get3A_29, %get3A_30] : memref<256x768xf32, #tpu.memory_space<vmem>>, vector<256x768xf32>
    %slice3A = vector.extract_strided_slice %get3A_31 {offsets = [0, 0], sizes = [128, 768], strides = [1, 1]} : vector<256x768xf32> to vector<128x768xf32>
    %dot_general3A = arith.constant dense<0.000000e+00> : vector<2000x768xf32>
    %dot_general3A_32 = tpu.matmul %select_n3A, %slice3A, %dot_general3A {dimension_numbers = #tpu.dot_dimension_numbers<[1], [0], [0], [1], [0, 0, 1, 1], [], []>, transpose_lhs_hint = false} : vector<2000x128xf32>, vector<128x768xf32>, vector<2000x768xf32> -> vector<2000x768xf32>
    %slice3A_33 = vector.extract_strided_slice %get3A_31 {offsets = [128, 0], sizes = [128, 768], strides = [1, 1]} : vector<256x768xf32> to vector<128x768xf32>
    %dot_general3A_34 = arith.constant dense<0.000000e+00> : vector<2000x768xf32>
    %dot_general3A_35 = tpu.matmul %select_n3A_28, %slice3A_33, %dot_general3A_34 {dimension_numbers = #tpu.dot_dimension_numbers<[1], [0], [0], [1], [0, 0, 1, 1], [], []>, transpose_lhs_hint = false} : vector<2000x128xf32>, vector<128x768xf32>, vector<2000x768xf32> -> vector<2000x768xf32>
    %add3A_36 = arith.addf %dot_general3A_32, %dot_general3A_35 : vector<2000x768xf32>
    %get3A_37 = arith.constant 0 : index
    %get3A_38 = arith.constant 0 : index
    %get3A_39 = vector.load %arg7[%get3A_37, %get3A_38] : memref<1x768xf32, #tpu.memory_space<vmem>>, vector<1x768xf32>
    %get3A_40 = vector.shape_cast %get3A_39 : vector<1x768xf32> to vector<768xf32>
    %broadcast_in_dim3A_41 = vector.shape_cast %get3A_40 : vector<768xf32> to vector<1x768xf32>
    %add3A_42 = vector.broadcast %broadcast_in_dim3A_41 : vector<1x768xf32> to vector<2000x768xf32>
    %add3A_43 = arith.addf %add3A_36, %add3A_42 : vector<2000x768xf32>
    %get3A_44 = arith.constant 0 : index
    %get3A_45 = arith.constant 0 : index
    %get3A_46 = vector.load %arg3[%get3A_44, %get3A_45] : memref<2000x256xf32, #tpu.memory_space<vmem>>, vector<2000x256xf32>
    %get3A_47 = arith.constant 0 : index
    %get3A_48 = arith.constant 0 : index
    %get3A_49 = vector.load %arg6[%get3A_47, %get3A_48] : memref<256x768xf32, #tpu.memory_space<vmem>>, vector<256x768xf32>
    %dot_general3A_50 = arith.constant dense<0.000000e+00> : vector<2000x768xf32>
    %dot_general3A_51 = tpu.matmul %get3A_46, %get3A_49, %dot_general3A_50 {dimension_numbers = #tpu.dot_dimension_numbers<[1], [0], [0], [1], [0, 0, 1, 1], [], []>, transpose_lhs_hint = false} : vector<2000x256xf32>, vector<256x768xf32>, vector<2000x768xf32> -> vector<2000x768xf32>
    %get3A_52 = arith.constant 0 : index
    %get3A_53 = arith.constant 0 : index
    %get3A_54 = vector.load %arg8[%get3A_52, %get3A_53] : memref<1x768xf32, #tpu.memory_space<vmem>>, vector<1x768xf32>
    %get3A_55 = vector.shape_cast %get3A_54 : vector<1x768xf32> to vector<768xf32>
    %broadcast_in_dim3A_56 = vector.shape_cast %get3A_55 : vector<768xf32> to vector<1x768xf32>
    %add3A_57 = vector.broadcast %broadcast_in_dim3A_56 : vector<1x768xf32> to vector<2000x768xf32>
    %add3A_58 = arith.addf %dot_general3A_51, %add3A_57 : vector<2000x768xf32>
    %slice3A_59 = vector.extract_strided_slice %add3A_43 {offsets = [0, 0], sizes = [2000, 256], strides = [1, 1]} : vector<2000x768xf32> to vector<2000x256xf32>
    %slice3A_60 = vector.extract_strided_slice %add3A_58 {offsets = [0, 0], sizes = [2000, 256], strides = [1, 1]} : vector<2000x768xf32> to vector<2000x256xf32>
    %add3A_61 = arith.addf %slice3A_59, %slice3A_60 : vector<2000x256xf32>
    %logistic3A = arith.negf %add3A_61 : vector<2000x256xf32>
    %logistic3A_62 = math.exp %logistic3A : vector<2000x256xf32>
    %logistic3A_63 = arith.constant 1.000000e+00 : f32
    %logistic3A_64 = vector.broadcast %logistic3A_63 : f32 to vector<2000x256xf32>
    %logistic3A_65 = arith.addf %logistic3A_64, %logistic3A_62 : vector<2000x256xf32>
    %logistic3A_66 = arith.divf %logistic3A_64, %logistic3A_65 : vector<2000x256xf32>
    %slice3A_67 = vector.extract_strided_slice %add3A_43 {offsets = [0, 256], sizes = [2000, 256], strides = [1, 1]} : vector<2000x768xf32> to vector<2000x256xf32>
    %slice3A_68 = vector.extract_strided_slice %add3A_58 {offsets = [0, 256], sizes = [2000, 256], strides = [1, 1]} : vector<2000x768xf32> to vector<2000x256xf32>
    %add3A_69 = arith.addf %slice3A_67, %slice3A_68 : vector<2000x256xf32>
    %logistic3A_70 = arith.negf %add3A_69 : vector<2000x256xf32>
    %logistic3A_71 = math.exp %logistic3A_70 : vector<2000x256xf32>
    %logistic3A_72 = arith.constant 1.000000e+00 : f32
    %logistic3A_73 = vector.broadcast %logistic3A_72 : f32 to vector<2000x256xf32>
    %logistic3A_74 = arith.addf %logistic3A_73, %logistic3A_71 : vector<2000x256xf32>
    %logistic3A_75 = arith.divf %logistic3A_73, %logistic3A_74 : vector<2000x256xf32>
    %slice3A_76 = vector.extract_strided_slice %add3A_43 {offsets = [0, 512], sizes = [2000, 256], strides = [1, 1]} : vector<2000x768xf32> to vector<2000x256xf32>
    %slice3A_77 = vector.extract_strided_slice %add3A_58 {offsets = [0, 512], sizes = [2000, 256], strides = [1, 1]} : vector<2000x768xf32> to vector<2000x256xf32>
    %mul3A = arith.mulf %logistic3A_66, %slice3A_77 : vector<2000x256xf32>
    %add3A_78 = arith.addf %slice3A_76, %mul3A : vector<2000x256xf32>
    %tanh3A = math.tanh %add3A_78 : vector<2000x256xf32>
    %sub3A_79 = arith.constant 1.000000e+00 : f32
    %sub3A_80 = vector.broadcast %sub3A_79 : f32 to vector<2000x256xf32>
    %sub3A_81 = arith.subf %sub3A_80, %logistic3A_75 : vector<2000x256xf32>
    %mul3A_82 = arith.mulf %sub3A_81, %tanh3A : vector<2000x256xf32>
    %mul3A_83 = arith.mulf %logistic3A_75, %get3A_46 : vector<2000x256xf32>
    %add3A_84 = arith.addf %mul3A_82, %mul3A_83 : vector<2000x256xf32>
    %swap3A = arith.constant 0 : index
    %swap3A_85 = arith.constant 0 : index
    %swap3A_86 = vector.load %arg9[%swap3A, %swap3A_85] : memref<2000x256xf32, #tpu.memory_space<vmem>>, vector<2000x256xf32>
    tpu.vector_store %arg9[%swap3A, %swap3A_85], %add3A_84 {strides = array<i32>} : memref<2000x256xf32, #tpu.memory_space<vmem>>, vector<2000x256xf32>,
    return
  }
  func.func @transform_0(%arg0: i32) -> (i32, i32) {
    %c0_i32 = arith.constant 0 : i32
    %c0_i32_0 = arith.constant 0 : i32
    return %arg0, %c0_i32 : i32, i32
  }
  func.func @transform_1(%arg0: i32) -> (i32, i32) {
    %c0_i32 = arith.constant 0 : i32
    %c0_i32_0 = arith.constant 0 : i32
    return %arg0, %c0_i32 : i32, i32
  }
  func.func @transform_2(%arg0: i32) -> (i32, i32) {
    %c0_i32 = arith.constant 0 : i32
    %c0_i32_0 = arith.constant 0 : i32
    return %arg0, %c0_i32 : i32, i32
  }
  func.func @transform_3(%arg0: i32) -> (i32, i32) {
    %c0_i32 = arith.constant 0 : i32
    %c0_i32_0 = arith.constant 0 : i32
    %c0_i32_1 = arith.constant 0 : i32
    return %c0_i32, %c0_i32_0 : i32, i32
  }
  func.func @transform_4(%arg0: i32) -> (i32, i32) {
    %c0_i32 = arith.constant 0 : i32
    %c0_i32_0 = arith.constant 0 : i32
    %c0_i32_1 = arith.constant 0 : i32
    return %c0_i32, %c0_i32_0 : i32, i32
  }
  func.func @transform_5(%arg0: i32) -> (i32, i32) {
    %c0_i32 = arith.constant 0 : i32
    %c0_i32_0 = arith.constant 0 : i32
    %c0_i32_1 = arith.constant 0 : i32
    return %c0_i32, %c0_i32_0 : i32, i32
  }
  func.func @transform_6(%arg0: i32) -> (i32, i32) {
    %c0_i32 = arith.constant 0 : i32
    %c0_i32_0 = arith.constant 0 : i32
    %c0_i32_1 = arith.constant 0 : i32
    return %c0_i32, %c0_i32_0 : i32, i32
  }
  func.func @transform_7(%arg0: i32) -> (i32, i32) {
    %c0_i32 = arith.constant 0 : i32
    %c0_i32_0 = arith.constant 0 : i32
    %c0_i32_1 = arith.constant 0 : i32
    return %c0_i32, %c0_i32_0 : i32, i32
  }
  func.func @transform_8(%arg0: i32) -> (i32, i32) {
    %c0_i32 = arith.constant 0 : i32
    %c0_i32_0 = arith.constant 0 : i32
    return %arg0, %c0_i32 : i32, i32
  }
}

</mosaic_0001>

<sc_bundles>
// kernel: kernel.5.cloned.1.call-start
scs
__scs_entry_jumppad:
0x0: {  	(pc) =	sbr.rel $0x88, $3  }
0x1: {  	(tag) =	ssettag $0x0;
	lr =	simm.s32 $0x1  }
0x2: {  	[smem:$0x3F97] =	sst lr;
	_ =	strace $0xD0000000  }
0x3: {  	_ = 	snop  }
0x4: {  	_ = 	snop  }
0x5: {  	_ = 	snop  }
0x6: {  	_ = 	snop  }
0x7: {  	_ = 	snop  }
__scs_overlays_trampoline_lowered:
0x8: {  	[smem:$0x3FA6] =	sst s0  }
0x9: {  	[smem:$0x3FA7] =	sst s1  }
0xa: {  	[smem:$0x3FA8] =	sst s2  }
0xb: {  	[smem:$0x3FA9] =	sst s3  }
0xc: {  	[smem:$0x3FAA] =	sst s4  }
0xd: {  	[smem:$0x3FAB] =	sst s5  }
0xe: {  	[smem:$0x3FAC] =	sst s6  }
0xf: {  	[smem:$0x3FAD] =	sst s7  }
0x10: {  	[smem:$0x3FAE] =	sst s8  }
0x11: {  	[smem:$0x3FAF] =	sst s9;
	s0 =	simm.s32 @!p0 $0x0  }
0x12: {  	s1 =	sld [smem:$0x3F95];
	s0 =	simm.s32 @p0 $0x1  }
0x13: {  	[smem:$0x3FB0] =	sst s0;
	s0 =	simm.s32 @!p1 $0x0  }
0x14: {  	s2 =	sld [smem:$0x3F94];
	s0 =	simm.s32 @p1 $0x1  }
0x15: {  	[smem:$0x3FB1] =	sst s0;
	s0 =	simm.s32 @!p2 $0x0  }
0x16: {  	s3 =	sld [smem:$0x3FDB];
	s0 =	simm.s32 @p2 $0x1  }
0x17: {  	s4 =	simm.s32 $0x1BF5;
	[smem:$0x3FB3] =	sst s0  }
0x18: {  	s0 =	sld [smem:$0x3F96];
	_ =	swait.ge [sflag:s4], $0x0  }
0x19: {  	s7 =	sld [smem:$0x3F97]  }
0x1a: {  	s8 =	sadd.s32 $0xFFFFE003, lr  }
0x1b: {  	s9 =	sadd.s32 $0xFFFFFEF7, lr;
	s5 =	simm.s32 $0xFFFFFFFF;
	p2 =	slt.u32 s8, $0xFFFFF086  }
0x1c: {  	p1 =	slt.u32 s9, $0xF7A;
	s5 =	simm.s32 @!p2 $0x0  }
0x1d: {  	s5 =	simm.s32 @p1 $0x1;
	p0 =	seq.s32 s7, s2  }
0x1e: {  	s7 =	smul.u32 @!p0 $0xF7A, s2;
	p2 =	seq.s32 @!p0 s5, $0x0  }
0x1f: {  	s9 =	smul.u32 $0xF7A, s1;
	s8 =	simm.s32 @!p0 $0x1BF5;
	p2 =	por !p2, p0  }
0x20: {  	[sflag:s8] =	ssyncset.s32 @!p0 $0xFFFFF086;
	s6 =	sadd.s32 @!p0 s3, s7;
	s7 =	simm.s32 @!p0 $0x108  }
0x21: {  	s3 =	sadd.s32 s3, s9;
	s6 =	sadd.s32 @!p0 $0x88, s6;
	s7 =	simm.s32 @p2 $0x1082  }
0x22: {  	[simem:s7], [sflag:s8] =	dma.local @!p0 [hbm:s6], $0xF7A  }
0x23: {  	s9 =	sor.u32 $0xD0000000, s2;
	s6 =	simm.s32 $0x108;
	_ =	swait.ge @!p0 [sflag:s8], $0x0  }
0x24: {  	s3 =	sadd.s32 $0x88, s3;
	s6 =	simm.s32 @!p1 $0x1082;
	[sflag:s4] =	ssyncset.s32 $0xFFFFF086  }
0x25: {  	[simem:s6], [sflag:s4] =	dma.local [hbm:s3], $0xF7A  }
0x26: {  	[smem:$0x3F97] =	sst s1;
	(tag) =	ssettag s2;
	_ =	strace s9  }
0x27: {  	s1 =	sld [smem:$0x3FA7]  }
0x28: {  	s2 =	sld [smem:$0x3FA8]  }
0x29: {  	s4 =	sld [smem:$0x3FAA]  }
0x2a: {  	p0 =	seq.s32 s5, $0x0;
	s5 =	sld [smem:$0x3FAB]  }
0x2b: {  	s6 =	sld [smem:$0x3FAC]  }
0x2c: {  	s7 =	sld [smem:$0x3FAD]  }
0x2d: {  	s3 =	simm.s32 $0x108;
	s8 =	sld [smem:$0x3FAE]  }
0x2e: {  	s3 =	simm.s32 @!p0 $0x1082;
	s9 =	sld [smem:$0x3FAF]  }
0x2f: {  	lr =	sadd.s32 s0, s3;
	s0 =	sld [smem:$0x3FA6]  }
0x30: {  	s3 =	sld [smem:$0x3FA9]  }
0x31: {  	[smem:$0x3FB2] =	sst s10  }
0x32: {  	s10 =	sld [smem:$0x3FB0];
	_ =	sdelay $0x3  }
0x33: {  	p0 =	seq.s32 s10, $0x1;
	s10 =	sld [smem:$0x3FB2];
	_ =	sdelay $0x3  }
0x34: {  	[smem:$0x3FB2] =	sst s10  }
0x35: {  	s10 =	sld [smem:$0x3FB1];
	_ =	sdelay $0x3  }
0x36: {  	p1 =	seq.s32 s10, $0x1;
	s10 =	sld [smem:$0x3FB2];
	_ =	sdelay $0x3  }
0x37: {  	[smem:$0x3FB2] =	sst s10  }
0x38: {  	s10 =	sld [smem:$0x3FB3]  }
0x39: {  	_ = 	snop;
	(pc) =	sbr.ind lr, $3  }
0x3a: {  	_ = 	snop  }
0x3b: {  	_ = 	snop  }
0x3c: {  	p2 =	seq.s32 s10, $0x1;
	s10 =	sld [smem:$0x3FB2]  }
0x3d: {  	_ =	shalt  }
0x3e: {  	_ =	shalt  }
0x3f: {  	_ =	shalt  }
0x40: {  	_ =	shalt  }
0x41: {  	_ =	shalt  }
0x42: {  	_ =	shalt  }
0x43: {  	_ =	shalt  }
0x44: {  	_ =	shalt  }
0x45: {  	_ =	shalt  }
0x46: {  	_ =	shalt  }
0x47: {  	_ =	shalt  }
0x48: {  	_ =	shalt  }
0x49: {  	_ =	shalt  }
0x4a: {  	_ =	shalt  }
0x4b: {  	_ =	shalt  }
0x4c: {  	_ =	shalt  }
0x4d: {  	_ =	shalt  }
0x4e: {  	_ =	shalt  }
0x4f: {  	_ =	shalt  }
0x50: {  	_ =	shalt  }
0x51: {  	_ =	shalt  }
0x52: {  	_ =	shalt  }
0x53: {  	_ =	shalt  }
0x54: {  	_ =	shalt  }
0x55: {  	_ =	shalt  }
0x56: {  	_ =	shalt  }
0x57: {  	_ =	shalt  }
0x58: {  	_ =	shalt  }
0x59: {  	_ =	shalt  }
0x5a: {  	_ =	shalt  }
0x5b: {  	_ =	shalt  }
0x5c: {  	_ =	shalt  }
0x5d: {  	_ =	shalt  }
0x5e: {  	_ =	shalt  }
0x5f: {  	_ =	shalt  }
0x60: {  	_ =	shalt  }
0x61: {  	_ =	shalt  }
0x62: {  	_ =	shalt  }
0x63: {  	_ =	shalt  }
0x64: {  	_ =	shalt  }
0x65: {  	_ =	shalt  }
0x66: {  	_ =	shalt  }
0x67: {  	_ =	shalt  }
0x68: {  	_ =	shalt  }
0x69: {  	_ =	shalt  }
0x6a: {  	_ =	shalt  }
0x6b: {  	_ =	shalt  }
0x6c: {  	_ =	shalt  }
0x6d: {  	_ =	shalt  }
0x6e: {  	_ =	shalt  }
0x6f: {  	_ =	shalt  }
0x70: {  	_ =	shalt  }
0x71: {  	_ =	shalt  }
0x72: {  	_ =	shalt  }
0x73: {  	_ =	shalt  }
0x74: {  	_ =	shalt  }
0x75: {  	_ =	shalt  }
0x76: {  	_ =	shalt  }
0x77: {  	_ =	shalt  }
0x78: {  	_ =	shalt  }
0x79: {  	_ =	shalt  }
0x7a: {  	_ =	shalt  }
0x7b: {  	_ =	shalt  }
0x7c: {  	_ =	shalt  }
0x7d: {  	_ =	shalt  }
0x7e: {  	_ =	shalt  }
0x7f: {  	_ =	shalt  }
0x80: {  	_ =	shalt  }
0x81: {  	_ =	shalt  }
0x82: {  	_ =	shalt  }
0x83: {  	_ =	shalt  }
0x84: {  	_ =	shalt  }
0x85: {  	_ =	shalt  }
0x86: {  	_ =	shalt  }
0x87: {  	_ =	shalt  }
.Lfunc_end0:
.L_simem_size_0:
called_computation_lowered:
.L_overlay_start_0:
0x88: {  	s2 =	sld [smem:$0x3FD9]  }
0x89: {  	s3 =	sld [smem:$0x3FFE];
	_ =	sdelay $0x1  }
0x8a: {  	s1 =	srdreg.scid  }
0x8b: {  	s0 =	sand.u32 $0x1, s1  }
0x8c: {  	s17 =	sshll.u32 s0, $0xA;
	s2 =	sadd.s32 s3, s2  }
0x8d: {  	s2 =	sadd.s32 s2, s17  }
0x8e: {  	[smem:$0x3FBE] =	sst s2  }
0x8f: {  	_ = 	snop  }
0x90: {  	s2 =	sld [smem:$0x3FD0];
	(tm) =	ssettm $0x1  }
0x91: {  	s18 =	sld [smem:$0x3FFB];
	_ =	sdelay $0x3  }
0x92: {  	_ =	strace s18  }
0x93: {  	s3 =	sld [smem:$0x3FFC];
	_ =	sdelay $0x3  }
0x94: {  	_ =	strace s3  }
0x95: {  	s3 =	sld [smem:$0x3FFD];
	_ =	sdelay $0x3  }
0x96: {  	_ =	strace s3  }
0x97: {  	_ =	strace $0x8FFFFFFF  }
0x98: {  	s19 =	sld [smem:$0x3FDB];
	_ =	sdelay $0x1  }
0x99: {  	s4 =	simm.s32 $_scs_section_size  }
0x9a: {  	s5 =	simm.s32 $_size__tile_overlayer_lowered;
	s6 =	simm.s32 $_tile_overlayer_lowered  }
0x9b: {  	s22 =	simm.s32 $0x1BFF;
	s21 =	sshll.u32 s6, $0x1;
	s3 =	sadd.s32 s4, s19  }
0x9c: {  	s7 =	simm.s32 $0x0;
	s20 =	sshll.u32 s5, $0x1;
	s5 =	sadd.s32 s21, s3  }
0x9d: {  	[timem:s7], [sflag:s22] =	dma.local [hbm:s5], s20  }
0x9e: {  	_ =	swait.ge [sflag:s22], s20  }
0x9f: {  	s4 =	ssub.s32 $0x0, s20;
	[sflag:s22] =	ssyncset.done $0x0  }
0xa0: {  	[sflag:s22] =	ssyncadd.s32 s4;
	_ =	sdelay $0x1  }
0xa1: {  	s23 =	simm.s32 $0x1B8B  }
0xa2: {  	_ =	swait.ge [sflag:s23], $0x1  }
0xa3: {  	[sflag:s23] =	ssyncset.done $0x0  }
0xa4: {  	s25 =	simm.s32 $0x1B8E;
	s24 =	sld [smem:$0x3FFE];
	[sflag:s23] =	ssyncadd.s32 $0xFFFFFFFF  }
0xa5: {  	s26 =	simm.s32 $execute0_lowered;
	[smem:$0x3FD2] =	sst s25  }
0xa6: {  	s5 =	sshll.u32 s26, $0x1;
	_ =	strace $0x80000046;
	[dreg:$0x1] =	wrdreg $0xFFFFFFFF  }
0xa7: {  	s28 =	simm.s32 $_size_execute0_lowered;
	s3 =	sadd.s32 s3, s5;
	[dreg:$0x0] =	wrdreg $0x0  }
0xa8: {  	s5 =	sshll.u32 s28, $0x1;
	[dreg:$0x2] =	wrdreg s3  }
0xa9: {  	[dreg:$0x3] =	wrdreg s5  }
0xaa: {  	[dreg:$0x4] =	wrdreg $0xC0  }
0xab: {  	_ =	task [dreg:s7], $0x5FFFF  }
0xac: {  	[dreg:$0x1] =	wrdreg $0xFFFFFFFF  }
0xad: {  	[dreg:$0x0] =	wrdreg $0x60  }
0xae: {  	[dreg:$0x2] =	wrdreg s24  }
0xaf: {  	[dreg:$0x3] =	wrdreg s2  }
0xb0: {  	[dreg:$0x4] =	wrdreg $0xAC800  }
0xb1: {  	[dreg:$0x5] =	wrdreg $0xAF000  }
0xb2: {  	[dreg:$0x6] =	wrdreg $0x9  }
0xb3: {  	_ =	task.clear_ibuf [dreg:s7], $0x7FFFF;
	_ =	strace $0x90000046  }
0xb4: {  	s29 =	simm.s32 $0x9;
	_ =	strace $0x80000048  }
0xb5: {  	_ =	swait.ge [sflag:s29], $0x1  }
0xb6: {  	[sflag:s29] =	ssyncadd.s32 $0xFFFFFFFF  }
0xb7: {  	_ =	strace $0x90000048  }
0xb8: {  	_ =	sfence  }
0xb9: {  	s30 =	sld [smem:$0x0];
	_ =	sdelay $0x2  }
0xba: {  	s31 =	sshll.u32 s1, $0xD;
	s1 =	sshrl.u32 s1, $0x2  }
0xbb: {  	s3 =	sand.u32 $0x4000, s31;
	s1 =	sadd.s32 s1, s30  }
0xbc: {  	s0 =	sor.u32 s3, s0;
	s1 =	sshll.u32 s1, $0x11  }
0xbd: {  	s0 =	sor.u32 s1, s0  }
0xbe: {  	s0 =	sadd.s32 $0x8F2B, s0  }
0xbf: {  	[sflag:s0] =	ssyncadd.remote.s32 $0x1  }
0xc0: {  	_ =	sfence.sel $0xFFFF  }
0xc1: {  	[dreg:$0x0] =	wrdreg $0xFFFFFFFF;
	(pc) =	sbr.abs _section_cstart, $3  }
0xc2: {  	[dreg:$0x1] =	wrdreg $0xFFFFFFFF  }
0xc3: {  	_ =	task.clear_ibuf [dreg:s7], $0x2FFFF;
	_ =	strace $0x9FFFFFFF  }
0xc4: {  	(tm) =	ssettm $0x7FFFFFFF  }
0xc5: {  	_ =	shalt  }
tec
execute0_lowered:
.L_overlay_start_1:
0x0: {  	(tag) =	ssettag $0x1  }
0x1: {  	s0 =	rddreg [dreg:$0x0]  }
0x2: {  	s6 =	rddreg [dreg:$0x2]  }
0x3: {  	s3 =	rddreg [dreg:$0x3];
	s4 =	simm.s32 $0x0  }
0x4: {  	[smem:$0x7FF] =	sst s4;
	s2 =	sadd.s32 $0x4F200, s0  }
0x5: {  	s13 =	sadd.s32 $0x4EC00, s0;
	s7 =	sadd.s32 $0x4F800, s0;
	s8 =	sadd.s32 $0x57800, s0  }
0x6: {  	s9 =	sadd.s32 $0x800, s0;
	_ =	strace $0x80000047;
	[dreg:$0x5] =	wrdreg s2  }
0x7: {  	s10 =	sadd.s32 $0x27A00, s0;
	s0 =	sadd.s32 $0x5F800, s0;
	[dreg:$0x6] =	wrdreg s13  }
0x8: {  	s16 =	sadd.s32 $0x280, s6;
	[dreg:$0x7] =	wrdreg s0  }
0x9: {  	s17 =	sadd.s32 $0x500, s6;
	[dreg:$0x8] =	wrdreg s16  }
0xa: {  	s18 =	sadd.s32 $0x780, s6;
	[dreg:$0x9] =	wrdreg s17  }
0xb: {  	s19 =	sadd.s32 $0xA00, s6;
	[dreg:$0xa] =	wrdreg s18  }
0xc: {  	s20 =	sadd.s32 $0xC80, s6;
	[dreg:$0xb] =	wrdreg s19  }
0xd: {  	s22 =	sadd.s32 $0xF00, s6;
	[dreg:$0xc] =	wrdreg s20  }
0xe: {  	s1 =	srdreg.scid;
	s23 =	sadd.s32 $0x1180, s6;
	[dreg:$0xd] =	wrdreg s22  }
0xf: {  	s11 =	stileid.u32;
	s12 =	sadd.s32 $0x1400, s6;
	[dreg:$0xe] =	wrdreg s23  }
0x10: {  	s1 =	sand.u32 $0x1, s1;
	s25 =	sadd.s32 $0x1680, s6;
	[dreg:$0xf] =	wrdreg s12  }
0x11: {  	s21 =	smul.u32 $0x4E200, s11;
	s26 =	sadd.s32 $0x1900, s6;
	[dreg:$0x10] =	wrdreg s25  }
0x12: {  	s24 =	smul.u32 $0xA00, s11;
	[dreg:$0x11] =	wrdreg s26;
	s16 =	sadd.s32 $0x2080, s6  }
0x13: {  	s14 =	ssub.s32 $0x2, s1;
	s17 =	sadd.s32 $0x2300, s6;
	[dreg:$0x17] =	wrdreg s16  }
0x14: {  	s18 =	sadd.s32 $0x2580, s6;
	s26 =	smul.u32 $0x2780, s11;
	[dreg:$0x18] =	wrdreg s17  }
0x15: {  	s5 =	sshrl.u32 s14, $0x1;
	s13 =	sshrl.u32 s24, $0x2;
	[dreg:$0x19] =	wrdreg s18  }
0x16: {  	s12 =	sshrl.u32 s21, $0x2;
	s2 =	sadd.s32 s13, s6;
	[smem:$0x7FD] =	sst s26  }
0x17: {  	s15 =	ssub.s32 s14, s5;
	s14 =	sadd.s32 $0x1B80, s6;
	[dreg:$0x13] =	wrdreg s2  }
0x18: {  	p0 =	sne.s32 s1, $0x0;
	s1 =	sadd.s32 s12, s3;
	[dreg:$0x15] =	wrdreg s14  }
0x19: {  	s0 =	smax.u32 s15, $0x1;
	[dreg:$0x12] =	wrdreg s1  }
0x1a: {  	s28 =	simm.s32 $0x7800;
	s15 =	sadd.s32 $0x1E00, s6;
	[dreg:$0x14] =	wrdreg s0  }
0x1b: {  	s29 =	simm.s32 $0xA000;
	s19 =	sadd.s32 $0x2800, s1;
	[dreg:$0x16] =	wrdreg s15  }
0x1c: {  	s30 =	simm.s32 $0xA400;
	s20 =	sadd.s32 $0x5000, s1;
	[dreg:$0x1a] =	wrdreg s19  }
0x1d: {  	s31 =	simm.s32 $0x5000;
	s21 =	sadd.s32 $0x7800, s1;
	[dreg:$0x1b] =	wrdreg s20  }
0x1e: {  	p1 =	sne.s32 s11, $0x0;
	s22 =	sadd.s32 $0xA000, s1;
	[dreg:$0x1c] =	wrdreg s21  }
.Ltmp0:
0x1f: {  	s23 =	sadd.s32 $0xC800, s1;
	[dreg:$0x1d] =	wrdreg s22;
	(pc) =	sbr.rel .LBB2_1-.Ltmp0, $4  }
0x20: {  	s18 =	smul.u32 $0x2800, s11;
	s24 =	sadd.s32 $0xF000, s1;
	[dreg:$0x1e] =	wrdreg s23  }
0x21: {  	v0 =	vlaneseq.u32;
	s12 =	simm.s32 $0x1;
	s25 =	sadd.s32 $0x11800, s1;
	[dreg:$0x1f] =	wrdreg s24  }
0x22: {  	v1 =	vimm.f32 $0.0e+00;
	vm0 =	vmxor vm0, vm0;
	v2 =	vor.u32 $0x10, v0;
	s5 =	simm.s32 $0x0;
	[smem:$0x7FC] =	sst s25;
	s19 =	sshll.u32 s11, $0xB  }
0x23: {  	v3 =	vor.u32 $0x20, v0;
	v4 =	vor.u32 $0x30, v0;
	v5 =	vor.u32 $0x40, v0;
	s21 =	simm.s32 $0x2;
	s22 =	simm.s32 $0x2800;
	s11 =	simm.s32 $0x50  }
.LBB2_28:
0x24: {  	s1 =	sld [smem:$0x7FD];
	_ =	sdelay $0x1  }
0x25: {  	s25 =	stileid.u32;
	[bflag:$0x0] =	sbarrier.arrive $0xFFFF  }
0x26: {  	s2 =	rddreg [dreg:$0x12];
	s0 =	sadd.s32 s0, s1;
	s1 =	sshll.u32 s25, $0x6  }
0x27: {  	s2 =	sshrl.u32 s2, $0x3;
	s1 =	sor.u32 $0x1C02, s1  }
0x28: {  	[hbm:s0], [sflag:s1] =	dma.local [spmem:s2], $0x2710  }
0x29: {  	_ =	swait.ge [sflag:s21], $0x2710  }
0x2a: {  	s5 =	sadd.s32 $0x1, s5;
	s26 =	rddreg [dreg:$0x14]  }
0x2b: {  	p2 =	sne.s32 s5, s26  }
.Ltmp1:
0x2c: {  	_ = 	snop;
	(pc) =	sbr.rel @!p2 .LBB2_29-.Ltmp1, $3  }
0x2d: {  	_ =	sdelay $0x1  }
0x2e: {  	[sflag:s21] =	ssyncset.done $0x0  }
0x2f: {  	[sflag:s21] =	ssyncadd.s32 $0xFFFFD8F0  }
.LBB2_1:
0x30: {  	[smem:$0x7FB] =	sst s5  }
0x31: {  	s0 =	rddreg [dreg:$0x5]  }
0x32: {  	[tilespmem:s4], [sflag:$0x2] =	stream.linear.gather [hbm4b:s0+s4], $0x2710, $0x38;
	[tilespmem:$0x1E780] =	vst v63  }
0x33: {  	_ =	swait.ge [sflag:s21], $0x2710  }
0x34: {  	[sflag:s21] =	ssyncset.done $0x0  }
0x35: {  	s26 =	rddreg [dreg:$0x6];
	[sflag:s21] =	ssyncadd.s32 $0xFFFFD8F0  }
0x36: {  	[tilespmem:s22], [sflag:$0x2] =	stream.linear.gather [hbm4b:s26+s4], $0x2710, $0x38;
	[tilespmem:$0x1E780] =	vst v63  }
0x37: {  	_ =	swait.ge [sflag:s21], $0x2710  }
0x38: {  	[sflag:s21] =	ssyncset.done $0x0  }
0x39: {  	s1 =	simm.s32 $0x0;
	[sflag:s21] =	ssyncadd.s32 $0xFFFFD8F0  }
0x3a: {  	v8 =	vld [tilespmem:s1+$0x0];
	_ =	sdelay $0x3  }
0x3b: {  	v6 =	vimm.f32 $-3.000000010e+38;
	v7 =	vimm.f32 $-3.000000010e+38;
	s0 =	simm.s32 $0x40  }
.LBB2_2:
0x3c: {  	s1 =	sshra.s32 s0, $0x2;
	p2 =	sne.s32 s0, $0x9C00;
	s0 =	sadd.s32 $0x40, s0;
	v7 =	vmax.f32 v7, v8  }
.Ltmp2:
0x3d: {  	v8 =	vld [tilespmem:s1+$0x0];
	(pc) =	sbr.rel @p2 .LBB2_2-.Ltmp2, $1  }
0x3e: {  	_ =	sdelay $0x3  }
0x3f: {  	s0 =	simm.s32 $0x0  }
0x40: {  	v7 =	vmax.f32 v7, v8;
	s1 =	simm.s32 $0x40;
	v8 =	vld [tilespmem:s0+$0x2800]  }
.LBB2_4:
0x41: {  	p2 =	sne.s32 s1, $0x9C00  }
.Ltmp3:
0x42: {  	_ = 	snop;
	(pc) =	sbr.rel @p2 .LBB2_4-.Ltmp3, $3  }
0x43: {  	_ =	sdelay $0x1  }
0x44: {  	s2 =	sshra.s32 s1, $0x2;
	s1 =	sadd.s32 $0x40, s1;
	v6 =	vmax.f32 v6, v8  }
0x45: {  	v8 =	vld [tilespmem:s2+$0x2800]  }
0x46: {  	_ =	sdelay $0x3  }
0x47: {  	s1 =	simm.s32 $0x200;
	v6 =	vmax.f32 v6, v8  }
.LBB2_6:
0x48: {  	p2 =	sne.s32 s1, $0x9E00;
	[tilespmem:s0+$0x5070] =	vst v1  }
0x49: {  	[tilespmem:s0+$0x5000] =	vst v1  }
0x4a: {  	[tilespmem:s0+$0x5010] =	vst v1  }
.Ltmp4:
0x4b: {  	[tilespmem:s0+$0x5020] =	vst v1;
	(pc) =	sbr.rel @p2 .LBB2_6-.Ltmp4, $4  }
0x4c: {  	[tilespmem:s0+$0x5030] =	vst v1  }
0x4d: {  	[tilespmem:s0+$0x5040] =	vst v1  }
0x4e: {  	[tilespmem:s0+$0x5050] =	vst v1  }
0x4f: {  	[tilespmem:s0+$0x5060] =	vst v1;
	s0 =	sshra.s32 s1, $0x2;
	s1 =	sadd.s32 $0x200, s1  }
0x50: {  	[tilespmem:s0+$0x5070] =	vst v1  }
0x51: {  	[tilespmem:s0+$0x5000] =	vst v1  }
0x52: {  	[tilespmem:s0+$0x5010] =	vst v1  }
0x53: {  	[tilespmem:s0+$0x5020] =	vst v1  }
0x54: {  	[tilespmem:s0+$0x5030] =	vst v1  }
0x55: {  	[tilespmem:s0+$0x5040] =	vst v1  }
0x56: {  	[tilespmem:s0+$0x5050] =	vst v1  }
0x57: {  	[tilespmem:s0+$0x5060] =	vst v1;
	s0 =	simm.s32 $0x0;
	s1 =	simm.s32 $0x200  }
.LBB2_8:
0x58: {  	p2 =	sne.s32 s1, $0x9E00;
	[tilespmem:s0+$0x7870] =	vst v1  }
0x59: {  	[tilespmem:s0+$0x7800] =	vst v1  }
0x5a: {  	[tilespmem:s0+$0x7810] =	vst v1  }
.Ltmp5:
0x5b: {  	[tilespmem:s0+$0x7820] =	vst v1;
	(pc) =	sbr.rel @p2 .LBB2_8-.Ltmp5, $4  }
0x5c: {  	[tilespmem:s0+$0x7830] =	vst v1  }
0x5d: {  	[tilespmem:s0+$0x7840] =	vst v1  }
0x5e: {  	[tilespmem:s0+$0x7850] =	vst v1  }
0x5f: {  	[tilespmem:s0+$0x7860] =	vst v1;
	s0 =	sshra.s32 s1, $0x2;
	s1 =	sadd.s32 $0x200, s1  }
0x60: {  	[tilespmem:s0+$0x7870] =	vst v1  }
0x61: {  	[tilespmem:s0+$0x7800] =	vst v1  }
0x62: {  	[tilespmem:s0+$0x7810] =	vst v1  }
0x63: {  	[tilespmem:s0+$0x7820] =	vst v1  }
0x64: {  	[tilespmem:s0+$0x7830] =	vst v1  }
0x65: {  	[tilespmem:s0+$0x7840] =	vst v1;
	(v2sf) =	vpush v7, $0x0  }
0x66: {  	[tilespmem:s0+$0x7850] =	vst v1;
	(v2sf) =	vpush v7, $0x1  }
0x67: {  	[tilespmem:s0+$0x7860] =	vst v1;
	(v2sf) =	vpush v7, $0x2  }
0x68: {  	[tilespmem:$0xA800] =	vst v0;
	(v2sf) =	vpush v7, $0x3  }
0x69: {  	[tilespmem:$0xA810] =	vst v2;
	(v2sf) =	vpush v7, $0x4  }
0x6a: {  	[tilespmem:$0xA820] =	vst v3;
	(v2sf) =	vpush v7, $0x5  }
0x6b: {  	[tilespmem:$0xA830] =	vst v4;
	(v2sf) =	vpush v7, $0x6  }
0x6c: {  	[tilespmem:$0xA840] =	vst v5;
	(v2sf) =	vpush v7, $0x7  }
0x6d: {  	[tilespmem:$0xA880] =	vst v1;
	(v2sf) =	vpush v7, $0x8  }
0x6e: {  	[tilespmem:$0xA890] =	vst v1;
	(v2sf) =	vpush v7, $0x9  }
0x6f: {  	[tilespmem:$0xA8A0] =	vst v1;
	(v2sf) =	vpush v7, $0xA  }
0x70: {  	[tilespmem:$0xA8B0] =	vst v1;
	(v2sf) =	vpush v7, $0xB  }
0x71: {  	[tilespmem:$0xA8C0] =	vst v1;
	(v2sf) =	vpush v7, $0xC  }
0x72: {  	[tilespmem:$0xA8D0] =	vst v1;
	(v2sf) =	vpush v7, $0xD  }
0x73: {  	[tilespmem:$0xA8E0] =	vst v1;
	(v2sf) =	vpush v7, $0xE  }
0x74: {  	[tilespmem:$0xA8F0] =	vst v1;
	s6 =	spop (v2sf);
	(v2sf) =	vpush v7, $0xF  }
0x75: {  	[tilespmem:$0xA900] =	vst v1;
	s13 =	spop (v2sf);
	(v2sf) =	vpush v6, $0x0  }
0x76: {  	[tilespmem:$0xA910] =	vst v1;
	s14 =	spop (v2sf);
	(v2sf) =	vpush v6, $0x1  }
0x77: {  	[tilespmem:$0xA920] =	vst v1;
	s15 =	spop (v2sf);
	(v2sf) =	vpush v6, $0x2  }
0x78: {  	[tilespmem:$0xA930] =	vst v1;
	s16 =	spop (v2sf);
	(v2sf) =	vpush v6, $0x3  }
0x79: {  	[tilespmem:$0xA940] =	vst v1;
	s17 =	spop (v2sf);
	(v2sf) =	vpush v6, $0x4  }
0x7a: {  	[tilespmem:$0xA950] =	vst v1;
	s20 =	spop (v2sf);
	(v2sf) =	vpush v6, $0x5  }
0x7b: {  	[tilespmem:$0xA960] =	vst v1;
	s23 =	spop (v2sf);
	(v2sf) =	vpush v6, $0x6  }
0x7c: {  	[tilespmem:$0xA970] =	vst v1;
	s24 =	spop (v2sf);
	(v2sf) =	vpush v6, $0x7  }
0x7d: {  	[tilespmem:$0xA980] =	vst v1;
	s25 =	spop (v2sf);
	(v2sf) =	vpush v6, $0x8  }
0x7e: {  	[tilespmem:$0xA990] =	vst v1;
	s26 =	spop (v2sf);
	(v2sf) =	vpush v6, $0x9  }
0x7f: {  	[tilespmem:$0xA9A0] =	vst v1;
	s1 =	spop (v2sf);
	(v2sf) =	vpush v6, $0xA  }
0x80: {  	[tilespmem:$0xA9B0] =	vst v1;
	s2 =	spop (v2sf);
	(v2sf) =	vpush v6, $0xB  }
0x81: {  	[tilespmem:$0xA9C0] =	vst v1;
	[smem:$0x7E9] =	sst s13;
	s13 =	spop (v2sf);
	(v2sf) =	vpush v6, $0xC  }
0x82: {  	[tilespmem:$0xA9D0] =	vst v1;
	[smem:$0x7E8] =	sst s6;
	s5 =	spop (v2sf);
	(v2sf) =	vpush v6, $0xD  }
0x83: {  	[tilespmem:$0xA9E0] =	vst v1;
	[smem:$0x7EA] =	sst s14;
	s6 =	spop (v2sf);
	(v2sf) =	vpush v6, $0xE  }
0x84: {  	[tilespmem:$0xA9F0] =	vst v1;
	[smem:$0x7EB] =	sst s15;
	s0 =	spop (v2sf);
	(v2sf) =	vpush v6, $0xF  }
0x85: {  	[tilespmem:$0xAA00] =	vst v1;
	[smem:$0x7F3] =	sst s1;
	s1 =	spop (v2sf)  }
0x86: {  	[tilespmem:$0xAA10] =	vst v1;
	[smem:$0x7F2] =	sst s26;
	s26 =	spop (v2sf)  }
0x87: {  	[tilespmem:$0xAA20] =	vst v1;
	[smem:$0x7F5] =	sst s5;
	s5 =	spop (v2sf)  }
0x88: {  	[tilespmem:$0xAA30] =	vst v1;
	[smem:$0x7F0] =	sst s24;
	s24 =	spop (v2sf)  }
0x89: {  	[tilespmem:$0xAA40] =	vst v1;
	[smem:$0x7EF] =	sst s23;
	s23 =	spop (v2sf)  }
0x8a: {  	[tilespmem:$0xAA50] =	vst v1;
	[smem:$0x7F4] =	sst s2;
	s2 =	spop (v2sf)  }
0x8b: {  	[tilespmem:$0xAA60] =	vst v1;
	[smem:$0x7F1] =	sst s25;
	s25 =	spop (v2sf)  }
0x8c: {  	[tilespmem:$0xAA70] =	vst v1;
	[smem:$0x7EE] =	sst s20;
	s20 =	spop (v2sf)  }
0x8d: {  	[tilespmem:$0xAA80] =	vst v1;
	[smem:$0x7ED] =	sst s17;
	s17 =	spop (v2sf)  }
0x8e: {  	[tilespmem:$0xAA90] =	vst v1;
	[smem:$0x7EC] =	sst s16;
	s16 =	spop (v2sf)  }
0x8f: {  	[tilespmem:$0xAAA0] =	vst v1;
	[smem:$0x7F6] =	sst s6;
	s15 =	spop (v2sf)  }
.Ltmp6:
0x90: {  	[tilespmem:$0xAAB0] =	vst v1;
	s6 =	spop (v2sf);
	(pc) =	sbr.rel @p1 .LBB2_11-.Ltmp6, $4  }
0x91: {  	[tilespmem:$0xAAC0] =	vst v1;
	[smem:$0x7F7] =	sst s6;
	s14 =	spop (v2sf)  }
0x92: {  	[tilespmem:$0xAAD0] =	vst v1;
	[smem:$0x7F8] =	sst s14;
	s14 =	spop (v2sf)  }
0x93: {  	[tilespmem:$0xAAE0] =	vst v1;
	[smem:$0x7F9] =	sst s14;
	s14 =	spop (v2sf)  }
0x94: {  	[tilespmem:$0xAAF0] =	vst v1;
	[smem:$0x7FA] =	sst s14  }
0x95: {  	s6 =	rddreg [dreg:$0x2]  }
0x96: {  	[smem:$0x7E7] =	sst s13;
	s13 =	simm.s32 $0xA880  }
0x97: {  	[spmem:s6] =	stream.linear.scatter [tilespmem:s13], [sflag:$0x2], $0x280, $0x38;
	[tilespmem:$0x1E780] =	vst v63  }
0x98: {  	_ =	swait.ge [sflag:s21], $0x280  }
0x99: {  	[sflag:s21] =	ssyncset.done $0x0  }
0x9a: {  	s14 =	rddreg [dreg:$0x8];
	[sflag:s21] =	ssyncadd.s32 $0xFFFFFD80  }
0x9b: {  	[spmem:s14] =	stream.linear.scatter [tilespmem:s13], [sflag:$0x2], $0x280, $0x38;
	[tilespmem:$0x1E780] =	vst v63  }
0x9c: {  	_ =	swait.ge [sflag:s21], $0x280  }
0x9d: {  	[sflag:s21] =	ssyncset.done $0x0  }
0x9e: {  	s14 =	rddreg [dreg:$0x9];
	[sflag:s21] =	ssyncadd.s32 $0xFFFFFD80  }
0x9f: {  	[spmem:s14] =	stream.linear.scatter [tilespmem:s13], [sflag:$0x2], $0x280, $0x38;
	[tilespmem:$0x1E780] =	vst v63  }
0xa0: {  	_ =	swait.ge [sflag:s21], $0x280  }
0xa1: {  	[sflag:s21] =	ssyncset.done $0x0  }
0xa2: {  	s14 =	rddreg [dreg:$0xa];
	[sflag:s21] =	ssyncadd.s32 $0xFFFFFD80  }
0xa3: {  	[spmem:s14] =	stream.linear.scatter [tilespmem:s13], [sflag:$0x2], $0x280, $0x38;
	[tilespmem:$0x1E780] =	vst v63  }
0xa4: {  	_ =	swait.ge [sflag:s21], $0x280  }
0xa5: {  	[sflag:s21] =	ssyncset.done $0x0  }
0xa6: {  	s14 =	rddreg [dreg:$0xb];
	[sflag:s21] =	ssyncadd.s32 $0xFFFFFD80  }
0xa7: {  	[spmem:s14] =	stream.linear.scatter [tilespmem:s13], [sflag:$0x2], $0x280, $0x38;
	[tilespmem:$0x1E780] =	vst v63  }
0xa8: {  	_ =	swait.ge [sflag:s21], $0x280  }
0xa9: {  	[sflag:s21] =	ssyncset.done $0x0  }
0xaa: {  	s14 =	rddreg [dreg:$0xc];
	[sflag:s21] =	ssyncadd.s32 $0xFFFFFD80  }
0xab: {  	[spmem:s14] =	stream.linear.scatter [tilespmem:s13], [sflag:$0x2], $0x280, $0x38;
	[tilespmem:$0x1E780] =	vst v63  }
0xac: {  	_ =	swait.ge [sflag:s21], $0x280  }
0xad: {  	[sflag:s21] =	ssyncset.done $0x0  }
0xae: {  	s14 =	rddreg [dreg:$0xd];
	[sflag:s21] =	ssyncadd.s32 $0xFFFFFD80  }
0xaf: {  	[spmem:s14] =	stream.linear.scatter [tilespmem:s13], [sflag:$0x2], $0x280, $0x38;
	[tilespmem:$0x1E780] =	vst v63  }
0xb0: {  	_ =	swait.ge [sflag:s21], $0x280  }
0xb1: {  	[sflag:s21] =	ssyncset.done $0x0  }
0xb2: {  	s14 =	rddreg [dreg:$0xe];
	[sflag:s21] =	ssyncadd.s32 $0xFFFFFD80  }
0xb3: {  	[spmem:s14] =	stream.linear.scatter [tilespmem:s13], [sflag:$0x2], $0x280, $0x38;
	[tilespmem:$0x1E780] =	vst v63  }
0xb4: {  	_ =	swait.ge [sflag:s21], $0x280  }
0xb5: {  	[sflag:s21] =	ssyncset.done $0x0  }
0xb6: {  	s14 =	rddreg [dreg:$0xf];
	[sflag:s21] =	ssyncadd.s32 $0xFFFFFD80  }
0xb7: {  	[spmem:s14] =	stream.linear.scatter [tilespmem:s13], [sflag:$0x2], $0x280, $0x38;
	[tilespmem:$0x1E780] =	vst v63  }
0xb8: {  	_ =	swait.ge [sflag:s21], $0x280  }
0xb9: {  	[sflag:s21] =	ssyncset.done $0x0  }
0xba: {  	s14 =	rddreg [dreg:$0x10];
	[sflag:s21] =	ssyncadd.s32 $0xFFFFFD80  }
0xbb: {  	[spmem:s14] =	stream.linear.scatter [tilespmem:s13], [sflag:$0x2], $0x280, $0x38;
	[tilespmem:$0x1E780] =	vst v63  }
0xbc: {  	_ =	swait.ge [sflag:s21], $0x280  }
0xbd: {  	[sflag:s21] =	ssyncset.done $0x0  }
0xbe: {  	s14 =	rddreg [dreg:$0x11];
	[sflag:s21] =	ssyncadd.s32 $0xFFFFFD80  }
0xbf: {  	[spmem:s14] =	stream.linear.scatter [tilespmem:s13], [sflag:$0x2], $0x280, $0x38;
	[tilespmem:$0x1E780] =	vst v63  }
0xc0: {  	_ =	swait.ge [sflag:s21], $0x280  }
0xc1: {  	[sflag:s21] =	ssyncset.done $0x0  }
0xc2: {  	s14 =	rddreg [dreg:$0x15];
	[sflag:s21] =	ssyncadd.s32 $0xFFFFFD80  }
0xc3: {  	[spmem:s14] =	stream.linear.scatter [tilespmem:s13], [sflag:$0x2], $0x280, $0x38;
	[tilespmem:$0x1E780] =	vst v63  }
0xc4: {  	_ =	swait.ge [sflag:s21], $0x280  }
0xc5: {  	[sflag:s21] =	ssyncset.done $0x0  }
0xc6: {  	s14 =	rddreg [dreg:$0x16];
	[sflag:s21] =	ssyncadd.s32 $0xFFFFFD80  }
0xc7: {  	[spmem:s14] =	stream.linear.scatter [tilespmem:s13], [sflag:$0x2], $0x280, $0x38;
	[tilespmem:$0x1E780] =	vst v63  }
0xc8: {  	_ =	swait.ge [sflag:s21], $0x280  }
0xc9: {  	[sflag:s21] =	ssyncset.done $0x0  }
0xca: {  	s14 =	rddreg [dreg:$0x17];
	[sflag:s21] =	ssyncadd.s32 $0xFFFFFD80  }
0xcb: {  	[spmem:s14] =	stream.linear.scatter [tilespmem:s13], [sflag:$0x2], $0x280, $0x38;
	[tilespmem:$0x1E780] =	vst v63  }
0xcc: {  	_ =	swait.ge [sflag:s21], $0x280  }
0xcd: {  	[sflag:s21] =	ssyncset.done $0x0  }
0xce: {  	s14 =	rddreg [dreg:$0x18];
	[sflag:s21] =	ssyncadd.s32 $0xFFFFFD80  }
0xcf: {  	[spmem:s14] =	stream.linear.scatter [tilespmem:s13], [sflag:$0x2], $0x280, $0x38;
	[tilespmem:$0x1E780] =	vst v63  }
0xd0: {  	_ =	swait.ge [sflag:s21], $0x280  }
0xd1: {  	[sflag:s21] =	ssyncset.done $0x0  }
0xd2: {  	s14 =	rddreg [dreg:$0x19];
	[sflag:s21] =	ssyncadd.s32 $0xFFFFFD80  }
0xd3: {  	[spmem:s14] =	stream.linear.scatter [tilespmem:s13], [sflag:$0x2], $0x280, $0x38;
	[tilespmem:$0x1E780] =	vst v63  }
0xd4: {  	s13 =	sld [smem:$0x7E7];
	_ =	swait.ge [sflag:s21], $0x280  }
0xd5: {  	[sflag:s21] =	ssyncset.done $0x0  }
0xd6: {  	[sflag:s21] =	ssyncadd.s32 $0xFFFFFD80  }
.LBB2_11:
0xd7: {  	s6 =	rddreg [dreg:$0x12]  }
0xd8: {  	[spmem:s6] =	stream.linear.scatter [tilespmem:s28], [sflag:$0x2], $0x2800, $0x38;
	[tilespmem:$0x1E780] =	vst v63  }
0xd9: {  	_ =	swait.ge [sflag:s21], $0x2800  }
0xda: {  	[sflag:s21] =	ssyncset.done $0x0;
	s14 =	rddreg [dreg:$0x1a]  }
0xdb: {  	s6 =	sld [smem:$0x7E8];
	[sflag:s21] =	ssyncadd.s32 $0xFFFFD800  }
0xdc: {  	[spmem:s14] =	stream.linear.scatter [tilespmem:s28], [sflag:$0x2], $0x2800, $0x38;
	[tilespmem:$0x1E780] =	vst v63  }
0xdd: {  	s14 =	sld [smem:$0x7E9]  }
0xde: {  	s0 =	smax.f32 s0, s1  }
0xdf: {  	s0 =	smax.f32 s0, s26;
	_ =	swait.ge [sflag:s21], $0x2800  }
0xe0: {  	s6 =	smax.f32 s6, s14;
	s14 =	sld [smem:$0x7EA]  }
0xe1: {  	s0 =	smax.f32 s0, s5  }
0xe2: {  	s0 =	smax.f32 s0, s24;
	[sflag:s21] =	ssyncset.done $0x0;
	s26 =	sld [smem:$0x7EB]  }
0xe3: {  	[sflag:s21] =	ssyncadd.s32 $0xFFFFD800;
	s1 =	smax.f32 s6, s14;
	s6 =	rddreg [dreg:$0x1b]  }
0xe4: {  	[spmem:s6] =	stream.linear.scatter [tilespmem:s28], [sflag:$0x2], $0x2800, $0x38;
	[tilespmem:$0x1E780] =	vst v63  }
0xe5: {  	s0 =	smax.f32 s0, s23;
	s14 =	sld [smem:$0x7EC];
	_ =	swait.ge [sflag:s21], $0x2800  }
0xe6: {  	s0 =	smax.f32 s0, s2;
	s24 =	sld [smem:$0x7ED]  }
0xe7: {  	s1 =	smax.f32 s1, s26;
	[sflag:s21] =	ssyncset.done $0x0;
	s26 =	sld [smem:$0x7EE]  }
0xe8: {  	s0 =	smax.f32 s0, s25;
	s6 =	rddreg [dreg:$0x1c];
	[sflag:s21] =	ssyncadd.s32 $0xFFFFD800  }
0xe9: {  	[spmem:s6] =	stream.linear.scatter [tilespmem:s28], [sflag:$0x2], $0x2800, $0x38;
	[tilespmem:$0x1E780] =	vst v63  }
0xea: {  	s1 =	smax.f32 s1, s14;
	s14 =	sld [smem:$0x7EF];
	_ =	swait.ge [sflag:s21], $0x2800  }
0xeb: {  	s0 =	smax.f32 s0, s20;
	s23 =	sld [smem:$0x7F0]  }
0xec: {  	s1 =	smax.f32 s1, s24;
	[sflag:s21] =	ssyncset.done $0x0;
	s24 =	sld [smem:$0x7F1]  }
0xed: {  	s0 =	smax.f32 s0, s17;
	s25 =	rddreg [dreg:$0x1d];
	[sflag:s21] =	ssyncadd.s32 $0xFFFFD800  }
0xee: {  	[spmem:s25] =	stream.linear.scatter [tilespmem:s28], [sflag:$0x2], $0x2800, $0x38;
	[tilespmem:$0x1E780] =	vst v63  }
0xef: {  	s1 =	smax.f32 s1, s26;
	s26 =	sld [smem:$0x7F2];
	_ =	swait.ge [sflag:s21], $0x2800  }
0xf0: {  	s0 =	smax.f32 s0, s16;
	s5 =	sld [smem:$0x7F3]  }
0xf1: {  	s0 =	smax.f32 s0, s15;
	s6 =	sld [smem:$0x7F4]  }
0xf2: {  	s1 =	smax.f32 s1, s14;
	[sflag:s21] =	ssyncset.done $0x0;
	s14 =	sld [smem:$0x7F7]  }
0xf3: {  	s1 =	smax.f32 s1, s23;
	s15 =	rddreg [dreg:$0x1e];
	[sflag:s21] =	ssyncadd.s32 $0xFFFFD800  }
0xf4: {  	[spmem:s15] =	stream.linear.scatter [tilespmem:s28], [sflag:$0x2], $0x2800, $0x38;
	[tilespmem:$0x1E780] =	vst v63  }
0xf5: {  	s1 =	smax.f32 s1, s24;
	s16 =	sld [smem:$0x7F8];
	_ =	swait.ge [sflag:s21], $0x2800  }
0xf6: {  	s1 =	smax.f32 s1, s26;
	s17 =	sld [smem:$0x7F5]  }
0xf7: {  	s1 =	smax.f32 s1, s5;
	s20 =	sld [smem:$0x7F9]  }
0xf8: {  	s0 =	smax.f32 s0, s14;
	s23 =	sld [smem:$0x7F6]  }
0xf9: {  	s1 =	smax.f32 s1, s6;
	[sflag:s21] =	ssyncset.done $0x0;
	s24 =	sld [smem:$0x7FA]  }
0xfa: {  	s25 =	rddreg [dreg:$0x1f];
	s1 =	smax.f32 s1, s13;
	[sflag:s21] =	ssyncadd.s32 $0xFFFFD800  }
0xfb: {  	[spmem:s25] =	stream.linear.scatter [tilespmem:s28], [sflag:$0x2], $0x2800, $0x38;
	[tilespmem:$0x1E780] =	vst v63  }
0xfc: {  	s0 =	smax.f32 s0, s16;
	s1 =	smax.f32 s1, s17  }
0xfd: {  	s0 =	smax.f32 s0, s20;
	_ =	swait.ge [sflag:s21], $0x2800;
	s1 =	smax.f32 s1, s23  }
0xfe: {  	s0 =	smax.f32 s0, s24;
	s26 =	sld [smem:$0x7FC]  }
0xff: {  	s0 =	sadd.f32 s0, s1  }
0x100: {  	[sflag:s21] =	ssyncset.done $0x0  }
0x101: {  	[sflag:s21] =	ssyncadd.s32 $0xFFFFD800;
	p2 =	sgt.f32 s0, $0.0e+00;
	s1 =	smul.f32 $2.000000030e-01, s0  }
0x102: {  	[spmem:s26] =	stream.linear.scatter [tilespmem:s28], [sflag:$0x2], $0x2080, $0x38;
	[tilespmem:$0x1E780] =	vst v63  }
0x103: {  	_ =	swait.ge [sflag:s21], $0x2080  }
0x104: {  	s2 =	simm.s32 $0x0;
	s1 =	smov.u32 @p2 s0;
	[sflag:s21] =	ssyncset.done $0x0  }
0x105: {  	s0 =	simm.s32 $0x0;
	[sflag:s21] =	ssyncadd.s32 $0xFFFFDF80;
	v6 =	vmov s1;
	s1 =	smov.u32 s18  }
.LBB2_12:
0x106: {  	s5 =	sshll.u32 s2, $0x7  }
0x107: {  	s5 =	sadd.s32 s19, s5  }
0x108: {  	s6 =	sadd.s32 s7, s5  }
0x109: {  	[tilespmem:s29], [sflag:$0x2] =	stream.linear.gather [hbm4b:s6+s0], $0x400, $0x38;
	[tilespmem:$0x1E780] =	vst v63  }
0x10a: {  	_ =	swait.ge [sflag:s21], $0x400  }
0x10b: {  	[sflag:s21] =	ssyncset.done $0x0  }
0x10c: {  	s5 =	sadd.s32 s8, s5;
	[sflag:s21] =	ssyncadd.s32 $0xFFFFFC00  }
0x10d: {  	[tilespmem:s30], [sflag:$0x2] =	stream.linear.gather [hbm4b:s5+s0], $0x400, $0x38;
	[tilespmem:$0x1E780] =	vst v63  }
0x10e: {  	_ =	swait.ge [sflag:s21], $0x400  }
0x10f: {  	s13 =	simm.s32 $0x0;
	[sflag:s21] =	ssyncset.done $0x0  }
0x110: {  	s6 =	simm.s32 $0xA020;
	s5 =	simm.s32 $0xA420;
	[sflag:s21] =	ssyncadd.s32 $0xFFFFFC00  }
.LBB2_13:
0x111: {  	v7 =	vld [tilespmem:s6+$0xFFFFFFE0]  }
0x112: {  	v8 =	vld [tilespmem:s5+$0xFFFFFFE0];
	_ =	sdelay $0x6  }
0x113: {  	v7 =	vld.idx.msk [tilespmem:v7+s4+$0x0], $0xffff  }
0x114: {  	v9 =	vld.idx.msk [tilespmem:v8+s22+$0x0], $0xffff;
	_ =	sdelay $0x4  }
0x115: {  	v7 =	vadd.f32 v9, v7;
	_ =	sdelay $0x1  }
0x116: {  	v9 =	vmul.f32 $2.000000030e-01, v7  }
0x117: {  	vm1 =	vgt.f32 v7, $0.0e+00  }
0x118: {  	v7 =	vsel vm1, v7, v9  }
0x119: {  	v7 =	vsub.f32 v7, v6;
	_ =	sdelay $0x1  }
0x11a: {  	v7 =	vmul.f32 $1.442695020e+00, v7;
	_ =	sdelay $0x1  }
0x11b: {  	(erf) = vpow2.f32 v7;
	_ =	sdelay $0x1  }
0x11c: {  	s14 =	sadd.s32 s13, s1  }
0x11d: {  	p2 =	slt.u32 s14, $0x27100;
	vm1 =	vmmov vm0  }
0x11e: {  	vm1 =	vmneg @p2 vm1;
	_ =	sdelay $0x4  }
0x11f: {  	v7 =	vpop (erf)  }
0x120: {  	[tilespmem:v8+s31+$0x0] =	vst.idx.add.f32.msk vm1, v7  }
0x121: {  	v7 =	vld [tilespmem:s6+$0xFFFFFFF0]  }
0x122: {  	v8 =	vld [tilespmem:s5+$0xFFFFFFF0];
	_ =	sdelay $0x6  }
0x123: {  	v7 =	vld.idx.msk [tilespmem:v7+s4+$0x0], $0xffff  }
0x124: {  	v60 =	vld.idx.msk [tilespmem:v8+s22+$0x0], $0xffff;
	_ =	sdelay $0x4  }
0x125: {  	v7 =	vadd.f32 v60, v7;
	_ =	sdelay $0x1  }
0x126: {  	v9 =	vmul.f32 $2.000000030e-01, v7  }
0x127: {  	vm1 =	vgt.f32 v7, $0.0e+00  }
0x128: {  	v7 =	vsel vm1, v7, v9  }
0x129: {  	v7 =	vsub.f32 v7, v6;
	_ =	sdelay $0x1  }
0x12a: {  	v7 =	vmul.f32 $1.442695020e+00, v7;
	_ =	sdelay $0x1  }
0x12b: {  	(erf) = vpow2.f32 v7;
	_ =	sdelay $0x1  }
0x12c: {  	s15 =	sadd.s32 $0x10, s14  }
0x12d: {  	p2 =	slt.u32 s15, $0x27100;
	vm1 =	vmmov vm0  }
0x12e: {  	vm1 =	vmneg @p2 vm1;
	_ =	sdelay $0x4  }
0x12f: {  	v7 =	vpop (erf)  }
0x130: {  	[tilespmem:v8+s31+$0x0] =	vst.idx.add.f32.msk vm1, v7  }
0x131: {  	v7 =	vld [tilespmem:s6+$0x0]  }
0x132: {  	v8 =	vld [tilespmem:s5+$0x0];
	_ =	sdelay $0x6  }
0x133: {  	v7 =	vld.idx.msk [tilespmem:v7+s4+$0x0], $0xffff  }
0x134: {  	v61 =	vld.idx.msk [tilespmem:v8+s22+$0x0], $0xffff;
	_ =	sdelay $0x4  }
0x135: {  	v7 =	vadd.f32 v61, v7;
	_ =	sdelay $0x1  }
0x136: {  	v9 =	vmul.f32 $2.000000030e-01, v7  }
0x137: {  	vm1 =	vgt.f32 v7, $0.0e+00  }
0x138: {  	v7 =	vsel vm1, v7, v9  }
0x139: {  	v7 =	vsub.f32 v7, v6;
	_ =	sdelay $0x1  }
0x13a: {  	v7 =	vmul.f32 $1.442695020e+00, v7;
	_ =	sdelay $0x1  }
0x13b: {  	(erf) = vpow2.f32 v7;
	_ =	sdelay $0x1  }
0x13c: {  	s25 =	sadd.s32 $0x20, s14  }
0x13d: {  	p2 =	slt.u32 s25, $0x27100;
	vm1 =	vmmov vm0  }
0x13e: {  	vm1 =	vmneg @p2 vm1;
	_ =	sdelay $0x4  }
0x13f: {  	v7 =	vpop (erf)  }
0x140: {  	[tilespmem:v8+s31+$0x0] =	vst.idx.add.f32.msk vm1, v7  }
0x141: {  	v7 =	vld [tilespmem:s6+$0x10]  }
0x142: {  	v8 =	vld [tilespmem:s5+$0x10];
	_ =	sdelay $0x6  }
0x143: {  	v7 =	vld.idx.msk [tilespmem:v7+s4+$0x0], $0xffff  }
0x144: {  	v62 =	vld.idx.msk [tilespmem:v8+s22+$0x0], $0xffff;
	_ =	sdelay $0x4  }
0x145: {  	v7 =	vadd.f32 v62, v7;
	_ =	sdelay $0x1  }
0x146: {  	v9 =	vmul.f32 $2.000000030e-01, v7  }
0x147: {  	vm1 =	vgt.f32 v7, $0.0e+00  }
0x148: {  	v7 =	vsel vm1, v7, v9  }
0x149: {  	v7 =	vsub.f32 v7, v6;
	_ =	sdelay $0x1  }
0x14a: {  	v7 =	vmul.f32 $1.442695020e+00, v7;
	_ =	sdelay $0x1  }
0x14b: {  	(erf) = vpow2.f32 v7;
	_ =	sdelay $0x1  }
0x14c: {  	s26 =	sadd.s32 $0x30, s14  }
0x14d: {  	p2 =	slt.u32 s26, $0x27100;
	vm1 =	vmmov vm0  }
0x14e: {  	vm1 =	vmneg @p2 vm1;
	_ =	sdelay $0x4  }
0x14f: {  	v7 =	vpop (erf)  }
0x150: {  	[tilespmem:v8+s31+$0x0] =	vst.idx.add.f32.msk vm1, v7  }
0x151: {  	v7 =	vld [tilespmem:s6+$0x20]  }
0x152: {  	v8 =	vld [tilespmem:s5+$0x20];
	_ =	sdelay $0x6  }
0x153: {  	v7 =	vld.idx.msk [tilespmem:v7+s4+$0x0], $0xffff  }
0x154: {  	v63 =	vld.idx.msk [tilespmem:v8+s22+$0x0], $0xffff;
	_ =	sdelay $0x4  }
0x155: {  	v7 =	vadd.f32 v63, v7;
	_ =	sdelay $0x1  }
0x156: {  	v9 =	vmul.f32 $2.000000030e-01, v7  }
0x157: {  	vm1 =	vgt.f32 v7, $0.0e+00  }
0x158: {  	v7 =	vsel vm1, v7, v9  }
0x159: {  	v7 =	vsub.f32 v7, v6;
	_ =	sdelay $0x1  }
0x15a: {  	v7 =	vmul.f32 $1.442695020e+00, v7;
	_ =	sdelay $0x1  }
0x15b: {  	(erf) = vpow2.f32 v7;
	_ =	sdelay $0x1  }
0x15c: {  	s14 =	sadd.s32 $0x40, s14  }
0x15d: {  	p2 =	slt.u32 s14, $0x27100;
	vm1 =	vmmov vm0  }
0x15e: {  	vm1 =	vmneg @p2 vm1  }
0x15f: {  	p2 =	sne.s32 s13, $0x230  }
.Ltmp7:
0x160: {  	_ = 	snop;
	(pc) =	sbr.rel @p2 .LBB2_13-.Ltmp7, $3  }
0x161: {  	_ =	sdelay $0x1  }
0x162: {  	v7 =	vpop (erf)  }
0x163: {  	s5 =	sadd.s32 $0x80, s5;
	s6 =	sadd.s32 $0x80, s6;
	s13 =	sadd.s32 $0x50, s13;
	[tilespmem:v8+s31+$0x0] =	vst.idx.add.f32.msk vm1, v7  }
0x164: {  	s2 =	sadd.s32 $0x1, s2  }
0x165: {  	p2 =	sne.s32 s2, $0x10  }
.Ltmp8:
0x166: {  	_ = 	snop;
	(pc) =	sbr.rel @p2 .LBB2_12-.Ltmp8, $2  }
0x167: {  	_ =	sdelay $0x2  }
0x168: {  	s1 =	sadd.s32 $0x280, s1  }
0x169: {  	[bflag:$0x0] =	sbarrier.arrive $0xFFFF  }
0x16a: {  	s1 =	simm.s32 $0xA800;
	s0 =	rddreg [dreg:$0x2]  }
0x16b: {  	[spmem:s0] =	stream.indirect.scatter.add.f32 [tilespmem:s31], [sflag:$0x2], $0x80, s1, s11, $0xb8;
	[tilespmem:$0x1E780] =	vst v63  }
0x16c: {  	_ =	swait.ge [sflag:s21], $0x2800  }
0x16d: {  	[sflag:s21] =	ssyncset.done $0x0  }
0x16e: {  	[sflag:s21] =	ssyncadd.s32 $0xFFFFD800  }
0x16f: {  	[bflag:$0x0] =	sbarrier.arrive $0xFFFF  }
0x170: {  	s2 =	simm.s32 $0xA880;
	s26 =	rddreg [dreg:$0x13]  }
0x171: {  	[tilespmem:s2], [sflag:$0x2] =	stream.linear.gather [spmem:s26], $0x280, $0x38;
	[tilespmem:$0x1E780] =	vst v63  }
0x172: {  	_ =	swait.ge [sflag:s21], $0x280  }
0x173: {  	[sflag:s21] =	ssyncset.done $0x0  }
0x174: {  	[sflag:s21] =	ssyncadd.s32 $0xFFFFFD80  }
0x175: {  	v7 =	vld [tilespmem:$0xA880]  }
0x176: {  	v8 =	vld [tilespmem:$0xA890]  }
0x177: {  	v9 =	vld [tilespmem:$0xA8A0]  }
0x178: {  	v10 =	vld [tilespmem:$0xA8B0]  }
0x179: {  	v11 =	vld [tilespmem:$0xA8C0]  }
0x17a: {  	v12 =	vld [tilespmem:$0xA8D0];
	v7 =	vadd.f32 $1.000000020e-16, v7  }
0x17b: {  	v13 =	vld [tilespmem:$0xA8E0];
	v8 =	vadd.f32 $1.000000020e-16, v8  }
0x17c: {  	v50 =	vld [tilespmem:$0xA8F0];
	(erf) = vrcp.f32 v7;
	v7 =	vadd.f32 $1.000000020e-16, v9  }
0x17d: {  	v51 =	vld [tilespmem:$0xA900];
	(erf) = vrcp.f32 v8;
	v8 =	vadd.f32 $1.000000020e-16, v10  }
0x17e: {  	v52 =	vld [tilespmem:$0xA910];
	(erf) = vrcp.f32 v7;
	v7 =	vadd.f32 $1.000000020e-16, v11  }
0x17f: {  	v53 =	vld [tilespmem:$0xA920];
	(erf) = vrcp.f32 v8;
	v8 =	vadd.f32 $1.000000020e-16, v12  }
0x180: {  	v54 =	vld [tilespmem:$0xA930];
	(erf) = vrcp.f32 v7;
	v7 =	vadd.f32 $1.000000020e-16, v13  }
0x181: {  	v55 =	vld [tilespmem:$0xA940];
	(erf) = vrcp.f32 v8;
	v8 =	vadd.f32 $1.000000020e-16, v50  }
0x182: {  	v56 =	vld [tilespmem:$0xA950];
	(erf) = vrcp.f32 v7;
	v7 =	vadd.f32 $1.000000020e-16, v51  }
0x183: {  	v57 =	vld [tilespmem:$0xA960];
	(erf) = vrcp.f32 v8;
	v8 =	vadd.f32 $1.000000020e-16, v52  }
0x184: {  	v58 =	vld [tilespmem:$0xA970];
	(erf) = vrcp.f32 v7;
	v7 =	vadd.f32 $1.000000020e-16, v53  }
0x185: {  	v59 =	vld [tilespmem:$0xA980];
	v14 =	vpop (erf);
	(erf) = vrcp.f32 v8;
	v8 =	vadd.f32 $1.000000020e-16, v54  }
0x186: {  	v61 =	vld [tilespmem:$0xA990];
	v60 =	vpop (erf);
	(erf) = vrcp.f32 v7;
	v7 =	vadd.f32 $1.000000020e-16, v55  }
0x187: {  	v63 =	vld [tilespmem:$0xA9A0];
	[tilespmem:$0xA880] =	vst v14;
	v62 =	vpop (erf);
	(erf) = vrcp.f32 v8;
	v8 =	vadd.f32 $1.000000020e-16, v56  }
0x188: {  	v17 =	vld [tilespmem:$0xA9B0];
	[tilespmem:$0xA890] =	vst v60;
	v16 =	vpop (erf);
	(erf) = vrcp.f32 v7;
	v7 =	vadd.f32 $1.000000020e-16, v57  }
0x189: {  	v19 =	vld [tilespmem:$0xA9C0];
	[tilespmem:$0xA8A0] =	vst v62;
	v18 =	vpop (erf);
	(erf) = vrcp.f32 v8;
	v8 =	vadd.f32 $1.000000020e-16, v58  }
0x18a: {  	v21 =	vld [tilespmem:$0xA9D0];
	[tilespmem:$0xA8B0] =	vst v16;
	v20 =	vpop (erf);
	(erf) = vrcp.f32 v7;
	v7 =	vadd.f32 $1.000000020e-16, v59  }
0x18b: {  	v23 =	vld [tilespmem:$0xA9E0];
	[tilespmem:$0xA8C0] =	vst v18;
	v22 =	vpop (erf);
	(erf) = vrcp.f32 v8;
	v8 =	vadd.f32 $1.000000020e-16, v61  }
0x18c: {  	v25 =	vld [tilespmem:$0xA9F0];
	[tilespmem:$0xA8D0] =	vst v20;
	v24 =	vpop (erf);
	(erf) = vrcp.f32 v7;
	v7 =	vadd.f32 $1.000000020e-16, v63  }
0x18d: {  	v27 =	vld [tilespmem:$0xAA00];
	[tilespmem:$0xA8E0] =	vst v22;
	v26 =	vpop (erf);
	(erf) = vrcp.f32 v8;
	v8 =	vadd.f32 $1.000000020e-16, v17  }
0x18e: {  	v29 =	vld [tilespmem:$0xAA10];
	[tilespmem:$0xA8F0] =	vst v24;
	v28 =	vpop (erf);
	(erf) = vrcp.f32 v7;
	v7 =	vadd.f32 $1.000000020e-16, v19  }
0x18f: {  	v31 =	vld [tilespmem:$0xAA20];
	[tilespmem:$0xA900] =	vst v26;
	v30 =	vpop (erf);
	(erf) = vrcp.f32 v8;
	v8 =	vadd.f32 $1.000000020e-16, v21  }
0x190: {  	v33 =	vld [tilespmem:$0xAA30];
	[tilespmem:$0xA910] =	vst v28;
	v32 =	vpop (erf);
	(erf) = vrcp.f32 v7;
	v7 =	vadd.f32 $1.000000020e-16, v23  }
0x191: {  	v35 =	vld [tilespmem:$0xAA40];
	[tilespmem:$0xA920] =	vst v30;
	v34 =	vpop (erf);
	(erf) = vrcp.f32 v8;
	v8 =	vadd.f32 $1.000000020e-16, v25  }
0x192: {  	v37 =	vld [tilespmem:$0xAA50];
	[tilespmem:$0xA930] =	vst v32;
	v36 =	vpop (erf);
	(erf) = vrcp.f32 v7;
	v7 =	vadd.f32 $1.000000020e-16, v27  }
0x193: {  	v39 =	vld [tilespmem:$0xAA60];
	[tilespmem:$0xA940] =	vst v34;
	v38 =	vpop (erf);
	(erf) = vrcp.f32 v8;
	v8 =	vadd.f32 $1.000000020e-16, v29  }
0x194: {  	v41 =	vld [tilespmem:$0xAA70];
	[tilespmem:$0xA950] =	vst v36;
	v40 =	vpop (erf);
	(erf) = vrcp.f32 v7;
	v7 =	vadd.f32 $1.000000020e-16, v31  }
0x195: {  	v43 =	vld [tilespmem:$0xAA80];
	[tilespmem:$0xA960] =	vst v38;
	v42 =	vpop (erf);
	(erf) = vrcp.f32 v8;
	v8 =	vadd.f32 $1.000000020e-16, v33  }
0x196: {  	v45 =	vld [tilespmem:$0xAA90];
	[tilespmem:$0xA970] =	vst v40;
	v44 =	vpop (erf);
	(erf) = vrcp.f32 v7;
	v7 =	vadd.f32 $1.000000020e-16, v35  }
0x197: {  	v47 =	vld [tilespmem:$0xAAA0];
	[tilespmem:$0xA980] =	vst v42;
	v46 =	vpop (erf);
	(erf) = vrcp.f32 v8;
	v8 =	vadd.f32 $1.000000020e-16, v37  }
0x198: {  	v49 =	vld [tilespmem:$0xAAB0];
	[tilespmem:$0xA990] =	vst v44;
	v48 =	vpop (erf);
	(erf) = vrcp.f32 v7;
	v7 =	vadd.f32 $1.000000020e-16, v39  }
0x199: {  	v51 =	vld [tilespmem:$0xAAC0];
	[tilespmem:$0xA9A0] =	vst v46;
	v50 =	vpop (erf);
	(erf) = vrcp.f32 v8;
	v8 =	vadd.f32 $1.000000020e-16, v41  }
0x19a: {  	v53 =	vld [tilespmem:$0xAAD0];
	[tilespmem:$0xA9B0] =	vst v48;
	v52 =	vpop (erf);
	(erf) = vrcp.f32 v7;
	v7 =	vadd.f32 $1.000000020e-16, v43  }
0x19b: {  	v55 =	vld [tilespmem:$0xAAE0];
	[tilespmem:$0xA9C0] =	vst v50;
	v54 =	vpop (erf);
	(erf) = vrcp.f32 v8;
	v8 =	vadd.f32 $1.000000020e-16, v45  }
0x19c: {  	v57 =	vld [tilespmem:$0xAAF0];
	[tilespmem:$0xA9D0] =	vst v52;
	v56 =	vpop (erf);
	(erf) = vrcp.f32 v7;
	v7 =	vadd.f32 $1.000000020e-16, v47  }
0x19d: {  	[tilespmem:$0xA9E0] =	vst v54;
	v58 =	vpop (erf);
	(erf) = vrcp.f32 v8;
	v8 =	vadd.f32 $1.000000020e-16, v49  }
0x19e: {  	[tilespmem:$0xA9F0] =	vst v56;
	v59 =	vpop (erf);
	(erf) = vrcp.f32 v7;
	v7 =	vadd.f32 $1.000000020e-16, v51  }
0x19f: {  	[tilespmem:$0xAA00] =	vst v58;
	v60 =	vpop (erf);
	(erf) = vrcp.f32 v8;
	v8 =	vadd.f32 $1.000000020e-16, v53  }
0x1a0: {  	[tilespmem:$0xAA10] =	vst v59;
	v61 =	vpop (erf);
	(erf) = vrcp.f32 v7;
	v7 =	vadd.f32 $1.000000020e-16, v55  }
0x1a1: {  	[tilespmem:$0xAA20] =	vst v60;
	v62 =	vpop (erf);
	(erf) = vrcp.f32 v8;
	v8 =	vadd.f32 $1.000000020e-16, v57  }
0x1a2: {  	[tilespmem:$0xAA30] =	vst v61  }
0x1a3: {  	[tilespmem:$0xAA40] =	vst v62;
	v63 =	vpop (erf);
	(erf) = vrcp.f32 v7  }
0x1a4: {  	[tilespmem:$0xAA50] =	vst v63;
	v7 =	vpop (erf);
	(erf) = vrcp.f32 v8  }
0x1a5: {  	v8 =	vpop (erf);
	[tilespmem:$0xAA60] =	vst v7  }
0x1a6: {  	v7 =	vpop (erf);
	[tilespmem:$0xAA70] =	vst v8  }
0x1a7: {  	v8 =	vpop (erf);
	[tilespmem:$0xAA80] =	vst v7  }
0x1a8: {  	v7 =	vpop (erf);
	[tilespmem:$0xAA90] =	vst v8  }
0x1a9: {  	v8 =	vpop (erf);
	[tilespmem:$0xAAA0] =	vst v7  }
0x1aa: {  	v7 =	vpop (erf);
	[tilespmem:$0xAAB0] =	vst v8  }
0x1ab: {  	v8 =	vpop (erf);
	[tilespmem:$0xAAC0] =	vst v7  }
0x1ac: {  	v7 =	vpop (erf);
	[tilespmem:$0xAAD0] =	vst v8  }
0x1ad: {  	[tilespmem:$0xAAE0] =	vst v7;
	v7 =	vpop (erf)  }
0x1ae: {  	[tilespmem:$0xAAF0] =	vst v7  }
0x1af: {  	[spmem:s26] =	stream.linear.scatter [tilespmem:s2], [sflag:$0x2], $0x280, $0x38;
	[tilespmem:$0x1E780] =	vst v63  }
0x1b0: {  	_ =	swait.ge [sflag:s21], $0x280  }
0x1b1: {  	[sflag:s21] =	ssyncset.done $0x0  }
0x1b2: {  	[sflag:s21] =	ssyncadd.s32 $0xFFFFFD80  }
.Ltmp9:
0x1b3: {  	[bflag:$0x0] =	sbarrier.arrive $0xFFFF;
	(pc) =	sbr.rel @p0 .LBB2_22-.Ltmp9, $4  }
0x1b4: {  	[tilespmem:s31], [sflag:$0x2] =	stream.linear.gather [spmem:s0], $0x2800, $0x38;
	[tilespmem:$0x1E780] =	vst v63  }
0x1b5: {  	_ =	swait.ge [sflag:s21], $0x2800  }
0x1b6: {  	s6 =	simm.s32 $0x0;
	[sflag:s21] =	ssyncset.done $0x0  }
0x1b7: {  	s25 =	simm.s32 $0x0;
	s0 =	simm.s32 $0x0;
	[sflag:s21] =	ssyncadd.s32 $0xFFFFD800  }
.LBB2_16:
0x1b8: {  	s0 =	sshll.u32 s25, $0x7  }
0x1b9: {  	s0 =	sadd.s32 s19, s0  }
0x1ba: {  	s1 =	sadd.s32 s7, s0  }
0x1bb: {  	[tilespmem:s29], [sflag:$0x2] =	stream.linear.gather [hbm4b:s1+s6], $0x400, $0x38;
	[tilespmem:$0x1E780] =	vst v63  }
0x1bc: {  	_ =	swait.ge [sflag:s21], $0x400  }
0x1bd: {  	[sflag:s21] =	ssyncset.done $0x0  }
0x1be: {  	s0 =	sadd.s32 s8, s0;
	[sflag:s21] =	ssyncadd.s32 $0xFFFFFC00  }
0x1bf: {  	[tilespmem:s30], [sflag:$0x2] =	stream.linear.gather [hbm4b:s0+s6], $0x400, $0x38;
	[tilespmem:$0x1E780] =	vst v63  }
0x1c0: {  	_ =	swait.ge [sflag:s21], $0x400  }
0x1c1: {  	[sflag:s21] =	ssyncset.done $0x0  }
0x1c2: {  	s1 =	simm.s32 $0x0;
	s0 =	sshll.u32 s25, $0x3;
	[sflag:s21] =	ssyncadd.s32 $0xFFFFFC00  }
.LBB2_17:
0x1c3: {  	s13 =	sshll.u32 s1, $0x7  }
0x1c4: {  	s26 =	sadd.s32 s0, s1;
	s2 =	sadd.s32 $0xA000, s13  }
0x1c5: {  	[tilespmem:s28], [sflag:$0x1] =	stream.indirect.gather [hbm4b:s9+s11], $0x80, s2, s11, $0xb8;
	[tilespmem:$0x1E780] =	vst v63  }
0x1c6: {  	s2 =	smul.u32 $0x50, s26;
	_ =	swait.ge [sflag:s12], $0x2800  }
0x1c7: {  	[sflag:s12] =	ssyncset.done $0x0  }
0x1c8: {  	s15 =	simm.s32 $0x0;
	s14 =	sadd.s32 s18, s2;
	[sflag:s12] =	ssyncadd.s32 $0xFFFFD800  }
.LBB2_18:
0x1c9: {  	s2 =	sshll.u32 s15, $0x4  }
0x1ca: {  	s5 =	sor.u32 s13, s2  }
0x1cb: {  	v7 =	vld [tilespmem:s5+$0xA000]  }
0x1cc: {  	v8 =	vld [tilespmem:s5+$0xA400];
	_ =	sdelay $0x6  }
0x1cd: {  	v7 =	vld.idx.msk [tilespmem:v7+s4+$0x0], $0xffff  }
0x1ce: {  	v9 =	vld.idx.msk [tilespmem:v8+s22+$0x0], $0xffff;
	_ =	sdelay $0x4  }
0x1cf: {  	v7 =	vadd.f32 v9, v7;
	_ =	sdelay $0x1  }
0x1d0: {  	v9 =	vmul.f32 $2.000000030e-01, v7  }
0x1d1: {  	vm1 =	vgt.f32 v7, $0.0e+00  }
0x1d2: {  	v7 =	vsel vm1, v7, v9  }
0x1d3: {  	v7 =	vsub.f32 v7, v6;
	_ =	sdelay $0x1  }
0x1d4: {  	v7 =	vmul.f32 $1.442695020e+00, v7;
	_ =	sdelay $0x1  }
0x1d5: {  	(erf) = vpow2.f32 v7;
	_ =	sdelay $0x4  }
0x1d6: {  	v7 =	vld.idx.msk [tilespmem:v8+s31+$0x0], $0xffff;
	_ =	sdelay $0x1  }
0x1d7: {  	s26 =	sshll.u32 s15, $0xB  }
0x1d8: {  	s16 =	sand.u32 $0x3FFFF800, s26  }
0x1d9: {  	v48 =	vld [tilespmem:s16+$0x7810];
	v8 =	vpop (erf)  }
0x1da: {  	s2 =	sadd.s32 s2, s14;
	v7 =	vmul.f32 v8, v7;
	v8 =	vld [tilespmem:s16+$0x7800]  }
0x1db: {  	p2 =	slt.u32 s2, $0x27100;
	v10 =	vld [tilespmem:s16+$0x7820]  }
0x1dc: {  	v12 =	vld [tilespmem:s16+$0x7830];
	v7 =	vpsel !p2, $0x0, v7  }
0x1dd: {  	v13 =	vld [tilespmem:s16+$0x7840];
	v11 =	vbroadcast v7, $0x0  }
0x1de: {  	v14 =	vld [tilespmem:s16+$0x7850]  }
0x1df: {  	v15 =	vld [tilespmem:s16+$0x7860];
	v8 =	vmul.f32 v11, v8  }
0x1e0: {  	v49 =	vld [tilespmem:s16+$0x7870];
	v9 =	vmul.f32 v11, v48  }
0x1e1: {  	v51 =	vld [tilespmem:s16+$0x7880];
	[tilespmem:s16+$0x7800] =	vst v8;
	v8 =	vmul.f32 v11, v10  }
0x1e2: {  	v52 =	vld [tilespmem:s16+$0x7890];
	v50 =	vmul.f32 v11, v12;
	[tilespmem:s16+$0x7810] =	vst v9  }
0x1e3: {  	v54 =	vld [tilespmem:s16+$0x78A0];
	[tilespmem:s16+$0x7820] =	vst v8;
	v8 =	vmul.f32 v13, v11  }
0x1e4: {  	v16 =	vld [tilespmem:s16+$0x78B0];
	v53 =	vmul.f32 v14, v11;
	[tilespmem:s16+$0x7830] =	vst v50  }
0x1e5: {  	v57 =	vld [tilespmem:s16+$0x78C0];
	v55 =	vbroadcast v7, $0x1;
	[tilespmem:s16+$0x7840] =	vst v8;
	v8 =	vmul.f32 v15, v11  }
0x1e6: {  	v58 =	vld [tilespmem:s16+$0x78D0];
	v56 =	vmul.f32 v49, v11;
	[tilespmem:s16+$0x7850] =	vst v53  }
0x1e7: {  	v60 =	vld [tilespmem:s16+$0x78E0];
	[tilespmem:s16+$0x7860] =	vst v8;
	v8 =	vmul.f32 v51, v55  }
0x1e8: {  	v61 =	vld [tilespmem:s16+$0x78F0];
	v59 =	vmul.f32 v52, v55;
	[tilespmem:s16+$0x7870] =	vst v56  }
0x1e9: {  	v63 =	vld [tilespmem:s16+$0x7900];
	[tilespmem:s16+$0x7880] =	vst v8;
	v8 =	vmul.f32 v54, v55  }
0x1ea: {  	v20 =	vld [tilespmem:s16+$0x7910];
	v62 =	vmul.f32 v16, v55;
	[tilespmem:s16+$0x7890] =	vst v59  }
0x1eb: {  	v22 =	vld [tilespmem:s16+$0x7920];
	[tilespmem:s16+$0x78A0] =	vst v8;
	v8 =	vmul.f32 v57, v55  }
0x1ec: {  	v24 =	vld [tilespmem:s16+$0x7930];
	v21 =	vmul.f32 v58, v55;
	[tilespmem:s16+$0x78B0] =	vst v62  }
0x1ed: {  	v26 =	vld [tilespmem:s16+$0x7940];
	v23 =	vbroadcast v7, $0x2;
	[tilespmem:s16+$0x78C0] =	vst v8;
	v8 =	vmul.f32 v60, v55  }
0x1ee: {  	v27 =	vld [tilespmem:s16+$0x7950];
	v25 =	vmul.f32 v61, v55;
	[tilespmem:s16+$0x78D0] =	vst v21  }
0x1ef: {  	v29 =	vld [tilespmem:s16+$0x7960];
	[tilespmem:s16+$0x78E0] =	vst v8;
	v8 =	vmul.f32 v63, v23  }
0x1f0: {  	v30 =	vld [tilespmem:s16+$0x7970];
	v28 =	vmul.f32 v20, v23;
	[tilespmem:s16+$0x78F0] =	vst v25  }
0x1f1: {  	v32 =	vld [tilespmem:s16+$0x7980];
	[tilespmem:s16+$0x7900] =	vst v8;
	v8 =	vmul.f32 v22, v23  }
0x1f2: {  	v33 =	vld [tilespmem:s16+$0x7990];
	v31 =	vmul.f32 v24, v23;
	[tilespmem:s16+$0x7910] =	vst v28  }
0x1f3: {  	v35 =	vld [tilespmem:s16+$0x79A0];
	[tilespmem:s16+$0x7920] =	vst v8;
	v8 =	vmul.f32 v26, v23  }
0x1f4: {  	v37 =	vld [tilespmem:s16+$0x79B0];
	v34 =	vmul.f32 v27, v23;
	[tilespmem:s16+$0x7930] =	vst v31  }
0x1f5: {  	v39 =	vld [tilespmem:s16+$0x79C0];
	v36 =	vbroadcast v7, $0x3;
	[tilespmem:s16+$0x7940] =	vst v8;
	v8 =	vmul.f32 v29, v23  }
0x1f6: {  	v40 =	vld [tilespmem:s16+$0x79D0];
	v38 =	vmul.f32 v30, v23;
	[tilespmem:s16+$0x7950] =	vst v34  }
0x1f7: {  	v42 =	vld [tilespmem:s16+$0x79E0];
	[tilespmem:s16+$0x7960] =	vst v8;
	v8 =	vmul.f32 v32, v36  }
0x1f8: {  	v43 =	vld [tilespmem:s16+$0x79F0];
	v41 =	vmul.f32 v33, v36;
	[tilespmem:s16+$0x7970] =	vst v38  }
0x1f9: {  	v56 =	vld [tilespmem:s16+$0x7A70];
	[tilespmem:s16+$0x7980] =	vst v8;
	v8 =	vmul.f32 v35, v36  }
0x1fa: {  	v45 =	vld [tilespmem:s16+$0x7A00];
	v44 =	vmul.f32 v37, v36;
	[tilespmem:s16+$0x7990] =	vst v41  }
0x1fb: {  	v59 =	vld [tilespmem:s16+$0x7A90];
	[tilespmem:s16+$0x79A0] =	vst v8;
	v8 =	vmul.f32 v39, v36  }
0x1fc: {  	v47 =	vmul.f32 v40, v36;
	v48 =	vld [tilespmem:s16+$0x7A20];
	v49 =	vbroadcast v7, $0x4;
	[tilespmem:s16+$0x79B0] =	vst v44  }
0x1fd: {  	v25 =	vld [tilespmem:s16+$0x7B10];
	[tilespmem:s16+$0x79C0] =	vst v8;
	v8 =	vmul.f32 v42, v36  }
0x1fe: {  	v52 =	vld [tilespmem:s16+$0x7A40];
	[tilespmem:s16+$0x79D0] =	vst v47;
	v62 =	vbroadcast v7, $0x5;
	v17 =	vmul.f32 v56, v49  }
0x1ff: {  	v46 =	vld [tilespmem:s16+$0x7A10];
	[tilespmem:s16+$0x79E0] =	vst v8;
	v8 =	vmul.f32 v45, v49  }
0x200: {  	v28 =	vbroadcast v7, $0x6;
	v20 =	vmul.f32 v59, v62;
	[tilespmem:s16+$0x7A70] =	vst v17;
	v55 =	vld [tilespmem:s16+$0x7A60]  }
0x201: {  	v18 =	vld [tilespmem:s16+$0x7AC0];
	[tilespmem:s16+$0x7A00] =	vst v8;
	v8 =	vmul.f32 v48, v49  }
0x202: {  	v58 =	vld [tilespmem:s16+$0x7A80];
	v33 =	vmul.f32 v25, v28;
	[tilespmem:s16+$0x7A90] =	vst v20  }
0x203: {  	v38 =	vld [tilespmem:s16+$0x7B90];
	[tilespmem:s16+$0x7A20] =	vst v8;
	v8 =	vmul.f32 v52, v49  }
0x204: {  	v61 =	vld [tilespmem:s16+$0x7AA0];
	v51 =	vmul.f32 v43, v36;
	[tilespmem:s16+$0x7B10] =	vst v33  }
0x205: {  	v50 =	vld [tilespmem:s16+$0x7A30];
	[tilespmem:s16+$0x7A40] =	vst v8;
	v8 =	vmul.f32 v55, v49  }
0x206: {  	v19 =	vld [tilespmem:s16+$0x7AD0];
	v41 =	vbroadcast v7, $0x7;
	[tilespmem:s16+$0x79F0] =	vst v51;
	v54 =	vmul.f32 v46, v49  }
0x207: {  	v53 =	vld [tilespmem:s16+$0x7A50];
	[tilespmem:s16+$0x7A60] =	vst v8;
	v8 =	vmul.f32 v58, v62  }
0x208: {  	v21 =	vld [tilespmem:s16+$0x7AE0];
	v46 =	vmul.f32 v38, v41;
	[tilespmem:s16+$0x7A10] =	vst v54  }
0x209: {  	v51 =	vld [tilespmem:s16+$0x7C10];
	[tilespmem:s16+$0x7A80] =	vst v8;
	v8 =	vmul.f32 v61, v62  }
0x20a: {  	v24 =	vld [tilespmem:s16+$0x7B00];
	v57 =	vmul.f32 v50, v49;
	[tilespmem:s16+$0x7B90] =	vst v46  }
0x20b: {  	v27 =	vld [tilespmem:s16+$0x7B20];
	[tilespmem:s16+$0x7AA0] =	vst v8;
	v8 =	vmul.f32 v18, v62  }
0x20c: {  	v37 =	vld [tilespmem:s16+$0x7B80];
	v54 =	vbroadcast v7, $0x8;
	[tilespmem:s16+$0x7A30] =	vst v57;
	v60 =	vmul.f32 v53, v49  }
0x20d: {  	v22 =	vld [tilespmem:s16+$0x7AF0];
	[tilespmem:s16+$0x7AC0] =	vst v8;
	v8 =	vmul.f32 v21, v62  }
0x20e: {  	v31 =	vld [tilespmem:s16+$0x7B40];
	v59 =	vmul.f32 v51, v54;
	[tilespmem:s16+$0x7A50] =	vst v60  }
0x20f: {  	v63 =	vld [tilespmem:s16+$0x7AB0];
	[tilespmem:s16+$0x7AE0] =	vst v8;
	v8 =	vmul.f32 v24, v28  }
0x210: {  	v34 =	vld [tilespmem:s16+$0x7B60];
	[tilespmem:s16+$0x7C10] =	vst v59;
	v26 =	vmul.f32 v19, v62  }
0x211: {  	v32 =	vld [tilespmem:s16+$0x7B50];
	[tilespmem:s16+$0x7B00] =	vst v8;
	v8 =	vmul.f32 v27, v28  }
0x212: {  	v40 =	vld [tilespmem:s16+$0x7BA0];
	[tilespmem:s16+$0x7AD0] =	vst v26;
	v30 =	vmul.f32 v22, v62  }
0x213: {  	v29 =	vld [tilespmem:s16+$0x7B30];
	[tilespmem:s16+$0x7B20] =	vst v8;
	v8 =	vmul.f32 v31, v28  }
0x214: {  	v44 =	vld [tilespmem:s16+$0x7BC0];
	v23 =	vmul.f32 v63, v62;
	[tilespmem:s16+$0x7AF0] =	vst v30  }
0x215: {  	v30 =	vld [tilespmem:s16+$0x7CF0];
	[tilespmem:s16+$0x7B40] =	vst v8;
	v8 =	vmul.f32 v34, v28  }
0x216: {  	v47 =	vld [tilespmem:s16+$0x7BE0];
	[tilespmem:s16+$0x7AB0] =	vst v23;
	v39 =	vmul.f32 v32, v28  }
0x217: {  	v35 =	vld [tilespmem:s16+$0x7B70];
	[tilespmem:s16+$0x7B60] =	vst v8;
	v8 =	vmul.f32 v37, v41  }
0x218: {  	v20 =	vld [tilespmem:s16+$0x7C90];
	v23 =	vbroadcast v7, $0x9;
	v36 =	vmul.f32 v29, v28;
	[tilespmem:s16+$0x7B50] =	vst v39  }
0x219: {  	v45 =	vld [tilespmem:s16+$0x7BD0];
	[tilespmem:s16+$0x7B80] =	vst v8;
	v8 =	vmul.f32 v40, v41  }
0x21a: {  	v50 =	vld [tilespmem:s16+$0x7C00];
	v38 =	vmul.f32 v30, v23;
	[tilespmem:s16+$0x7B30] =	vst v36  }
0x21b: {  	v42 =	vld [tilespmem:s16+$0x7BB0];
	[tilespmem:s16+$0x7BA0] =	vst v8;
	v8 =	vmul.f32 v44, v41  }
0x21c: {  	v53 =	vld [tilespmem:s16+$0x7C20];
	v43 =	vmul.f32 v35, v28;
	[tilespmem:s16+$0x7CF0] =	vst v38  }
0x21d: {  	v48 =	vld [tilespmem:s16+$0x7BF0];
	[tilespmem:s16+$0x7BC0] =	vst v8;
	v8 =	vmul.f32 v47, v41  }
0x21e: {  	v57 =	vld [tilespmem:s16+$0x7C40];
	[tilespmem:s16+$0x7B70] =	vst v43;
	v52 =	vmul.f32 v45, v41  }
0x21f: {  	v43 =	vld [tilespmem:s16+$0x7D70];
	[tilespmem:s16+$0x7BE0] =	vst v8;
	v8 =	vmul.f32 v50, v54  }
0x220: {  	v60 =	vld [tilespmem:s16+$0x7C60];
	v49 =	vmul.f32 v42, v41;
	[tilespmem:s16+$0x7BD0] =	vst v52  }
0x221: {  	v55 =	vld [tilespmem:s16+$0x7C30];
	[tilespmem:s16+$0x7C00] =	vst v8;
	v8 =	vmul.f32 v53, v54  }
0x222: {  	v63 =	vld [tilespmem:s16+$0x7C80];
	v36 =	vbroadcast v7, $0xA;
	v56 =	vmul.f32 v48, v41;
	[tilespmem:s16+$0x7BB0] =	vst v49  }
0x223: {  	v58 =	vld [tilespmem:s16+$0x7C50];
	[tilespmem:s16+$0x7C20] =	vst v8;
	v8 =	vmul.f32 v57, v54  }
0x224: {  	v22 =	vld [tilespmem:s16+$0x7CA0];
	v51 =	vmul.f32 v43, v36;
	[tilespmem:s16+$0x7BF0] =	vst v56  }
0x225: {  	v56 =	vld [tilespmem:s16+$0x7DF0];
	[tilespmem:s16+$0x7C40] =	vst v8;
	v8 =	vmul.f32 v60, v54  }
0x226: {  	v26 =	vld [tilespmem:s16+$0x7CC0];
	[tilespmem:s16+$0x7D70] =	vst v51;
	v62 =	vmul.f32 v55, v54  }
0x227: {  	v61 =	vld [tilespmem:s16+$0x7C70];
	[tilespmem:s16+$0x7C60] =	vst v8;
	v8 =	vmul.f32 v63, v23  }
0x228: {  	v29 =	vld [tilespmem:s16+$0x7CE0];
	v49 =	vbroadcast v7, $0xB;
	v21 =	vmul.f32 v58, v54;
	[tilespmem:s16+$0x7C30] =	vst v62  }
0x229: {  	v59 =	vld [tilespmem:s16+$0x7E10];
	[tilespmem:s16+$0x7C80] =	vst v8;
	v8 =	vmul.f32 v22, v23  }
0x22a: {  	v32 =	vld [tilespmem:s16+$0x7D00];
	v18 =	vmul.f32 v56, v49;
	[tilespmem:s16+$0x7C50] =	vst v21  }
0x22b: {  	v24 =	vld [tilespmem:s16+$0x7CB0];
	[tilespmem:s16+$0x7CA0] =	vst v8;
	v8 =	vmul.f32 v26, v23  }
0x22c: {  	v35 =	vld [tilespmem:s16+$0x7D20];
	v25 =	vmul.f32 v61, v54;
	v62 =	vbroadcast v7, $0xC;
	[tilespmem:s16+$0x7DF0] =	vst v18  }
0x22d: {  	[tilespmem:s16+$0x7CC0] =	vst v8;
	v8 =	vmul.f32 v29, v23  }
0x22e: {  	v39 =	vld [tilespmem:s16+$0x7D40];
	[tilespmem:s16+$0x7C70] =	vst v25;
	v21 =	vmul.f32 v59, v62  }
0x22f: {  	v27 =	vld [tilespmem:s16+$0x7CD0];
	[tilespmem:s16+$0x7CE0] =	vst v8;
	v8 =	vmul.f32 v32, v36  }
0x230: {  	v42 =	vld [tilespmem:s16+$0x7D60];
	[tilespmem:s16+$0x7E10] =	vst v21;
	v31 =	vmul.f32 v24, v23  }
0x231: {  	v28 =	vmul.f32 v20, v23;
	v20 =	vld [tilespmem:s16+$0x7E50];
	[tilespmem:s16+$0x7D00] =	vst v8;
	v8 =	vmul.f32 v35, v36  }
0x232: {  	v45 =	vld [tilespmem:s16+$0x7D80];
	[tilespmem:s16+$0x7CB0] =	vst v31  }
0x233: {  	v37 =	vld [tilespmem:s16+$0x7D30];
	[tilespmem:s16+$0x7D20] =	vst v8;
	v8 =	vmul.f32 v39, v36  }
0x234: {  	v48 =	vld [tilespmem:s16+$0x7DA0];
	v34 =	vmul.f32 v27, v23;
	[tilespmem:s16+$0x7C90] =	vst v28  }
0x235: {  	v33 =	vld [tilespmem:s16+$0x7D10];
	[tilespmem:s16+$0x7D40] =	vst v8;
	v8 =	vmul.f32 v42, v36  }
0x236: {  	v52 =	vld [tilespmem:s16+$0x7DC0];
	[tilespmem:s16+$0x7CD0] =	vst v34;
	v27 =	vmul.f32 v20, v62  }
0x237: {  	v40 =	vld [tilespmem:s16+$0x7D50];
	[tilespmem:s16+$0x7D60] =	vst v8;
	v8 =	vmul.f32 v45, v49  }
0x238: {  	v55 =	vld [tilespmem:s16+$0x7DE0];
	v44 =	vmul.f32 v37, v36;
	[tilespmem:s16+$0x7E50] =	vst v27  }
0x239: {  	v50 =	vld [tilespmem:s16+$0x7DB0];
	[tilespmem:s16+$0x7D80] =	vst v8;
	v8 =	vmul.f32 v48, v49  }
0x23a: {  	v58 =	vld [tilespmem:s16+$0x7E00];
	v41 =	vmul.f32 v33, v36;
	[tilespmem:s16+$0x7D30] =	vst v44  }
0x23b: {  	v46 =	vld [tilespmem:s16+$0x7D90];
	[tilespmem:s16+$0x7DA0] =	vst v8;
	v8 =	vmul.f32 v52, v49  }
0x23c: {  	v61 =	vld [tilespmem:s16+$0x7E20];
	v47 =	vmul.f32 v40, v36;
	[tilespmem:s16+$0x7D10] =	vst v41  }
0x23d: {  	v53 =	vld [tilespmem:s16+$0x7DD0];
	[tilespmem:s16+$0x7DC0] =	vst v8;
	v8 =	vmul.f32 v55, v49  }
0x23e: {  	v19 =	vld [tilespmem:s16+$0x7E40];
	[tilespmem:s16+$0x7D50] =	vst v47;
	v57 =	vmul.f32 v50, v49  }
0x23f: {  	v63 =	vld [tilespmem:s16+$0x7E30];
	[tilespmem:s16+$0x7DE0] =	vst v8;
	v8 =	vmul.f32 v58, v62  }
0x240: {  	v54 =	vmul.f32 v46, v49;
	[tilespmem:s16+$0x7DB0] =	vst v57;
	v22 =	vld [tilespmem:s16+$0x7E60]  }
0x241: {  	v30 =	vld [tilespmem:s16+$0x7EB0];
	[tilespmem:s16+$0x7E00] =	vst v8;
	v8 =	vmul.f32 v61, v62  }
0x242: {  	v25 =	vld [tilespmem:s16+$0x7E80];
	v60 =	vmul.f32 v53, v49;
	[tilespmem:s16+$0x7D90] =	vst v54  }
0x243: {  	v33 =	vld [tilespmem:s16+$0x7ED0];
	[tilespmem:s16+$0x7E20] =	vst v8;
	v8 =	vmul.f32 v19, v62  }
0x244: {  	v28 =	vld [tilespmem:s16+$0x7EA0];
	[tilespmem:s16+$0x7DD0] =	vst v60;
	v24 =	vmul.f32 v63, v62;
	v29 =	vbroadcast v7, $0xD  }
0x245: {  	v26 =	vld [tilespmem:s16+$0x7E90];
	[tilespmem:s16+$0x7E40] =	vst v8;
	v8 =	vmul.f32 v22, v62  }
0x246: {  	[tilespmem:s16+$0x7E30] =	vst v24;
	v32 =	vld [tilespmem:s16+$0x7EC0];
	v37 =	vmul.f32 v30, v29  }
0x247: {  	v23 =	vld [tilespmem:s16+$0x7E70];
	[tilespmem:s16+$0x7E60] =	vst v8;
	v8 =	vmul.f32 v25, v29  }
0x248: {  	v40 =	vmul.f32 v33, v29;
	v35 =	vld [tilespmem:s16+$0x7EE0];
	[tilespmem:s16+$0x7EB0] =	vst v37  }
0x249: {  	v43 =	vld [tilespmem:s16+$0x7F30];
	[tilespmem:s16+$0x7E80] =	vst v8;
	v8 =	vmul.f32 v28, v29  }
0x24a: {  	v38 =	vld [tilespmem:s16+$0x7F00];
	v34 =	vmul.f32 v26, v29;
	[tilespmem:s16+$0x7ED0] =	vst v40  }
0x24b: {  	v46 =	vld [tilespmem:s16+$0x7F50];
	[tilespmem:s16+$0x7EA0] =	vst v8;
	v8 =	vmul.f32 v32, v29  }
0x24c: {  	v41 =	vld [tilespmem:s16+$0x7F20];
	v31 =	vmul.f32 v23, v62;
	[tilespmem:s16+$0x7E90] =	vst v34;
	v42 =	vbroadcast v7, $0xE  }
0x24d: {  	v39 =	vld [tilespmem:s16+$0x7F10];
	[tilespmem:s16+$0x7EC0] =	vst v8;
	v8 =	vmul.f32 v35, v29  }
0x24e: {  	[tilespmem:s16+$0x7E70] =	vst v31;
	v45 =	vld [tilespmem:s16+$0x7F40];
	v50 =	vmul.f32 v43, v42  }
0x24f: {  	v36 =	vld [tilespmem:s16+$0x7EF0];
	[tilespmem:s16+$0x7EE0] =	vst v8;
	v8 =	vmul.f32 v38, v42  }
0x250: {  	v53 =	vmul.f32 v46, v42;
	v48 =	vld [tilespmem:s16+$0x7F60];
	[tilespmem:s16+$0x7F30] =	vst v50  }
0x251: {  	v52 =	vld [tilespmem:s16+$0x7F90];
	[tilespmem:s16+$0x7F00] =	vst v8;
	v8 =	vmul.f32 v41, v42  }
0x252: {  	v51 =	vld [tilespmem:s16+$0x7F80];
	v47 =	vmul.f32 v39, v42;
	[tilespmem:s16+$0x7F50] =	vst v53  }
0x253: {  	v49 =	vld [tilespmem:s16+$0x7F70];
	[tilespmem:s16+$0x7F20] =	vst v8;
	v8 =	vmul.f32 v45, v42  }
0x254: {  	v54 =	vld [tilespmem:s16+$0x7FA0];
	v7 =	vbroadcast v7, $0xF;
	v44 =	vmul.f32 v36, v29;
	[tilespmem:s16+$0x7F10] =	vst v47  }
0x255: {  	v58 =	vld [tilespmem:s16+$0x7FD0];
	[tilespmem:s16+$0x7F40] =	vst v8;
	v8 =	vmul.f32 v48, v42  }
0x256: {  	v57 =	vld [tilespmem:s16+$0x7FC0];
	[tilespmem:s16+$0x7EF0] =	vst v44;
	v59 =	vmul.f32 v52, v7  }
0x257: {  	v55 =	vld [tilespmem:s16+$0x7FB0];
	[tilespmem:s16+$0x7F60] =	vst v8;
	v8 =	vmul.f32 v51, v7  }
0x258: {  	v60 =	vld [tilespmem:s16+$0x7FE0];
	v56 =	vmul.f32 v49, v42;
	[tilespmem:s16+$0x7F90] =	vst v59  }
0x259: {  	v61 =	vld [tilespmem:s16+$0x7FF0];
	[tilespmem:s16+$0x7F80] =	vst v8;
	v8 =	vmul.f32 v54, v7  }
0x25a: {  	[tilespmem:s16+$0x7F70] =	vst v56;
	v63 =	vmul.f32 v58, v7  }
0x25b: {  	p2 =	sne.s32 s15, $0x4;
	[tilespmem:s16+$0x7FA0] =	vst v8;
	v8 =	vmul.f32 v57, v7  }
.Ltmp10:
0x25c: {  	v62 =	vmul.f32 v55, v7;
	[tilespmem:s16+$0x7FD0] =	vst v63;
	(pc) =	sbr.rel @p2 .LBB2_18-.Ltmp10, $4  }
0x25d: {  	[tilespmem:s16+$0x7FC0] =	vst v8;
	v8 =	vmul.f32 v60, v7  }
0x25e: {  	[tilespmem:s16+$0x7FB0] =	vst v62;
	v7 =	vmul.f32 v61, v7  }
0x25f: {  	[tilespmem:s16+$0x7FE0] =	vst v8  }
0x260: {  	s15 =	sadd.s32 $0x1, s15;
	[tilespmem:s16+$0x7FF0] =	vst v7  }
0x261: {  	s1 =	sadd.s32 $0x1, s1  }
0x262: {  	p2 =	sne.s32 s1, $0x8  }
.Ltmp11:
0x263: {  	s2 =	sadd.s32 $0xA400, s13;
	(pc) =	sbr.rel @p2 .LBB2_17-.Ltmp11, $4  }
0x264: {  	[spmem:s3] =	stream.indirect.scatter.add.f32 [tilespmem:s28], [sflag:$0x2], $0x80, s2, s11, $0xb8;
	[tilespmem:$0x1E780] =	vst v63  }
0x265: {  	_ =	swait.ge [sflag:s21], $0x2800  }
0x266: {  	[sflag:s21] =	ssyncset.done $0x0  }
0x267: {  	[sflag:s21] =	ssyncadd.s32 $0xFFFFD800  }
0x268: {  	s25 =	sadd.s32 $0x1, s25  }
0x269: {  	p2 =	seq.s32 s25, $0x10  }
.Ltmp12:
0x26a: {  	_ = 	snop;
	(pc) =	sbr.rel @!p2 .LBB2_16-.Ltmp12, $1  }
0x26b: {  	_ =	sdelay $0x3  }
.Ltmp13:
0x26c: {  	(pc) =	sbr.rel .LBB2_28-.Ltmp13, $3  }
0x26d: {  	_ =	sdelay $0x1  }
0x26e: {  	s0 =	rddreg [dreg:$0x1]  }
0x26f: {  	s5 =	sld [smem:$0x7FB]  }
.LBB2_22:
0x270: {  	s1 =	sshll.u32 s0, $0x7  }
0x271: {  	s1 =	sadd.s32 s19, s1  }
0x272: {  	s2 =	sadd.s32 s7, s1  }
0x273: {  	[tilespmem:s29], [sflag:$0x2] =	stream.linear.gather [hbm4b:s2+s6], $0x400, $0x38;
	[tilespmem:$0x1E780] =	vst v63  }
0x274: {  	_ =	swait.ge [sflag:s21], $0x400  }
0x275: {  	[sflag:s21] =	ssyncset.done $0x0  }
0x276: {  	s1 =	sadd.s32 s8, s1;
	[sflag:s21] =	ssyncadd.s32 $0xFFFFFC00  }
0x277: {  	[tilespmem:s30], [sflag:$0x2] =	stream.linear.gather [hbm4b:s1+s6], $0x400, $0x38;
	[tilespmem:$0x1E780] =	vst v63  }
0x278: {  	_ =	swait.ge [sflag:s21], $0x400  }
0x279: {  	[sflag:s21] =	ssyncset.done $0x0  }
0x27a: {  	s25 =	sshll.u32 s0, $0x3;
	s1 =	simm.s32 $0x0;
	[sflag:s21] =	ssyncadd.s32 $0xFFFFFC00  }
.LBB2_23:
0x27b: {  	s13 =	sshll.u32 s1, $0x7  }
0x27c: {  	s26 =	sadd.s32 s25, s1;
	s2 =	sadd.s32 $0xA000, s13  }
0x27d: {  	[tilespmem:s28], [sflag:$0x1] =	stream.indirect.gather [hbm4b:s10+s11], $0x80, s2, s11, $0xb8;
	[tilespmem:$0x1E780] =	vst v63  }
0x27e: {  	s2 =	smul.u32 $0x50, s26;
	_ =	swait.ge [sflag:s12], $0x2800  }
0x27f: {  	[sflag:s12] =	ssyncset.done $0x0  }
0x280: {  	s15 =	simm.s32 $0x0;
	s14 =	sadd.s32 s18, s2;
	[sflag:s12] =	ssyncadd.s32 $0xFFFFD800  }
.LBB2_24:
0x281: {  	s2 =	sshll.u32 s15, $0x4  }
0x282: {  	s5 =	sor.u32 s13, s2  }
0x283: {  	v7 =	vld [tilespmem:s5+$0xA000]  }
0x284: {  	v8 =	vld [tilespmem:s5+$0xA400];
	_ =	sdelay $0x6  }
0x285: {  	v7 =	vld.idx.msk [tilespmem:v7+s4+$0x0], $0xffff  }
0x286: {  	v9 =	vld.idx.msk [tilespmem:v8+s22+$0x0], $0xffff;
	_ =	sdelay $0x4  }
0x287: {  	v7 =	vadd.f32 v9, v7;
	_ =	sdelay $0x1  }
0x288: {  	v9 =	vmul.f32 $2.000000030e-01, v7  }
0x289: {  	vm1 =	vgt.f32 v7, $0.0e+00  }
0x28a: {  	v7 =	vsel vm1, v7, v9  }
0x28b: {  	v7 =	vsub.f32 v7, v6;
	_ =	sdelay $0x1  }
0x28c: {  	v7 =	vmul.f32 $1.442695020e+00, v7;
	_ =	sdelay $0x1  }
0x28d: {  	(erf) = vpow2.f32 v7;
	_ =	sdelay $0x4  }
0x28e: {  	v7 =	vld.idx.msk [tilespmem:v8+s31+$0x0], $0xffff;
	_ =	sdelay $0x1  }
0x28f: {  	s26 =	sshll.u32 s15, $0xB  }
0x290: {  	s16 =	sand.u32 $0x3FFFF800, s26  }
0x291: {  	v48 =	vld [tilespmem:s16+$0x7810];
	v8 =	vpop (erf)  }
0x292: {  	s2 =	sadd.s32 s2, s14;
	v7 =	vmul.f32 v8, v7;
	v8 =	vld [tilespmem:s16+$0x7800]  }
0x293: {  	p2 =	slt.u32 s2, $0x27100;
	v10 =	vld [tilespmem:s16+$0x7820]  }
0x294: {  	v12 =	vld [tilespmem:s16+$0x7830];
	v7 =	vpsel !p2, $0x0, v7  }
0x295: {  	v13 =	vld [tilespmem:s16+$0x7840];
	v11 =	vbroadcast v7, $0x0  }
0x296: {  	v14 =	vld [tilespmem:s16+$0x7850]  }
0x297: {  	v15 =	vld [tilespmem:s16+$0x7860];
	v8 =	vmul.f32 v11, v8  }
0x298: {  	v49 =	vld [tilespmem:s16+$0x7870];
	v9 =	vmul.f32 v11, v48  }
0x299: {  	v51 =	vld [tilespmem:s16+$0x7880];
	[tilespmem:s16+$0x7800] =	vst v8;
	v8 =	vmul.f32 v11, v10  }
0x29a: {  	v52 =	vld [tilespmem:s16+$0x7890];
	v50 =	vmul.f32 v11, v12;
	[tilespmem:s16+$0x7810] =	vst v9  }
0x29b: {  	v54 =	vld [tilespmem:s16+$0x78A0];
	[tilespmem:s16+$0x7820] =	vst v8;
	v8 =	vmul.f32 v13, v11  }
0x29c: {  	v16 =	vld [tilespmem:s16+$0x78B0];
	v53 =	vmul.f32 v14, v11;
	[tilespmem:s16+$0x7830] =	vst v50  }
0x29d: {  	v57 =	vld [tilespmem:s16+$0x78C0];
	v55 =	vbroadcast v7, $0x1;
	[tilespmem:s16+$0x7840] =	vst v8;
	v8 =	vmul.f32 v15, v11  }
0x29e: {  	v58 =	vld [tilespmem:s16+$0x78D0];
	v56 =	vmul.f32 v49, v11;
	[tilespmem:s16+$0x7850] =	vst v53  }
0x29f: {  	v60 =	vld [tilespmem:s16+$0x78E0];
	[tilespmem:s16+$0x7860] =	vst v8;
	v8 =	vmul.f32 v51, v55  }
0x2a0: {  	v61 =	vld [tilespmem:s16+$0x78F0];
	v59 =	vmul.f32 v52, v55;
	[tilespmem:s16+$0x7870] =	vst v56  }
0x2a1: {  	v63 =	vld [tilespmem:s16+$0x7900];
	[tilespmem:s16+$0x7880] =	vst v8;
	v8 =	vmul.f32 v54, v55  }
0x2a2: {  	v20 =	vld [tilespmem:s16+$0x7910];
	v62 =	vmul.f32 v16, v55;
	[tilespmem:s16+$0x7890] =	vst v59  }
0x2a3: {  	v22 =	vld [tilespmem:s16+$0x7920];
	[tilespmem:s16+$0x78A0] =	vst v8;
	v8 =	vmul.f32 v57, v55  }
0x2a4: {  	v24 =	vld [tilespmem:s16+$0x7930];
	v21 =	vmul.f32 v58, v55;
	[tilespmem:s16+$0x78B0] =	vst v62  }
0x2a5: {  	v26 =	vld [tilespmem:s16+$0x7940];
	v23 =	vbroadcast v7, $0x2;
	[tilespmem:s16+$0x78C0] =	vst v8;
	v8 =	vmul.f32 v60, v55  }
0x2a6: {  	v27 =	vld [tilespmem:s16+$0x7950];
	v25 =	vmul.f32 v61, v55;
	[tilespmem:s16+$0x78D0] =	vst v21  }
0x2a7: {  	v29 =	vld [tilespmem:s16+$0x7960];
	[tilespmem:s16+$0x78E0] =	vst v8;
	v8 =	vmul.f32 v63, v23  }
0x2a8: {  	v30 =	vld [tilespmem:s16+$0x7970];
	v28 =	vmul.f32 v20, v23;
	[tilespmem:s16+$0x78F0] =	vst v25  }
0x2a9: {  	v32 =	vld [tilespmem:s16+$0x7980];
	[tilespmem:s16+$0x7900] =	vst v8;
	v8 =	vmul.f32 v22, v23  }
0x2aa: {  	v33 =	vld [tilespmem:s16+$0x7990];
	v31 =	vmul.f32 v24, v23;
	[tilespmem:s16+$0x7910] =	vst v28  }
0x2ab: {  	v35 =	vld [tilespmem:s16+$0x79A0];
	[tilespmem:s16+$0x7920] =	vst v8;
	v8 =	vmul.f32 v26, v23  }
0x2ac: {  	v37 =	vld [tilespmem:s16+$0x79B0];
	v34 =	vmul.f32 v27, v23;
	[tilespmem:s16+$0x7930] =	vst v31  }
0x2ad: {  	v39 =	vld [tilespmem:s16+$0x79C0];
	v36 =	vbroadcast v7, $0x3;
	[tilespmem:s16+$0x7940] =	vst v8;
	v8 =	vmul.f32 v29, v23  }
0x2ae: {  	v40 =	vld [tilespmem:s16+$0x79D0];
	v38 =	vmul.f32 v30, v23;
	[tilespmem:s16+$0x7950] =	vst v34  }
0x2af: {  	v42 =	vld [tilespmem:s16+$0x79E0];
	[tilespmem:s16+$0x7960] =	vst v8;
	v8 =	vmul.f32 v32, v36  }
0x2b0: {  	v43 =	vld [tilespmem:s16+$0x79F0];
	v41 =	vmul.f32 v33, v36;
	[tilespmem:s16+$0x7970] =	vst v38  }
0x2b1: {  	v56 =	vld [tilespmem:s16+$0x7A70];
	[tilespmem:s16+$0x7980] =	vst v8;
	v8 =	vmul.f32 v35, v36  }
0x2b2: {  	v45 =	vld [tilespmem:s16+$0x7A00];
	v44 =	vmul.f32 v37, v36;
	[tilespmem:s16+$0x7990] =	vst v41  }
0x2b3: {  	v59 =	vld [tilespmem:s16+$0x7A90];
	[tilespmem:s16+$0x79A0] =	vst v8;
	v8 =	vmul.f32 v39, v36  }
0x2b4: {  	v47 =	vmul.f32 v40, v36;
	v48 =	vld [tilespmem:s16+$0x7A20];
	v49 =	vbroadcast v7, $0x4;
	[tilespmem:s16+$0x79B0] =	vst v44  }
0x2b5: {  	v25 =	vld [tilespmem:s16+$0x7B10];
	[tilespmem:s16+$0x79C0] =	vst v8;
	v8 =	vmul.f32 v42, v36  }
0x2b6: {  	v52 =	vld [tilespmem:s16+$0x7A40];
	[tilespmem:s16+$0x79D0] =	vst v47;
	v62 =	vbroadcast v7, $0x5;
	v17 =	vmul.f32 v56, v49  }
0x2b7: {  	v46 =	vld [tilespmem:s16+$0x7A10];
	[tilespmem:s16+$0x79E0] =	vst v8;
	v8 =	vmul.f32 v45, v49  }
0x2b8: {  	v28 =	vbroadcast v7, $0x6;
	v20 =	vmul.f32 v59, v62;
	[tilespmem:s16+$0x7A70] =	vst v17;
	v55 =	vld [tilespmem:s16+$0x7A60]  }
0x2b9: {  	v18 =	vld [tilespmem:s16+$0x7AC0];
	[tilespmem:s16+$0x7A00] =	vst v8;
	v8 =	vmul.f32 v48, v49  }
0x2ba: {  	v58 =	vld [tilespmem:s16+$0x7A80];
	v33 =	vmul.f32 v25, v28;
	[tilespmem:s16+$0x7A90] =	vst v20  }
0x2bb: {  	v38 =	vld [tilespmem:s16+$0x7B90];
	[tilespmem:s16+$0x7A20] =	vst v8;
	v8 =	vmul.f32 v52, v49  }
0x2bc: {  	v61 =	vld [tilespmem:s16+$0x7AA0];
	v51 =	vmul.f32 v43, v36;
	[tilespmem:s16+$0x7B10] =	vst v33  }
0x2bd: {  	v50 =	vld [tilespmem:s16+$0x7A30];
	[tilespmem:s16+$0x7A40] =	vst v8;
	v8 =	vmul.f32 v55, v49  }
0x2be: {  	v19 =	vld [tilespmem:s16+$0x7AD0];
	v41 =	vbroadcast v7, $0x7;
	[tilespmem:s16+$0x79F0] =	vst v51;
	v54 =	vmul.f32 v46, v49  }
0x2bf: {  	v53 =	vld [tilespmem:s16+$0x7A50];
	[tilespmem:s16+$0x7A60] =	vst v8;
	v8 =	vmul.f32 v58, v62  }
0x2c0: {  	v21 =	vld [tilespmem:s16+$0x7AE0];
	v46 =	vmul.f32 v38, v41;
	[tilespmem:s16+$0x7A10] =	vst v54  }
0x2c1: {  	v51 =	vld [tilespmem:s16+$0x7C10];
	[tilespmem:s16+$0x7A80] =	vst v8;
	v8 =	vmul.f32 v61, v62  }
0x2c2: {  	v24 =	vld [tilespmem:s16+$0x7B00];
	v57 =	vmul.f32 v50, v49;
	[tilespmem:s16+$0x7B90] =	vst v46  }
0x2c3: {  	v27 =	vld [tilespmem:s16+$0x7B20];
	[tilespmem:s16+$0x7AA0] =	vst v8;
	v8 =	vmul.f32 v18, v62  }
0x2c4: {  	v37 =	vld [tilespmem:s16+$0x7B80];
	v54 =	vbroadcast v7, $0x8;
	[tilespmem:s16+$0x7A30] =	vst v57;
	v60 =	vmul.f32 v53, v49  }
0x2c5: {  	v22 =	vld [tilespmem:s16+$0x7AF0];
	[tilespmem:s16+$0x7AC0] =	vst v8;
	v8 =	vmul.f32 v21, v62  }
0x2c6: {  	v31 =	vld [tilespmem:s16+$0x7B40];
	v59 =	vmul.f32 v51, v54;
	[tilespmem:s16+$0x7A50] =	vst v60  }
0x2c7: {  	v63 =	vld [tilespmem:s16+$0x7AB0];
	[tilespmem:s16+$0x7AE0] =	vst v8;
	v8 =	vmul.f32 v24, v28  }
0x2c8: {  	v34 =	vld [tilespmem:s16+$0x7B60];
	[tilespmem:s16+$0x7C10] =	vst v59;
	v26 =	vmul.f32 v19, v62  }
0x2c9: {  	v32 =	vld [tilespmem:s16+$0x7B50];
	[tilespmem:s16+$0x7B00] =	vst v8;
	v8 =	vmul.f32 v27, v28  }
0x2ca: {  	v40 =	vld [tilespmem:s16+$0x7BA0];
	[tilespmem:s16+$0x7AD0] =	vst v26;
	v30 =	vmul.f32 v22, v62  }
0x2cb: {  	v29 =	vld [tilespmem:s16+$0x7B30];
	[tilespmem:s16+$0x7B20] =	vst v8;
	v8 =	vmul.f32 v31, v28  }
0x2cc: {  	v44 =	vld [tilespmem:s16+$0x7BC0];
	v23 =	vmul.f32 v63, v62;
	[tilespmem:s16+$0x7AF0] =	vst v30  }
0x2cd: {  	v30 =	vld [tilespmem:s16+$0x7CF0];
	[tilespmem:s16+$0x7B40] =	vst v8;
	v8 =	vmul.f32 v34, v28  }
0x2ce: {  	v47 =	vld [tilespmem:s16+$0x7BE0];
	[tilespmem:s16+$0x7AB0] =	vst v23;
	v39 =	vmul.f32 v32, v28  }
0x2cf: {  	v35 =	vld [tilespmem:s16+$0x7B70];
	[tilespmem:s16+$0x7B60] =	vst v8;
	v8 =	vmul.f32 v37, v41  }
0x2d0: {  	v20 =	vld [tilespmem:s16+$0x7C90];
	v23 =	vbroadcast v7, $0x9;
	v36 =	vmul.f32 v29, v28;
	[tilespmem:s16+$0x7B50] =	vst v39  }
0x2d1: {  	v45 =	vld [tilespmem:s16+$0x7BD0];
	[tilespmem:s16+$0x7B80] =	vst v8;
	v8 =	vmul.f32 v40, v41  }
0x2d2: {  	v50 =	vld [tilespmem:s16+$0x7C00];
	v38 =	vmul.f32 v30, v23;
	[tilespmem:s16+$0x7B30] =	vst v36  }
0x2d3: {  	v42 =	vld [tilespmem:s16+$0x7BB0];
	[tilespmem:s16+$0x7BA0] =	vst v8;
	v8 =	vmul.f32 v44, v41  }
0x2d4: {  	v53 =	vld [tilespmem:s16+$0x7C20];
	v43 =	vmul.f32 v35, v28;
	[tilespmem:s16+$0x7CF0] =	vst v38  }
0x2d5: {  	v48 =	vld [tilespmem:s16+$0x7BF0];
	[tilespmem:s16+$0x7BC0] =	vst v8;
	v8 =	vmul.f32 v47, v41  }
0x2d6: {  	v57 =	vld [tilespmem:s16+$0x7C40];
	[tilespmem:s16+$0x7B70] =	vst v43;
	v52 =	vmul.f32 v45, v41  }
0x2d7: {  	v43 =	vld [tilespmem:s16+$0x7D70];
	[tilespmem:s16+$0x7BE0] =	vst v8;
	v8 =	vmul.f32 v50, v54  }
0x2d8: {  	v60 =	vld [tilespmem:s16+$0x7C60];
	v49 =	vmul.f32 v42, v41;
	[tilespmem:s16+$0x7BD0] =	vst v52  }
0x2d9: {  	v55 =	vld [tilespmem:s16+$0x7C30];
	[tilespmem:s16+$0x7C00] =	vst v8;
	v8 =	vmul.f32 v53, v54  }
0x2da: {  	v63 =	vld [tilespmem:s16+$0x7C80];
	v36 =	vbroadcast v7, $0xA;
	v56 =	vmul.f32 v48, v41;
	[tilespmem:s16+$0x7BB0] =	vst v49  }
0x2db: {  	v58 =	vld [tilespmem:s16+$0x7C50];
	[tilespmem:s16+$0x7C20] =	vst v8;
	v8 =	vmul.f32 v57, v54  }
0x2dc: {  	v22 =	vld [tilespmem:s16+$0x7CA0];
	v51 =	vmul.f32 v43, v36;
	[tilespmem:s16+$0x7BF0] =	vst v56  }
0x2dd: {  	v56 =	vld [tilespmem:s16+$0x7DF0];
	[tilespmem:s16+$0x7C40] =	vst v8;
	v8 =	vmul.f32 v60, v54  }
0x2de: {  	v26 =	vld [tilespmem:s16+$0x7CC0];
	[tilespmem:s16+$0x7D70] =	vst v51;
	v62 =	vmul.f32 v55, v54  }
0x2df: {  	v61 =	vld [tilespmem:s16+$0x7C70];
	[tilespmem:s16+$0x7C60] =	vst v8;
	v8 =	vmul.f32 v63, v23  }
0x2e0: {  	v29 =	vld [tilespmem:s16+$0x7CE0];
	v49 =	vbroadcast v7, $0xB;
	v21 =	vmul.f32 v58, v54;
	[tilespmem:s16+$0x7C30] =	vst v62  }
0x2e1: {  	v59 =	vld [tilespmem:s16+$0x7E10];
	[tilespmem:s16+$0x7C80] =	vst v8;
	v8 =	vmul.f32 v22, v23  }
0x2e2: {  	v32 =	vld [tilespmem:s16+$0x7D00];
	v18 =	vmul.f32 v56, v49;
	[tilespmem:s16+$0x7C50] =	vst v21  }
0x2e3: {  	v24 =	vld [tilespmem:s16+$0x7CB0];
	[tilespmem:s16+$0x7CA0] =	vst v8;
	v8 =	vmul.f32 v26, v23  }
0x2e4: {  	v35 =	vld [tilespmem:s16+$0x7D20];
	v25 =	vmul.f32 v61, v54;
	v62 =	vbroadcast v7, $0xC;
	[tilespmem:s16+$0x7DF0] =	vst v18  }
0x2e5: {  	[tilespmem:s16+$0x7CC0] =	vst v8;
	v8 =	vmul.f32 v29, v23  }
0x2e6: {  	v39 =	vld [tilespmem:s16+$0x7D40];
	[tilespmem:s16+$0x7C70] =	vst v25;
	v21 =	vmul.f32 v59, v62  }
0x2e7: {  	v27 =	vld [tilespmem:s16+$0x7CD0];
	[tilespmem:s16+$0x7CE0] =	vst v8;
	v8 =	vmul.f32 v32, v36  }
0x2e8: {  	v42 =	vld [tilespmem:s16+$0x7D60];
	[tilespmem:s16+$0x7E10] =	vst v21;
	v31 =	vmul.f32 v24, v23  }
0x2e9: {  	v28 =	vmul.f32 v20, v23;
	v20 =	vld [tilespmem:s16+$0x7E50];
	[tilespmem:s16+$0x7D00] =	vst v8;
	v8 =	vmul.f32 v35, v36  }
0x2ea: {  	v45 =	vld [tilespmem:s16+$0x7D80];
	[tilespmem:s16+$0x7CB0] =	vst v31  }
0x2eb: {  	v37 =	vld [tilespmem:s16+$0x7D30];
	[tilespmem:s16+$0x7D20] =	vst v8;
	v8 =	vmul.f32 v39, v36  }
0x2ec: {  	v48 =	vld [tilespmem:s16+$0x7DA0];
	v34 =	vmul.f32 v27, v23;
	[tilespmem:s16+$0x7C90] =	vst v28  }
0x2ed: {  	v33 =	vld [tilespmem:s16+$0x7D10];
	[tilespmem:s16+$0x7D40] =	vst v8;
	v8 =	vmul.f32 v42, v36  }
0x2ee: {  	v52 =	vld [tilespmem:s16+$0x7DC0];
	[tilespmem:s16+$0x7CD0] =	vst v34;
	v27 =	vmul.f32 v20, v62  }
0x2ef: {  	v40 =	vld [tilespmem:s16+$0x7D50];
	[tilespmem:s16+$0x7D60] =	vst v8;
	v8 =	vmul.f32 v45, v49  }
0x2f0: {  	v55 =	vld [tilespmem:s16+$0x7DE0];
	v44 =	vmul.f32 v37, v36;
	[tilespmem:s16+$0x7E50] =	vst v27  }
0x2f1: {  	v50 =	vld [tilespmem:s16+$0x7DB0];
	[tilespmem:s16+$0x7D80] =	vst v8;
	v8 =	vmul.f32 v48, v49  }
0x2f2: {  	v58 =	vld [tilespmem:s16+$0x7E00];
	v41 =	vmul.f32 v33, v36;
	[tilespmem:s16+$0x7D30] =	vst v44  }
0x2f3: {  	v46 =	vld [tilespmem:s16+$0x7D90];
	[tilespmem:s16+$0x7DA0] =	vst v8;
	v8 =	vmul.f32 v52, v49  }
0x2f4: {  	v61 =	vld [tilespmem:s16+$0x7E20];
	v47 =	vmul.f32 v40, v36;
	[tilespmem:s16+$0x7D10] =	vst v41  }
0x2f5: {  	v53 =	vld [tilespmem:s16+$0x7DD0];
	[tilespmem:s16+$0x7DC0] =	vst v8;
	v8 =	vmul.f32 v55, v49  }
0x2f6: {  	v19 =	vld [tilespmem:s16+$0x7E40];
	[tilespmem:s16+$0x7D50] =	vst v47;
	v57 =	vmul.f32 v50, v49  }
0x2f7: {  	v63 =	vld [tilespmem:s16+$0x7E30];
	[tilespmem:s16+$0x7DE0] =	vst v8;
	v8 =	vmul.f32 v58, v62  }
0x2f8: {  	v54 =	vmul.f32 v46, v49;
	[tilespmem:s16+$0x7DB0] =	vst v57;
	v22 =	vld [tilespmem:s16+$0x7E60]  }
0x2f9: {  	v30 =	vld [tilespmem:s16+$0x7EB0];
	[tilespmem:s16+$0x7E00] =	vst v8;
	v8 =	vmul.f32 v61, v62  }
0x2fa: {  	v25 =	vld [tilespmem:s16+$0x7E80];
	v60 =	vmul.f32 v53, v49;
	[tilespmem:s16+$0x7D90] =	vst v54  }
0x2fb: {  	v33 =	vld [tilespmem:s16+$0x7ED0];
	[tilespmem:s16+$0x7E20] =	vst v8;
	v8 =	vmul.f32 v19, v62  }
0x2fc: {  	v28 =	vld [tilespmem:s16+$0x7EA0];
	[tilespmem:s16+$0x7DD0] =	vst v60;
	v24 =	vmul.f32 v63, v62;
	v29 =	vbroadcast v7, $0xD  }
0x2fd: {  	v26 =	vld [tilespmem:s16+$0x7E90];
	[tilespmem:s16+$0x7E40] =	vst v8;
	v8 =	vmul.f32 v22, v62  }
0x2fe: {  	[tilespmem:s16+$0x7E30] =	vst v24;
	v32 =	vld [tilespmem:s16+$0x7EC0];
	v37 =	vmul.f32 v30, v29  }
0x2ff: {  	v23 =	vld [tilespmem:s16+$0x7E70];
	[tilespmem:s16+$0x7E60] =	vst v8;
	v8 =	vmul.f32 v25, v29  }
0x300: {  	v40 =	vmul.f32 v33, v29;
	v35 =	vld [tilespmem:s16+$0x7EE0];
	[tilespmem:s16+$0x7EB0] =	vst v37  }
0x301: {  	v43 =	vld [tilespmem:s16+$0x7F30];
	[tilespmem:s16+$0x7E80] =	vst v8;
	v8 =	vmul.f32 v28, v29  }
0x302: {  	v38 =	vld [tilespmem:s16+$0x7F00];
	v34 =	vmul.f32 v26, v29;
	[tilespmem:s16+$0x7ED0] =	vst v40  }
0x303: {  	v46 =	vld [tilespmem:s16+$0x7F50];
	[tilespmem:s16+$0x7EA0] =	vst v8;
	v8 =	vmul.f32 v32, v29  }
0x304: {  	v41 =	vld [tilespmem:s16+$0x7F20];
	v31 =	vmul.f32 v23, v62;
	[tilespmem:s16+$0x7E90] =	vst v34;
	v42 =	vbroadcast v7, $0xE  }
0x305: {  	v39 =	vld [tilespmem:s16+$0x7F10];
	[tilespmem:s16+$0x7EC0] =	vst v8;
	v8 =	vmul.f32 v35, v29  }
0x306: {  	[tilespmem:s16+$0x7E70] =	vst v31;
	v45 =	vld [tilespmem:s16+$0x7F40];
	v50 =	vmul.f32 v43, v42  }
0x307: {  	v36 =	vld [tilespmem:s16+$0x7EF0];
	[tilespmem:s16+$0x7EE0] =	vst v8;
	v8 =	vmul.f32 v38, v42  }
0x308: {  	v53 =	vmul.f32 v46, v42;
	v48 =	vld [tilespmem:s16+$0x7F60];
	[tilespmem:s16+$0x7F30] =	vst v50  }
0x309: {  	v52 =	vld [tilespmem:s16+$0x7F90];
	[tilespmem:s16+$0x7F00] =	vst v8;
	v8 =	vmul.f32 v41, v42  }
0x30a: {  	v51 =	vld [tilespmem:s16+$0x7F80];
	v47 =	vmul.f32 v39, v42;
	[tilespmem:s16+$0x7F50] =	vst v53  }
0x30b: {  	v49 =	vld [tilespmem:s16+$0x7F70];
	[tilespmem:s16+$0x7F20] =	vst v8;
	v8 =	vmul.f32 v45, v42  }
0x30c: {  	v54 =	vld [tilespmem:s16+$0x7FA0];
	v7 =	vbroadcast v7, $0xF;
	v44 =	vmul.f32 v36, v29;
	[tilespmem:s16+$0x7F10] =	vst v47  }
0x30d: {  	v58 =	vld [tilespmem:s16+$0x7FD0];
	[tilespmem:s16+$0x7F40] =	vst v8;
	v8 =	vmul.f32 v48, v42  }
0x30e: {  	v57 =	vld [tilespmem:s16+$0x7FC0];
	[tilespmem:s16+$0x7EF0] =	vst v44;
	v59 =	vmul.f32 v52, v7  }
0x30f: {  	v55 =	vld [tilespmem:s16+$0x7FB0];
	[tilespmem:s16+$0x7F60] =	vst v8;
	v8 =	vmul.f32 v51, v7  }
0x310: {  	v60 =	vld [tilespmem:s16+$0x7FE0];
	v56 =	vmul.f32 v49, v42;
	[tilespmem:s16+$0x7F90] =	vst v59  }
0x311: {  	v61 =	vld [tilespmem:s16+$0x7FF0];
	[tilespmem:s16+$0x7F80] =	vst v8;
	v8 =	vmul.f32 v54, v7  }
0x312: {  	[tilespmem:s16+$0x7F70] =	vst v56;
	v63 =	vmul.f32 v58, v7  }
0x313: {  	p2 =	sne.s32 s15, $0x4;
	[tilespmem:s16+$0x7FA0] =	vst v8;
	v8 =	vmul.f32 v57, v7  }
.Ltmp14:
0x314: {  	v62 =	vmul.f32 v55, v7;
	[tilespmem:s16+$0x7FD0] =	vst v63;
	(pc) =	sbr.rel @p2 .LBB2_24-.Ltmp14, $4  }
0x315: {  	[tilespmem:s16+$0x7FC0] =	vst v8;
	v8 =	vmul.f32 v60, v7  }
0x316: {  	[tilespmem:s16+$0x7FB0] =	vst v62;
	v7 =	vmul.f32 v61, v7  }
0x317: {  	[tilespmem:s16+$0x7FE0] =	vst v8  }
0x318: {  	s15 =	sadd.s32 $0x1, s15;
	[tilespmem:s16+$0x7FF0] =	vst v7  }
0x319: {  	s1 =	sadd.s32 $0x1, s1  }
0x31a: {  	p2 =	sne.s32 s1, $0x8  }
.Ltmp15:
0x31b: {  	s2 =	sadd.s32 $0xA400, s13;
	(pc) =	sbr.rel @p2 .LBB2_23-.Ltmp15, $4  }
0x31c: {  	[spmem:s3] =	stream.indirect.scatter.add.f32 [tilespmem:s28], [sflag:$0x2], $0x80, s2, s11, $0xb8;
	[tilespmem:$0x1E780] =	vst v63  }
0x31d: {  	_ =	swait.ge [sflag:s21], $0x2800  }
0x31e: {  	[sflag:s21] =	ssyncset.done $0x0  }
0x31f: {  	[sflag:s21] =	ssyncadd.s32 $0xFFFFD800  }
0x320: {  	s0 =	sadd.s32 $0x1, s0  }
0x321: {  	p2 =	sne.s32 s0, $0x10  }
.Ltmp16:
0x322: {  	_ = 	snop;
	(pc) =	sbr.rel @p2 .LBB2_22-.Ltmp16, $1  }
0x323: {  	_ =	sdelay $0x3  }
.Ltmp17:
0x324: {  	(pc) =	sbr.rel .LBB2_28-.Ltmp17, $3  }
0x325: {  	_ =	sdelay $0x1  }
0x326: {  	s0 =	rddreg [dreg:$0x7]  }
0x327: {  	s5 =	sld [smem:$0x7FB]  }
.LBB2_29:
0x328: {  	_ =	sfence.sel $0x180000  }
0x329: {  	[bflag:$0x0] =	sbarrier.arrive $0xFFFF  }
0x32a: {  	_ =	strace $0x90000047  }
0x32b: {  	[bflag:$0x2] =	sbarrier.arrive $0xFFFF  }
0x32c: {  	s0 =	rddreg [dreg:$0x4]  }
0x32d: {  	s0 =	sadd.s32 @!p1 $0x100000, s0  }
0x32e: {  	[sflag:s0] =	ssyncadd.tile.s32 @!p1 $0x1;
	_ =	shalt  }
.Lfunc_end2:
_tile_overlayer_lowered:
.L_overlay_start_2:
0x32f: {  	(tag) =	ssettag $0x2  }
0x330: {  	s0 =	rddreg [dreg:$0x0];
	s2 =	stileid.u32  }
0x331: {  	s1 =	rddreg [dreg:$0x1];
	p0 =	sne.s32 s2, $0x0  }
0x332: {  	s3 =	rddreg [dreg:$0x2];
	[bflag:$0x3] =	sbarrier.arrive $0xFFFF;
	s2 =	simm.s32 @!p0 $0x1C02  }
0x333: {  	[timem:s3], [sflag:s2] =	dma.local @!p0 [hbm:s0], s1  }
0x334: {  	s0 =	simm.s32 @!p0 $0x2  }
0x335: {  	_ =	swait.ge @!p0 [sflag:s0], s1  }
0x336: {  	s1 =	ssub.s32 @!p0 $0x0, s1;
	[sflag:s0] =	ssyncset.done @!p0 $0x0  }
0x337: {  	[sflag:s0] =	ssyncadd.s32 @!p0 s1  }
0x338: {  	[bflag:$0x3] =	sbarrier.arrive $0xFFFF  }
0x339: {  	_ =	shalt  }

</sc_bundles>
